<compile_context>
chip_gen: v7x
topology: tpu7x:2x2x1
jax: 0.10.2.dev20260603
libtpu: 0.0.44.dev20260713+nightly
codegen_flags: <defaults>
</compile_context>

<pallas_src>
import functools

import numpy as np
import jax
import jax.numpy as jnp
from jax import lax
from jax.experimental import pallas as pl
from jax.experimental.pallas import tpu as pltpu
from jax.experimental.pallas import tpu_sc as plsc

_BINS = 128
_INV_SQRT2 = 0.7071067811865476
_LOG2E = 1.4426950408889634


def _interp_matrix(n_in: int, n_out: int) -> np.ndarray:
    A = np.zeros((n_in, n_out), dtype=np.float64)
    scale = n_in / n_out
    for i in range(n_out):
        u = (i + 0.5) * scale - 0.5
        k0 = int(np.floor(u))
        f = u - k0
        k0c = min(max(k0, 0), n_in - 1)
        k1c = min(max(k0 + 1, 0), n_in - 1)
        A[k0c, i] += 1.0 - f
        A[k1c, i] += f
    return A


_A = _interp_matrix(4, 64)
_S = np.arange(64)
_XS, _YS, _ZS = _S // 16, (_S // 4) % 4, _S % 4

_R2048 = np.arange(2048)
_L128 = np.arange(128)
_RLANE = (((_L128 % 64) // 16)[:, None] == np.arange(4)[None, :]).astype(np.float32)
_LROW = ((( _R2048 // 512) * 4 + (_R2048 % 32) // 8)[:, None]
         == np.arange(16)[None, :]).astype(np.float32)
_D_OF_R = _R2048 // 32
_M0 = (_A[_XS][:, _D_OF_R] * _A[_YS][:, 2 * (_R2048 % 32)]).astype(np.float32)
_M1 = (_A[_XS][:, _D_OF_R] * _A[_YS][:, 2 * (_R2048 % 32) + 1]).astype(np.float32)
_KB0 = np.where((_L128 // 64 == 0)[None, :], _A[_ZS][:, _L128 % 64], 0.0).astype(np.float32)
_KB1 = np.where((_L128 // 64 == 1)[None, :], _A[_ZS][:, _L128 % 64], 0.0).astype(np.float32)



def _pool_body(x_ref, rl_ref, lr_ref, o_ref):
    a = x_ref[...].reshape(2048, 128)
    t1 = jnp.dot(a, rl_ref[...],
                 preferred_element_type=jnp.float32)
    t2 = lax.dot_general(lr_ref[...], t1, (((0,), (0,)), ((), ())),
                         preferred_element_type=jnp.float32)
    o_ref[0] = t2 * (1.0 / 4096.0)


def _pool_call(x1):
    return pl.pallas_call(
        _pool_body,
        grid=(64,),
        in_specs=[
            pl.BlockSpec((262144,), lambda i: (i,)),
            pl.BlockSpec((128, 4), lambda i: (0, 0)),
            pl.BlockSpec((2048, 16), lambda i: (0, 0)),
        ],
        out_specs=pl.BlockSpec((1, 16, 4), lambda i: (i, 0, 0)),
        out_shape=jax.ShapeDtypeStruct((64, 16, 4), jnp.float32),
    )(x1, jnp.asarray(_RLANE), jnp.asarray(_LROW))



def _mlp_minmax_body(x_ref, p_ref, w1_ref, w2_ref, m0_ref, m1_ref,
                     kb0_ref, kb1_ref, sw_ref, mn_ref, mx_ref):
    i = pl.program_id(0)

    @pl.when(i % 32 == 0)
    def _():
        pb = p_ref[0]
        h = lax.dot_general(w1_ref[...], pb, (((1,), (0,)), ((), ())),
                            preferred_element_type=jnp.float32)
        mu = jnp.mean(h, axis=1, keepdims=True)
        var = jnp.mean((h - mu) * (h - mu), axis=1, keepdims=True)
        hn = (h - mu) * lax.rsqrt(var + 1e-5)
        g = 0.5 * hn * (1.0 + lax.erf(hn * _INV_SQRT2))
        o = lax.dot_general(g, w2_ref[...], (((0,), (1,)), ((), ())),
                            preferred_element_type=jnp.float32)
        swcol = 1.0 / (1.0 + jnp.exp(-o))
        x0 = lax.dot_general(m0_ref[...] * swcol, kb0_ref[...],
                             (((0,), (0,)), ((), ())),
                             preferred_element_type=jnp.float32)
        x1 = lax.dot_general(m1_ref[...] * swcol, kb1_ref[...],
                             (((0,), (0,)), ((), ())),
                             preferred_element_type=jnp.float32)
        sw_ref[...] = (x0 + x1).reshape(262144)

    @pl.when(i == 0)
    def _():
        mn_ref[...] = jnp.full((1, 128), jnp.inf, jnp.float32)
        mx_ref[...] = jnp.full((1, 128), -jnp.inf, jnp.float32)

    w = x_ref[...].reshape(2048, 128) * sw_ref[...].reshape(2048, 128)
    mn_ref[...] = jnp.minimum(mn_ref[...], jnp.min(w))
    mx_ref[...] = jnp.maximum(mx_ref[...], jnp.max(w))


def _mlp_minmax_call(x1, pool3, W1, W2):
    return pl.pallas_call(
        _mlp_minmax_body,
        grid=(64,),
        in_specs=[
            pl.BlockSpec((262144,), lambda i: (i,)),
            pl.BlockSpec((1, 32, 64), lambda i: (i // 32, 0, 0)),
            pl.BlockSpec((4, 32), lambda i: (0, 0)),
            pl.BlockSpec((1, 4), lambda i: (0, 0)),
            pl.BlockSpec((64, 2048), lambda i: (0, 0)),
            pl.BlockSpec((64, 2048), lambda i: (0, 0)),
            pl.BlockSpec((64, 128), lambda i: (0, 0)),
            pl.BlockSpec((64, 128), lambda i: (0, 0)),
        ],
        out_specs=[
            pl.BlockSpec((262144,), lambda i: (i // 32,)),
            pl.BlockSpec((1, 128), lambda i: (0, 0)),
            pl.BlockSpec((1, 128), lambda i: (0, 0)),
        ],
        out_shape=[
            jax.ShapeDtypeStruct((524288,), jnp.float32),
            jax.ShapeDtypeStruct((1, 128), jnp.float32),
            jax.ShapeDtypeStruct((1, 128), jnp.float32),
        ],
    )(x1, pool3, W1, W2, jnp.asarray(_M0), jnp.asarray(_M1),
      jnp.asarray(_KB0), jnp.asarray(_KB1))



_CHUNK = 4 * 4096


def _sc_hist_body(x_hbm, sw_hbm, mm_hbm, out_hbm,
                  xb0, xb1, swb, mmb, hist, tileh, sem0, sem1):
    wid = lax.axis_index("s") * 2 + lax.axis_index("c")
    b = wid // 16
    d0 = (wid % 16) * 4

    pltpu.sync_copy(mm_hbm, mmb)
    gmin = mmb[pl.ds(0, 16)]
    gmax = mmb[pl.ds(128, 16)]
    scale = 128.0 / (gmax - gmin + 1e-8)
    gms = gmin * scale

    pltpu.sync_copy(sw_hbm.at[pl.ds(b * 262144 + d0 * 4096, _CHUNK)], swb)

    @plsc.parallel_loop(0, 1024, unroll=4)
    def _premul(j):
        swb[pl.ds(j * 16, 16)] = swb[pl.ds(j * 16, 16)] * scale

    zz = jnp.zeros((16,), jnp.float32)

    def _zh(j, carry):
        hist[pl.ds(j * 16, 16)] = zz
        return carry
    lax.fori_loop(0, 128, _zh, 0)

    laneoff = lax.iota(jnp.int32, 16) * 128
    aoff = laneoff.astype(jnp.float32) - gms
    clampv = laneoff + 127
    ones = jnp.ones((16,), jnp.float32)

    def _xoff(c):
        return ((b * 32 + c) * 64 + d0) * 4096

    bufs = (xb0, xb1)
    sems = (sem0, sem1)
    copies = [None, None]
    copies[0] = pltpu.async_copy(x_hbm.at[pl.ds(_xoff(0), _CHUNK)], xb0, sem0)
    for c in range(32):
        pb = c % 2
        if c + 1 < 32:
            nb = (c + 1) % 2
            copies[nb] = pltpu.async_copy(
                x_hbm.at[pl.ds(_xoff(c + 1), _CHUNK)], bufs[nb], sems[nb])
        copies[pb].wait()
        buf = bufs[pb]

        @plsc.parallel_loop(0, 1024, unroll=8)
        def _inner(j):
            off = j * 16
            xv = buf[pl.ds(off, 16)]
            sv = swb[pl.ds(off, 16)]
            bi = jnp.minimum((xv * sv + aoff).astype(jnp.int32), clampv)
            plsc.addupdate_scatter(hist, [bi], ones)

    for g in range(8):
        acc = hist[pl.ds(g * 16, 16)]
        for lane in range(1, 16):
            acc = acc + hist[pl.ds(lane * 128 + g * 16, 16)]
        tileh[pl.ds(g * 16, 16)] = acc
    pltpu.sync_copy(tileh, out_hbm.at[pl.ds(wid * 128, 128)])


def _sc_hist_call(x_flat, sw_flat, mm_flat):
    mesh = plsc.VectorSubcoreMesh(core_axis_name="c", subcore_axis_name="s")
    fn = pl.kernel(
        _sc_hist_body,
        mesh=mesh,
        compiler_params=pltpu.CompilerParams(needs_layout_passes=False),
        out_type=jax.ShapeDtypeStruct((4096,), jnp.float32),
        scratch_types=[
            pltpu.VMEM((_CHUNK,), jnp.float32),
            pltpu.VMEM((_CHUNK,), jnp.float32),
            pltpu.VMEM((_CHUNK,), jnp.float32),
            pltpu.VMEM((256,), jnp.float32),
            pltpu.VMEM((2048,), jnp.float32),
            pltpu.VMEM((128,), jnp.float32),
            pltpu.SemaphoreType.DMA,
            pltpu.SemaphoreType.DMA,
        ],
    )
    return fn(x_flat, sw_flat, mm_flat)



def _entropy_body(ph_ref, o_ref):
    h = jnp.sum(ph_ref[...], axis=0, keepdims=True)
    total = jnp.sum(h)
    prob = h / (total + 1e-10)
    ent = -jnp.sum(prob * jnp.log(prob + 1e-10)) * _LOG2E
    o_ref[...] = jnp.full((1, 1), ent, jnp.float32)


def _entropy_call(ph):
    return pl.pallas_call(
        _entropy_body,
        out_shape=jax.ShapeDtypeStruct((1, 1), jnp.float32),
    )(ph)


def kernel(x, W1, W2):
    x1 = x.reshape(-1)
    pool_p = _pool_call(x1)
    pool3 = pool_p.reshape(2, 32, 64)
    sw, mn, mx = _mlp_minmax_call(x1, pool3, W1, W2)
    mm = jnp.concatenate([mn, mx], axis=0).reshape(256)
    ph = _sc_hist_call(x1, sw, mm)
    ent = _entropy_call(ph.reshape(32, 128))
    return ent[0, 0]

# --- scband reference (transcript-rebuilt; emitter-appended) ---
"""Pipeline reference for scband-adaptive-entropy-44040594653425 (READ-ONLY COPY).

The authoritative reference and input builder live on the scoring server;
editing this copy changes nothing except your own understanding.
"""

import jax, jax.numpy as jnp
import numpy as np

BINS = 128

def setup_inputs(seed: int = 0) -> dict:
    key = jax.random.key(seed)
    k1, k2, k3 = jax.random.split(key, 3)
    x = jax.random.normal(k1, (2, 32, 64, 64, 64), dtype=jnp.float32)
    # Conv3d(32 -> 4, kernel 1, bias=False) weight, stored as [out, in]
    W1 = jax.random.normal(k2, (4, 32), dtype=jnp.float32) * 0.1
    # Conv3d(4 -> 1, kernel 1, bias=False) weight, stored as [out, in]
    W2 = jax.random.normal(k3, (1, 4), dtype=jnp.float32) * 0.1
    return {"x": x, "W1": W1, "W2": W2}

def reference(x, W1, W2):
    B, C, D, H, W = x.shape
    # AdaptiveAvgPool3d(4): 64 divisible by 4 -> block mean
    p = x.reshape(B, C, 4, D // 4, 4, H // 4, 4, W // 4).mean(axis=(3, 5, 7))
    # Conv3d 1x1x1 (no bias)
    h = jnp.einsum('bcdhw,oc->bodhw', p, W1)
    # InstanceNorm3d (affine=False, biased var, eps=1e-5)
    mu = h.mean(axis=(2, 3, 4), keepdims=True)
    var = h.var(axis=(2, 3, 4), keepdims=True)
    h = (h - mu) / jnp.sqrt(var + 1e-5)
    # GELU (exact erf form, PyTorch default)
    h = jax.nn.gelu(h, approximate=False)
    # Conv3d 1x1x1 (no bias) -> 1 channel
    h = jnp.einsum('bcdhw,oc->bodhw', h, W2)
    sw = jax.nn.sigmoid(h)
    # F.interpolate trilinear, align_corners=False == half-pixel centers
    sw = jax.image.resize(sw, (B, 1, D, H, W), method='trilinear')
    weighted_x = x * sw
    x_min = weighted_x.min()
    x_max = weighted_x.max()
    x_norm = (weighted_x - x_min) / (x_max - x_min + 1e-8)
    x_flat = x_norm.reshape(-1)
    # torch.histc(bins=BINS, min=0, max=1); all values lie in [0,1] after normalization
    idx = jnp.clip(jnp.floor(x_flat * BINS).astype(jnp.int32), 0, BINS - 1)
    hist = jnp.bincount(idx, length=BINS).astype(jnp.float32)
    prob = hist / (hist.sum() + 1e-10)
    entropy = -jnp.sum(prob * jnp.log2(prob + 1e-10))
    return entropy

if __name__ == "__main__":
    import jax
    _d = setup_inputs()
    print(jax.jit(kernel)(*tuple(_d.values())))

</pallas_src>

<mosaic_0001>
#map = affine_map<(d0, d1) -> (0)>
module attributes {stable_mosaic.version = 14 : i64} {
  func.func @_sc_hist_body(%arg0: i32, %arg1: i32, %arg2: memref<16777216xf32, #tpu.memory_space<hbm>>, %arg3: memref<524288xf32, #tpu.memory_space<hbm>>, %arg4: memref<256xf32, #tpu.memory_space<hbm>>, %arg5: memref<4096xf32, #tpu.memory_space<hbm>>, %arg6: memref<16384xf32, #tpu.memory_space<vmem>>, %arg7: memref<16384xf32, #tpu.memory_space<vmem>>, %arg8: memref<16384xf32, #tpu.memory_space<vmem>>, %arg9: memref<256xf32, #tpu.memory_space<vmem>>, %arg10: memref<2048xf32, #tpu.memory_space<vmem>>, %arg11: memref<128xf32, #tpu.memory_space<vmem>>, %arg12: memref<!tpu.dma_semaphore, #tpu.memory_space<semaphore_mem>>, %arg13: memref<!tpu.dma_semaphore, #tpu.memory_space<semaphore_mem>>) attributes {dimension_semantics = [#tpu.dimension_semantics<core_parallel>, #tpu.dimension_semantics<subcore_parallel>], iteration_bounds = array<i64: 2, 16>, scalar_prefetch = 0 : i64, scratch_operands = 8 : i64, tpu.core_type = #tpu.core_type<sc_vector_subcore>, window_params = [{transform_indices = #map}, {transform_indices = #map}, {transform_indices = #map}, {transform_indices = #map}]} {
    %mul3A = arith.constant 2 : i32
    %mul3A_0 = arith.muli %arg1, %mul3A : i32
    %add3A = arith.addi %mul3A_0, %arg0 : i32
    %jit3A = arith.constant 16 : i32
    %div3A = arith.divsi %add3A, %jit3A : i32
    %sign3A = arith.constant 0 : i32
    %sign3A_1 = arith.cmpi sgt, %add3A, %sign3A : i32
    %sign3A_2 = arith.extui %sign3A_1 : i1 to i32
    %sign3A_3 = arith.constant 0 : i32
    %sign3A_4 = arith.cmpi slt, %add3A, %sign3A_3 : i32
    %sign3A_5 = arith.extui %sign3A_4 : i1 to i32
    %sign3A_6 = arith.subi %sign3A_2, %sign3A_5 : i32
    %sign3A_7 = arith.constant 0 : i32
    %sign3A_8 = arith.cmpi sgt, %jit3A, %sign3A_7 : i32
    %sign3A_9 = arith.extui %sign3A_8 : i1 to i32
    %sign3A_10 = arith.constant 0 : i32
    %sign3A_11 = arith.cmpi slt, %jit3A, %sign3A_10 : i32
    %sign3A_12 = arith.extui %sign3A_11 : i1 to i32
    %sign3A_13 = arith.subi %sign3A_9, %sign3A_12 : i32
    %ne3A = arith.cmpi ne, %sign3A_6, %sign3A_13 : i32
    %rem3A = arith.remsi %add3A, %jit3A : i32
    %ne3A_14 = arith.constant 0 : i32
    %ne3A_15 = arith.cmpi ne, %rem3A, %ne3A_14 : i32
    %and3A = arith.andi %ne3A, %ne3A_15 : i1
    %sub3A = arith.constant 1 : i32
    %sub3A_16 = arith.subi %div3A, %sub3A : i32
    %select_n3A = arith.select %and3A, %sub3A_16, %div3A : i32
    %jit3A_17 = arith.constant 16 : i32
    %eq3A = arith.constant 0 : i32
    %eq3A_18 = arith.cmpi eq, %jit3A_17, %eq3A : i32
    %jit3A_19 = arith.constant 1 : i32
    %select_n3A_20 = arith.select %eq3A_18, %jit3A_19, %jit3A_17 : i32
    %rem3A_21 = arith.remsi %add3A, %select_n3A_20 : i32
    %ne3A_22 = arith.constant 0 : i32
    %ne3A_23 = arith.cmpi ne, %rem3A_21, %ne3A_22 : i32
    %lt3A = arith.constant 0 : i32
    %lt3A_24 = arith.cmpi slt, %rem3A_21, %lt3A : i32
    %lt3A_25 = arith.constant 0 : i32
    %lt3A_26 = arith.cmpi slt, %select_n3A_20, %lt3A_25 : i32
    %ne3A_27 = arith.xori %lt3A_24, %lt3A_26 : i1
    %and3A_28 = arith.andi %ne3A_27, %ne3A_23 : i1
    %add3A_29 = arith.addi %rem3A_21, %select_n3A_20 : i32
    %select_n3A_30 = arith.select %and3A_28, %add3A_29, %rem3A_21 : i32
    %mul3A_31 = arith.constant 4 : i32
    %mul3A_32 = arith.muli %select_n3A_30, %mul3A_31 : i32
    "tpu.region"() ({
      %run_scoped3A = tpu.sem_alloc : memref<!tpu.dma_semaphore, #tpu.memory_space<semaphore_mem>>
      tpu.enqueue_dma source(%arg4 : memref<256xf32, #tpu.memory_space<hbm>>) target(%arg9 : memref<256xf32, #tpu.memory_space<vmem>>) target_semaphore(%run_scoped3A : memref<!tpu.dma_semaphore, #tpu.memory_space<semaphore_mem>>)
      tpu.wait_dma2 semaphore(%run_scoped3A : memref<!tpu.dma_semaphore, #tpu.memory_space<semaphore_mem>>) src(%arg4 : memref<256xf32, #tpu.memory_space<hbm>>) dst(%arg9 : memref<256xf32, #tpu.memory_space<vmem>>)
      tpu.yield
    }) : () -> ()
    %get3A = arith.constant 0 : index
    %get3A_33 = tpu.vector_load %arg9[%get3A] {strides = array<i32>} : memref<256xf32, #tpu.memory_space<vmem>>, vector<16xf32>,
    %get3A_34 = arith.constant 128 : index
    %get3A_35 = tpu.vector_load %arg9[%get3A_34] {strides = array<i32>} : memref<256xf32, #tpu.memory_space<vmem>>, vector<16xf32>,
    %sub3A_36 = arith.subf %get3A_35, %get3A_33 : vector<16xf32>
    %add3A_37 = arith.constant 9.99999993E-9 : f32
    %add3A_38 = vector.broadcast %add3A_37 : f32 to vector<16xf32>
    %add3A_39 = arith.addf %sub3A_36, %add3A_38 : vector<16xf32>
    %div3A_40 = arith.constant 1.280000e+02 : f32
    %div3A_41 = vector.broadcast %div3A_40 : f32 to vector<16xf32>
    %div3A_42 = arith.divf %div3A_41, %add3A_39 : vector<16xf32>
    %mul3A_43 = arith.mulf %get3A_33, %div3A_42 : vector<16xf32>
    %mul3A_44 = arith.constant 262144 : i32
    %mul3A_45 = arith.muli %select_n3A, %mul3A_44 : i32
    %mul3A_46 = arith.constant 4096 : i32
    %mul3A_47 = arith.muli %mul3A_32, %mul3A_46 : i32
    %add3A_48 = arith.addi %mul3A_45, %mul3A_47 : i32
    "tpu.region"() ({
      %run_scoped3A = tpu.sem_alloc : memref<!tpu.dma_semaphore, #tpu.memory_space<semaphore_mem>>
      %dma_start3A_969 = tpu.memref_slice %arg3[%add3A_48] : memref<524288xf32, #tpu.memory_space<hbm>> -> memref<16384xf32, #tpu.memory_space<hbm>>
      %dma_start3A_970 = tpu.memref_slice %arg3[%add3A_48] : memref<524288xf32, #tpu.memory_space<hbm>> -> memref<16384xf32, #tpu.memory_space<hbm>>
      tpu.enqueue_dma source(%dma_start3A_970 : memref<16384xf32, #tpu.memory_space<hbm>>) target(%arg8 : memref<16384xf32, #tpu.memory_space<vmem>>) target_semaphore(%run_scoped3A : memref<!tpu.dma_semaphore, #tpu.memory_space<semaphore_mem>>)
      %dma_wait3A_971 = tpu.memref_slice %arg3[%add3A_48] : memref<524288xf32, #tpu.memory_space<hbm>> -> memref<16384xf32, #tpu.memory_space<hbm>>
      %dma_wait3A_972 = tpu.memref_slice %arg3[%add3A_48] : memref<524288xf32, #tpu.memory_space<hbm>> -> memref<16384xf32, #tpu.memory_space<hbm>>
      tpu.wait_dma2 semaphore(%run_scoped3A : memref<!tpu.dma_semaphore, #tpu.memory_space<semaphore_mem>>) src(%dma_wait3A_972 : memref<16384xf32, #tpu.memory_space<hbm>>) dst(%arg8 : memref<16384xf32, #tpu.memory_space<vmem>>)
      tpu.yield
    }) : () -> ()
    %parallel_loop3A = arith.constant 0 : i32
    %parallel_loop3A_49 = arith.constant 1024 : i32
    %parallel_loop3A_50 = arith.constant 1 : i32
    scf.for %parallel_loop3A_969 = %parallel_loop3A to %parallel_loop3A_49 step %parallel_loop3A_50  : i32 {
      %parallel_loop3A_970 = arith.constant 16 : i32
      %parallel_loop3A_971 = arith.muli %parallel_loop3A_969, %parallel_loop3A_970 : i32
      %parallel_loop3A_972 = arith.index_cast %parallel_loop3A_971 : i32 to index
      %parallel_loop3A_973 = tpu.vector_load %arg8[%parallel_loop3A_972] {strides = array<i32>} : memref<16384xf32, #tpu.memory_space<vmem>>, vector<16xf32>,
      %parallel_loop3A_974 = arith.mulf %parallel_loop3A_973, %div3A_42 : vector<16xf32>
      %parallel_loop3A_975 = arith.constant 16 : i32
      %parallel_loop3A_976 = arith.muli %parallel_loop3A_969, %parallel_loop3A_975 : i32
      %parallel_loop3A_977 = arith.index_cast %parallel_loop3A_976 : i32 to index
      %parallel_loop3A_978 = tpu.vector_load %arg8[%parallel_loop3A_977] {strides = array<i32>} : memref<16384xf32, #tpu.memory_space<vmem>>, vector<16xf32>,
      tpu.vector_store %arg8[%parallel_loop3A_977], %parallel_loop3A_974 {strides = array<i32>} : memref<16384xf32, #tpu.memory_space<vmem>>, vector<16xf32>,
    } {sc.loop_unroll_factor = 4 : i64, sc.parallel_access}
    %broadcast_in_dim3A = arith.constant 0.000000e+00 : f32
    %broadcast_in_dim3A_51 = vector.broadcast %broadcast_in_dim3A : f32 to vector<16xf32>
    %scan3A = arith.constant 0 : i32
    %scan3A_52 = arith.constant 0 : i32
    %scan3A_53 = arith.constant 128 : i32
    %scan3A_54 = arith.addi %scan3A_52, %scan3A_53 : i32
    %scan3A_55 = arith.constant 1 : i32
    scf.for %scan3A_969 = %scan3A_52 to %scan3A_54 step %scan3A_55  : i32 {
      %mul3A_970 = arith.constant 16 : i32
      %mul3A_971 = arith.muli %scan3A_969, %mul3A_970 : i32
      %swap3A_972 = arith.index_cast %mul3A_971 : i32 to index
      %swap3A_973 = tpu.vector_load %arg10[%swap3A_972] {strides = array<i32>} : memref<2048xf32, #tpu.memory_space<vmem>>, vector<16xf32>,
      tpu.vector_store %arg10[%swap3A_972], %broadcast_in_dim3A_51 {strides = array<i32>} : memref<2048xf32, #tpu.memory_space<vmem>>, vector<16xf32>,
    }
    %scan3A_56 = arith.constant 128 : i32
    %iota3A = tpu.iota {dimensions = array<i32: 0>} : vector<16xi32>
    %mul3A_57 = arith.constant 128 : i32
    %mul3A_58 = vector.broadcast %mul3A_57 : i32 to vector<16xi32>
    %mul3A_59 = arith.muli %iota3A, %mul3A_58 : vector<16xi32>
    %convert_element_type3A = arith.sitofp %mul3A_59 : vector<16xi32> to vector<16xf32>
    %sub3A_60 = arith.subf %convert_element_type3A, %mul3A_43 : vector<16xf32>
    %add3A_61 = arith.constant 127 : i32
    %add3A_62 = vector.broadcast %add3A_61 : i32 to vector<16xi32>
    %add3A_63 = arith.addi %mul3A_59, %add3A_62 : vector<16xi32>
    %broadcast_in_dim3A_64 = arith.constant 1.000000e+00 : f32
    %broadcast_in_dim3A_65 = vector.broadcast %broadcast_in_dim3A_64 : f32 to vector<16xf32>
    %mul3A_66 = arith.constant 32 : i32
    %mul3A_67 = arith.muli %select_n3A, %mul3A_66 : i32
    %add3A_68 = arith.constant 0 : i32
    %add3A_69 = arith.addi %mul3A_67, %add3A_68 : i32
    %mul3A_70 = arith.constant 64 : i32
    %mul3A_71 = arith.muli %add3A_69, %mul3A_70 : i32
    %add3A_72 = arith.addi %mul3A_71, %mul3A_32 : i32
    %mul3A_73 = arith.constant 4096 : i32
    %mul3A_74 = arith.muli %add3A_72, %mul3A_73 : i32
    %dma_start3A = tpu.memref_slice %arg2[%mul3A_74] : memref<16777216xf32, #tpu.memory_space<hbm>> -> memref<16384xf32, #tpu.memory_space<hbm>>
    %dma_start3A_75 = tpu.memref_slice %arg2[%mul3A_74] : memref<16777216xf32, #tpu.memory_space<hbm>> -> memref<16384xf32, #tpu.memory_space<hbm>>
    tpu.enqueue_dma source(%dma_start3A_75 : memref<16384xf32, #tpu.memory_space<hbm>>) target(%arg6 : memref<16384xf32, #tpu.memory_space<vmem>>) target_semaphore(%arg12 : memref<!tpu.dma_semaphore, #tpu.memory_space<semaphore_mem>>)
    %mul3A_76 = arith.constant 32 : i32
    %mul3A_77 = arith.muli %select_n3A, %mul3A_76 : i32
    %add3A_78 = arith.constant 1 : i32
    %add3A_79 = arith.addi %mul3A_77, %add3A_78 : i32
    %mul3A_80 = arith.constant 64 : i32
    %mul3A_81 = arith.muli %add3A_79, %mul3A_80 : i32
    %add3A_82 = arith.addi %mul3A_81, %mul3A_32 : i32
    %mul3A_83 = arith.constant 4096 : i32
    %mul3A_84 = arith.muli %add3A_82, %mul3A_83 : i32
    %dma_start3A_85 = tpu.memref_slice %arg2[%mul3A_84] : memref<16777216xf32, #tpu.memory_space<hbm>> -> memref<16384xf32, #tpu.memory_space<hbm>>
    %dma_start3A_86 = tpu.memref_slice %arg2[%mul3A_84] : memref<16777216xf32, #tpu.memory_space<hbm>> -> memref<16384xf32, #tpu.memory_space<hbm>>
    tpu.enqueue_dma source(%dma_start3A_86 : memref<16384xf32, #tpu.memory_space<hbm>>) target(%arg7 : memref<16384xf32, #tpu.memory_space<vmem>>) target_semaphore(%arg13 : memref<!tpu.dma_semaphore, #tpu.memory_space<semaphore_mem>>)
    %dma_wait3A = tpu.memref_slice %arg2[%mul3A_74] : memref<16777216xf32, #tpu.memory_space<hbm>> -> memref<16384xf32, #tpu.memory_space<hbm>>
    %dma_wait3A_87 = tpu.memref_slice %arg2[%mul3A_74] : memref<16777216xf32, #tpu.memory_space<hbm>> -> memref<16384xf32, #tpu.memory_space<hbm>>
    tpu.wait_dma2 semaphore(%arg12 : memref<!tpu.dma_semaphore, #tpu.memory_space<semaphore_mem>>) src(%dma_wait3A_87 : memref<16384xf32, #tpu.memory_space<hbm>>) dst(%arg6 : memref<16384xf32, #tpu.memory_space<vmem>>)
    %parallel_loop3A_88 = arith.constant 0 : i32
    %parallel_loop3A_89 = arith.constant 1024 : i32
    %parallel_loop3A_90 = arith.constant 1 : i32
    scf.for %parallel_loop3A_969 = %parallel_loop3A_88 to %parallel_loop3A_89 step %parallel_loop3A_90  : i32 {
      %parallel_loop3A_970 = arith.constant 16 : i32
      %parallel_loop3A_971 = arith.muli %parallel_loop3A_969, %parallel_loop3A_970 : i32
      %parallel_loop3A_972 = arith.index_cast %parallel_loop3A_971 : i32 to index
      %parallel_loop3A_973 = tpu.vector_load %arg6[%parallel_loop3A_972] {strides = array<i32>} : memref<16384xf32, #tpu.memory_space<vmem>>, vector<16xf32>,
      %parallel_loop3A_974 = arith.index_cast %parallel_loop3A_971 : i32 to index
      %parallel_loop3A_975 = tpu.vector_load %arg8[%parallel_loop3A_974] {strides = array<i32>} : memref<16384xf32, #tpu.memory_space<vmem>>, vector<16xf32>,
      %parallel_loop3A_976 = arith.mulf %parallel_loop3A_973, %parallel_loop3A_975 : vector<16xf32>
      %parallel_loop3A_977 = arith.addf %parallel_loop3A_976, %sub3A_60 : vector<16xf32>
      %parallel_loop3A_978 = arith.fptosi %parallel_loop3A_977 : vector<16xf32> to vector<16xi32>
      %parallel_loop3A_979 = arith.minsi %parallel_loop3A_978, %add3A_63 : vector<16xi32>
      tpu.vector_store_idx %arg10[%parallel_loop3A_979], %broadcast_in_dim3A_65 {add = true} : memref<2048xf32, #tpu.memory_space<vmem>>[vector<16xi32>], vector<16xf32>,
    } {sc.loop_unroll_factor = 8 : i64, sc.parallel_access}
    %mul3A_91 = arith.constant 32 : i32
    %mul3A_92 = arith.muli %select_n3A, %mul3A_91 : i32
    %add3A_93 = arith.constant 2 : i32
    %add3A_94 = arith.addi %mul3A_92, %add3A_93 : i32
    %mul3A_95 = arith.constant 64 : i32
    %mul3A_96 = arith.muli %add3A_94, %mul3A_95 : i32
    %add3A_97 = arith.addi %mul3A_96, %mul3A_32 : i32
    %mul3A_98 = arith.constant 4096 : i32
    %mul3A_99 = arith.muli %add3A_97, %mul3A_98 : i32
    %dma_start3A_100 = tpu.memref_slice %arg2[%mul3A_99] : memref<16777216xf32, #tpu.memory_space<hbm>> -> memref<16384xf32, #tpu.memory_space<hbm>>
    %dma_start3A_101 = tpu.memref_slice %arg2[%mul3A_99] : memref<16777216xf32, #tpu.memory_space<hbm>> -> memref<16384xf32, #tpu.memory_space<hbm>>
    tpu.enqueue_dma source(%dma_start3A_101 : memref<16384xf32, #tpu.memory_space<hbm>>) target(%arg6 : memref<16384xf32, #tpu.memory_space<vmem>>) target_semaphore(%arg12 : memref<!tpu.dma_semaphore, #tpu.memory_space<semaphore_mem>>)
    %dma_wait3A_102 = tpu.memref_slice %arg2[%mul3A_84] : memref<16777216xf32, #tpu.memory_space<hbm>> -> memref<16384xf32, #tpu.memory_space<hbm>>
    %dma_wait3A_103 = tpu.memref_slice %arg2[%mul3A_84] : memref<16777216xf32, #tpu.memory_space<hbm>> -> memref<16384xf32, #tpu.memory_space<hbm>>
    tpu.wait_dma2 semaphore(%arg13 : memref<!tpu.dma_semaphore, #tpu.memory_space<semaphore_mem>>) src(%dma_wait3A_103 : memref<16384xf32, #tpu.memory_space<hbm>>) dst(%arg7 : memref<16384xf32, #tpu.memory_space<vmem>>)
    %parallel_loop3A_104 = arith.constant 0 : i32
    %parallel_loop3A_105 = arith.constant 1024 : i32
    %parallel_loop3A_106 = arith.constant 1 : i32
    scf.for %parallel_loop3A_969 = %parallel_loop3A_104 to %parallel_loop3A_105 step %parallel_loop3A_106  : i32 {
      %parallel_loop3A_970 = arith.constant 16 : i32
      %parallel_loop3A_971 = arith.muli %parallel_loop3A_969, %parallel_loop3A_970 : i32
      %parallel_loop3A_972 = arith.index_cast %parallel_loop3A_971 : i32 to index
      %parallel_loop3A_973 = tpu.vector_load %arg7[%parallel_loop3A_972] {strides = array<i32>} : memref<16384xf32, #tpu.memory_space<vmem>>, vector<16xf32>,
      %parallel_loop3A_974 = arith.index_cast %parallel_loop3A_971 : i32 to index
      %parallel_loop3A_975 = tpu.vector_load %arg8[%parallel_loop3A_974] {strides = array<i32>} : memref<16384xf32, #tpu.memory_space<vmem>>, vector<16xf32>,
      %parallel_loop3A_976 = arith.mulf %parallel_loop3A_973, %parallel_loop3A_975 : vector<16xf32>
      %parallel_loop3A_977 = arith.addf %parallel_loop3A_976, %sub3A_60 : vector<16xf32>
      %parallel_loop3A_978 = arith.fptosi %parallel_loop3A_977 : vector<16xf32> to vector<16xi32>
      %parallel_loop3A_979 = arith.minsi %parallel_loop3A_978, %add3A_63 : vector<16xi32>
      tpu.vector_store_idx %arg10[%parallel_loop3A_979], %broadcast_in_dim3A_65 {add = true} : memref<2048xf32, #tpu.memory_space<vmem>>[vector<16xi32>], vector<16xf32>,
    } {sc.loop_unroll_factor = 8 : i64, sc.parallel_access}
    %mul3A_107 = arith.constant 32 : i32
    %mul3A_108 = arith.muli %select_n3A, %mul3A_107 : i32
    %add3A_109 = arith.constant 3 : i32
    %add3A_110 = arith.addi %mul3A_108, %add3A_109 : i32
    %mul3A_111 = arith.constant 64 : i32
    %mul3A_112 = arith.muli %add3A_110, %mul3A_111 : i32
    %add3A_113 = arith.addi %mul3A_112, %mul3A_32 : i32
    %mul3A_114 = arith.constant 4096 : i32
    %mul3A_115 = arith.muli %add3A_113, %mul3A_114 : i32
    %dma_start3A_116 = tpu.memref_slice %arg2[%mul3A_115] : memref<16777216xf32, #tpu.memory_space<hbm>> -> memref<16384xf32, #tpu.memory_space<hbm>>
    %dma_start3A_117 = tpu.memref_slice %arg2[%mul3A_115] : memref<16777216xf32, #tpu.memory_space<hbm>> -> memref<16384xf32, #tpu.memory_space<hbm>>
    tpu.enqueue_dma source(%dma_start3A_117 : memref<16384xf32, #tpu.memory_space<hbm>>) target(%arg7 : memref<16384xf32, #tpu.memory_space<vmem>>) target_semaphore(%arg13 : memref<!tpu.dma_semaphore, #tpu.memory_space<semaphore_mem>>)
    %dma_wait3A_118 = tpu.memref_slice %arg2[%mul3A_99] : memref<16777216xf32, #tpu.memory_space<hbm>> -> memref<16384xf32, #tpu.memory_space<hbm>>
    %dma_wait3A_119 = tpu.memref_slice %arg2[%mul3A_99] : memref<16777216xf32, #tpu.memory_space<hbm>> -> memref<16384xf32, #tpu.memory_space<hbm>>
    tpu.wait_dma2 semaphore(%arg12 : memref<!tpu.dma_semaphore, #tpu.memory_space<semaphore_mem>>) src(%dma_wait3A_119 : memref<16384xf32, #tpu.memory_space<hbm>>) dst(%arg6 : memref<16384xf32, #tpu.memory_space<vmem>>)
    %parallel_loop3A_120 = arith.constant 0 : i32
    %parallel_loop3A_121 = arith.constant 1024 : i32
    %parallel_loop3A_122 = arith.constant 1 : i32
    scf.for %parallel_loop3A_969 = %parallel_loop3A_120 to %parallel_loop3A_121 step %parallel_loop3A_122  : i32 {
      %parallel_loop3A_970 = arith.constant 16 : i32
      %parallel_loop3A_971 = arith.muli %parallel_loop3A_969, %parallel_loop3A_970 : i32
      %parallel_loop3A_972 = arith.index_cast %parallel_loop3A_971 : i32 to index
      %parallel_loop3A_973 = tpu.vector_load %arg6[%parallel_loop3A_972] {strides = array<i32>} : memref<16384xf32, #tpu.memory_space<vmem>>, vector<16xf32>,
      %parallel_loop3A_974 = arith.index_cast %parallel_loop3A_971 : i32 to index
      %parallel_loop3A_975 = tpu.vector_load %arg8[%parallel_loop3A_974] {strides = array<i32>} : memref<16384xf32, #tpu.memory_space<vmem>>, vector<16xf32>,
      %parallel_loop3A_976 = arith.mulf %parallel_loop3A_973, %parallel_loop3A_975 : vector<16xf32>
      %parallel_loop3A_977 = arith.addf %parallel_loop3A_976, %sub3A_60 : vector<16xf32>
      %parallel_loop3A_978 = arith.fptosi %parallel_loop3A_977 : vector<16xf32> to vector<16xi32>
      %parallel_loop3A_979 = arith.minsi %parallel_loop3A_978, %add3A_63 : vector<16xi32>
      tpu.vector_store_idx %arg10[%parallel_loop3A_979], %broadcast_in_dim3A_65 {add = true} : memref<2048xf32, #tpu.memory_space<vmem>>[vector<16xi32>], vector<16xf32>,
    } {sc.loop_unroll_factor = 8 : i64, sc.parallel_access}
    %mul3A_123 = arith.constant 32 : i32
    %mul3A_124 = arith.muli %select_n3A, %mul3A_123 : i32
    %add3A_125 = arith.constant 4 : i32
    %add3A_126 = arith.addi %mul3A_124, %add3A_125 : i32
    %mul3A_127 = arith.constant 64 : i32
    %mul3A_128 = arith.muli %add3A_126, %mul3A_127 : i32
    %add3A_129 = arith.addi %mul3A_128, %mul3A_32 : i32
    %mul3A_130 = arith.constant 4096 : i32
    %mul3A_131 = arith.muli %add3A_129, %mul3A_130 : i32
    %dma_start3A_132 = tpu.memref_slice %arg2[%mul3A_131] : memref<16777216xf32, #tpu.memory_space<hbm>> -> memref<16384xf32, #tpu.memory_space<hbm>>
    %dma_start3A_133 = tpu.memref_slice %arg2[%mul3A_131] : memref<16777216xf32, #tpu.memory_space<hbm>> -> memref<16384xf32, #tpu.memory_space<hbm>>
    tpu.enqueue_dma source(%dma_start3A_133 : memref<16384xf32, #tpu.memory_space<hbm>>) target(%arg6 : memref<16384xf32, #tpu.memory_space<vmem>>) target_semaphore(%arg12 : memref<!tpu.dma_semaphore, #tpu.memory_space<semaphore_mem>>)
    %dma_wait3A_134 = tpu.memref_slice %arg2[%mul3A_115] : memref<16777216xf32, #tpu.memory_space<hbm>> -> memref<16384xf32, #tpu.memory_space<hbm>>
    %dma_wait3A_135 = tpu.memref_slice %arg2[%mul3A_115] : memref<16777216xf32, #tpu.memory_space<hbm>> -> memref<16384xf32, #tpu.memory_space<hbm>>
    tpu.wait_dma2 semaphore(%arg13 : memref<!tpu.dma_semaphore, #tpu.memory_space<semaphore_mem>>) src(%dma_wait3A_135 : memref<16384xf32, #tpu.memory_space<hbm>>) dst(%arg7 : memref<16384xf32, #tpu.memory_space<vmem>>)
    %parallel_loop3A_136 = arith.constant 0 : i32
    %parallel_loop3A_137 = arith.constant 1024 : i32
    %parallel_loop3A_138 = arith.constant 1 : i32
    scf.for %parallel_loop3A_969 = %parallel_loop3A_136 to %parallel_loop3A_137 step %parallel_loop3A_138  : i32 {
      %parallel_loop3A_970 = arith.constant 16 : i32
      %parallel_loop3A_971 = arith.muli %parallel_loop3A_969, %parallel_loop3A_970 : i32
      %parallel_loop3A_972 = arith.index_cast %parallel_loop3A_971 : i32 to index
      %parallel_loop3A_973 = tpu.vector_load %arg7[%parallel_loop3A_972] {strides = array<i32>} : memref<16384xf32, #tpu.memory_space<vmem>>, vector<16xf32>,
      %parallel_loop3A_974 = arith.index_cast %parallel_loop3A_971 : i32 to index
      %parallel_loop3A_975 = tpu.vector_load %arg8[%parallel_loop3A_974] {strides = array<i32>} : memref<16384xf32, #tpu.memory_space<vmem>>, vector<16xf32>,
      %parallel_loop3A_976 = arith.mulf %parallel_loop3A_973, %parallel_loop3A_975 : vector<16xf32>
      %parallel_loop3A_977 = arith.addf %parallel_loop3A_976, %sub3A_60 : vector<16xf32>
      %parallel_loop3A_978 = arith.fptosi %parallel_loop3A_977 : vector<16xf32> to vector<16xi32>
      %parallel_loop3A_979 = arith.minsi %parallel_loop3A_978, %add3A_63 : vector<16xi32>
      tpu.vector_store_idx %arg10[%parallel_loop3A_979], %broadcast_in_dim3A_65 {add = true} : memref<2048xf32, #tpu.memory_space<vmem>>[vector<16xi32>], vector<16xf32>,
    } {sc.loop_unroll_factor = 8 : i64, sc.parallel_access}
    %mul3A_139 = arith.constant 32 : i32
    %mul3A_140 = arith.muli %select_n3A, %mul3A_139 : i32
    %add3A_141 = arith.constant 5 : i32
    %add3A_142 = arith.addi %mul3A_140, %add3A_141 : i32
    %mul3A_143 = arith.constant 64 : i32
    %mul3A_144 = arith.muli %add3A_142, %mul3A_143 : i32
    %add3A_145 = arith.addi %mul3A_144, %mul3A_32 : i32
    %mul3A_146 = arith.constant 4096 : i32
    %mul3A_147 = arith.muli %add3A_145, %mul3A_146 : i32
    %dma_start3A_148 = tpu.memref_slice %arg2[%mul3A_147] : memref<16777216xf32, #tpu.memory_space<hbm>> -> memref<16384xf32, #tpu.memory_space<hbm>>
    %dma_start3A_149 = tpu.memref_slice %arg2[%mul3A_147] : memref<16777216xf32, #tpu.memory_space<hbm>> -> memref<16384xf32, #tpu.memory_space<hbm>>
    tpu.enqueue_dma source(%dma_start3A_149 : memref<16384xf32, #tpu.memory_space<hbm>>) target(%arg7 : memref<16384xf32, #tpu.memory_space<vmem>>) target_semaphore(%arg13 : memref<!tpu.dma_semaphore, #tpu.memory_space<semaphore_mem>>)
    %dma_wait3A_150 = tpu.memref_slice %arg2[%mul3A_131] : memref<16777216xf32, #tpu.memory_space<hbm>> -> memref<16384xf32, #tpu.memory_space<hbm>>
    %dma_wait3A_151 = tpu.memref_slice %arg2[%mul3A_131] : memref<16777216xf32, #tpu.memory_space<hbm>> -> memref<16384xf32, #tpu.memory_space<hbm>>
    tpu.wait_dma2 semaphore(%arg12 : memref<!tpu.dma_semaphore, #tpu.memory_space<semaphore_mem>>) src(%dma_wait3A_151 : memref<16384xf32, #tpu.memory_space<hbm>>) dst(%arg6 : memref<16384xf32, #tpu.memory_space<vmem>>)
    %parallel_loop3A_152 = arith.constant 0 : i32
    %parallel_loop3A_153 = arith.constant 1024 : i32
    %parallel_loop3A_154 = arith.constant 1 : i32
    scf.for %parallel_loop3A_969 = %parallel_loop3A_152 to %parallel_loop3A_153 step %parallel_loop3A_154  : i32 {
      %parallel_loop3A_970 = arith.constant 16 : i32
      %parallel_loop3A_971 = arith.muli %parallel_loop3A_969, %parallel_loop3A_970 : i32
      %parallel_loop3A_972 = arith.index_cast %parallel_loop3A_971 : i32 to index
      %parallel_loop3A_973 = tpu.vector_load %arg6[%parallel_loop3A_972] {strides = array<i32>} : memref<16384xf32, #tpu.memory_space<vmem>>, vector<16xf32>,
      %parallel_loop3A_974 = arith.index_cast %parallel_loop3A_971 : i32 to index
      %parallel_loop3A_975 = tpu.vector_load %arg8[%parallel_loop3A_974] {strides = array<i32>} : memref<16384xf32, #tpu.memory_space<vmem>>, vector<16xf32>,
      %parallel_loop3A_976 = arith.mulf %parallel_loop3A_973, %parallel_loop3A_975 : vector<16xf32>
      %parallel_loop3A_977 = arith.addf %parallel_loop3A_976, %sub3A_60 : vector<16xf32>
      %parallel_loop3A_978 = arith.fptosi %parallel_loop3A_977 : vector<16xf32> to vector<16xi32>
      %parallel_loop3A_979 = arith.minsi %parallel_loop3A_978, %add3A_63 : vector<16xi32>
      tpu.vector_store_idx %arg10[%parallel_loop3A_979], %broadcast_in_dim3A_65 {add = true} : memref<2048xf32, #tpu.memory_space<vmem>>[vector<16xi32>], vector<16xf32>,
    } {sc.loop_unroll_factor = 8 : i64, sc.parallel_access}
    %mul3A_155 = arith.constant 32 : i32
    %mul3A_156 = arith.muli %select_n3A, %mul3A_155 : i32
    %add3A_157 = arith.constant 6 : i32
    %add3A_158 = arith.addi %mul3A_156, %add3A_157 : i32
    %mul3A_159 = arith.constant 64 : i32
    %mul3A_160 = arith.muli %add3A_158, %mul3A_159 : i32
    %add3A_161 = arith.addi %mul3A_160, %mul3A_32 : i32
    %mul3A_162 = arith.constant 4096 : i32
    %mul3A_163 = arith.muli %add3A_161, %mul3A_162 : i32
    %dma_start3A_164 = tpu.memref_slice %arg2[%mul3A_163] : memref<16777216xf32, #tpu.memory_space<hbm>> -> memref<16384xf32, #tpu.memory_space<hbm>>
    %dma_start3A_165 = tpu.memref_slice %arg2[%mul3A_163] : memref<16777216xf32, #tpu.memory_space<hbm>> -> memref<16384xf32, #tpu.memory_space<hbm>>
    tpu.enqueue_dma source(%dma_start3A_165 : memref<16384xf32, #tpu.memory_space<hbm>>) target(%arg6 : memref<16384xf32, #tpu.memory_space<vmem>>) target_semaphore(%arg12 : memref<!tpu.dma_semaphore, #tpu.memory_space<semaphore_mem>>)
    %dma_wait3A_166 = tpu.memref_slice %arg2[%mul3A_147] : memref<16777216xf32, #tpu.memory_space<hbm>> -> memref<16384xf32, #tpu.memory_space<hbm>>
    %dma_wait3A_167 = tpu.memref_slice %arg2[%mul3A_147] : memref<16777216xf32, #tpu.memory_space<hbm>> -> memref<16384xf32, #tpu.memory_space<hbm>>
    tpu.wait_dma2 semaphore(%arg13 : memref<!tpu.dma_semaphore, #tpu.memory_space<semaphore_mem>>) src(%dma_wait3A_167 : memref<16384xf32, #tpu.memory_space<hbm>>) dst(%arg7 : memref<16384xf32, #tpu.memory_space<vmem>>)
    %parallel_loop3A_168 = arith.constant 0 : i32
    %parallel_loop3A_169 = arith.constant 1024 : i32
    %parallel_loop3A_170 = arith.constant 1 : i32
    scf.for %parallel_loop3A_969 = %parallel_loop3A_168 to %parallel_loop3A_169 step %parallel_loop3A_170  : i32 {
      %parallel_loop3A_970 = arith.constant 16 : i32
      %parallel_loop3A_971 = arith.muli %parallel_loop3A_969, %parallel_loop3A_970 : i32
      %parallel_loop3A_972 = arith.index_cast %parallel_loop3A_971 : i32 to index
      %parallel_loop3A_973 = tpu.vector_load %arg7[%parallel_loop3A_972] {strides = array<i32>} : memref<16384xf32, #tpu.memory_space<vmem>>, vector<16xf32>,
      %parallel_loop3A_974 = arith.index_cast %parallel_loop3A_971 : i32 to index
      %parallel_loop3A_975 = tpu.vector_load %arg8[%parallel_loop3A_974] {strides = array<i32>} : memref<16384xf32, #tpu.memory_space<vmem>>, vector<16xf32>,
      %parallel_loop3A_976 = arith.mulf %parallel_loop3A_973, %parallel_loop3A_975 : vector<16xf32>
      %parallel_loop3A_977 = arith.addf %parallel_loop3A_976, %sub3A_60 : vector<16xf32>
      %parallel_loop3A_978 = arith.fptosi %parallel_loop3A_977 : vector<16xf32> to vector<16xi32>
      %parallel_loop3A_979 = arith.minsi %parallel_loop3A_978, %add3A_63 : vector<16xi32>
      tpu.vector_store_idx %arg10[%parallel_loop3A_979], %broadcast_in_dim3A_65 {add = true} : memref<2048xf32, #tpu.memory_space<vmem>>[vector<16xi32>], vector<16xf32>,
    } {sc.loop_unroll_factor = 8 : i64, sc.parallel_access}
    %mul3A_171 = arith.constant 32 : i32
    %mul3A_172 = arith.muli %select_n3A, %mul3A_171 : i32
    %add3A_173 = arith.constant 7 : i32
    %add3A_174 = arith.addi %mul3A_172, %add3A_173 : i32
    %mul3A_175 = arith.constant 64 : i32
    %mul3A_176 = arith.muli %add3A_174, %mul3A_175 : i32
    %add3A_177 = arith.addi %mul3A_176, %mul3A_32 : i32
    %mul3A_178 = arith.constant 4096 : i32
    %mul3A_179 = arith.muli %add3A_177, %mul3A_178 : i32
    %dma_start3A_180 = tpu.memref_slice %arg2[%mul3A_179] : memref<16777216xf32, #tpu.memory_space<hbm>> -> memref<16384xf32, #tpu.memory_space<hbm>>
    %dma_start3A_181 = tpu.memref_slice %arg2[%mul3A_179] : memref<16777216xf32, #tpu.memory_space<hbm>> -> memref<16384xf32, #tpu.memory_space<hbm>>
    tpu.enqueue_dma source(%dma_start3A_181 : memref<16384xf32, #tpu.memory_space<hbm>>) target(%arg7 : memref<16384xf32, #tpu.memory_space<vmem>>) target_semaphore(%arg13 : memref<!tpu.dma_semaphore, #tpu.memory_space<semaphore_mem>>)
    %dma_wait3A_182 = tpu.memref_slice %arg2[%mul3A_163] : memref<16777216xf32, #tpu.memory_space<hbm>> -> memref<16384xf32, #tpu.memory_space<hbm>>
    %dma_wait3A_183 = tpu.memref_slice %arg2[%mul3A_163] : memref<16777216xf32, #tpu.memory_space<hbm>> -> memref<16384xf32, #tpu.memory_space<hbm>>
    tpu.wait_dma2 semaphore(%arg12 : memref<!tpu.dma_semaphore, #tpu.memory_space<semaphore_mem>>) src(%dma_wait3A_183 : memref<16384xf32, #tpu.memory_space<hbm>>) dst(%arg6 : memref<16384xf32, #tpu.memory_space<vmem>>)
    %parallel_loop3A_184 = arith.constant 0 : i32
    %parallel_loop3A_185 = arith.constant 1024 : i32
    %parallel_loop3A_186 = arith.constant 1 : i32
    scf.for %parallel_loop3A_969 = %parallel_loop3A_184 to %parallel_loop3A_185 step %parallel_loop3A_186  : i32 {
      %parallel_loop3A_970 = arith.constant 16 : i32
      %parallel_loop3A_971 = arith.muli %parallel_loop3A_969, %parallel_loop3A_970 : i32
      %parallel_loop3A_972 = arith.index_cast %parallel_loop3A_971 : i32 to index
      %parallel_loop3A_973 = tpu.vector_load %arg6[%parallel_loop3A_972] {strides = array<i32>} : memref<16384xf32, #tpu.memory_space<vmem>>, vector<16xf32>,
      %parallel_loop3A_974 = arith.index_cast %parallel_loop3A_971 : i32 to index
      %parallel_loop3A_975 = tpu.vector_load %arg8[%parallel_loop3A_974] {strides = array<i32>} : memref<16384xf32, #tpu.memory_space<vmem>>, vector<16xf32>,
      %parallel_loop3A_976 = arith.mulf %parallel_loop3A_973, %parallel_loop3A_975 : vector<16xf32>
      %parallel_loop3A_977 = arith.addf %parallel_loop3A_976, %sub3A_60 : vector<16xf32>
      %parallel_loop3A_978 = arith.fptosi %parallel_loop3A_977 : vector<16xf32> to vector<16xi32>
      %parallel_loop3A_979 = arith.minsi %parallel_loop3A_978, %add3A_63 : vector<16xi32>
      tpu.vector_store_idx %arg10[%parallel_loop3A_979], %broadcast_in_dim3A_65 {add = true} : memref<2048xf32, #tpu.memory_space<vmem>>[vector<16xi32>], vector<16xf32>,
    } {sc.loop_unroll_factor = 8 : i64, sc.parallel_access}
    %mul3A_187 = arith.constant 32 : i32
    %mul3A_188 = arith.muli %select_n3A, %mul3A_187 : i32
    %add3A_189 = arith.constant 8 : i32
    %add3A_190 = arith.addi %mul3A_188, %add3A_189 : i32
    %mul3A_191 = arith.constant 64 : i32
    %mul3A_192 = arith.muli %add3A_190, %mul3A_191 : i32
    %add3A_193 = arith.addi %mul3A_192, %mul3A_32 : i32
    %mul3A_194 = arith.constant 4096 : i32
    %mul3A_195 = arith.muli %add3A_193, %mul3A_194 : i32
    %dma_start3A_196 = tpu.memref_slice %arg2[%mul3A_195] : memref<16777216xf32, #tpu.memory_space<hbm>> -> memref<16384xf32, #tpu.memory_space<hbm>>
    %dma_start3A_197 = tpu.memref_slice %arg2[%mul3A_195] : memref<16777216xf32, #tpu.memory_space<hbm>> -> memref<16384xf32, #tpu.memory_space<hbm>>
    tpu.enqueue_dma source(%dma_start3A_197 : memref<16384xf32, #tpu.memory_space<hbm>>) target(%arg6 : memref<16384xf32, #tpu.memory_space<vmem>>) target_semaphore(%arg12 : memref<!tpu.dma_semaphore, #tpu.memory_space<semaphore_mem>>)
    %dma_wait3A_198 = tpu.memref_slice %arg2[%mul3A_179] : memref<16777216xf32, #tpu.memory_space<hbm>> -> memref<16384xf32, #tpu.memory_space<hbm>>
    %dma_wait3A_199 = tpu.memref_slice %arg2[%mul3A_179] : memref<16777216xf32, #tpu.memory_space<hbm>> -> memref<16384xf32, #tpu.memory_space<hbm>>
    tpu.wait_dma2 semaphore(%arg13 : memref<!tpu.dma_semaphore, #tpu.memory_space<semaphore_mem>>) src(%dma_wait3A_199 : memref<16384xf32, #tpu.memory_space<hbm>>) dst(%arg7 : memref<16384xf32, #tpu.memory_space<vmem>>)
    %parallel_loop3A_200 = arith.constant 0 : i32
    %parallel_loop3A_201 = arith.constant 1024 : i32
    %parallel_loop3A_202 = arith.constant 1 : i32
    scf.for %parallel_loop3A_969 = %parallel_loop3A_200 to %parallel_loop3A_201 step %parallel_loop3A_202  : i32 {
      %parallel_loop3A_970 = arith.constant 16 : i32
      %parallel_loop3A_971 = arith.muli %parallel_loop3A_969, %parallel_loop3A_970 : i32
      %parallel_loop3A_972 = arith.index_cast %parallel_loop3A_971 : i32 to index
      %parallel_loop3A_973 = tpu.vector_load %arg7[%parallel_loop3A_972] {strides = array<i32>} : memref<16384xf32, #tpu.memory_space<vmem>>, vector<16xf32>,
      %parallel_loop3A_974 = arith.index_cast %parallel_loop3A_971 : i32 to index
      %parallel_loop3A_975 = tpu.vector_load %arg8[%parallel_loop3A_974] {strides = array<i32>} : memref<16384xf32, #tpu.memory_space<vmem>>, vector<16xf32>,
      %parallel_loop3A_976 = arith.mulf %parallel_loop3A_973, %parallel_loop3A_975 : vector<16xf32>
      %parallel_loop3A_977 = arith.addf %parallel_loop3A_976, %sub3A_60 : vector<16xf32>
      %parallel_loop3A_978 = arith.fptosi %parallel_loop3A_977 : vector<16xf32> to vector<16xi32>
      %parallel_loop3A_979 = arith.minsi %parallel_loop3A_978, %add3A_63 : vector<16xi32>
      tpu.vector_store_idx %arg10[%parallel_loop3A_979], %broadcast_in_dim3A_65 {add = true} : memref<2048xf32, #tpu.memory_space<vmem>>[vector<16xi32>], vector<16xf32>,
    } {sc.loop_unroll_factor = 8 : i64, sc.parallel_access}
    %mul3A_203 = arith.constant 32 : i32
    %mul3A_204 = arith.muli %select_n3A, %mul3A_203 : i32
    %add3A_205 = arith.constant 9 : i32
    %add3A_206 = arith.addi %mul3A_204, %add3A_205 : i32
    %mul3A_207 = arith.constant 64 : i32
    %mul3A_208 = arith.muli %add3A_206, %mul3A_207 : i32
    %add3A_209 = arith.addi %mul3A_208, %mul3A_32 : i32
    %mul3A_210 = arith.constant 4096 : i32
    %mul3A_211 = arith.muli %add3A_209, %mul3A_210 : i32
    %dma_start3A_212 = tpu.memref_slice %arg2[%mul3A_211] : memref<16777216xf32, #tpu.memory_space<hbm>> -> memref<16384xf32, #tpu.memory_space<hbm>>
    %dma_start3A_213 = tpu.memref_slice %arg2[%mul3A_211] : memref<16777216xf32, #tpu.memory_space<hbm>> -> memref<16384xf32, #tpu.memory_space<hbm>>
    tpu.enqueue_dma source(%dma_start3A_213 : memref<16384xf32, #tpu.memory_space<hbm>>) target(%arg7 : memref<16384xf32, #tpu.memory_space<vmem>>) target_semaphore(%arg13 : memref<!tpu.dma_semaphore, #tpu.memory_space<semaphore_mem>>)
    %dma_wait3A_214 = tpu.memref_slice %arg2[%mul3A_195] : memref<16777216xf32, #tpu.memory_space<hbm>> -> memref<16384xf32, #tpu.memory_space<hbm>>
    %dma_wait3A_215 = tpu.memref_slice %arg2[%mul3A_195] : memref<16777216xf32, #tpu.memory_space<hbm>> -> memref<16384xf32, #tpu.memory_space<hbm>>
    tpu.wait_dma2 semaphore(%arg12 : memref<!tpu.dma_semaphore, #tpu.memory_space<semaphore_mem>>) src(%dma_wait3A_215 : memref<16384xf32, #tpu.memory_space<hbm>>) dst(%arg6 : memref<16384xf32, #tpu.memory_space<vmem>>)
    %parallel_loop3A_216 = arith.constant 0 : i32
    %parallel_loop3A_217 = arith.constant 1024 : i32
    %parallel_loop3A_218 = arith.constant 1 : i32
    scf.for %parallel_loop3A_969 = %parallel_loop3A_216 to %parallel_loop3A_217 step %parallel_loop3A_218  : i32 {
      %parallel_loop3A_970 = arith.constant 16 : i32
      %parallel_loop3A_971 = arith.muli %parallel_loop3A_969, %parallel_loop3A_970 : i32
      %parallel_loop3A_972 = arith.index_cast %parallel_loop3A_971 : i32 to index
      %parallel_loop3A_973 = tpu.vector_load %arg6[%parallel_loop3A_972] {strides = array<i32>} : memref<16384xf32, #tpu.memory_space<vmem>>, vector<16xf32>,
      %parallel_loop3A_974 = arith.index_cast %parallel_loop3A_971 : i32 to index
      %parallel_loop3A_975 = tpu.vector_load %arg8[%parallel_loop3A_974] {strides = array<i32>} : memref<16384xf32, #tpu.memory_space<vmem>>, vector<16xf32>,
      %parallel_loop3A_976 = arith.mulf %parallel_loop3A_973, %parallel_loop3A_975 : vector<16xf32>
      %parallel_loop3A_977 = arith.addf %parallel_loop3A_976, %sub3A_60 : vector<16xf32>
      %parallel_loop3A_978 = arith.fptosi %parallel_loop3A_977 : vector<16xf32> to vector<16xi32>
      %parallel_loop3A_979 = arith.minsi %parallel_loop3A_978, %add3A_63 : vector<16xi32>
      tpu.vector_store_idx %arg10[%parallel_loop3A_979], %broadcast_in_dim3A_65 {add = true} : memref<2048xf32, #tpu.memory_space<vmem>>[vector<16xi32>], vector<16xf32>,
    } {sc.loop_unroll_factor = 8 : i64, sc.parallel_access}
    %mul3A_219 = arith.constant 32 : i32
    %mul3A_220 = arith.muli %select_n3A, %mul3A_219 : i32
    %add3A_221 = arith.constant 10 : i32
    %add3A_222 = arith.addi %mul3A_220, %add3A_221 : i32
    %mul3A_223 = arith.constant 64 : i32
    %mul3A_224 = arith.muli %add3A_222, %mul3A_223 : i32
    %add3A_225 = arith.addi %mul3A_224, %mul3A_32 : i32
    %mul3A_226 = arith.constant 4096 : i32
    %mul3A_227 = arith.muli %add3A_225, %mul3A_226 : i32
    %dma_start3A_228 = tpu.memref_slice %arg2[%mul3A_227] : memref<16777216xf32, #tpu.memory_space<hbm>> -> memref<16384xf32, #tpu.memory_space<hbm>>
    %dma_start3A_229 = tpu.memref_slice %arg2[%mul3A_227] : memref<16777216xf32, #tpu.memory_space<hbm>> -> memref<16384xf32, #tpu.memory_space<hbm>>
    tpu.enqueue_dma source(%dma_start3A_229 : memref<16384xf32, #tpu.memory_space<hbm>>) target(%arg6 : memref<16384xf32, #tpu.memory_space<vmem>>) target_semaphore(%arg12 : memref<!tpu.dma_semaphore, #tpu.memory_space<semaphore_mem>>)
    %dma_wait3A_230 = tpu.memref_slice %arg2[%mul3A_211] : memref<16777216xf32, #tpu.memory_space<hbm>> -> memref<16384xf32, #tpu.memory_space<hbm>>
    %dma_wait3A_231 = tpu.memref_slice %arg2[%mul3A_211] : memref<16777216xf32, #tpu.memory_space<hbm>> -> memref<16384xf32, #tpu.memory_space<hbm>>
    tpu.wait_dma2 semaphore(%arg13 : memref<!tpu.dma_semaphore, #tpu.memory_space<semaphore_mem>>) src(%dma_wait3A_231 : memref<16384xf32, #tpu.memory_space<hbm>>) dst(%arg7 : memref<16384xf32, #tpu.memory_space<vmem>>)
    %parallel_loop3A_232 = arith.constant 0 : i32
    %parallel_loop3A_233 = arith.constant 1024 : i32
    %parallel_loop3A_234 = arith.constant 1 : i32
    scf.for %parallel_loop3A_969 = %parallel_loop3A_232 to %parallel_loop3A_233 step %parallel_loop3A_234  : i32 {
      %parallel_loop3A_970 = arith.constant 16 : i32
      %parallel_loop3A_971 = arith.muli %parallel_loop3A_969, %parallel_loop3A_970 : i32
      %parallel_loop3A_972 = arith.index_cast %parallel_loop3A_971 : i32 to index
      %parallel_loop3A_973 = tpu.vector_load %arg7[%parallel_loop3A_972] {strides = array<i32>} : memref<16384xf32, #tpu.memory_space<vmem>>, vector<16xf32>,
      %parallel_loop3A_974 = arith.index_cast %parallel_loop3A_971 : i32 to index
      %parallel_loop3A_975 = tpu.vector_load %arg8[%parallel_loop3A_974] {strides = array<i32>} : memref<16384xf32, #tpu.memory_space<vmem>>, vector<16xf32>,
      %parallel_loop3A_976 = arith.mulf %parallel_loop3A_973, %parallel_loop3A_975 : vector<16xf32>
      %parallel_loop3A_977 = arith.addf %parallel_loop3A_976, %sub3A_60 : vector<16xf32>
      %parallel_loop3A_978 = arith.fptosi %parallel_loop3A_977 : vector<16xf32> to vector<16xi32>
      %parallel_loop3A_979 = arith.minsi %parallel_loop3A_978, %add3A_63 : vector<16xi32>
      tpu.vector_store_idx %arg10[%parallel_loop3A_979], %broadcast_in_dim3A_65 {add = true} : memref<2048xf32, #tpu.memory_space<vmem>>[vector<16xi32>], vector<16xf32>,
    } {sc.loop_unroll_factor = 8 : i64, sc.parallel_access}
    %mul3A_235 = arith.constant 32 : i32
    %mul3A_236 = arith.muli %select_n3A, %mul3A_235 : i32
    %add3A_237 = arith.constant 11 : i32
    %add3A_238 = arith.addi %mul3A_236, %add3A_237 : i32
    %mul3A_239 = arith.constant 64 : i32
    %mul3A_240 = arith.muli %add3A_238, %mul3A_239 : i32
    %add3A_241 = arith.addi %mul3A_240, %mul3A_32 : i32
    %mul3A_242 = arith.constant 4096 : i32
    %mul3A_243 = arith.muli %add3A_241, %mul3A_242 : i32
    %dma_start3A_244 = tpu.memref_slice %arg2[%mul3A_243] : memref<16777216xf32, #tpu.memory_space<hbm>> -> memref<16384xf32, #tpu.memory_space<hbm>>
    %dma_start3A_245 = tpu.memref_slice %arg2[%mul3A_243] : memref<16777216xf32, #tpu.memory_space<hbm>> -> memref<16384xf32, #tpu.memory_space<hbm>>
    tpu.enqueue_dma source(%dma_start3A_245 : memref<16384xf32, #tpu.memory_space<hbm>>) target(%arg7 : memref<16384xf32, #tpu.memory_space<vmem>>) target_semaphore(%arg13 : memref<!tpu.dma_semaphore, #tpu.memory_space<semaphore_mem>>)
    %dma_wait3A_246 = tpu.memref_slice %arg2[%mul3A_227] : memref<16777216xf32, #tpu.memory_space<hbm>> -> memref<16384xf32, #tpu.memory_space<hbm>>
    %dma_wait3A_247 = tpu.memref_slice %arg2[%mul3A_227] : memref<16777216xf32, #tpu.memory_space<hbm>> -> memref<16384xf32, #tpu.memory_space<hbm>>
    tpu.wait_dma2 semaphore(%arg12 : memref<!tpu.dma_semaphore, #tpu.memory_space<semaphore_mem>>) src(%dma_wait3A_247 : memref<16384xf32, #tpu.memory_space<hbm>>) dst(%arg6 : memref<16384xf32, #tpu.memory_space<vmem>>)
    %parallel_loop3A_248 = arith.constant 0 : i32
    %parallel_loop3A_249 = arith.constant 1024 : i32
    %parallel_loop3A_250 = arith.constant 1 : i32
    scf.for %parallel_loop3A_969 = %parallel_loop3A_248 to %parallel_loop3A_249 step %parallel_loop3A_250  : i32 {
      %parallel_loop3A_970 = arith.constant 16 : i32
      %parallel_loop3A_971 = arith.muli %parallel_loop3A_969, %parallel_loop3A_970 : i32
      %parallel_loop3A_972 = arith.index_cast %parallel_loop3A_971 : i32 to index
      %parallel_loop3A_973 = tpu.vector_load %arg6[%parallel_loop3A_972] {strides = array<i32>} : memref<16384xf32, #tpu.memory_space<vmem>>, vector<16xf32>,
      %parallel_loop3A_974 = arith.index_cast %parallel_loop3A_971 : i32 to index
      %parallel_loop3A_975 = tpu.vector_load %arg8[%parallel_loop3A_974] {strides = array<i32>} : memref<16384xf32, #tpu.memory_space<vmem>>, vector<16xf32>,
      %parallel_loop3A_976 = arith.mulf %parallel_loop3A_973, %parallel_loop3A_975 : vector<16xf32>
      %parallel_loop3A_977 = arith.addf %parallel_loop3A_976, %sub3A_60 : vector<16xf32>
      %parallel_loop3A_978 = arith.fptosi %parallel_loop3A_977 : vector<16xf32> to vector<16xi32>
      %parallel_loop3A_979 = arith.minsi %parallel_loop3A_978, %add3A_63 : vector<16xi32>
      tpu.vector_store_idx %arg10[%parallel_loop3A_979], %broadcast_in_dim3A_65 {add = true} : memref<2048xf32, #tpu.memory_space<vmem>>[vector<16xi32>], vector<16xf32>,
    } {sc.loop_unroll_factor = 8 : i64, sc.parallel_access}
    %mul3A_251 = arith.constant 32 : i32
    %mul3A_252 = arith.muli %select_n3A, %mul3A_251 : i32
    %add3A_253 = arith.constant 12 : i32
    %add3A_254 = arith.addi %mul3A_252, %add3A_253 : i32
    %mul3A_255 = arith.constant 64 : i32
    %mul3A_256 = arith.muli %add3A_254, %mul3A_255 : i32
    %add3A_257 = arith.addi %mul3A_256, %mul3A_32 : i32
    %mul3A_258 = arith.constant 4096 : i32
    %mul3A_259 = arith.muli %add3A_257, %mul3A_258 : i32
    %dma_start3A_260 = tpu.memref_slice %arg2[%mul3A_259] : memref<16777216xf32, #tpu.memory_space<hbm>> -> memref<16384xf32, #tpu.memory_space<hbm>>
    %dma_start3A_261 = tpu.memref_slice %arg2[%mul3A_259] : memref<16777216xf32, #tpu.memory_space<hbm>> -> memref<16384xf32, #tpu.memory_space<hbm>>
    tpu.enqueue_dma source(%dma_start3A_261 : memref<16384xf32, #tpu.memory_space<hbm>>) target(%arg6 : memref<16384xf32, #tpu.memory_space<vmem>>) target_semaphore(%arg12 : memref<!tpu.dma_semaphore, #tpu.memory_space<semaphore_mem>>)
    %dma_wait3A_262 = tpu.memref_slice %arg2[%mul3A_243] : memref<16777216xf32, #tpu.memory_space<hbm>> -> memref<16384xf32, #tpu.memory_space<hbm>>
    %dma_wait3A_263 = tpu.memref_slice %arg2[%mul3A_243] : memref<16777216xf32, #tpu.memory_space<hbm>> -> memref<16384xf32, #tpu.memory_space<hbm>>
    tpu.wait_dma2 semaphore(%arg13 : memref<!tpu.dma_semaphore, #tpu.memory_space<semaphore_mem>>) src(%dma_wait3A_263 : memref<16384xf32, #tpu.memory_space<hbm>>) dst(%arg7 : memref<16384xf32, #tpu.memory_space<vmem>>)
    %parallel_loop3A_264 = arith.constant 0 : i32
    %parallel_loop3A_265 = arith.constant 1024 : i32
    %parallel_loop3A_266 = arith.constant 1 : i32
    scf.for %parallel_loop3A_969 = %parallel_loop3A_264 to %parallel_loop3A_265 step %parallel_loop3A_266  : i32 {
      %parallel_loop3A_970 = arith.constant 16 : i32
      %parallel_loop3A_971 = arith.muli %parallel_loop3A_969, %parallel_loop3A_970 : i32
      %parallel_loop3A_972 = arith.index_cast %parallel_loop3A_971 : i32 to index
      %parallel_loop3A_973 = tpu.vector_load %arg7[%parallel_loop3A_972] {strides = array<i32>} : memref<16384xf32, #tpu.memory_space<vmem>>, vector<16xf32>,
      %parallel_loop3A_974 = arith.index_cast %parallel_loop3A_971 : i32 to index
      %parallel_loop3A_975 = tpu.vector_load %arg8[%parallel_loop3A_974] {strides = array<i32>} : memref<16384xf32, #tpu.memory_space<vmem>>, vector<16xf32>,
      %parallel_loop3A_976 = arith.mulf %parallel_loop3A_973, %parallel_loop3A_975 : vector<16xf32>
      %parallel_loop3A_977 = arith.addf %parallel_loop3A_976, %sub3A_60 : vector<16xf32>
      %parallel_loop3A_978 = arith.fptosi %parallel_loop3A_977 : vector<16xf32> to vector<16xi32>
      %parallel_loop3A_979 = arith.minsi %parallel_loop3A_978, %add3A_63 : vector<16xi32>
      tpu.vector_store_idx %arg10[%parallel_loop3A_979], %broadcast_in_dim3A_65 {add = true} : memref<2048xf32, #tpu.memory_space<vmem>>[vector<16xi32>], vector<16xf32>,
    } {sc.loop_unroll_factor = 8 : i64, sc.parallel_access}
    %mul3A_267 = arith.constant 32 : i32
    %mul3A_268 = arith.muli %select_n3A, %mul3A_267 : i32
    %add3A_269 = arith.constant 13 : i32
    %add3A_270 = arith.addi %mul3A_268, %add3A_269 : i32
    %mul3A_271 = arith.constant 64 : i32
    %mul3A_272 = arith.muli %add3A_270, %mul3A_271 : i32
    %add3A_273 = arith.addi %mul3A_272, %mul3A_32 : i32
    %mul3A_274 = arith.constant 4096 : i32
    %mul3A_275 = arith.muli %add3A_273, %mul3A_274 : i32
    %dma_start3A_276 = tpu.memref_slice %arg2[%mul3A_275] : memref<16777216xf32, #tpu.memory_space<hbm>> -> memref<16384xf32, #tpu.memory_space<hbm>>
    %dma_start3A_277 = tpu.memref_slice %arg2[%mul3A_275] : memref<16777216xf32, #tpu.memory_space<hbm>> -> memref<16384xf32, #tpu.memory_space<hbm>>
    tpu.enqueue_dma source(%dma_start3A_277 : memref<16384xf32, #tpu.memory_space<hbm>>) target(%arg7 : memref<16384xf32, #tpu.memory_space<vmem>>) target_semaphore(%arg13 : memref<!tpu.dma_semaphore, #tpu.memory_space<semaphore_mem>>)
    %dma_wait3A_278 = tpu.memref_slice %arg2[%mul3A_259] : memref<16777216xf32, #tpu.memory_space<hbm>> -> memref<16384xf32, #tpu.memory_space<hbm>>
    %dma_wait3A_279 = tpu.memref_slice %arg2[%mul3A_259] : memref<16777216xf32, #tpu.memory_space<hbm>> -> memref<16384xf32, #tpu.memory_space<hbm>>
    tpu.wait_dma2 semaphore(%arg12 : memref<!tpu.dma_semaphore, #tpu.memory_space<semaphore_mem>>) src(%dma_wait3A_279 : memref<16384xf32, #tpu.memory_space<hbm>>) dst(%arg6 : memref<16384xf32, #tpu.memory_space<vmem>>)
    %parallel_loop3A_280 = arith.constant 0 : i32
    %parallel_loop3A_281 = arith.constant 1024 : i32
    %parallel_loop3A_282 = arith.constant 1 : i32
    scf.for %parallel_loop3A_969 = %parallel_loop3A_280 to %parallel_loop3A_281 step %parallel_loop3A_282  : i32 {
      %parallel_loop3A_970 = arith.constant 16 : i32
      %parallel_loop3A_971 = arith.muli %parallel_loop3A_969, %parallel_loop3A_970 : i32
      %parallel_loop3A_972 = arith.index_cast %parallel_loop3A_971 : i32 to index
      %parallel_loop3A_973 = tpu.vector_load %arg6[%parallel_loop3A_972] {strides = array<i32>} : memref<16384xf32, #tpu.memory_space<vmem>>, vector<16xf32>,
      %parallel_loop3A_974 = arith.index_cast %parallel_loop3A_971 : i32 to index
      %parallel_loop3A_975 = tpu.vector_load %arg8[%parallel_loop3A_974] {strides = array<i32>} : memref<16384xf32, #tpu.memory_space<vmem>>, vector<16xf32>,
      %parallel_loop3A_976 = arith.mulf %parallel_loop3A_973, %parallel_loop3A_975 : vector<16xf32>
      %parallel_loop3A_977 = arith.addf %parallel_loop3A_976, %sub3A_60 : vector<16xf32>
      %parallel_loop3A_978 = arith.fptosi %parallel_loop3A_977 : vector<16xf32> to vector<16xi32>
      %parallel_loop3A_979 = arith.minsi %parallel_loop3A_978, %add3A_63 : vector<16xi32>
      tpu.vector_store_idx %arg10[%parallel_loop3A_979], %broadcast_in_dim3A_65 {add = true} : memref<2048xf32, #tpu.memory_space<vmem>>[vector<16xi32>], vector<16xf32>,
    } {sc.loop_unroll_factor = 8 : i64, sc.parallel_access}
    %mul3A_283 = arith.constant 32 : i32
    %mul3A_284 = arith.muli %select_n3A, %mul3A_283 : i32
    %add3A_285 = arith.constant 14 : i32
    %add3A_286 = arith.addi %mul3A_284, %add3A_285 : i32
    %mul3A_287 = arith.constant 64 : i32
    %mul3A_288 = arith.muli %add3A_286, %mul3A_287 : i32
    %add3A_289 = arith.addi %mul3A_288, %mul3A_32 : i32
    %mul3A_290 = arith.constant 4096 : i32
    %mul3A_291 = arith.muli %add3A_289, %mul3A_290 : i32
    %dma_start3A_292 = tpu.memref_slice %arg2[%mul3A_291] : memref<16777216xf32, #tpu.memory_space<hbm>> -> memref<16384xf32, #tpu.memory_space<hbm>>
    %dma_start3A_293 = tpu.memref_slice %arg2[%mul3A_291] : memref<16777216xf32, #tpu.memory_space<hbm>> -> memref<16384xf32, #tpu.memory_space<hbm>>
    tpu.enqueue_dma source(%dma_start3A_293 : memref<16384xf32, #tpu.memory_space<hbm>>) target(%arg6 : memref<16384xf32, #tpu.memory_space<vmem>>) target_semaphore(%arg12 : memref<!tpu.dma_semaphore, #tpu.memory_space<semaphore_mem>>)
    %dma_wait3A_294 = tpu.memref_slice %arg2[%mul3A_275] : memref<16777216xf32, #tpu.memory_space<hbm>> -> memref<16384xf32, #tpu.memory_space<hbm>>
    %dma_wait3A_295 = tpu.memref_slice %arg2[%mul3A_275] : memref<16777216xf32, #tpu.memory_space<hbm>> -> memref<16384xf32, #tpu.memory_space<hbm>>
    tpu.wait_dma2 semaphore(%arg13 : memref<!tpu.dma_semaphore, #tpu.memory_space<semaphore_mem>>) src(%dma_wait3A_295 : memref<16384xf32, #tpu.memory_space<hbm>>) dst(%arg7 : memref<16384xf32, #tpu.memory_space<vmem>>)
    %parallel_loop3A_296 = arith.constant 0 : i32
    %parallel_loop3A_297 = arith.constant 1024 : i32
    %parallel_loop3A_298 = arith.constant 1 : i32
    scf.for %parallel_loop3A_969 = %parallel_loop3A_296 to %parallel_loop3A_297 step %parallel_loop3A_298  : i32 {
      %parallel_loop3A_970 = arith.constant 16 : i32
      %parallel_loop3A_971 = arith.muli %parallel_loop3A_969, %parallel_loop3A_970 : i32
      %parallel_loop3A_972 = arith.index_cast %parallel_loop3A_971 : i32 to index
      %parallel_loop3A_973 = tpu.vector_load %arg7[%parallel_loop3A_972] {strides = array<i32>} : memref<16384xf32, #tpu.memory_space<vmem>>, vector<16xf32>,
      %parallel_loop3A_974 = arith.index_cast %parallel_loop3A_971 : i32 to index
      %parallel_loop3A_975 = tpu.vector_load %arg8[%parallel_loop3A_974] {strides = array<i32>} : memref<16384xf32, #tpu.memory_space<vmem>>, vector<16xf32>,
      %parallel_loop3A_976 = arith.mulf %parallel_loop3A_973, %parallel_loop3A_975 : vector<16xf32>
      %parallel_loop3A_977 = arith.addf %parallel_loop3A_976, %sub3A_60 : vector<16xf32>
      %parallel_loop3A_978 = arith.fptosi %parallel_loop3A_977 : vector<16xf32> to vector<16xi32>
      %parallel_loop3A_979 = arith.minsi %parallel_loop3A_978, %add3A_63 : vector<16xi32>
      tpu.vector_store_idx %arg10[%parallel_loop3A_979], %broadcast_in_dim3A_65 {add = true} : memref<2048xf32, #tpu.memory_space<vmem>>[vector<16xi32>], vector<16xf32>,
    } {sc.loop_unroll_factor = 8 : i64, sc.parallel_access}
    %mul3A_299 = arith.constant 32 : i32
    %mul3A_300 = arith.muli %select_n3A, %mul3A_299 : i32
    %add3A_301 = arith.constant 15 : i32
    %add3A_302 = arith.addi %mul3A_300, %add3A_301 : i32
    %mul3A_303 = arith.constant 64 : i32
    %mul3A_304 = arith.muli %add3A_302, %mul3A_303 : i32
    %add3A_305 = arith.addi %mul3A_304, %mul3A_32 : i32
    %mul3A_306 = arith.constant 4096 : i32
    %mul3A_307 = arith.muli %add3A_305, %mul3A_306 : i32
    %dma_start3A_308 = tpu.memref_slice %arg2[%mul3A_307] : memref<16777216xf32, #tpu.memory_space<hbm>> -> memref<16384xf32, #tpu.memory_space<hbm>>
    %dma_start3A_309 = tpu.memref_slice %arg2[%mul3A_307] : memref<16777216xf32, #tpu.memory_space<hbm>> -> memref<16384xf32, #tpu.memory_space<hbm>>
    tpu.enqueue_dma source(%dma_start3A_309 : memref<16384xf32, #tpu.memory_space<hbm>>) target(%arg7 : memref<16384xf32, #tpu.memory_space<vmem>>) target_semaphore(%arg13 : memref<!tpu.dma_semaphore, #tpu.memory_space<semaphore_mem>>)
    %dma_wait3A_310 = tpu.memref_slice %arg2[%mul3A_291] : memref<16777216xf32, #tpu.memory_space<hbm>> -> memref<16384xf32, #tpu.memory_space<hbm>>
    %dma_wait3A_311 = tpu.memref_slice %arg2[%mul3A_291] : memref<16777216xf32, #tpu.memory_space<hbm>> -> memref<16384xf32, #tpu.memory_space<hbm>>
    tpu.wait_dma2 semaphore(%arg12 : memref<!tpu.dma_semaphore, #tpu.memory_space<semaphore_mem>>) src(%dma_wait3A_311 : memref<16384xf32, #tpu.memory_space<hbm>>) dst(%arg6 : memref<16384xf32, #tpu.memory_space<vmem>>)
    %parallel_loop3A_312 = arith.constant 0 : i32
    %parallel_loop3A_313 = arith.constant 1024 : i32
    %parallel_loop3A_314 = arith.constant 1 : i32
    scf.for %parallel_loop3A_969 = %parallel_loop3A_312 to %parallel_loop3A_313 step %parallel_loop3A_314  : i32 {
      %parallel_loop3A_970 = arith.constant 16 : i32
      %parallel_loop3A_971 = arith.muli %parallel_loop3A_969, %parallel_loop3A_970 : i32
      %parallel_loop3A_972 = arith.index_cast %parallel_loop3A_971 : i32 to index
      %parallel_loop3A_973 = tpu.vector_load %arg6[%parallel_loop3A_972] {strides = array<i32>} : memref<16384xf32, #tpu.memory_space<vmem>>, vector<16xf32>,
      %parallel_loop3A_974 = arith.index_cast %parallel_loop3A_971 : i32 to index
      %parallel_loop3A_975 = tpu.vector_load %arg8[%parallel_loop3A_974] {strides = array<i32>} : memref<16384xf32, #tpu.memory_space<vmem>>, vector<16xf32>,
      %parallel_loop3A_976 = arith.mulf %parallel_loop3A_973, %parallel_loop3A_975 : vector<16xf32>
      %parallel_loop3A_977 = arith.addf %parallel_loop3A_976, %sub3A_60 : vector<16xf32>
      %parallel_loop3A_978 = arith.fptosi %parallel_loop3A_977 : vector<16xf32> to vector<16xi32>
      %parallel_loop3A_979 = arith.minsi %parallel_loop3A_978, %add3A_63 : vector<16xi32>
      tpu.vector_store_idx %arg10[%parallel_loop3A_979], %broadcast_in_dim3A_65 {add = true} : memref<2048xf32, #tpu.memory_space<vmem>>[vector<16xi32>], vector<16xf32>,
    } {sc.loop_unroll_factor = 8 : i64, sc.parallel_access}
    %mul3A_315 = arith.constant 32 : i32
    %mul3A_316 = arith.muli %select_n3A, %mul3A_315 : i32
    %add3A_317 = arith.constant 16 : i32
    %add3A_318 = arith.addi %mul3A_316, %add3A_317 : i32
    %mul3A_319 = arith.constant 64 : i32
    %mul3A_320 = arith.muli %add3A_318, %mul3A_319 : i32
    %add3A_321 = arith.addi %mul3A_320, %mul3A_32 : i32
    %mul3A_322 = arith.constant 4096 : i32
    %mul3A_323 = arith.muli %add3A_321, %mul3A_322 : i32
    %dma_start3A_324 = tpu.memref_slice %arg2[%mul3A_323] : memref<16777216xf32, #tpu.memory_space<hbm>> -> memref<16384xf32, #tpu.memory_space<hbm>>
    %dma_start3A_325 = tpu.memref_slice %arg2[%mul3A_323] : memref<16777216xf32, #tpu.memory_space<hbm>> -> memref<16384xf32, #tpu.memory_space<hbm>>
    tpu.enqueue_dma source(%dma_start3A_325 : memref<16384xf32, #tpu.memory_space<hbm>>) target(%arg6 : memref<16384xf32, #tpu.memory_space<vmem>>) target_semaphore(%arg12 : memref<!tpu.dma_semaphore, #tpu.memory_space<semaphore_mem>>)
    %dma_wait3A_326 = tpu.memref_slice %arg2[%mul3A_307] : memref<16777216xf32, #tpu.memory_space<hbm>> -> memref<16384xf32, #tpu.memory_space<hbm>>
    %dma_wait3A_327 = tpu.memref_slice %arg2[%mul3A_307] : memref<16777216xf32, #tpu.memory_space<hbm>> -> memref<16384xf32, #tpu.memory_space<hbm>>
    tpu.wait_dma2 semaphore(%arg13 : memref<!tpu.dma_semaphore, #tpu.memory_space<semaphore_mem>>) src(%dma_wait3A_327 : memref<16384xf32, #tpu.memory_space<hbm>>) dst(%arg7 : memref<16384xf32, #tpu.memory_space<vmem>>)
    %parallel_loop3A_328 = arith.constant 0 : i32
    %parallel_loop3A_329 = arith.constant 1024 : i32
    %parallel_loop3A_330 = arith.constant 1 : i32
    scf.for %parallel_loop3A_969 = %parallel_loop3A_328 to %parallel_loop3A_329 step %parallel_loop3A_330  : i32 {
      %parallel_loop3A_970 = arith.constant 16 : i32
      %parallel_loop3A_971 = arith.muli %parallel_loop3A_969, %parallel_loop3A_970 : i32
      %parallel_loop3A_972 = arith.index_cast %parallel_loop3A_971 : i32 to index
      %parallel_loop3A_973 = tpu.vector_load %arg7[%parallel_loop3A_972] {strides = array<i32>} : memref<16384xf32, #tpu.memory_space<vmem>>, vector<16xf32>,
      %parallel_loop3A_974 = arith.index_cast %parallel_loop3A_971 : i32 to index
      %parallel_loop3A_975 = tpu.vector_load %arg8[%parallel_loop3A_974] {strides = array<i32>} : memref<16384xf32, #tpu.memory_space<vmem>>, vector<16xf32>,
      %parallel_loop3A_976 = arith.mulf %parallel_loop3A_973, %parallel_loop3A_975 : vector<16xf32>
      %parallel_loop3A_977 = arith.addf %parallel_loop3A_976, %sub3A_60 : vector<16xf32>
      %parallel_loop3A_978 = arith.fptosi %parallel_loop3A_977 : vector<16xf32> to vector<16xi32>
      %parallel_loop3A_979 = arith.minsi %parallel_loop3A_978, %add3A_63 : vector<16xi32>
      tpu.vector_store_idx %arg10[%parallel_loop3A_979], %broadcast_in_dim3A_65 {add = true} : memref<2048xf32, #tpu.memory_space<vmem>>[vector<16xi32>], vector<16xf32>,
    } {sc.loop_unroll_factor = 8 : i64, sc.parallel_access}
    %mul3A_331 = arith.constant 32 : i32
    %mul3A_332 = arith.muli %select_n3A, %mul3A_331 : i32
    %add3A_333 = arith.constant 17 : i32
    %add3A_334 = arith.addi %mul3A_332, %add3A_333 : i32
    %mul3A_335 = arith.constant 64 : i32
    %mul3A_336 = arith.muli %add3A_334, %mul3A_335 : i32
    %add3A_337 = arith.addi %mul3A_336, %mul3A_32 : i32
    %mul3A_338 = arith.constant 4096 : i32
    %mul3A_339 = arith.muli %add3A_337, %mul3A_338 : i32
    %dma_start3A_340 = tpu.memref_slice %arg2[%mul3A_339] : memref<16777216xf32, #tpu.memory_space<hbm>> -> memref<16384xf32, #tpu.memory_space<hbm>>
    %dma_start3A_341 = tpu.memref_slice %arg2[%mul3A_339] : memref<16777216xf32, #tpu.memory_space<hbm>> -> memref<16384xf32, #tpu.memory_space<hbm>>
    tpu.enqueue_dma source(%dma_start3A_341 : memref<16384xf32, #tpu.memory_space<hbm>>) target(%arg7 : memref<16384xf32, #tpu.memory_space<vmem>>) target_semaphore(%arg13 : memref<!tpu.dma_semaphore, #tpu.memory_space<semaphore_mem>>)
    %dma_wait3A_342 = tpu.memref_slice %arg2[%mul3A_323] : memref<16777216xf32, #tpu.memory_space<hbm>> -> memref<16384xf32, #tpu.memory_space<hbm>>
    %dma_wait3A_343 = tpu.memref_slice %arg2[%mul3A_323] : memref<16777216xf32, #tpu.memory_space<hbm>> -> memref<16384xf32, #tpu.memory_space<hbm>>
    tpu.wait_dma2 semaphore(%arg12 : memref<!tpu.dma_semaphore, #tpu.memory_space<semaphore_mem>>) src(%dma_wait3A_343 : memref<16384xf32, #tpu.memory_space<hbm>>) dst(%arg6 : memref<16384xf32, #tpu.memory_space<vmem>>)
    %parallel_loop3A_344 = arith.constant 0 : i32
    %parallel_loop3A_345 = arith.constant 1024 : i32
    %parallel_loop3A_346 = arith.constant 1 : i32
    scf.for %parallel_loop3A_969 = %parallel_loop3A_344 to %parallel_loop3A_345 step %parallel_loop3A_346  : i32 {
      %parallel_loop3A_970 = arith.constant 16 : i32
      %parallel_loop3A_971 = arith.muli %parallel_loop3A_969, %parallel_loop3A_970 : i32
      %parallel_loop3A_972 = arith.index_cast %parallel_loop3A_971 : i32 to index
      %parallel_loop3A_973 = tpu.vector_load %arg6[%parallel_loop3A_972] {strides = array<i32>} : memref<16384xf32, #tpu.memory_space<vmem>>, vector<16xf32>,
      %parallel_loop3A_974 = arith.index_cast %parallel_loop3A_971 : i32 to index
      %parallel_loop3A_975 = tpu.vector_load %arg8[%parallel_loop3A_974] {strides = array<i32>} : memref<16384xf32, #tpu.memory_space<vmem>>, vector<16xf32>,
      %parallel_loop3A_976 = arith.mulf %parallel_loop3A_973, %parallel_loop3A_975 : vector<16xf32>
      %parallel_loop3A_977 = arith.addf %parallel_loop3A_976, %sub3A_60 : vector<16xf32>
      %parallel_loop3A_978 = arith.fptosi %parallel_loop3A_977 : vector<16xf32> to vector<16xi32>
      %parallel_loop3A_979 = arith.minsi %parallel_loop3A_978, %add3A_63 : vector<16xi32>
      tpu.vector_store_idx %arg10[%parallel_loop3A_979], %broadcast_in_dim3A_65 {add = true} : memref<2048xf32, #tpu.memory_space<vmem>>[vector<16xi32>], vector<16xf32>,
    } {sc.loop_unroll_factor = 8 : i64, sc.parallel_access}
    %mul3A_347 = arith.constant 32 : i32
    %mul3A_348 = arith.muli %select_n3A, %mul3A_347 : i32
    %add3A_349 = arith.constant 18 : i32
    %add3A_350 = arith.addi %mul3A_348, %add3A_349 : i32
    %mul3A_351 = arith.constant 64 : i32
    %mul3A_352 = arith.muli %add3A_350, %mul3A_351 : i32
    %add3A_353 = arith.addi %mul3A_352, %mul3A_32 : i32
    %mul3A_354 = arith.constant 4096 : i32
    %mul3A_355 = arith.muli %add3A_353, %mul3A_354 : i32
    %dma_start3A_356 = tpu.memref_slice %arg2[%mul3A_355] : memref<16777216xf32, #tpu.memory_space<hbm>> -> memref<16384xf32, #tpu.memory_space<hbm>>
    %dma_start3A_357 = tpu.memref_slice %arg2[%mul3A_355] : memref<16777216xf32, #tpu.memory_space<hbm>> -> memref<16384xf32, #tpu.memory_space<hbm>>
    tpu.enqueue_dma source(%dma_start3A_357 : memref<16384xf32, #tpu.memory_space<hbm>>) target(%arg6 : memref<16384xf32, #tpu.memory_space<vmem>>) target_semaphore(%arg12 : memref<!tpu.dma_semaphore, #tpu.memory_space<semaphore_mem>>)
    %dma_wait3A_358 = tpu.memref_slice %arg2[%mul3A_339] : memref<16777216xf32, #tpu.memory_space<hbm>> -> memref<16384xf32, #tpu.memory_space<hbm>>
    %dma_wait3A_359 = tpu.memref_slice %arg2[%mul3A_339] : memref<16777216xf32, #tpu.memory_space<hbm>> -> memref<16384xf32, #tpu.memory_space<hbm>>
    tpu.wait_dma2 semaphore(%arg13 : memref<!tpu.dma_semaphore, #tpu.memory_space<semaphore_mem>>) src(%dma_wait3A_359 : memref<16384xf32, #tpu.memory_space<hbm>>) dst(%arg7 : memref<16384xf32, #tpu.memory_space<vmem>>)
    %parallel_loop3A_360 = arith.constant 0 : i32
    %parallel_loop3A_361 = arith.constant 1024 : i32
    %parallel_loop3A_362 = arith.constant 1 : i32
    scf.for %parallel_loop3A_969 = %parallel_loop3A_360 to %parallel_loop3A_361 step %parallel_loop3A_362  : i32 {
      %parallel_loop3A_970 = arith.constant 16 : i32
      %parallel_loop3A_971 = arith.muli %parallel_loop3A_969, %parallel_loop3A_970 : i32
      %parallel_loop3A_972 = arith.index_cast %parallel_loop3A_971 : i32 to index
      %parallel_loop3A_973 = tpu.vector_load %arg7[%parallel_loop3A_972] {strides = array<i32>} : memref<16384xf32, #tpu.memory_space<vmem>>, vector<16xf32>,
      %parallel_loop3A_974 = arith.index_cast %parallel_loop3A_971 : i32 to index
      %parallel_loop3A_975 = tpu.vector_load %arg8[%parallel_loop3A_974] {strides = array<i32>} : memref<16384xf32, #tpu.memory_space<vmem>>, vector<16xf32>,
      %parallel_loop3A_976 = arith.mulf %parallel_loop3A_973, %parallel_loop3A_975 : vector<16xf32>
      %parallel_loop3A_977 = arith.addf %parallel_loop3A_976, %sub3A_60 : vector<16xf32>
      %parallel_loop3A_978 = arith.fptosi %parallel_loop3A_977 : vector<16xf32> to vector<16xi32>
      %parallel_loop3A_979 = arith.minsi %parallel_loop3A_978, %add3A_63 : vector<16xi32>
      tpu.vector_store_idx %arg10[%parallel_loop3A_979], %broadcast_in_dim3A_65 {add = true} : memref<2048xf32, #tpu.memory_space<vmem>>[vector<16xi32>], vector<16xf32>,
    } {sc.loop_unroll_factor = 8 : i64, sc.parallel_access}
    %mul3A_363 = arith.constant 32 : i32
    %mul3A_364 = arith.muli %select_n3A, %mul3A_363 : i32
    %add3A_365 = arith.constant 19 : i32
    %add3A_366 = arith.addi %mul3A_364, %add3A_365 : i32
    %mul3A_367 = arith.constant 64 : i32
    %mul3A_368 = arith.muli %add3A_366, %mul3A_367 : i32
    %add3A_369 = arith.addi %mul3A_368, %mul3A_32 : i32
    %mul3A_370 = arith.constant 4096 : i32
    %mul3A_371 = arith.muli %add3A_369, %mul3A_370 : i32
    %dma_start3A_372 = tpu.memref_slice %arg2[%mul3A_371] : memref<16777216xf32, #tpu.memory_space<hbm>> -> memref<16384xf32, #tpu.memory_space<hbm>>
    %dma_start3A_373 = tpu.memref_slice %arg2[%mul3A_371] : memref<16777216xf32, #tpu.memory_space<hbm>> -> memref<16384xf32, #tpu.memory_space<hbm>>
    tpu.enqueue_dma source(%dma_start3A_373 : memref<16384xf32, #tpu.memory_space<hbm>>) target(%arg7 : memref<16384xf32, #tpu.memory_space<vmem>>) target_semaphore(%arg13 : memref<!tpu.dma_semaphore, #tpu.memory_space<semaphore_mem>>)
    %dma_wait3A_374 = tpu.memref_slice %arg2[%mul3A_355] : memref<16777216xf32, #tpu.memory_space<hbm>> -> memref<16384xf32, #tpu.memory_space<hbm>>
    %dma_wait3A_375 = tpu.memref_slice %arg2[%mul3A_355] : memref<16777216xf32, #tpu.memory_space<hbm>> -> memref<16384xf32, #tpu.memory_space<hbm>>
    tpu.wait_dma2 semaphore(%arg12 : memref<!tpu.dma_semaphore, #tpu.memory_space<semaphore_mem>>) src(%dma_wait3A_375 : memref<16384xf32, #tpu.memory_space<hbm>>) dst(%arg6 : memref<16384xf32, #tpu.memory_space<vmem>>)
    %parallel_loop3A_376 = arith.constant 0 : i32
    %parallel_loop3A_377 = arith.constant 1024 : i32
    %parallel_loop3A_378 = arith.constant 1 : i32
    scf.for %parallel_loop3A_969 = %parallel_loop3A_376 to %parallel_loop3A_377 step %parallel_loop3A_378  : i32 {
      %parallel_loop3A_970 = arith.constant 16 : i32
      %parallel_loop3A_971 = arith.muli %parallel_loop3A_969, %parallel_loop3A_970 : i32
      %parallel_loop3A_972 = arith.index_cast %parallel_loop3A_971 : i32 to index
      %parallel_loop3A_973 = tpu.vector_load %arg6[%parallel_loop3A_972] {strides = array<i32>} : memref<16384xf32, #tpu.memory_space<vmem>>, vector<16xf32>,
      %parallel_loop3A_974 = arith.index_cast %parallel_loop3A_971 : i32 to index
      %parallel_loop3A_975 = tpu.vector_load %arg8[%parallel_loop3A_974] {strides = array<i32>} : memref<16384xf32, #tpu.memory_space<vmem>>, vector<16xf32>,
      %parallel_loop3A_976 = arith.mulf %parallel_loop3A_973, %parallel_loop3A_975 : vector<16xf32>
      %parallel_loop3A_977 = arith.addf %parallel_loop3A_976, %sub3A_60 : vector<16xf32>
      %parallel_loop3A_978 = arith.fptosi %parallel_loop3A_977 : vector<16xf32> to vector<16xi32>
      %parallel_loop3A_979 = arith.minsi %parallel_loop3A_978, %add3A_63 : vector<16xi32>
      tpu.vector_store_idx %arg10[%parallel_loop3A_979], %broadcast_in_dim3A_65 {add = true} : memref<2048xf32, #tpu.memory_space<vmem>>[vector<16xi32>], vector<16xf32>,
    } {sc.loop_unroll_factor = 8 : i64, sc.parallel_access}
    %mul3A_379 = arith.constant 32 : i32
    %mul3A_380 = arith.muli %select_n3A, %mul3A_379 : i32
    %add3A_381 = arith.constant 20 : i32
    %add3A_382 = arith.addi %mul3A_380, %add3A_381 : i32
    %mul3A_383 = arith.constant 64 : i32
    %mul3A_384 = arith.muli %add3A_382, %mul3A_383 : i32
    %add3A_385 = arith.addi %mul3A_384, %mul3A_32 : i32
    %mul3A_386 = arith.constant 4096 : i32
    %mul3A_387 = arith.muli %add3A_385, %mul3A_386 : i32
    %dma_start3A_388 = tpu.memref_slice %arg2[%mul3A_387] : memref<16777216xf32, #tpu.memory_space<hbm>> -> memref<16384xf32, #tpu.memory_space<hbm>>
    %dma_start3A_389 = tpu.memref_slice %arg2[%mul3A_387] : memref<16777216xf32, #tpu.memory_space<hbm>> -> memref<16384xf32, #tpu.memory_space<hbm>>
    tpu.enqueue_dma source(%dma_start3A_389 : memref<16384xf32, #tpu.memory_space<hbm>>) target(%arg6 : memref<16384xf32, #tpu.memory_space<vmem>>) target_semaphore(%arg12 : memref<!tpu.dma_semaphore, #tpu.memory_space<semaphore_mem>>)
    %dma_wait3A_390 = tpu.memref_slice %arg2[%mul3A_371] : memref<16777216xf32, #tpu.memory_space<hbm>> -> memref<16384xf32, #tpu.memory_space<hbm>>
    %dma_wait3A_391 = tpu.memref_slice %arg2[%mul3A_371] : memref<16777216xf32, #tpu.memory_space<hbm>> -> memref<16384xf32, #tpu.memory_space<hbm>>
    tpu.wait_dma2 semaphore(%arg13 : memref<!tpu.dma_semaphore, #tpu.memory_space<semaphore_mem>>) src(%dma_wait3A_391 : memref<16384xf32, #tpu.memory_space<hbm>>) dst(%arg7 : memref<16384xf32, #tpu.memory_space<vmem>>)
    %parallel_loop3A_392 = arith.constant 0 : i32
    %parallel_loop3A_393 = arith.constant 1024 : i32
    %parallel_loop3A_394 = arith.constant 1 : i32
    scf.for %parallel_loop3A_969 = %parallel_loop3A_392 to %parallel_loop3A_393 step %parallel_loop3A_394  : i32 {
      %parallel_loop3A_970 = arith.constant 16 : i32
      %parallel_loop3A_971 = arith.muli %parallel_loop3A_969, %parallel_loop3A_970 : i32
      %parallel_loop3A_972 = arith.index_cast %parallel_loop3A_971 : i32 to index
      %parallel_loop3A_973 = tpu.vector_load %arg7[%parallel_loop3A_972] {strides = array<i32>} : memref<16384xf32, #tpu.memory_space<vmem>>, vector<16xf32>,
      %parallel_loop3A_974 = arith.index_cast %parallel_loop3A_971 : i32 to index
      %parallel_loop3A_975 = tpu.vector_load %arg8[%parallel_loop3A_974] {strides = array<i32>} : memref<16384xf32, #tpu.memory_space<vmem>>, vector<16xf32>,
      %parallel_loop3A_976 = arith.mulf %parallel_loop3A_973, %parallel_loop3A_975 : vector<16xf32>
      %parallel_loop3A_977 = arith.addf %parallel_loop3A_976, %sub3A_60 : vector<16xf32>
      %parallel_loop3A_978 = arith.fptosi %parallel_loop3A_977 : vector<16xf32> to vector<16xi32>
      %parallel_loop3A_979 = arith.minsi %parallel_loop3A_978, %add3A_63 : vector<16xi32>
      tpu.vector_store_idx %arg10[%parallel_loop3A_979], %broadcast_in_dim3A_65 {add = true} : memref<2048xf32, #tpu.memory_space<vmem>>[vector<16xi32>], vector<16xf32>,
    } {sc.loop_unroll_factor = 8 : i64, sc.parallel_access}
    %mul3A_395 = arith.constant 32 : i32
    %mul3A_396 = arith.muli %select_n3A, %mul3A_395 : i32
    %add3A_397 = arith.constant 21 : i32
    %add3A_398 = arith.addi %mul3A_396, %add3A_397 : i32
    %mul3A_399 = arith.constant 64 : i32
    %mul3A_400 = arith.muli %add3A_398, %mul3A_399 : i32
    %add3A_401 = arith.addi %mul3A_400, %mul3A_32 : i32
    %mul3A_402 = arith.constant 4096 : i32
    %mul3A_403 = arith.muli %add3A_401, %mul3A_402 : i32
    %dma_start3A_404 = tpu.memref_slice %arg2[%mul3A_403] : memref<16777216xf32, #tpu.memory_space<hbm>> -> memref<16384xf32, #tpu.memory_space<hbm>>
    %dma_start3A_405 = tpu.memref_slice %arg2[%mul3A_403] : memref<16777216xf32, #tpu.memory_space<hbm>> -> memref<16384xf32, #tpu.memory_space<hbm>>
    tpu.enqueue_dma source(%dma_start3A_405 : memref<16384xf32, #tpu.memory_space<hbm>>) target(%arg7 : memref<16384xf32, #tpu.memory_space<vmem>>) target_semaphore(%arg13 : memref<!tpu.dma_semaphore, #tpu.memory_space<semaphore_mem>>)
    %dma_wait3A_406 = tpu.memref_slice %arg2[%mul3A_387] : memref<16777216xf32, #tpu.memory_space<hbm>> -> memref<16384xf32, #tpu.memory_space<hbm>>
    %dma_wait3A_407 = tpu.memref_slice %arg2[%mul3A_387] : memref<16777216xf32, #tpu.memory_space<hbm>> -> memref<16384xf32, #tpu.memory_space<hbm>>
    tpu.wait_dma2 semaphore(%arg12 : memref<!tpu.dma_semaphore, #tpu.memory_space<semaphore_mem>>) src(%dma_wait3A_407 : memref<16384xf32, #tpu.memory_space<hbm>>) dst(%arg6 : memref<16384xf32, #tpu.memory_space<vmem>>)
    %parallel_loop3A_408 = arith.constant 0 : i32
    %parallel_loop3A_409 = arith.constant 1024 : i32
    %parallel_loop3A_410 = arith.constant 1 : i32
    scf.for %parallel_loop3A_969 = %parallel_loop3A_408 to %parallel_loop3A_409 step %parallel_loop3A_410  : i32 {
      %parallel_loop3A_970 = arith.constant 16 : i32
      %parallel_loop3A_971 = arith.muli %parallel_loop3A_969, %parallel_loop3A_970 : i32
      %parallel_loop3A_972 = arith.index_cast %parallel_loop3A_971 : i32 to index
      %parallel_loop3A_973 = tpu.vector_load %arg6[%parallel_loop3A_972] {strides = array<i32>} : memref<16384xf32, #tpu.memory_space<vmem>>, vector<16xf32>,
      %parallel_loop3A_974 = arith.index_cast %parallel_loop3A_971 : i32 to index
      %parallel_loop3A_975 = tpu.vector_load %arg8[%parallel_loop3A_974] {strides = array<i32>} : memref<16384xf32, #tpu.memory_space<vmem>>, vector<16xf32>,
      %parallel_loop3A_976 = arith.mulf %parallel_loop3A_973, %parallel_loop3A_975 : vector<16xf32>
      %parallel_loop3A_977 = arith.addf %parallel_loop3A_976, %sub3A_60 : vector<16xf32>
      %parallel_loop3A_978 = arith.fptosi %parallel_loop3A_977 : vector<16xf32> to vector<16xi32>
      %parallel_loop3A_979 = arith.minsi %parallel_loop3A_978, %add3A_63 : vector<16xi32>
      tpu.vector_store_idx %arg10[%parallel_loop3A_979], %broadcast_in_dim3A_65 {add = true} : memref<2048xf32, #tpu.memory_space<vmem>>[vector<16xi32>], vector<16xf32>,
    } {sc.loop_unroll_factor = 8 : i64, sc.parallel_access}
    %mul3A_411 = arith.constant 32 : i32
    %mul3A_412 = arith.muli %select_n3A, %mul3A_411 : i32
    %add3A_413 = arith.constant 22 : i32
    %add3A_414 = arith.addi %mul3A_412, %add3A_413 : i32
    %mul3A_415 = arith.constant 64 : i32
    %mul3A_416 = arith.muli %add3A_414, %mul3A_415 : i32
    %add3A_417 = arith.addi %mul3A_416, %mul3A_32 : i32
    %mul3A_418 = arith.constant 4096 : i32
    %mul3A_419 = arith.muli %add3A_417, %mul3A_418 : i32
    %dma_start3A_420 = tpu.memref_slice %arg2[%mul3A_419] : memref<16777216xf32, #tpu.memory_space<hbm>> -> memref<16384xf32, #tpu.memory_space<hbm>>
    %dma_start3A_421 = tpu.memref_slice %arg2[%mul3A_419] : memref<16777216xf32, #tpu.memory_space<hbm>> -> memref<16384xf32, #tpu.memory_space<hbm>>
    tpu.enqueue_dma source(%dma_start3A_421 : memref<16384xf32, #tpu.memory_space<hbm>>) target(%arg6 : memref<16384xf32, #tpu.memory_space<vmem>>) target_semaphore(%arg12 : memref<!tpu.dma_semaphore, #tpu.memory_space<semaphore_mem>>)
    %dma_wait3A_422 = tpu.memref_slice %arg2[%mul3A_403] : memref<16777216xf32, #tpu.memory_space<hbm>> -> memref<16384xf32, #tpu.memory_space<hbm>>
    %dma_wait3A_423 = tpu.memref_slice %arg2[%mul3A_403] : memref<16777216xf32, #tpu.memory_space<hbm>> -> memref<16384xf32, #tpu.memory_space<hbm>>
    tpu.wait_dma2 semaphore(%arg13 : memref<!tpu.dma_semaphore, #tpu.memory_space<semaphore_mem>>) src(%dma_wait3A_423 : memref<16384xf32, #tpu.memory_space<hbm>>) dst(%arg7 : memref<16384xf32, #tpu.memory_space<vmem>>)
    %parallel_loop3A_424 = arith.constant 0 : i32
    %parallel_loop3A_425 = arith.constant 1024 : i32
    %parallel_loop3A_426 = arith.constant 1 : i32
    scf.for %parallel_loop3A_969 = %parallel_loop3A_424 to %parallel_loop3A_425 step %parallel_loop3A_426  : i32 {
      %parallel_loop3A_970 = arith.constant 16 : i32
      %parallel_loop3A_971 = arith.muli %parallel_loop3A_969, %parallel_loop3A_970 : i32
      %parallel_loop3A_972 = arith.index_cast %parallel_loop3A_971 : i32 to index
      %parallel_loop3A_973 = tpu.vector_load %arg7[%parallel_loop3A_972] {strides = array<i32>} : memref<16384xf32, #tpu.memory_space<vmem>>, vector<16xf32>,
      %parallel_loop3A_974 = arith.index_cast %parallel_loop3A_971 : i32 to index
      %parallel_loop3A_975 = tpu.vector_load %arg8[%parallel_loop3A_974] {strides = array<i32>} : memref<16384xf32, #tpu.memory_space<vmem>>, vector<16xf32>,
      %parallel_loop3A_976 = arith.mulf %parallel_loop3A_973, %parallel_loop3A_975 : vector<16xf32>
      %parallel_loop3A_977 = arith.addf %parallel_loop3A_976, %sub3A_60 : vector<16xf32>
      %parallel_loop3A_978 = arith.fptosi %parallel_loop3A_977 : vector<16xf32> to vector<16xi32>
      %parallel_loop3A_979 = arith.minsi %parallel_loop3A_978, %add3A_63 : vector<16xi32>
      tpu.vector_store_idx %arg10[%parallel_loop3A_979], %broadcast_in_dim3A_65 {add = true} : memref<2048xf32, #tpu.memory_space<vmem>>[vector<16xi32>], vector<16xf32>,
    } {sc.loop_unroll_factor = 8 : i64, sc.parallel_access}
    %mul3A_427 = arith.constant 32 : i32
    %mul3A_428 = arith.muli %select_n3A, %mul3A_427 : i32
    %add3A_429 = arith.constant 23 : i32
    %add3A_430 = arith.addi %mul3A_428, %add3A_429 : i32
    %mul3A_431 = arith.constant 64 : i32
    %mul3A_432 = arith.muli %add3A_430, %mul3A_431 : i32
    %add3A_433 = arith.addi %mul3A_432, %mul3A_32 : i32
    %mul3A_434 = arith.constant 4096 : i32
    %mul3A_435 = arith.muli %add3A_433, %mul3A_434 : i32
    %dma_start3A_436 = tpu.memref_slice %arg2[%mul3A_435] : memref<16777216xf32, #tpu.memory_space<hbm>> -> memref<16384xf32, #tpu.memory_space<hbm>>
    %dma_start3A_437 = tpu.memref_slice %arg2[%mul3A_435] : memref<16777216xf32, #tpu.memory_space<hbm>> -> memref<16384xf32, #tpu.memory_space<hbm>>
    tpu.enqueue_dma source(%dma_start3A_437 : memref<16384xf32, #tpu.memory_space<hbm>>) target(%arg7 : memref<16384xf32, #tpu.memory_space<vmem>>) target_semaphore(%arg13 : memref<!tpu.dma_semaphore, #tpu.memory_space<semaphore_mem>>)
    %dma_wait3A_438 = tpu.memref_slice %arg2[%mul3A_419] : memref<16777216xf32, #tpu.memory_space<hbm>> -> memref<16384xf32, #tpu.memory_space<hbm>>
    %dma_wait3A_439 = tpu.memref_slice %arg2[%mul3A_419] : memref<16777216xf32, #tpu.memory_space<hbm>> -> memref<16384xf32, #tpu.memory_space<hbm>>
    tpu.wait_dma2 semaphore(%arg12 : memref<!tpu.dma_semaphore, #tpu.memory_space<semaphore_mem>>) src(%dma_wait3A_439 : memref<16384xf32, #tpu.memory_space<hbm>>) dst(%arg6 : memref<16384xf32, #tpu.memory_space<vmem>>)
    %parallel_loop3A_440 = arith.constant 0 : i32
    %parallel_loop3A_441 = arith.constant 1024 : i32
    %parallel_loop3A_442 = arith.constant 1 : i32
    scf.for %parallel_loop3A_969 = %parallel_loop3A_440 to %parallel_loop3A_441 step %parallel_loop3A_442  : i32 {
      %parallel_loop3A_970 = arith.constant 16 : i32
      %parallel_loop3A_971 = arith.muli %parallel_loop3A_969, %parallel_loop3A_970 : i32
      %parallel_loop3A_972 = arith.index_cast %parallel_loop3A_971 : i32 to index
      %parallel_loop3A_973 = tpu.vector_load %arg6[%parallel_loop3A_972] {strides = array<i32>} : memref<16384xf32, #tpu.memory_space<vmem>>, vector<16xf32>,
      %parallel_loop3A_974 = arith.index_cast %parallel_loop3A_971 : i32 to index
      %parallel_loop3A_975 = tpu.vector_load %arg8[%parallel_loop3A_974] {strides = array<i32>} : memref<16384xf32, #tpu.memory_space<vmem>>, vector<16xf32>,
      %parallel_loop3A_976 = arith.mulf %parallel_loop3A_973, %parallel_loop3A_975 : vector<16xf32>
      %parallel_loop3A_977 = arith.addf %parallel_loop3A_976, %sub3A_60 : vector<16xf32>
      %parallel_loop3A_978 = arith.fptosi %parallel_loop3A_977 : vector<16xf32> to vector<16xi32>
      %parallel_loop3A_979 = arith.minsi %parallel_loop3A_978, %add3A_63 : vector<16xi32>
      tpu.vector_store_idx %arg10[%parallel_loop3A_979], %broadcast_in_dim3A_65 {add = true} : memref<2048xf32, #tpu.memory_space<vmem>>[vector<16xi32>], vector<16xf32>,
    } {sc.loop_unroll_factor = 8 : i64, sc.parallel_access}
    %mul3A_443 = arith.constant 32 : i32
    %mul3A_444 = arith.muli %select_n3A, %mul3A_443 : i32
    %add3A_445 = arith.constant 24 : i32
    %add3A_446 = arith.addi %mul3A_444, %add3A_445 : i32
    %mul3A_447 = arith.constant 64 : i32
    %mul3A_448 = arith.muli %add3A_446, %mul3A_447 : i32
    %add3A_449 = arith.addi %mul3A_448, %mul3A_32 : i32
    %mul3A_450 = arith.constant 4096 : i32
    %mul3A_451 = arith.muli %add3A_449, %mul3A_450 : i32
    %dma_start3A_452 = tpu.memref_slice %arg2[%mul3A_451] : memref<16777216xf32, #tpu.memory_space<hbm>> -> memref<16384xf32, #tpu.memory_space<hbm>>
    %dma_start3A_453 = tpu.memref_slice %arg2[%mul3A_451] : memref<16777216xf32, #tpu.memory_space<hbm>> -> memref<16384xf32, #tpu.memory_space<hbm>>
    tpu.enqueue_dma source(%dma_start3A_453 : memref<16384xf32, #tpu.memory_space<hbm>>) target(%arg6 : memref<16384xf32, #tpu.memory_space<vmem>>) target_semaphore(%arg12 : memref<!tpu.dma_semaphore, #tpu.memory_space<semaphore_mem>>)
    %dma_wait3A_454 = tpu.memref_slice %arg2[%mul3A_435] : memref<16777216xf32, #tpu.memory_space<hbm>> -> memref<16384xf32, #tpu.memory_space<hbm>>
    %dma_wait3A_455 = tpu.memref_slice %arg2[%mul3A_435] : memref<16777216xf32, #tpu.memory_space<hbm>> -> memref<16384xf32, #tpu.memory_space<hbm>>
    tpu.wait_dma2 semaphore(%arg13 : memref<!tpu.dma_semaphore, #tpu.memory_space<semaphore_mem>>) src(%dma_wait3A_455 : memref<16384xf32, #tpu.memory_space<hbm>>) dst(%arg7 : memref<16384xf32, #tpu.memory_space<vmem>>)
    %parallel_loop3A_456 = arith.constant 0 : i32
    %parallel_loop3A_457 = arith.constant 1024 : i32
    %parallel_loop3A_458 = arith.constant 1 : i32
    scf.for %parallel_loop3A_969 = %parallel_loop3A_456 to %parallel_loop3A_457 step %parallel_loop3A_458  : i32 {
      %parallel_loop3A_970 = arith.constant 16 : i32
      %parallel_loop3A_971 = arith.muli %parallel_loop3A_969, %parallel_loop3A_970 : i32
      %parallel_loop3A_972 = arith.index_cast %parallel_loop3A_971 : i32 to index
      %parallel_loop3A_973 = tpu.vector_load %arg7[%parallel_loop3A_972] {strides = array<i32>} : memref<16384xf32, #tpu.memory_space<vmem>>, vector<16xf32>,
      %parallel_loop3A_974 = arith.index_cast %parallel_loop3A_971 : i32 to index
      %parallel_loop3A_975 = tpu.vector_load %arg8[%parallel_loop3A_974] {strides = array<i32>} : memref<16384xf32, #tpu.memory_space<vmem>>, vector<16xf32>,
      %parallel_loop3A_976 = arith.mulf %parallel_loop3A_973, %parallel_loop3A_975 : vector<16xf32>
      %parallel_loop3A_977 = arith.addf %parallel_loop3A_976, %sub3A_60 : vector<16xf32>
      %parallel_loop3A_978 = arith.fptosi %parallel_loop3A_977 : vector<16xf32> to vector<16xi32>
      %parallel_loop3A_979 = arith.minsi %parallel_loop3A_978, %add3A_63 : vector<16xi32>
      tpu.vector_store_idx %arg10[%parallel_loop3A_979], %broadcast_in_dim3A_65 {add = true} : memref<2048xf32, #tpu.memory_space<vmem>>[vector<16xi32>], vector<16xf32>,
    } {sc.loop_unroll_factor = 8 : i64, sc.parallel_access}
    %mul3A_459 = arith.constant 32 : i32
    %mul3A_460 = arith.muli %select_n3A, %mul3A_459 : i32
    %add3A_461 = arith.constant 25 : i32
    %add3A_462 = arith.addi %mul3A_460, %add3A_461 : i32
    %mul3A_463 = arith.constant 64 : i32
    %mul3A_464 = arith.muli %add3A_462, %mul3A_463 : i32
    %add3A_465 = arith.addi %mul3A_464, %mul3A_32 : i32
    %mul3A_466 = arith.constant 4096 : i32
    %mul3A_467 = arith.muli %add3A_465, %mul3A_466 : i32
    %dma_start3A_468 = tpu.memref_slice %arg2[%mul3A_467] : memref<16777216xf32, #tpu.memory_space<hbm>> -> memref<16384xf32, #tpu.memory_space<hbm>>
    %dma_start3A_469 = tpu.memref_slice %arg2[%mul3A_467] : memref<16777216xf32, #tpu.memory_space<hbm>> -> memref<16384xf32, #tpu.memory_space<hbm>>
    tpu.enqueue_dma source(%dma_start3A_469 : memref<16384xf32, #tpu.memory_space<hbm>>) target(%arg7 : memref<16384xf32, #tpu.memory_space<vmem>>) target_semaphore(%arg13 : memref<!tpu.dma_semaphore, #tpu.memory_space<semaphore_mem>>)
    %dma_wait3A_470 = tpu.memref_slice %arg2[%mul3A_451] : memref<16777216xf32, #tpu.memory_space<hbm>> -> memref<16384xf32, #tpu.memory_space<hbm>>
    %dma_wait3A_471 = tpu.memref_slice %arg2[%mul3A_451] : memref<16777216xf32, #tpu.memory_space<hbm>> -> memref<16384xf32, #tpu.memory_space<hbm>>
    tpu.wait_dma2 semaphore(%arg12 : memref<!tpu.dma_semaphore, #tpu.memory_space<semaphore_mem>>) src(%dma_wait3A_471 : memref<16384xf32, #tpu.memory_space<hbm>>) dst(%arg6 : memref<16384xf32, #tpu.memory_space<vmem>>)
    %parallel_loop3A_472 = arith.constant 0 : i32
    %parallel_loop3A_473 = arith.constant 1024 : i32
    %parallel_loop3A_474 = arith.constant 1 : i32
    scf.for %parallel_loop3A_969 = %parallel_loop3A_472 to %parallel_loop3A_473 step %parallel_loop3A_474  : i32 {
      %parallel_loop3A_970 = arith.constant 16 : i32
      %parallel_loop3A_971 = arith.muli %parallel_loop3A_969, %parallel_loop3A_970 : i32
      %parallel_loop3A_972 = arith.index_cast %parallel_loop3A_971 : i32 to index
      %parallel_loop3A_973 = tpu.vector_load %arg6[%parallel_loop3A_972] {strides = array<i32>} : memref<16384xf32, #tpu.memory_space<vmem>>, vector<16xf32>,
      %parallel_loop3A_974 = arith.index_cast %parallel_loop3A_971 : i32 to index
      %parallel_loop3A_975 = tpu.vector_load %arg8[%parallel_loop3A_974] {strides = array<i32>} : memref<16384xf32, #tpu.memory_space<vmem>>, vector<16xf32>,
      %parallel_loop3A_976 = arith.mulf %parallel_loop3A_973, %parallel_loop3A_975 : vector<16xf32>
      %parallel_loop3A_977 = arith.addf %parallel_loop3A_976, %sub3A_60 : vector<16xf32>
      %parallel_loop3A_978 = arith.fptosi %parallel_loop3A_977 : vector<16xf32> to vector<16xi32>
      %parallel_loop3A_979 = arith.minsi %parallel_loop3A_978, %add3A_63 : vector<16xi32>
      tpu.vector_store_idx %arg10[%parallel_loop3A_979], %broadcast_in_dim3A_65 {add = true} : memref<2048xf32, #tpu.memory_space<vmem>>[vector<16xi32>], vector<16xf32>,
    } {sc.loop_unroll_factor = 8 : i64, sc.parallel_access}
    %mul3A_475 = arith.constant 32 : i32
    %mul3A_476 = arith.muli %select_n3A, %mul3A_475 : i32
    %add3A_477 = arith.constant 26 : i32
    %add3A_478 = arith.addi %mul3A_476, %add3A_477 : i32
    %mul3A_479 = arith.constant 64 : i32
    %mul3A_480 = arith.muli %add3A_478, %mul3A_479 : i32
    %add3A_481 = arith.addi %mul3A_480, %mul3A_32 : i32
    %mul3A_482 = arith.constant 4096 : i32
    %mul3A_483 = arith.muli %add3A_481, %mul3A_482 : i32
    %dma_start3A_484 = tpu.memref_slice %arg2[%mul3A_483] : memref<16777216xf32, #tpu.memory_space<hbm>> -> memref<16384xf32, #tpu.memory_space<hbm>>
    %dma_start3A_485 = tpu.memref_slice %arg2[%mul3A_483] : memref<16777216xf32, #tpu.memory_space<hbm>> -> memref<16384xf32, #tpu.memory_space<hbm>>
    tpu.enqueue_dma source(%dma_start3A_485 : memref<16384xf32, #tpu.memory_space<hbm>>) target(%arg6 : memref<16384xf32, #tpu.memory_space<vmem>>) target_semaphore(%arg12 : memref<!tpu.dma_semaphore, #tpu.memory_space<semaphore_mem>>)
    %dma_wait3A_486 = tpu.memref_slice %arg2[%mul3A_467] : memref<16777216xf32, #tpu.memory_space<hbm>> -> memref<16384xf32, #tpu.memory_space<hbm>>
    %dma_wait3A_487 = tpu.memref_slice %arg2[%mul3A_467] : memref<16777216xf32, #tpu.memory_space<hbm>> -> memref<16384xf32, #tpu.memory_space<hbm>>
    tpu.wait_dma2 semaphore(%arg13 : memref<!tpu.dma_semaphore, #tpu.memory_space<semaphore_mem>>) src(%dma_wait3A_487 : memref<16384xf32, #tpu.memory_space<hbm>>) dst(%arg7 : memref<16384xf32, #tpu.memory_space<vmem>>)
    %parallel_loop3A_488 = arith.constant 0 : i32
    %parallel_loop3A_489 = arith.constant 1024 : i32
    %parallel_loop3A_490 = arith.constant 1 : i32
    scf.for %parallel_loop3A_969 = %parallel_loop3A_488 to %parallel_loop3A_489 step %parallel_loop3A_490  : i32 {
      %parallel_loop3A_970 = arith.constant 16 : i32
      %parallel_loop3A_971 = arith.muli %parallel_loop3A_969, %parallel_loop3A_970 : i32
      %parallel_loop3A_972 = arith.index_cast %parallel_loop3A_971 : i32 to index
      %parallel_loop3A_973 = tpu.vector_load %arg7[%parallel_loop3A_972] {strides = array<i32>} : memref<16384xf32, #tpu.memory_space<vmem>>, vector<16xf32>,
      %parallel_loop3A_974 = arith.index_cast %parallel_loop3A_971 : i32 to index
      %parallel_loop3A_975 = tpu.vector_load %arg8[%parallel_loop3A_974] {strides = array<i32>} : memref<16384xf32, #tpu.memory_space<vmem>>, vector<16xf32>,
      %parallel_loop3A_976 = arith.mulf %parallel_loop3A_973, %parallel_loop3A_975 : vector<16xf32>
      %parallel_loop3A_977 = arith.addf %parallel_loop3A_976, %sub3A_60 : vector<16xf32>
      %parallel_loop3A_978 = arith.fptosi %parallel_loop3A_977 : vector<16xf32> to vector<16xi32>
      %parallel_loop3A_979 = arith.minsi %parallel_loop3A_978, %add3A_63 : vector<16xi32>
      tpu.vector_store_idx %arg10[%parallel_loop3A_979], %broadcast_in_dim3A_65 {add = true} : memref<2048xf32, #tpu.memory_space<vmem>>[vector<16xi32>], vector<16xf32>,
    } {sc.loop_unroll_factor = 8 : i64, sc.parallel_access}
    %mul3A_491 = arith.constant 32 : i32
    %mul3A_492 = arith.muli %select_n3A, %mul3A_491 : i32
    %add3A_493 = arith.constant 27 : i32
    %add3A_494 = arith.addi %mul3A_492, %add3A_493 : i32
    %mul3A_495 = arith.constant 64 : i32
    %mul3A_496 = arith.muli %add3A_494, %mul3A_495 : i32
    %add3A_497 = arith.addi %mul3A_496, %mul3A_32 : i32
    %mul3A_498 = arith.constant 4096 : i32
    %mul3A_499 = arith.muli %add3A_497, %mul3A_498 : i32
    %dma_start3A_500 = tpu.memref_slice %arg2[%mul3A_499] : memref<16777216xf32, #tpu.memory_space<hbm>> -> memref<16384xf32, #tpu.memory_space<hbm>>
    %dma_start3A_501 = tpu.memref_slice %arg2[%mul3A_499] : memref<16777216xf32, #tpu.memory_space<hbm>> -> memref<16384xf32, #tpu.memory_space<hbm>>
    tpu.enqueue_dma source(%dma_start3A_501 : memref<16384xf32, #tpu.memory_space<hbm>>) target(%arg7 : memref<16384xf32, #tpu.memory_space<vmem>>) target_semaphore(%arg13 : memref<!tpu.dma_semaphore, #tpu.memory_space<semaphore_mem>>)
    %dma_wait3A_502 = tpu.memref_slice %arg2[%mul3A_483] : memref<16777216xf32, #tpu.memory_space<hbm>> -> memref<16384xf32, #tpu.memory_space<hbm>>
    %dma_wait3A_503 = tpu.memref_slice %arg2[%mul3A_483] : memref<16777216xf32, #tpu.memory_space<hbm>> -> memref<16384xf32, #tpu.memory_space<hbm>>
    tpu.wait_dma2 semaphore(%arg12 : memref<!tpu.dma_semaphore, #tpu.memory_space<semaphore_mem>>) src(%dma_wait3A_503 : memref<16384xf32, #tpu.memory_space<hbm>>) dst(%arg6 : memref<16384xf32, #tpu.memory_space<vmem>>)
    %parallel_loop3A_504 = arith.constant 0 : i32
    %parallel_loop3A_505 = arith.constant 1024 : i32
    %parallel_loop3A_506 = arith.constant 1 : i32
    scf.for %parallel_loop3A_969 = %parallel_loop3A_504 to %parallel_loop3A_505 step %parallel_loop3A_506  : i32 {
      %parallel_loop3A_970 = arith.constant 16 : i32
      %parallel_loop3A_971 = arith.muli %parallel_loop3A_969, %parallel_loop3A_970 : i32
      %parallel_loop3A_972 = arith.index_cast %parallel_loop3A_971 : i32 to index
      %parallel_loop3A_973 = tpu.vector_load %arg6[%parallel_loop3A_972] {strides = array<i32>} : memref<16384xf32, #tpu.memory_space<vmem>>, vector<16xf32>,
      %parallel_loop3A_974 = arith.index_cast %parallel_loop3A_971 : i32 to index
      %parallel_loop3A_975 = tpu.vector_load %arg8[%parallel_loop3A_974] {strides = array<i32>} : memref<16384xf32, #tpu.memory_space<vmem>>, vector<16xf32>,
      %parallel_loop3A_976 = arith.mulf %parallel_loop3A_973, %parallel_loop3A_975 : vector<16xf32>
      %parallel_loop3A_977 = arith.addf %parallel_loop3A_976, %sub3A_60 : vector<16xf32>
      %parallel_loop3A_978 = arith.fptosi %parallel_loop3A_977 : vector<16xf32> to vector<16xi32>
      %parallel_loop3A_979 = arith.minsi %parallel_loop3A_978, %add3A_63 : vector<16xi32>
      tpu.vector_store_idx %arg10[%parallel_loop3A_979], %broadcast_in_dim3A_65 {add = true} : memref<2048xf32, #tpu.memory_space<vmem>>[vector<16xi32>], vector<16xf32>,
    } {sc.loop_unroll_factor = 8 : i64, sc.parallel_access}
    %mul3A_507 = arith.constant 32 : i32
    %mul3A_508 = arith.muli %select_n3A, %mul3A_507 : i32
    %add3A_509 = arith.constant 28 : i32
    %add3A_510 = arith.addi %mul3A_508, %add3A_509 : i32
    %mul3A_511 = arith.constant 64 : i32
    %mul3A_512 = arith.muli %add3A_510, %mul3A_511 : i32
    %add3A_513 = arith.addi %mul3A_512, %mul3A_32 : i32
    %mul3A_514 = arith.constant 4096 : i32
    %mul3A_515 = arith.muli %add3A_513, %mul3A_514 : i32
    %dma_start3A_516 = tpu.memref_slice %arg2[%mul3A_515] : memref<16777216xf32, #tpu.memory_space<hbm>> -> memref<16384xf32, #tpu.memory_space<hbm>>
    %dma_start3A_517 = tpu.memref_slice %arg2[%mul3A_515] : memref<16777216xf32, #tpu.memory_space<hbm>> -> memref<16384xf32, #tpu.memory_space<hbm>>
    tpu.enqueue_dma source(%dma_start3A_517 : memref<16384xf32, #tpu.memory_space<hbm>>) target(%arg6 : memref<16384xf32, #tpu.memory_space<vmem>>) target_semaphore(%arg12 : memref<!tpu.dma_semaphore, #tpu.memory_space<semaphore_mem>>)
    %dma_wait3A_518 = tpu.memref_slice %arg2[%mul3A_499] : memref<16777216xf32, #tpu.memory_space<hbm>> -> memref<16384xf32, #tpu.memory_space<hbm>>
    %dma_wait3A_519 = tpu.memref_slice %arg2[%mul3A_499] : memref<16777216xf32, #tpu.memory_space<hbm>> -> memref<16384xf32, #tpu.memory_space<hbm>>
    tpu.wait_dma2 semaphore(%arg13 : memref<!tpu.dma_semaphore, #tpu.memory_space<semaphore_mem>>) src(%dma_wait3A_519 : memref<16384xf32, #tpu.memory_space<hbm>>) dst(%arg7 : memref<16384xf32, #tpu.memory_space<vmem>>)
    %parallel_loop3A_520 = arith.constant 0 : i32
    %parallel_loop3A_521 = arith.constant 1024 : i32
    %parallel_loop3A_522 = arith.constant 1 : i32
    scf.for %parallel_loop3A_969 = %parallel_loop3A_520 to %parallel_loop3A_521 step %parallel_loop3A_522  : i32 {
      %parallel_loop3A_970 = arith.constant 16 : i32
      %parallel_loop3A_971 = arith.muli %parallel_loop3A_969, %parallel_loop3A_970 : i32
      %parallel_loop3A_972 = arith.index_cast %parallel_loop3A_971 : i32 to index
      %parallel_loop3A_973 = tpu.vector_load %arg7[%parallel_loop3A_972] {strides = array<i32>} : memref<16384xf32, #tpu.memory_space<vmem>>, vector<16xf32>,
      %parallel_loop3A_974 = arith.index_cast %parallel_loop3A_971 : i32 to index
      %parallel_loop3A_975 = tpu.vector_load %arg8[%parallel_loop3A_974] {strides = array<i32>} : memref<16384xf32, #tpu.memory_space<vmem>>, vector<16xf32>,
      %parallel_loop3A_976 = arith.mulf %parallel_loop3A_973, %parallel_loop3A_975 : vector<16xf32>
      %parallel_loop3A_977 = arith.addf %parallel_loop3A_976, %sub3A_60 : vector<16xf32>
      %parallel_loop3A_978 = arith.fptosi %parallel_loop3A_977 : vector<16xf32> to vector<16xi32>
      %parallel_loop3A_979 = arith.minsi %parallel_loop3A_978, %add3A_63 : vector<16xi32>
      tpu.vector_store_idx %arg10[%parallel_loop3A_979], %broadcast_in_dim3A_65 {add = true} : memref<2048xf32, #tpu.memory_space<vmem>>[vector<16xi32>], vector<16xf32>,
    } {sc.loop_unroll_factor = 8 : i64, sc.parallel_access}
    %mul3A_523 = arith.constant 32 : i32
    %mul3A_524 = arith.muli %select_n3A, %mul3A_523 : i32
    %add3A_525 = arith.constant 29 : i32
    %add3A_526 = arith.addi %mul3A_524, %add3A_525 : i32
    %mul3A_527 = arith.constant 64 : i32
    %mul3A_528 = arith.muli %add3A_526, %mul3A_527 : i32
    %add3A_529 = arith.addi %mul3A_528, %mul3A_32 : i32
    %mul3A_530 = arith.constant 4096 : i32
    %mul3A_531 = arith.muli %add3A_529, %mul3A_530 : i32
    %dma_start3A_532 = tpu.memref_slice %arg2[%mul3A_531] : memref<16777216xf32, #tpu.memory_space<hbm>> -> memref<16384xf32, #tpu.memory_space<hbm>>
    %dma_start3A_533 = tpu.memref_slice %arg2[%mul3A_531] : memref<16777216xf32, #tpu.memory_space<hbm>> -> memref<16384xf32, #tpu.memory_space<hbm>>
    tpu.enqueue_dma source(%dma_start3A_533 : memref<16384xf32, #tpu.memory_space<hbm>>) target(%arg7 : memref<16384xf32, #tpu.memory_space<vmem>>) target_semaphore(%arg13 : memref<!tpu.dma_semaphore, #tpu.memory_space<semaphore_mem>>)
    %dma_wait3A_534 = tpu.memref_slice %arg2[%mul3A_515] : memref<16777216xf32, #tpu.memory_space<hbm>> -> memref<16384xf32, #tpu.memory_space<hbm>>
    %dma_wait3A_535 = tpu.memref_slice %arg2[%mul3A_515] : memref<16777216xf32, #tpu.memory_space<hbm>> -> memref<16384xf32, #tpu.memory_space<hbm>>
    tpu.wait_dma2 semaphore(%arg12 : memref<!tpu.dma_semaphore, #tpu.memory_space<semaphore_mem>>) src(%dma_wait3A_535 : memref<16384xf32, #tpu.memory_space<hbm>>) dst(%arg6 : memref<16384xf32, #tpu.memory_space<vmem>>)
    %parallel_loop3A_536 = arith.constant 0 : i32
    %parallel_loop3A_537 = arith.constant 1024 : i32
    %parallel_loop3A_538 = arith.constant 1 : i32
    scf.for %parallel_loop3A_969 = %parallel_loop3A_536 to %parallel_loop3A_537 step %parallel_loop3A_538  : i32 {
      %parallel_loop3A_970 = arith.constant 16 : i32
      %parallel_loop3A_971 = arith.muli %parallel_loop3A_969, %parallel_loop3A_970 : i32
      %parallel_loop3A_972 = arith.index_cast %parallel_loop3A_971 : i32 to index
      %parallel_loop3A_973 = tpu.vector_load %arg6[%parallel_loop3A_972] {strides = array<i32>} : memref<16384xf32, #tpu.memory_space<vmem>>, vector<16xf32>,
      %parallel_loop3A_974 = arith.index_cast %parallel_loop3A_971 : i32 to index
      %parallel_loop3A_975 = tpu.vector_load %arg8[%parallel_loop3A_974] {strides = array<i32>} : memref<16384xf32, #tpu.memory_space<vmem>>, vector<16xf32>,
      %parallel_loop3A_976 = arith.mulf %parallel_loop3A_973, %parallel_loop3A_975 : vector<16xf32>
      %parallel_loop3A_977 = arith.addf %parallel_loop3A_976, %sub3A_60 : vector<16xf32>
      %parallel_loop3A_978 = arith.fptosi %parallel_loop3A_977 : vector<16xf32> to vector<16xi32>
      %parallel_loop3A_979 = arith.minsi %parallel_loop3A_978, %add3A_63 : vector<16xi32>
      tpu.vector_store_idx %arg10[%parallel_loop3A_979], %broadcast_in_dim3A_65 {add = true} : memref<2048xf32, #tpu.memory_space<vmem>>[vector<16xi32>], vector<16xf32>,
    } {sc.loop_unroll_factor = 8 : i64, sc.parallel_access}
    %mul3A_539 = arith.constant 32 : i32
    %mul3A_540 = arith.muli %select_n3A, %mul3A_539 : i32
    %add3A_541 = arith.constant 30 : i32
    %add3A_542 = arith.addi %mul3A_540, %add3A_541 : i32
    %mul3A_543 = arith.constant 64 : i32
    %mul3A_544 = arith.muli %add3A_542, %mul3A_543 : i32
    %add3A_545 = arith.addi %mul3A_544, %mul3A_32 : i32
    %mul3A_546 = arith.constant 4096 : i32
    %mul3A_547 = arith.muli %add3A_545, %mul3A_546 : i32
    %dma_start3A_548 = tpu.memref_slice %arg2[%mul3A_547] : memref<16777216xf32, #tpu.memory_space<hbm>> -> memref<16384xf32, #tpu.memory_space<hbm>>
    %dma_start3A_549 = tpu.memref_slice %arg2[%mul3A_547] : memref<16777216xf32, #tpu.memory_space<hbm>> -> memref<16384xf32, #tpu.memory_space<hbm>>
    tpu.enqueue_dma source(%dma_start3A_549 : memref<16384xf32, #tpu.memory_space<hbm>>) target(%arg6 : memref<16384xf32, #tpu.memory_space<vmem>>) target_semaphore(%arg12 : memref<!tpu.dma_semaphore, #tpu.memory_space<semaphore_mem>>)
    %dma_wait3A_550 = tpu.memref_slice %arg2[%mul3A_531] : memref<16777216xf32, #tpu.memory_space<hbm>> -> memref<16384xf32, #tpu.memory_space<hbm>>
    %dma_wait3A_551 = tpu.memref_slice %arg2[%mul3A_531] : memref<16777216xf32, #tpu.memory_space<hbm>> -> memref<16384xf32, #tpu.memory_space<hbm>>
    tpu.wait_dma2 semaphore(%arg13 : memref<!tpu.dma_semaphore, #tpu.memory_space<semaphore_mem>>) src(%dma_wait3A_551 : memref<16384xf32, #tpu.memory_space<hbm>>) dst(%arg7 : memref<16384xf32, #tpu.memory_space<vmem>>)
    %parallel_loop3A_552 = arith.constant 0 : i32
    %parallel_loop3A_553 = arith.constant 1024 : i32
    %parallel_loop3A_554 = arith.constant 1 : i32
    scf.for %parallel_loop3A_969 = %parallel_loop3A_552 to %parallel_loop3A_553 step %parallel_loop3A_554  : i32 {
      %parallel_loop3A_970 = arith.constant 16 : i32
      %parallel_loop3A_971 = arith.muli %parallel_loop3A_969, %parallel_loop3A_970 : i32
      %parallel_loop3A_972 = arith.index_cast %parallel_loop3A_971 : i32 to index
      %parallel_loop3A_973 = tpu.vector_load %arg7[%parallel_loop3A_972] {strides = array<i32>} : memref<16384xf32, #tpu.memory_space<vmem>>, vector<16xf32>,
      %parallel_loop3A_974 = arith.index_cast %parallel_loop3A_971 : i32 to index
      %parallel_loop3A_975 = tpu.vector_load %arg8[%parallel_loop3A_974] {strides = array<i32>} : memref<16384xf32, #tpu.memory_space<vmem>>, vector<16xf32>,
      %parallel_loop3A_976 = arith.mulf %parallel_loop3A_973, %parallel_loop3A_975 : vector<16xf32>
      %parallel_loop3A_977 = arith.addf %parallel_loop3A_976, %sub3A_60 : vector<16xf32>
      %parallel_loop3A_978 = arith.fptosi %parallel_loop3A_977 : vector<16xf32> to vector<16xi32>
      %parallel_loop3A_979 = arith.minsi %parallel_loop3A_978, %add3A_63 : vector<16xi32>
      tpu.vector_store_idx %arg10[%parallel_loop3A_979], %broadcast_in_dim3A_65 {add = true} : memref<2048xf32, #tpu.memory_space<vmem>>[vector<16xi32>], vector<16xf32>,
    } {sc.loop_unroll_factor = 8 : i64, sc.parallel_access}
    %mul3A_555 = arith.constant 32 : i32
    %mul3A_556 = arith.muli %select_n3A, %mul3A_555 : i32
    %add3A_557 = arith.constant 31 : i32
    %add3A_558 = arith.addi %mul3A_556, %add3A_557 : i32
    %mul3A_559 = arith.constant 64 : i32
    %mul3A_560 = arith.muli %add3A_558, %mul3A_559 : i32
    %add3A_561 = arith.addi %mul3A_560, %mul3A_32 : i32
    %mul3A_562 = arith.constant 4096 : i32
    %mul3A_563 = arith.muli %add3A_561, %mul3A_562 : i32
    %dma_start3A_564 = tpu.memref_slice %arg2[%mul3A_563] : memref<16777216xf32, #tpu.memory_space<hbm>> -> memref<16384xf32, #tpu.memory_space<hbm>>
    %dma_start3A_565 = tpu.memref_slice %arg2[%mul3A_563] : memref<16777216xf32, #tpu.memory_space<hbm>> -> memref<16384xf32, #tpu.memory_space<hbm>>
    tpu.enqueue_dma source(%dma_start3A_565 : memref<16384xf32, #tpu.memory_space<hbm>>) target(%arg7 : memref<16384xf32, #tpu.memory_space<vmem>>) target_semaphore(%arg13 : memref<!tpu.dma_semaphore, #tpu.memory_space<semaphore_mem>>)
    %dma_wait3A_566 = tpu.memref_slice %arg2[%mul3A_547] : memref<16777216xf32, #tpu.memory_space<hbm>> -> memref<16384xf32, #tpu.memory_space<hbm>>
    %dma_wait3A_567 = tpu.memref_slice %arg2[%mul3A_547] : memref<16777216xf32, #tpu.memory_space<hbm>> -> memref<16384xf32, #tpu.memory_space<hbm>>
    tpu.wait_dma2 semaphore(%arg12 : memref<!tpu.dma_semaphore, #tpu.memory_space<semaphore_mem>>) src(%dma_wait3A_567 : memref<16384xf32, #tpu.memory_space<hbm>>) dst(%arg6 : memref<16384xf32, #tpu.memory_space<vmem>>)
    %parallel_loop3A_568 = arith.constant 0 : i32
    %parallel_loop3A_569 = arith.constant 1024 : i32
    %parallel_loop3A_570 = arith.constant 1 : i32
    scf.for %parallel_loop3A_969 = %parallel_loop3A_568 to %parallel_loop3A_569 step %parallel_loop3A_570  : i32 {
      %parallel_loop3A_970 = arith.constant 16 : i32
      %parallel_loop3A_971 = arith.muli %parallel_loop3A_969, %parallel_loop3A_970 : i32
      %parallel_loop3A_972 = arith.index_cast %parallel_loop3A_971 : i32 to index
      %parallel_loop3A_973 = tpu.vector_load %arg6[%parallel_loop3A_972] {strides = array<i32>} : memref<16384xf32, #tpu.memory_space<vmem>>, vector<16xf32>,
      %parallel_loop3A_974 = arith.index_cast %parallel_loop3A_971 : i32 to index
      %parallel_loop3A_975 = tpu.vector_load %arg8[%parallel_loop3A_974] {strides = array<i32>} : memref<16384xf32, #tpu.memory_space<vmem>>, vector<16xf32>,
      %parallel_loop3A_976 = arith.mulf %parallel_loop3A_973, %parallel_loop3A_975 : vector<16xf32>
      %parallel_loop3A_977 = arith.addf %parallel_loop3A_976, %sub3A_60 : vector<16xf32>
      %parallel_loop3A_978 = arith.fptosi %parallel_loop3A_977 : vector<16xf32> to vector<16xi32>
      %parallel_loop3A_979 = arith.minsi %parallel_loop3A_978, %add3A_63 : vector<16xi32>
      tpu.vector_store_idx %arg10[%parallel_loop3A_979], %broadcast_in_dim3A_65 {add = true} : memref<2048xf32, #tpu.memory_space<vmem>>[vector<16xi32>], vector<16xf32>,
    } {sc.loop_unroll_factor = 8 : i64, sc.parallel_access}
    %dma_wait3A_571 = tpu.memref_slice %arg2[%mul3A_563] : memref<16777216xf32, #tpu.memory_space<hbm>> -> memref<16384xf32, #tpu.memory_space<hbm>>
    %dma_wait3A_572 = tpu.memref_slice %arg2[%mul3A_563] : memref<16777216xf32, #tpu.memory_space<hbm>> -> memref<16384xf32, #tpu.memory_space<hbm>>
    tpu.wait_dma2 semaphore(%arg13 : memref<!tpu.dma_semaphore, #tpu.memory_space<semaphore_mem>>) src(%dma_wait3A_572 : memref<16384xf32, #tpu.memory_space<hbm>>) dst(%arg7 : memref<16384xf32, #tpu.memory_space<vmem>>)
    %parallel_loop3A_573 = arith.constant 0 : i32
    %parallel_loop3A_574 = arith.constant 1024 : i32
    %parallel_loop3A_575 = arith.constant 1 : i32
    scf.for %parallel_loop3A_969 = %parallel_loop3A_573 to %parallel_loop3A_574 step %parallel_loop3A_575  : i32 {
      %parallel_loop3A_970 = arith.constant 16 : i32
      %parallel_loop3A_971 = arith.muli %parallel_loop3A_969, %parallel_loop3A_970 : i32
      %parallel_loop3A_972 = arith.index_cast %parallel_loop3A_971 : i32 to index
      %parallel_loop3A_973 = tpu.vector_load %arg7[%parallel_loop3A_972] {strides = array<i32>} : memref<16384xf32, #tpu.memory_space<vmem>>, vector<16xf32>,
      %parallel_loop3A_974 = arith.index_cast %parallel_loop3A_971 : i32 to index
      %parallel_loop3A_975 = tpu.vector_load %arg8[%parallel_loop3A_974] {strides = array<i32>} : memref<16384xf32, #tpu.memory_space<vmem>>, vector<16xf32>,
      %parallel_loop3A_976 = arith.mulf %parallel_loop3A_973, %parallel_loop3A_975 : vector<16xf32>
      %parallel_loop3A_977 = arith.addf %parallel_loop3A_976, %sub3A_60 : vector<16xf32>
      %parallel_loop3A_978 = arith.fptosi %parallel_loop3A_977 : vector<16xf32> to vector<16xi32>
      %parallel_loop3A_979 = arith.minsi %parallel_loop3A_978, %add3A_63 : vector<16xi32>
      tpu.vector_store_idx %arg10[%parallel_loop3A_979], %broadcast_in_dim3A_65 {add = true} : memref<2048xf32, #tpu.memory_space<vmem>>[vector<16xi32>], vector<16xf32>,
    } {sc.loop_unroll_factor = 8 : i64, sc.parallel_access}
    %get3A_576 = arith.constant 0 : index
    %get3A_577 = tpu.vector_load %arg10[%get3A_576] {strides = array<i32>} : memref<2048xf32, #tpu.memory_space<vmem>>, vector<16xf32>,
    %get3A_578 = arith.constant 128 : index
    %get3A_579 = tpu.vector_load %arg10[%get3A_578] {strides = array<i32>} : memref<2048xf32, #tpu.memory_space<vmem>>, vector<16xf32>,
    %add3A_580 = arith.addf %get3A_577, %get3A_579 : vector<16xf32>
    %get3A_581 = arith.constant 256 : index
    %get3A_582 = tpu.vector_load %arg10[%get3A_581] {strides = array<i32>} : memref<2048xf32, #tpu.memory_space<vmem>>, vector<16xf32>,
    %add3A_583 = arith.addf %add3A_580, %get3A_582 : vector<16xf32>
    %get3A_584 = arith.constant 384 : index
    %get3A_585 = tpu.vector_load %arg10[%get3A_584] {strides = array<i32>} : memref<2048xf32, #tpu.memory_space<vmem>>, vector<16xf32>,
    %add3A_586 = arith.addf %add3A_583, %get3A_585 : vector<16xf32>
    %get3A_587 = arith.constant 512 : index
    %get3A_588 = tpu.vector_load %arg10[%get3A_587] {strides = array<i32>} : memref<2048xf32, #tpu.memory_space<vmem>>, vector<16xf32>,
    %add3A_589 = arith.addf %add3A_586, %get3A_588 : vector<16xf32>
    %get3A_590 = arith.constant 640 : index
    %get3A_591 = tpu.vector_load %arg10[%get3A_590] {strides = array<i32>} : memref<2048xf32, #tpu.memory_space<vmem>>, vector<16xf32>,
    %add3A_592 = arith.addf %add3A_589, %get3A_591 : vector<16xf32>
    %get3A_593 = arith.constant 768 : index
    %get3A_594 = tpu.vector_load %arg10[%get3A_593] {strides = array<i32>} : memref<2048xf32, #tpu.memory_space<vmem>>, vector<16xf32>,
    %add3A_595 = arith.addf %add3A_592, %get3A_594 : vector<16xf32>
    %get3A_596 = arith.constant 896 : index
    %get3A_597 = tpu.vector_load %arg10[%get3A_596] {strides = array<i32>} : memref<2048xf32, #tpu.memory_space<vmem>>, vector<16xf32>,
    %add3A_598 = arith.addf %add3A_595, %get3A_597 : vector<16xf32>
    %get3A_599 = arith.constant 1024 : index
    %get3A_600 = tpu.vector_load %arg10[%get3A_599] {strides = array<i32>} : memref<2048xf32, #tpu.memory_space<vmem>>, vector<16xf32>,
    %add3A_601 = arith.addf %add3A_598, %get3A_600 : vector<16xf32>
    %get3A_602 = arith.constant 1152 : index
    %get3A_603 = tpu.vector_load %arg10[%get3A_602] {strides = array<i32>} : memref<2048xf32, #tpu.memory_space<vmem>>, vector<16xf32>,
    %add3A_604 = arith.addf %add3A_601, %get3A_603 : vector<16xf32>
    %get3A_605 = arith.constant 1280 : index
    %get3A_606 = tpu.vector_load %arg10[%get3A_605] {strides = array<i32>} : memref<2048xf32, #tpu.memory_space<vmem>>, vector<16xf32>,
    %add3A_607 = arith.addf %add3A_604, %get3A_606 : vector<16xf32>
    %get3A_608 = arith.constant 1408 : index
    %get3A_609 = tpu.vector_load %arg10[%get3A_608] {strides = array<i32>} : memref<2048xf32, #tpu.memory_space<vmem>>, vector<16xf32>,
    %add3A_610 = arith.addf %add3A_607, %get3A_609 : vector<16xf32>
    %get3A_611 = arith.constant 1536 : index
    %get3A_612 = tpu.vector_load %arg10[%get3A_611] {strides = array<i32>} : memref<2048xf32, #tpu.memory_space<vmem>>, vector<16xf32>,
    %add3A_613 = arith.addf %add3A_610, %get3A_612 : vector<16xf32>
    %get3A_614 = arith.constant 1664 : index
    %get3A_615 = tpu.vector_load %arg10[%get3A_614] {strides = array<i32>} : memref<2048xf32, #tpu.memory_space<vmem>>, vector<16xf32>,
    %add3A_616 = arith.addf %add3A_613, %get3A_615 : vector<16xf32>
    %get3A_617 = arith.constant 1792 : index
    %get3A_618 = tpu.vector_load %arg10[%get3A_617] {strides = array<i32>} : memref<2048xf32, #tpu.memory_space<vmem>>, vector<16xf32>,
    %add3A_619 = arith.addf %add3A_616, %get3A_618 : vector<16xf32>
    %get3A_620 = arith.constant 1920 : index
    %get3A_621 = tpu.vector_load %arg10[%get3A_620] {strides = array<i32>} : memref<2048xf32, #tpu.memory_space<vmem>>, vector<16xf32>,
    %add3A_622 = arith.addf %add3A_619, %get3A_621 : vector<16xf32>
    %swap3A = arith.constant 0 : index
    %swap3A_623 = tpu.vector_load %arg11[%swap3A] {strides = array<i32>} : memref<128xf32, #tpu.memory_space<vmem>>, vector<16xf32>,
    tpu.vector_store %arg11[%swap3A], %add3A_622 {strides = array<i32>} : memref<128xf32, #tpu.memory_space<vmem>>, vector<16xf32>,
    %get3A_624 = arith.constant 16 : index
    %get3A_625 = tpu.vector_load %arg10[%get3A_624] {strides = array<i32>} : memref<2048xf32, #tpu.memory_space<vmem>>, vector<16xf32>,
    %get3A_626 = arith.constant 144 : index
    %get3A_627 = tpu.vector_load %arg10[%get3A_626] {strides = array<i32>} : memref<2048xf32, #tpu.memory_space<vmem>>, vector<16xf32>,
    %add3A_628 = arith.addf %get3A_625, %get3A_627 : vector<16xf32>
    %get3A_629 = arith.constant 272 : index
    %get3A_630 = tpu.vector_load %arg10[%get3A_629] {strides = array<i32>} : memref<2048xf32, #tpu.memory_space<vmem>>, vector<16xf32>,
    %add3A_631 = arith.addf %add3A_628, %get3A_630 : vector<16xf32>
    %get3A_632 = arith.constant 400 : index
    %get3A_633 = tpu.vector_load %arg10[%get3A_632] {strides = array<i32>} : memref<2048xf32, #tpu.memory_space<vmem>>, vector<16xf32>,
    %add3A_634 = arith.addf %add3A_631, %get3A_633 : vector<16xf32>
    %get3A_635 = arith.constant 528 : index
    %get3A_636 = tpu.vector_load %arg10[%get3A_635] {strides = array<i32>} : memref<2048xf32, #tpu.memory_space<vmem>>, vector<16xf32>,
    %add3A_637 = arith.addf %add3A_634, %get3A_636 : vector<16xf32>
    %get3A_638 = arith.constant 656 : index
    %get3A_639 = tpu.vector_load %arg10[%get3A_638] {strides = array<i32>} : memref<2048xf32, #tpu.memory_space<vmem>>, vector<16xf32>,
    %add3A_640 = arith.addf %add3A_637, %get3A_639 : vector<16xf32>
    %get3A_641 = arith.constant 784 : index
    %get3A_642 = tpu.vector_load %arg10[%get3A_641] {strides = array<i32>} : memref<2048xf32, #tpu.memory_space<vmem>>, vector<16xf32>,
    %add3A_643 = arith.addf %add3A_640, %get3A_642 : vector<16xf32>
    %get3A_644 = arith.constant 912 : index
    %get3A_645 = tpu.vector_load %arg10[%get3A_644] {strides = array<i32>} : memref<2048xf32, #tpu.memory_space<vmem>>, vector<16xf32>,
    %add3A_646 = arith.addf %add3A_643, %get3A_645 : vector<16xf32>
    %get3A_647 = arith.constant 1040 : index
    %get3A_648 = tpu.vector_load %arg10[%get3A_647] {strides = array<i32>} : memref<2048xf32, #tpu.memory_space<vmem>>, vector<16xf32>,
    %add3A_649 = arith.addf %add3A_646, %get3A_648 : vector<16xf32>
    %get3A_650 = arith.constant 1168 : index
    %get3A_651 = tpu.vector_load %arg10[%get3A_650] {strides = array<i32>} : memref<2048xf32, #tpu.memory_space<vmem>>, vector<16xf32>,
    %add3A_652 = arith.addf %add3A_649, %get3A_651 : vector<16xf32>
    %get3A_653 = arith.constant 1296 : index
    %get3A_654 = tpu.vector_load %arg10[%get3A_653] {strides = array<i32>} : memref<2048xf32, #tpu.memory_space<vmem>>, vector<16xf32>,
    %add3A_655 = arith.addf %add3A_652, %get3A_654 : vector<16xf32>
    %get3A_656 = arith.constant 1424 : index
    %get3A_657 = tpu.vector_load %arg10[%get3A_656] {strides = array<i32>} : memref<2048xf32, #tpu.memory_space<vmem>>, vector<16xf32>,
    %add3A_658 = arith.addf %add3A_655, %get3A_657 : vector<16xf32>
    %get3A_659 = arith.constant 1552 : index
    %get3A_660 = tpu.vector_load %arg10[%get3A_659] {strides = array<i32>} : memref<2048xf32, #tpu.memory_space<vmem>>, vector<16xf32>,
    %add3A_661 = arith.addf %add3A_658, %get3A_660 : vector<16xf32>
    %get3A_662 = arith.constant 1680 : index
    %get3A_663 = tpu.vector_load %arg10[%get3A_662] {strides = array<i32>} : memref<2048xf32, #tpu.memory_space<vmem>>, vector<16xf32>,
    %add3A_664 = arith.addf %add3A_661, %get3A_663 : vector<16xf32>
    %get3A_665 = arith.constant 1808 : index
    %get3A_666 = tpu.vector_load %arg10[%get3A_665] {strides = array<i32>} : memref<2048xf32, #tpu.memory_space<vmem>>, vector<16xf32>,
    %add3A_667 = arith.addf %add3A_664, %get3A_666 : vector<16xf32>
    %get3A_668 = arith.constant 1936 : index
    %get3A_669 = tpu.vector_load %arg10[%get3A_668] {strides = array<i32>} : memref<2048xf32, #tpu.memory_space<vmem>>, vector<16xf32>,
    %add3A_670 = arith.addf %add3A_667, %get3A_669 : vector<16xf32>
    %swap3A_671 = arith.constant 16 : index
    %swap3A_672 = tpu.vector_load %arg11[%swap3A_671] {strides = array<i32>} : memref<128xf32, #tpu.memory_space<vmem>>, vector<16xf32>,
    tpu.vector_store %arg11[%swap3A_671], %add3A_670 {strides = array<i32>} : memref<128xf32, #tpu.memory_space<vmem>>, vector<16xf32>,
    %get3A_673 = arith.constant 32 : index
    %get3A_674 = tpu.vector_load %arg10[%get3A_673] {strides = array<i32>} : memref<2048xf32, #tpu.memory_space<vmem>>, vector<16xf32>,
    %get3A_675 = arith.constant 160 : index
    %get3A_676 = tpu.vector_load %arg10[%get3A_675] {strides = array<i32>} : memref<2048xf32, #tpu.memory_space<vmem>>, vector<16xf32>,
    %add3A_677 = arith.addf %get3A_674, %get3A_676 : vector<16xf32>
    %get3A_678 = arith.constant 288 : index
    %get3A_679 = tpu.vector_load %arg10[%get3A_678] {strides = array<i32>} : memref<2048xf32, #tpu.memory_space<vmem>>, vector<16xf32>,
    %add3A_680 = arith.addf %add3A_677, %get3A_679 : vector<16xf32>
    %get3A_681 = arith.constant 416 : index
    %get3A_682 = tpu.vector_load %arg10[%get3A_681] {strides = array<i32>} : memref<2048xf32, #tpu.memory_space<vmem>>, vector<16xf32>,
    %add3A_683 = arith.addf %add3A_680, %get3A_682 : vector<16xf32>
    %get3A_684 = arith.constant 544 : index
    %get3A_685 = tpu.vector_load %arg10[%get3A_684] {strides = array<i32>} : memref<2048xf32, #tpu.memory_space<vmem>>, vector<16xf32>,
    %add3A_686 = arith.addf %add3A_683, %get3A_685 : vector<16xf32>
    %get3A_687 = arith.constant 672 : index
    %get3A_688 = tpu.vector_load %arg10[%get3A_687] {strides = array<i32>} : memref<2048xf32, #tpu.memory_space<vmem>>, vector<16xf32>,
    %add3A_689 = arith.addf %add3A_686, %get3A_688 : vector<16xf32>
    %get3A_690 = arith.constant 800 : index
    %get3A_691 = tpu.vector_load %arg10[%get3A_690] {strides = array<i32>} : memref<2048xf32, #tpu.memory_space<vmem>>, vector<16xf32>,
    %add3A_692 = arith.addf %add3A_689, %get3A_691 : vector<16xf32>
    %get3A_693 = arith.constant 928 : index
    %get3A_694 = tpu.vector_load %arg10[%get3A_693] {strides = array<i32>} : memref<2048xf32, #tpu.memory_space<vmem>>, vector<16xf32>,
    %add3A_695 = arith.addf %add3A_692, %get3A_694 : vector<16xf32>
    %get3A_696 = arith.constant 1056 : index
    %get3A_697 = tpu.vector_load %arg10[%get3A_696] {strides = array<i32>} : memref<2048xf32, #tpu.memory_space<vmem>>, vector<16xf32>,
    %add3A_698 = arith.addf %add3A_695, %get3A_697 : vector<16xf32>
    %get3A_699 = arith.constant 1184 : index
    %get3A_700 = tpu.vector_load %arg10[%get3A_699] {strides = array<i32>} : memref<2048xf32, #tpu.memory_space<vmem>>, vector<16xf32>,
    %add3A_701 = arith.addf %add3A_698, %get3A_700 : vector<16xf32>
    %get3A_702 = arith.constant 1312 : index
    %get3A_703 = tpu.vector_load %arg10[%get3A_702] {strides = array<i32>} : memref<2048xf32, #tpu.memory_space<vmem>>, vector<16xf32>,
    %add3A_704 = arith.addf %add3A_701, %get3A_703 : vector<16xf32>
    %get3A_705 = arith.constant 1440 : index
    %get3A_706 = tpu.vector_load %arg10[%get3A_705] {strides = array<i32>} : memref<2048xf32, #tpu.memory_space<vmem>>, vector<16xf32>,
    %add3A_707 = arith.addf %add3A_704, %get3A_706 : vector<16xf32>
    %get3A_708 = arith.constant 1568 : index
    %get3A_709 = tpu.vector_load %arg10[%get3A_708] {strides = array<i32>} : memref<2048xf32, #tpu.memory_space<vmem>>, vector<16xf32>,
    %add3A_710 = arith.addf %add3A_707, %get3A_709 : vector<16xf32>
    %get3A_711 = arith.constant 1696 : index
    %get3A_712 = tpu.vector_load %arg10[%get3A_711] {strides = array<i32>} : memref<2048xf32, #tpu.memory_space<vmem>>, vector<16xf32>,
    %add3A_713 = arith.addf %add3A_710, %get3A_712 : vector<16xf32>
    %get3A_714 = arith.constant 1824 : index
    %get3A_715 = tpu.vector_load %arg10[%get3A_714] {strides = array<i32>} : memref<2048xf32, #tpu.memory_space<vmem>>, vector<16xf32>,
    %add3A_716 = arith.addf %add3A_713, %get3A_715 : vector<16xf32>
    %get3A_717 = arith.constant 1952 : index
    %get3A_718 = tpu.vector_load %arg10[%get3A_717] {strides = array<i32>} : memref<2048xf32, #tpu.memory_space<vmem>>, vector<16xf32>,
    %add3A_719 = arith.addf %add3A_716, %get3A_718 : vector<16xf32>
    %swap3A_720 = arith.constant 32 : index
    %swap3A_721 = tpu.vector_load %arg11[%swap3A_720] {strides = array<i32>} : memref<128xf32, #tpu.memory_space<vmem>>, vector<16xf32>,
    tpu.vector_store %arg11[%swap3A_720], %add3A_719 {strides = array<i32>} : memref<128xf32, #tpu.memory_space<vmem>>, vector<16xf32>,
    %get3A_722 = arith.constant 48 : index
    %get3A_723 = tpu.vector_load %arg10[%get3A_722] {strides = array<i32>} : memref<2048xf32, #tpu.memory_space<vmem>>, vector<16xf32>,
    %get3A_724 = arith.constant 176 : index
    %get3A_725 = tpu.vector_load %arg10[%get3A_724] {strides = array<i32>} : memref<2048xf32, #tpu.memory_space<vmem>>, vector<16xf32>,
    %add3A_726 = arith.addf %get3A_723, %get3A_725 : vector<16xf32>
    %get3A_727 = arith.constant 304 : index
    %get3A_728 = tpu.vector_load %arg10[%get3A_727] {strides = array<i32>} : memref<2048xf32, #tpu.memory_space<vmem>>, vector<16xf32>,
    %add3A_729 = arith.addf %add3A_726, %get3A_728 : vector<16xf32>
    %get3A_730 = arith.constant 432 : index
    %get3A_731 = tpu.vector_load %arg10[%get3A_730] {strides = array<i32>} : memref<2048xf32, #tpu.memory_space<vmem>>, vector<16xf32>,
    %add3A_732 = arith.addf %add3A_729, %get3A_731 : vector<16xf32>
    %get3A_733 = arith.constant 560 : index
    %get3A_734 = tpu.vector_load %arg10[%get3A_733] {strides = array<i32>} : memref<2048xf32, #tpu.memory_space<vmem>>, vector<16xf32>,
    %add3A_735 = arith.addf %add3A_732, %get3A_734 : vector<16xf32>
    %get3A_736 = arith.constant 688 : index
    %get3A_737 = tpu.vector_load %arg10[%get3A_736] {strides = array<i32>} : memref<2048xf32, #tpu.memory_space<vmem>>, vector<16xf32>,
    %add3A_738 = arith.addf %add3A_735, %get3A_737 : vector<16xf32>
    %get3A_739 = arith.constant 816 : index
    %get3A_740 = tpu.vector_load %arg10[%get3A_739] {strides = array<i32>} : memref<2048xf32, #tpu.memory_space<vmem>>, vector<16xf32>,
    %add3A_741 = arith.addf %add3A_738, %get3A_740 : vector<16xf32>
    %get3A_742 = arith.constant 944 : index
    %get3A_743 = tpu.vector_load %arg10[%get3A_742] {strides = array<i32>} : memref<2048xf32, #tpu.memory_space<vmem>>, vector<16xf32>,
    %add3A_744 = arith.addf %add3A_741, %get3A_743 : vector<16xf32>
    %get3A_745 = arith.constant 1072 : index
    %get3A_746 = tpu.vector_load %arg10[%get3A_745] {strides = array<i32>} : memref<2048xf32, #tpu.memory_space<vmem>>, vector<16xf32>,
    %add3A_747 = arith.addf %add3A_744, %get3A_746 : vector<16xf32>
    %get3A_748 = arith.constant 1200 : index
    %get3A_749 = tpu.vector_load %arg10[%get3A_748] {strides = array<i32>} : memref<2048xf32, #tpu.memory_space<vmem>>, vector<16xf32>,
    %add3A_750 = arith.addf %add3A_747, %get3A_749 : vector<16xf32>
    %get3A_751 = arith.constant 1328 : index
    %get3A_752 = tpu.vector_load %arg10[%get3A_751] {strides = array<i32>} : memref<2048xf32, #tpu.memory_space<vmem>>, vector<16xf32>,
    %add3A_753 = arith.addf %add3A_750, %get3A_752 : vector<16xf32>
    %get3A_754 = arith.constant 1456 : index
    %get3A_755 = tpu.vector_load %arg10[%get3A_754] {strides = array<i32>} : memref<2048xf32, #tpu.memory_space<vmem>>, vector<16xf32>,
    %add3A_756 = arith.addf %add3A_753, %get3A_755 : vector<16xf32>
    %get3A_757 = arith.constant 1584 : index
    %get3A_758 = tpu.vector_load %arg10[%get3A_757] {strides = array<i32>} : memref<2048xf32, #tpu.memory_space<vmem>>, vector<16xf32>,
    %add3A_759 = arith.addf %add3A_756, %get3A_758 : vector<16xf32>
    %get3A_760 = arith.constant 1712 : index
    %get3A_761 = tpu.vector_load %arg10[%get3A_760] {strides = array<i32>} : memref<2048xf32, #tpu.memory_space<vmem>>, vector<16xf32>,
    %add3A_762 = arith.addf %add3A_759, %get3A_761 : vector<16xf32>
    %get3A_763 = arith.constant 1840 : index
    %get3A_764 = tpu.vector_load %arg10[%get3A_763] {strides = array<i32>} : memref<2048xf32, #tpu.memory_space<vmem>>, vector<16xf32>,
    %add3A_765 = arith.addf %add3A_762, %get3A_764 : vector<16xf32>
    %get3A_766 = arith.constant 1968 : index
    %get3A_767 = tpu.vector_load %arg10[%get3A_766] {strides = array<i32>} : memref<2048xf32, #tpu.memory_space<vmem>>, vector<16xf32>,
    %add3A_768 = arith.addf %add3A_765, %get3A_767 : vector<16xf32>
    %swap3A_769 = arith.constant 48 : index
    %swap3A_770 = tpu.vector_load %arg11[%swap3A_769] {strides = array<i32>} : memref<128xf32, #tpu.memory_space<vmem>>, vector<16xf32>,
    tpu.vector_store %arg11[%swap3A_769], %add3A_768 {strides = array<i32>} : memref<128xf32, #tpu.memory_space<vmem>>, vector<16xf32>,
    %get3A_771 = arith.constant 64 : index
    %get3A_772 = tpu.vector_load %arg10[%get3A_771] {strides = array<i32>} : memref<2048xf32, #tpu.memory_space<vmem>>, vector<16xf32>,
    %get3A_773 = arith.constant 192 : index
    %get3A_774 = tpu.vector_load %arg10[%get3A_773] {strides = array<i32>} : memref<2048xf32, #tpu.memory_space<vmem>>, vector<16xf32>,
    %add3A_775 = arith.addf %get3A_772, %get3A_774 : vector<16xf32>
    %get3A_776 = arith.constant 320 : index
    %get3A_777 = tpu.vector_load %arg10[%get3A_776] {strides = array<i32>} : memref<2048xf32, #tpu.memory_space<vmem>>, vector<16xf32>,
    %add3A_778 = arith.addf %add3A_775, %get3A_777 : vector<16xf32>
    %get3A_779 = arith.constant 448 : index
    %get3A_780 = tpu.vector_load %arg10[%get3A_779] {strides = array<i32>} : memref<2048xf32, #tpu.memory_space<vmem>>, vector<16xf32>,
    %add3A_781 = arith.addf %add3A_778, %get3A_780 : vector<16xf32>
    %get3A_782 = arith.constant 576 : index
    %get3A_783 = tpu.vector_load %arg10[%get3A_782] {strides = array<i32>} : memref<2048xf32, #tpu.memory_space<vmem>>, vector<16xf32>,
    %add3A_784 = arith.addf %add3A_781, %get3A_783 : vector<16xf32>
    %get3A_785 = arith.constant 704 : index
    %get3A_786 = tpu.vector_load %arg10[%get3A_785] {strides = array<i32>} : memref<2048xf32, #tpu.memory_space<vmem>>, vector<16xf32>,
    %add3A_787 = arith.addf %add3A_784, %get3A_786 : vector<16xf32>
    %get3A_788 = arith.constant 832 : index
    %get3A_789 = tpu.vector_load %arg10[%get3A_788] {strides = array<i32>} : memref<2048xf32, #tpu.memory_space<vmem>>, vector<16xf32>,
    %add3A_790 = arith.addf %add3A_787, %get3A_789 : vector<16xf32>
    %get3A_791 = arith.constant 960 : index
    %get3A_792 = tpu.vector_load %arg10[%get3A_791] {strides = array<i32>} : memref<2048xf32, #tpu.memory_space<vmem>>, vector<16xf32>,
    %add3A_793 = arith.addf %add3A_790, %get3A_792 : vector<16xf32>
    %get3A_794 = arith.constant 1088 : index
    %get3A_795 = tpu.vector_load %arg10[%get3A_794] {strides = array<i32>} : memref<2048xf32, #tpu.memory_space<vmem>>, vector<16xf32>,
    %add3A_796 = arith.addf %add3A_793, %get3A_795 : vector<16xf32>
    %get3A_797 = arith.constant 1216 : index
    %get3A_798 = tpu.vector_load %arg10[%get3A_797] {strides = array<i32>} : memref<2048xf32, #tpu.memory_space<vmem>>, vector<16xf32>,
    %add3A_799 = arith.addf %add3A_796, %get3A_798 : vector<16xf32>
    %get3A_800 = arith.constant 1344 : index
    %get3A_801 = tpu.vector_load %arg10[%get3A_800] {strides = array<i32>} : memref<2048xf32, #tpu.memory_space<vmem>>, vector<16xf32>,
    %add3A_802 = arith.addf %add3A_799, %get3A_801 : vector<16xf32>
    %get3A_803 = arith.constant 1472 : index
    %get3A_804 = tpu.vector_load %arg10[%get3A_803] {strides = array<i32>} : memref<2048xf32, #tpu.memory_space<vmem>>, vector<16xf32>,
    %add3A_805 = arith.addf %add3A_802, %get3A_804 : vector<16xf32>
    %get3A_806 = arith.constant 1600 : index
    %get3A_807 = tpu.vector_load %arg10[%get3A_806] {strides = array<i32>} : memref<2048xf32, #tpu.memory_space<vmem>>, vector<16xf32>,
    %add3A_808 = arith.addf %add3A_805, %get3A_807 : vector<16xf32>
    %get3A_809 = arith.constant 1728 : index
    %get3A_810 = tpu.vector_load %arg10[%get3A_809] {strides = array<i32>} : memref<2048xf32, #tpu.memory_space<vmem>>, vector<16xf32>,
    %add3A_811 = arith.addf %add3A_808, %get3A_810 : vector<16xf32>
    %get3A_812 = arith.constant 1856 : index
    %get3A_813 = tpu.vector_load %arg10[%get3A_812] {strides = array<i32>} : memref<2048xf32, #tpu.memory_space<vmem>>, vector<16xf32>,
    %add3A_814 = arith.addf %add3A_811, %get3A_813 : vector<16xf32>
    %get3A_815 = arith.constant 1984 : index
    %get3A_816 = tpu.vector_load %arg10[%get3A_815] {strides = array<i32>} : memref<2048xf32, #tpu.memory_space<vmem>>, vector<16xf32>,
    %add3A_817 = arith.addf %add3A_814, %get3A_816 : vector<16xf32>
    %swap3A_818 = arith.constant 64 : index
    %swap3A_819 = tpu.vector_load %arg11[%swap3A_818] {strides = array<i32>} : memref<128xf32, #tpu.memory_space<vmem>>, vector<16xf32>,
    tpu.vector_store %arg11[%swap3A_818], %add3A_817 {strides = array<i32>} : memref<128xf32, #tpu.memory_space<vmem>>, vector<16xf32>,
    %get3A_820 = arith.constant 80 : index
    %get3A_821 = tpu.vector_load %arg10[%get3A_820] {strides = array<i32>} : memref<2048xf32, #tpu.memory_space<vmem>>, vector<16xf32>,
    %get3A_822 = arith.constant 208 : index
    %get3A_823 = tpu.vector_load %arg10[%get3A_822] {strides = array<i32>} : memref<2048xf32, #tpu.memory_space<vmem>>, vector<16xf32>,
    %add3A_824 = arith.addf %get3A_821, %get3A_823 : vector<16xf32>
    %get3A_825 = arith.constant 336 : index
    %get3A_826 = tpu.vector_load %arg10[%get3A_825] {strides = array<i32>} : memref<2048xf32, #tpu.memory_space<vmem>>, vector<16xf32>,
    %add3A_827 = arith.addf %add3A_824, %get3A_826 : vector<16xf32>
    %get3A_828 = arith.constant 464 : index
    %get3A_829 = tpu.vector_load %arg10[%get3A_828] {strides = array<i32>} : memref<2048xf32, #tpu.memory_space<vmem>>, vector<16xf32>,
    %add3A_830 = arith.addf %add3A_827, %get3A_829 : vector<16xf32>
    %get3A_831 = arith.constant 592 : index
    %get3A_832 = tpu.vector_load %arg10[%get3A_831] {strides = array<i32>} : memref<2048xf32, #tpu.memory_space<vmem>>, vector<16xf32>,
    %add3A_833 = arith.addf %add3A_830, %get3A_832 : vector<16xf32>
    %get3A_834 = arith.constant 720 : index
    %get3A_835 = tpu.vector_load %arg10[%get3A_834] {strides = array<i32>} : memref<2048xf32, #tpu.memory_space<vmem>>, vector<16xf32>,
    %add3A_836 = arith.addf %add3A_833, %get3A_835 : vector<16xf32>
    %get3A_837 = arith.constant 848 : index
    %get3A_838 = tpu.vector_load %arg10[%get3A_837] {strides = array<i32>} : memref<2048xf32, #tpu.memory_space<vmem>>, vector<16xf32>,
    %add3A_839 = arith.addf %add3A_836, %get3A_838 : vector<16xf32>
    %get3A_840 = arith.constant 976 : index
    %get3A_841 = tpu.vector_load %arg10[%get3A_840] {strides = array<i32>} : memref<2048xf32, #tpu.memory_space<vmem>>, vector<16xf32>,
    %add3A_842 = arith.addf %add3A_839, %get3A_841 : vector<16xf32>
    %get3A_843 = arith.constant 1104 : index
    %get3A_844 = tpu.vector_load %arg10[%get3A_843] {strides = array<i32>} : memref<2048xf32, #tpu.memory_space<vmem>>, vector<16xf32>,
    %add3A_845 = arith.addf %add3A_842, %get3A_844 : vector<16xf32>
    %get3A_846 = arith.constant 1232 : index
    %get3A_847 = tpu.vector_load %arg10[%get3A_846] {strides = array<i32>} : memref<2048xf32, #tpu.memory_space<vmem>>, vector<16xf32>,
    %add3A_848 = arith.addf %add3A_845, %get3A_847 : vector<16xf32>
    %get3A_849 = arith.constant 1360 : index
    %get3A_850 = tpu.vector_load %arg10[%get3A_849] {strides = array<i32>} : memref<2048xf32, #tpu.memory_space<vmem>>, vector<16xf32>,
    %add3A_851 = arith.addf %add3A_848, %get3A_850 : vector<16xf32>
    %get3A_852 = arith.constant 1488 : index
    %get3A_853 = tpu.vector_load %arg10[%get3A_852] {strides = array<i32>} : memref<2048xf32, #tpu.memory_space<vmem>>, vector<16xf32>,
    %add3A_854 = arith.addf %add3A_851, %get3A_853 : vector<16xf32>
    %get3A_855 = arith.constant 1616 : index
    %get3A_856 = tpu.vector_load %arg10[%get3A_855] {strides = array<i32>} : memref<2048xf32, #tpu.memory_space<vmem>>, vector<16xf32>,
    %add3A_857 = arith.addf %add3A_854, %get3A_856 : vector<16xf32>
    %get3A_858 = arith.constant 1744 : index
    %get3A_859 = tpu.vector_load %arg10[%get3A_858] {strides = array<i32>} : memref<2048xf32, #tpu.memory_space<vmem>>, vector<16xf32>,
    %add3A_860 = arith.addf %add3A_857, %get3A_859 : vector<16xf32>
    %get3A_861 = arith.constant 1872 : index
    %get3A_862 = tpu.vector_load %arg10[%get3A_861] {strides = array<i32>} : memref<2048xf32, #tpu.memory_space<vmem>>, vector<16xf32>,
    %add3A_863 = arith.addf %add3A_860, %get3A_862 : vector<16xf32>
    %get3A_864 = arith.constant 2000 : index
    %get3A_865 = tpu.vector_load %arg10[%get3A_864] {strides = array<i32>} : memref<2048xf32, #tpu.memory_space<vmem>>, vector<16xf32>,
    %add3A_866 = arith.addf %add3A_863, %get3A_865 : vector<16xf32>
    %swap3A_867 = arith.constant 80 : index
    %swap3A_868 = tpu.vector_load %arg11[%swap3A_867] {strides = array<i32>} : memref<128xf32, #tpu.memory_space<vmem>>, vector<16xf32>,
    tpu.vector_store %arg11[%swap3A_867], %add3A_866 {strides = array<i32>} : memref<128xf32, #tpu.memory_space<vmem>>, vector<16xf32>,
    %get3A_869 = arith.constant 96 : index
    %get3A_870 = tpu.vector_load %arg10[%get3A_869] {strides = array<i32>} : memref<2048xf32, #tpu.memory_space<vmem>>, vector<16xf32>,
    %get3A_871 = arith.constant 224 : index
    %get3A_872 = tpu.vector_load %arg10[%get3A_871] {strides = array<i32>} : memref<2048xf32, #tpu.memory_space<vmem>>, vector<16xf32>,
    %add3A_873 = arith.addf %get3A_870, %get3A_872 : vector<16xf32>
    %get3A_874 = arith.constant 352 : index
    %get3A_875 = tpu.vector_load %arg10[%get3A_874] {strides = array<i32>} : memref<2048xf32, #tpu.memory_space<vmem>>, vector<16xf32>,
    %add3A_876 = arith.addf %add3A_873, %get3A_875 : vector<16xf32>
    %get3A_877 = arith.constant 480 : index
    %get3A_878 = tpu.vector_load %arg10[%get3A_877] {strides = array<i32>} : memref<2048xf32, #tpu.memory_space<vmem>>, vector<16xf32>,
    %add3A_879 = arith.addf %add3A_876, %get3A_878 : vector<16xf32>
    %get3A_880 = arith.constant 608 : index
    %get3A_881 = tpu.vector_load %arg10[%get3A_880] {strides = array<i32>} : memref<2048xf32, #tpu.memory_space<vmem>>, vector<16xf32>,
    %add3A_882 = arith.addf %add3A_879, %get3A_881 : vector<16xf32>
    %get3A_883 = arith.constant 736 : index
    %get3A_884 = tpu.vector_load %arg10[%get3A_883] {strides = array<i32>} : memref<2048xf32, #tpu.memory_space<vmem>>, vector<16xf32>,
    %add3A_885 = arith.addf %add3A_882, %get3A_884 : vector<16xf32>
    %get3A_886 = arith.constant 864 : index
    %get3A_887 = tpu.vector_load %arg10[%get3A_886] {strides = array<i32>} : memref<2048xf32, #tpu.memory_space<vmem>>, vector<16xf32>,
    %add3A_888 = arith.addf %add3A_885, %get3A_887 : vector<16xf32>
    %get3A_889 = arith.constant 992 : index
    %get3A_890 = tpu.vector_load %arg10[%get3A_889] {strides = array<i32>} : memref<2048xf32, #tpu.memory_space<vmem>>, vector<16xf32>,
    %add3A_891 = arith.addf %add3A_888, %get3A_890 : vector<16xf32>
    %get3A_892 = arith.constant 1120 : index
    %get3A_893 = tpu.vector_load %arg10[%get3A_892] {strides = array<i32>} : memref<2048xf32, #tpu.memory_space<vmem>>, vector<16xf32>,
    %add3A_894 = arith.addf %add3A_891, %get3A_893 : vector<16xf32>
    %get3A_895 = arith.constant 1248 : index
    %get3A_896 = tpu.vector_load %arg10[%get3A_895] {strides = array<i32>} : memref<2048xf32, #tpu.memory_space<vmem>>, vector<16xf32>,
    %add3A_897 = arith.addf %add3A_894, %get3A_896 : vector<16xf32>
    %get3A_898 = arith.constant 1376 : index
    %get3A_899 = tpu.vector_load %arg10[%get3A_898] {strides = array<i32>} : memref<2048xf32, #tpu.memory_space<vmem>>, vector<16xf32>,
    %add3A_900 = arith.addf %add3A_897, %get3A_899 : vector<16xf32>
    %get3A_901 = arith.constant 1504 : index
    %get3A_902 = tpu.vector_load %arg10[%get3A_901] {strides = array<i32>} : memref<2048xf32, #tpu.memory_space<vmem>>, vector<16xf32>,
    %add3A_903 = arith.addf %add3A_900, %get3A_902 : vector<16xf32>
    %get3A_904 = arith.constant 1632 : index
    %get3A_905 = tpu.vector_load %arg10[%get3A_904] {strides = array<i32>} : memref<2048xf32, #tpu.memory_space<vmem>>, vector<16xf32>,
    %add3A_906 = arith.addf %add3A_903, %get3A_905 : vector<16xf32>
    %get3A_907 = arith.constant 1760 : index
    %get3A_908 = tpu.vector_load %arg10[%get3A_907] {strides = array<i32>} : memref<2048xf32, #tpu.memory_space<vmem>>, vector<16xf32>,
    %add3A_909 = arith.addf %add3A_906, %get3A_908 : vector<16xf32>
    %get3A_910 = arith.constant 1888 : index
    %get3A_911 = tpu.vector_load %arg10[%get3A_910] {strides = array<i32>} : memref<2048xf32, #tpu.memory_space<vmem>>, vector<16xf32>,
    %add3A_912 = arith.addf %add3A_909, %get3A_911 : vector<16xf32>
    %get3A_913 = arith.constant 2016 : index
    %get3A_914 = tpu.vector_load %arg10[%get3A_913] {strides = array<i32>} : memref<2048xf32, #tpu.memory_space<vmem>>, vector<16xf32>,
    %add3A_915 = arith.addf %add3A_912, %get3A_914 : vector<16xf32>
    %swap3A_916 = arith.constant 96 : index
    %swap3A_917 = tpu.vector_load %arg11[%swap3A_916] {strides = array<i32>} : memref<128xf32, #tpu.memory_space<vmem>>, vector<16xf32>,
    tpu.vector_store %arg11[%swap3A_916], %add3A_915 {strides = array<i32>} : memref<128xf32, #tpu.memory_space<vmem>>, vector<16xf32>,
    %get3A_918 = arith.constant 112 : index
    %get3A_919 = tpu.vector_load %arg10[%get3A_918] {strides = array<i32>} : memref<2048xf32, #tpu.memory_space<vmem>>, vector<16xf32>,
    %get3A_920 = arith.constant 240 : index
    %get3A_921 = tpu.vector_load %arg10[%get3A_920] {strides = array<i32>} : memref<2048xf32, #tpu.memory_space<vmem>>, vector<16xf32>,
    %add3A_922 = arith.addf %get3A_919, %get3A_921 : vector<16xf32>
    %get3A_923 = arith.constant 368 : index
    %get3A_924 = tpu.vector_load %arg10[%get3A_923] {strides = array<i32>} : memref<2048xf32, #tpu.memory_space<vmem>>, vector<16xf32>,
    %add3A_925 = arith.addf %add3A_922, %get3A_924 : vector<16xf32>
    %get3A_926 = arith.constant 496 : index
    %get3A_927 = tpu.vector_load %arg10[%get3A_926] {strides = array<i32>} : memref<2048xf32, #tpu.memory_space<vmem>>, vector<16xf32>,
    %add3A_928 = arith.addf %add3A_925, %get3A_927 : vector<16xf32>
    %get3A_929 = arith.constant 624 : index
    %get3A_930 = tpu.vector_load %arg10[%get3A_929] {strides = array<i32>} : memref<2048xf32, #tpu.memory_space<vmem>>, vector<16xf32>,
    %add3A_931 = arith.addf %add3A_928, %get3A_930 : vector<16xf32>
    %get3A_932 = arith.constant 752 : index
    %get3A_933 = tpu.vector_load %arg10[%get3A_932] {strides = array<i32>} : memref<2048xf32, #tpu.memory_space<vmem>>, vector<16xf32>,
    %add3A_934 = arith.addf %add3A_931, %get3A_933 : vector<16xf32>
    %get3A_935 = arith.constant 880 : index
    %get3A_936 = tpu.vector_load %arg10[%get3A_935] {strides = array<i32>} : memref<2048xf32, #tpu.memory_space<vmem>>, vector<16xf32>,
    %add3A_937 = arith.addf %add3A_934, %get3A_936 : vector<16xf32>
    %get3A_938 = arith.constant 1008 : index
    %get3A_939 = tpu.vector_load %arg10[%get3A_938] {strides = array<i32>} : memref<2048xf32, #tpu.memory_space<vmem>>, vector<16xf32>,
    %add3A_940 = arith.addf %add3A_937, %get3A_939 : vector<16xf32>
    %get3A_941 = arith.constant 1136 : index
    %get3A_942 = tpu.vector_load %arg10[%get3A_941] {strides = array<i32>} : memref<2048xf32, #tpu.memory_space<vmem>>, vector<16xf32>,
    %add3A_943 = arith.addf %add3A_940, %get3A_942 : vector<16xf32>
    %get3A_944 = arith.constant 1264 : index
    %get3A_945 = tpu.vector_load %arg10[%get3A_944] {strides = array<i32>} : memref<2048xf32, #tpu.memory_space<vmem>>, vector<16xf32>,
    %add3A_946 = arith.addf %add3A_943, %get3A_945 : vector<16xf32>
    %get3A_947 = arith.constant 1392 : index
    %get3A_948 = tpu.vector_load %arg10[%get3A_947] {strides = array<i32>} : memref<2048xf32, #tpu.memory_space<vmem>>, vector<16xf32>,
    %add3A_949 = arith.addf %add3A_946, %get3A_948 : vector<16xf32>
    %get3A_950 = arith.constant 1520 : index
    %get3A_951 = tpu.vector_load %arg10[%get3A_950] {strides = array<i32>} : memref<2048xf32, #tpu.memory_space<vmem>>, vector<16xf32>,
    %add3A_952 = arith.addf %add3A_949, %get3A_951 : vector<16xf32>
    %get3A_953 = arith.constant 1648 : index
    %get3A_954 = tpu.vector_load %arg10[%get3A_953] {strides = array<i32>} : memref<2048xf32, #tpu.memory_space<vmem>>, vector<16xf32>,
    %add3A_955 = arith.addf %add3A_952, %get3A_954 : vector<16xf32>
    %get3A_956 = arith.constant 1776 : index
    %get3A_957 = tpu.vector_load %arg10[%get3A_956] {strides = array<i32>} : memref<2048xf32, #tpu.memory_space<vmem>>, vector<16xf32>,
    %add3A_958 = arith.addf %add3A_955, %get3A_957 : vector<16xf32>
    %get3A_959 = arith.constant 1904 : index
    %get3A_960 = tpu.vector_load %arg10[%get3A_959] {strides = array<i32>} : memref<2048xf32, #tpu.memory_space<vmem>>, vector<16xf32>,
    %add3A_961 = arith.addf %add3A_958, %get3A_960 : vector<16xf32>
    %get3A_962 = arith.constant 2032 : index
    %get3A_963 = tpu.vector_load %arg10[%get3A_962] {strides = array<i32>} : memref<2048xf32, #tpu.memory_space<vmem>>, vector<16xf32>,
    %add3A_964 = arith.addf %add3A_961, %get3A_963 : vector<16xf32>
    %swap3A_965 = arith.constant 112 : index
    %swap3A_966 = tpu.vector_load %arg11[%swap3A_965] {strides = array<i32>} : memref<128xf32, #tpu.memory_space<vmem>>, vector<16xf32>,
    tpu.vector_store %arg11[%swap3A_965], %add3A_964 {strides = array<i32>} : memref<128xf32, #tpu.memory_space<vmem>>, vector<16xf32>,
    %mul3A_967 = arith.constant 128 : i32
    %mul3A_968 = arith.muli %add3A, %mul3A_967 : i32
    "tpu.region"() ({
      %run_scoped3A = tpu.sem_alloc : memref<!tpu.dma_semaphore, #tpu.memory_space<semaphore_mem>>
      %dma_start3A_969 = tpu.memref_slice %arg5[%mul3A_968] : memref<4096xf32, #tpu.memory_space<hbm>> -> memref<128xf32, #tpu.memory_space<hbm>>
      %dma_start3A_970 = tpu.memref_slice %arg5[%mul3A_968] : memref<4096xf32, #tpu.memory_space<hbm>> -> memref<128xf32, #tpu.memory_space<hbm>>
      tpu.enqueue_dma source(%arg11 : memref<128xf32, #tpu.memory_space<vmem>>) target(%dma_start3A_970 : memref<128xf32, #tpu.memory_space<hbm>>) target_semaphore(%run_scoped3A : memref<!tpu.dma_semaphore, #tpu.memory_space<semaphore_mem>>)
      %dma_wait3A_971 = tpu.memref_slice %arg5[%mul3A_968] : memref<4096xf32, #tpu.memory_space<hbm>> -> memref<128xf32, #tpu.memory_space<hbm>>
      %dma_wait3A_972 = tpu.memref_slice %arg5[%mul3A_968] : memref<4096xf32, #tpu.memory_space<hbm>> -> memref<128xf32, #tpu.memory_space<hbm>>
      tpu.wait_dma2 semaphore(%run_scoped3A : memref<!tpu.dma_semaphore, #tpu.memory_space<semaphore_mem>>) src(%arg11 : memref<128xf32, #tpu.memory_space<vmem>>) dst(%dma_wait3A_972 : memref<128xf32, #tpu.memory_space<hbm>>)
      tpu.yield
    }) : () -> ()
    return
  }
}

module attributes {stable_mosaic.version = 14 : i64} {
  func.func @_mlp_minmax_body(%arg0: i32, %arg1: memref<262144xf32, #tpu.memory_space<vmem>>, %arg2: memref<1x32x64xf32, #tpu.memory_space<vmem>>, %arg3: memref<4x32xf32, #tpu.memory_space<vmem>>, %arg4: memref<1x4xf32, #tpu.memory_space<vmem>>, %arg5: memref<64x2048xf32, #tpu.memory_space<vmem>>, %arg6: memref<64x2048xf32, #tpu.memory_space<vmem>>, %arg7: memref<64x128xf32, #tpu.memory_space<vmem>>, %arg8: memref<64x128xf32, #tpu.memory_space<vmem>>, %arg9: memref<262144xf32, #tpu.memory_space<vmem>>, %arg10: memref<1x128xf32, #tpu.memory_space<vmem>>, %arg11: memref<1x128xf32, #tpu.memory_space<vmem>>) attributes {dimension_semantics = [#tpu.dimension_semantics<arbitrary>], iteration_bounds = array<i64: 64>, scalar_prefetch = 0 : i64, scratch_operands = 0 : i64, tpu.core_type = #tpu.core_type<tc>, window_params = [{transform_indices = @transform_0, window_bounds = array<i64: 262144>}, {transform_indices = @transform_1, window_bounds = array<i64: 1, 32, 64>}, {pipeline_mode = #tpu.pipeline_mode<synchronous>, transform_indices = @transform_2, window_bounds = array<i64: 4, 32>}, {pipeline_mode = #tpu.pipeline_mode<synchronous>, transform_indices = @transform_3, window_bounds = array<i64: 1, 4>}, {pipeline_mode = #tpu.pipeline_mode<synchronous>, transform_indices = @transform_4, window_bounds = array<i64: 64, 2048>}, {pipeline_mode = #tpu.pipeline_mode<synchronous>, transform_indices = @transform_5, window_bounds = array<i64: 64, 2048>}, {pipeline_mode = #tpu.pipeline_mode<synchronous>, transform_indices = @transform_6, window_bounds = array<i64: 64, 128>}, {pipeline_mode = #tpu.pipeline_mode<synchronous>, transform_indices = @transform_7, window_bounds = array<i64: 64, 128>}, {transform_indices = @transform_8, window_bounds = array<i64: 262144>}, {pipeline_mode = #tpu.pipeline_mode<synchronous>, transform_indices = @transform_9, window_bounds = array<i64: 1, 128>}, {pipeline_mode = #tpu.pipeline_mode<synchronous>, transform_indices = @transform_10, window_bounds = array<i64: 1, 128>}]} {
    %jit3A = arith.constant 32 : i32
    %eq3A = arith.constant 0 : i32
    %eq3A_0 = arith.cmpi eq, %jit3A, %eq3A : i32
    %jit3A_1 = arith.constant 1 : i32
    %select_n3A = arith.select %eq3A_0, %jit3A_1, %jit3A : i32
    %rem3A = arith.remsi %arg0, %select_n3A : i32
    %ne3A = arith.constant 0 : i32
    %ne3A_2 = arith.cmpi ne, %rem3A, %ne3A : i32
    %lt3A = arith.constant 0 : i32
    %lt3A_3 = arith.cmpi slt, %rem3A, %lt3A : i32
    %lt3A_4 = arith.constant 0 : i32
    %lt3A_5 = arith.cmpi slt, %select_n3A, %lt3A_4 : i32
    %ne3A_6 = arith.xori %lt3A_3, %lt3A_5 : i1
    %and3A = arith.andi %ne3A_6, %ne3A_2 : i1
    %add3A = arith.addi %rem3A, %select_n3A : i32
    %select_n3A_7 = arith.select %and3A, %add3A, %rem3A : i32
    %eq3A_8 = arith.constant 0 : i32
    %eq3A_9 = arith.cmpi eq, %select_n3A_7, %eq3A_8 : i32
    %convert_element_type3A = arith.extui %eq3A_9 : i1 to i32
    %cond3A = arith.constant 0 : i32
    %cond3A_10 = arith.cmpi ne, %convert_element_type3A, %cond3A : i32
    scf.if %cond3A_10 {
      %get3A_41 = arith.constant 0 : index
      %get3A_42 = arith.constant 0 : index
      %get3A_43 = arith.constant 0 : index
      %get3A_44 = vector.load %arg2[%get3A_41, %get3A_42, %get3A_43] : memref<1x32x64xf32, #tpu.memory_space<vmem>>, vector<1x32x64xf32>
      %get3A_45 = vector.shape_cast %get3A_44 : vector<1x32x64xf32> to vector<32x64xf32>
      %get3A_46 = arith.constant 0 : index
      %get3A_47 = arith.constant 0 : index
      %get3A_48 = vector.load %arg3[%get3A_46, %get3A_47] : memref<4x32xf32, #tpu.memory_space<vmem>>, vector<4x32xf32>
      %dot_general3A = arith.constant dense<0.000000e+00> : vector<4x64xf32>
      %dot_general3A_49 = tpu.matmul %get3A_48, %get3A_45, %dot_general3A {dimension_numbers = #tpu.dot_dimension_numbers<[1], [0], [0], [1], [0, 0, 1, 1], [], []>, transpose_lhs_hint = false} : vector<4x32xf32>, vector<32x64xf32>, vector<4x64xf32> -> vector<4x64xf32>
      %reduce_sum3A = arith.constant dense<0.000000e+00> : vector<4xf32>
      %reduce_sum3A_50 = vector.multi_reduction <add>, %dot_general3A_49, %reduce_sum3A [1] : vector<4x64xf32> to vector<4xf32>
      %broadcast_in_dim3A = vector.shape_cast %reduce_sum3A_50 : vector<4xf32> to vector<4x1xf32>
      %div3A = arith.constant 6.400000e+01 : f32
      %div3A_51 = vector.broadcast %div3A : f32 to vector<4x1xf32>
      %div3A_52 = arith.divf %broadcast_in_dim3A, %div3A_51 : vector<4x1xf32>
      %sub3A = vector.broadcast %div3A_52 : vector<4x1xf32> to vector<4x64xf32>
      %sub3A_53 = arith.subf %dot_general3A_49, %sub3A : vector<4x64xf32>
      %sub3A_54 = vector.broadcast %div3A_52 : vector<4x1xf32> to vector<4x64xf32>
      %sub3A_55 = arith.subf %dot_general3A_49, %sub3A_54 : vector<4x64xf32>
      %mul3A_56 = arith.mulf %sub3A_53, %sub3A_55 : vector<4x64xf32>
      %reduce_sum3A_57 = arith.constant dense<0.000000e+00> : vector<4xf32>
      %reduce_sum3A_58 = vector.multi_reduction <add>, %mul3A_56, %reduce_sum3A_57 [1] : vector<4x64xf32> to vector<4xf32>
      %broadcast_in_dim3A_59 = vector.shape_cast %reduce_sum3A_58 : vector<4xf32> to vector<4x1xf32>
      %div3A_60 = arith.constant 6.400000e+01 : f32
      %div3A_61 = vector.broadcast %div3A_60 : f32 to vector<4x1xf32>
      %div3A_62 = arith.divf %broadcast_in_dim3A_59, %div3A_61 : vector<4x1xf32>
      %sub3A_63 = vector.broadcast %div3A_52 : vector<4x1xf32> to vector<4x64xf32>
      %sub3A_64 = arith.subf %dot_general3A_49, %sub3A_63 : vector<4x64xf32>
      %add3A_65 = arith.constant 9.99999974E-6 : f32
      %add3A_66 = vector.broadcast %add3A_65 : f32 to vector<4x1xf32>
      %add3A_67 = arith.addf %div3A_62, %add3A_66 : vector<4x1xf32>
      %rsqrt3A = math.rsqrt %add3A_67 : vector<4x1xf32>
      %mul3A_68 = vector.broadcast %rsqrt3A : vector<4x1xf32> to vector<4x64xf32>
      %mul3A_69 = arith.mulf %sub3A_64, %mul3A_68 : vector<4x64xf32>
      %mul3A_70 = arith.constant 5.000000e-01 : f32
      %mul3A_71 = vector.broadcast %mul3A_70 : f32 to vector<4x64xf32>
      %mul3A_72 = arith.mulf %mul3A_71, %mul3A_69 : vector<4x64xf32>
      %mul3A_73 = arith.constant 0.707106769 : f32
      %mul3A_74 = vector.broadcast %mul3A_73 : f32 to vector<4x64xf32>
      %mul3A_75 = arith.mulf %mul3A_69, %mul3A_74 : vector<4x64xf32>
      %erf3A = math.erf %mul3A_75 : vector<4x64xf32>
      %add3A_76 = arith.constant 1.000000e+00 : f32
      %add3A_77 = vector.broadcast %add3A_76 : f32 to vector<4x64xf32>
      %add3A_78 = arith.addf %add3A_77, %erf3A : vector<4x64xf32>
      %mul3A_79 = arith.mulf %mul3A_72, %add3A_78 : vector<4x64xf32>
      %get3A_80 = arith.constant 0 : index
      %get3A_81 = arith.constant 0 : index
      %get3A_82 = vector.load %arg4[%get3A_80, %get3A_81] : memref<1x4xf32, #tpu.memory_space<vmem>>, vector<1x4xf32>
      %dot_general3A_83 = arith.constant dense<0.000000e+00> : vector<64x1xf32>
      %dot_general3A_84 = tpu.matmul %mul3A_79, %get3A_82, %dot_general3A_83 {dimension_numbers = #tpu.dot_dimension_numbers<[0], [1], [1], [0], [0, 1, 1, 0], [], []>, transpose_lhs_hint = false} : vector<4x64xf32>, vector<1x4xf32>, vector<64x1xf32> -> vector<64x1xf32>
      %neg3A = arith.constant 0.000000e+00 : f32
      %neg3A_85 = vector.broadcast %neg3A : f32 to vector<64x1xf32>
      %neg3A_86 = arith.subf %neg3A_85, %dot_general3A_84 : vector<64x1xf32>
      %exp3A = math.exp %neg3A_86 : vector<64x1xf32>
      %add3A_87 = arith.constant 1.000000e+00 : f32
      %add3A_88 = vector.broadcast %add3A_87 : f32 to vector<64x1xf32>
      %add3A_89 = arith.addf %add3A_88, %exp3A : vector<64x1xf32>
      %div3A_90 = arith.constant 1.000000e+00 : f32
      %div3A_91 = vector.broadcast %div3A_90 : f32 to vector<64x1xf32>
      %div3A_92 = arith.divf %div3A_91, %add3A_89 : vector<64x1xf32>
      %get3A_93 = arith.constant 0 : index
      %get3A_94 = arith.constant 0 : index
      %get3A_95 = vector.load %arg5[%get3A_93, %get3A_94] : memref<64x2048xf32, #tpu.memory_space<vmem>>, vector<64x2048xf32>
      %mul3A_96 = vector.broadcast %div3A_92 : vector<64x1xf32> to vector<64x2048xf32>
      %mul3A_97 = arith.mulf %get3A_95, %mul3A_96 : vector<64x2048xf32>
      %get3A_98 = arith.constant 0 : index
      %get3A_99 = arith.constant 0 : index
      %get3A_100 = vector.load %arg7[%get3A_98, %get3A_99] : memref<64x128xf32, #tpu.memory_space<vmem>>, vector<64x128xf32>
      %dot_general3A_101 = arith.constant dense<0.000000e+00> : vector<2048x128xf32>
      %dot_general3A_102 = tpu.matmul %mul3A_97, %get3A_100, %dot_general3A_101 {dimension_numbers = #tpu.dot_dimension_numbers<[0], [0], [1], [1], [0, 1, 1, 1], [], []>, transpose_lhs_hint = false} : vector<64x2048xf32>, vector<64x128xf32>, vector<2048x128xf32> -> vector<2048x128xf32>
      %get3A_103 = arith.constant 0 : index
      %get3A_104 = arith.constant 0 : index
      %get3A_105 = vector.load %arg6[%get3A_103, %get3A_104] : memref<64x2048xf32, #tpu.memory_space<vmem>>, vector<64x2048xf32>
      %mul3A_106 = vector.broadcast %div3A_92 : vector<64x1xf32> to vector<64x2048xf32>
      %mul3A_107 = arith.mulf %get3A_105, %mul3A_106 : vector<64x2048xf32>
      %get3A_108 = arith.constant 0 : index
      %get3A_109 = arith.constant 0 : index
      %get3A_110 = vector.load %arg8[%get3A_108, %get3A_109] : memref<64x128xf32, #tpu.memory_space<vmem>>, vector<64x128xf32>
      %dot_general3A_111 = arith.constant dense<0.000000e+00> : vector<2048x128xf32>
      %dot_general3A_112 = tpu.matmul %mul3A_107, %get3A_110, %dot_general3A_111 {dimension_numbers = #tpu.dot_dimension_numbers<[0], [0], [1], [1], [0, 1, 1, 1], [], []>, transpose_lhs_hint = false} : vector<64x2048xf32>, vector<64x128xf32>, vector<2048x128xf32> -> vector<2048x128xf32>
      %add3A_113 = arith.addf %dot_general3A_102, %dot_general3A_112 : vector<2048x128xf32>
      %reshape3A_114 = vector.shape_cast %add3A_113 : vector<2048x128xf32> to vector<262144xf32>
      %swap3A_115 = arith.constant 0 : index
      %swap3A_116 = vector.load %arg9[%swap3A_115] : memref<262144xf32, #tpu.memory_space<vmem>>, vector<262144xf32>
      tpu.vector_store %arg9[%swap3A_115], %reshape3A_114 {strides = array<i32>} : memref<262144xf32, #tpu.memory_space<vmem>>, vector<262144xf32>,
    } else {
    }
    %eq3A_11 = arith.constant 0 : i32
    %eq3A_12 = arith.cmpi eq, %arg0, %eq3A_11 : i32
    %convert_element_type3A_13 = arith.extui %eq3A_12 : i1 to i32
    %cond3A_14 = arith.constant 0 : i32
    %cond3A_15 = arith.cmpi ne, %convert_element_type3A_13, %cond3A_14 : i32
    scf.if %cond3A_15 {
      %broadcast_in_dim3A = arith.constant 0x7F800000 : f32
      %broadcast_in_dim3A_41 = vector.broadcast %broadcast_in_dim3A : f32 to vector<1x128xf32>
      %swap3A_42 = arith.constant 0 : index
      %swap3A_43 = arith.constant 0 : index
      %swap3A_44 = vector.load %arg10[%swap3A_42, %swap3A_43] : memref<1x128xf32, #tpu.memory_space<vmem>>, vector<1x128xf32>
      tpu.vector_store %arg10[%swap3A_42, %swap3A_43], %broadcast_in_dim3A_41 {strides = array<i32>} : memref<1x128xf32, #tpu.memory_space<vmem>>, vector<1x128xf32>,
      %broadcast_in_dim3A_45 = arith.constant 0xFF800000 : f32
      %broadcast_in_dim3A_46 = vector.broadcast %broadcast_in_dim3A_45 : f32 to vector<1x128xf32>
      %swap3A_47 = arith.constant 0 : index
      %swap3A_48 = arith.constant 0 : index
      %swap3A_49 = vector.load %arg11[%swap3A_47, %swap3A_48] : memref<1x128xf32, #tpu.memory_space<vmem>>, vector<1x128xf32>
      tpu.vector_store %arg11[%swap3A_47, %swap3A_48], %broadcast_in_dim3A_46 {strides = array<i32>} : memref<1x128xf32, #tpu.memory_space<vmem>>, vector<1x128xf32>,
    } else {
    }
    %get3A = arith.constant 0 : index
    %get3A_16 = vector.load %arg1[%get3A] : memref<262144xf32, #tpu.memory_space<vmem>>, vector<262144xf32>
    %reshape3A = vector.shape_cast %get3A_16 : vector<262144xf32> to vector<2048x128xf32>
    %get3A_17 = arith.constant 0 : index
    %get3A_18 = vector.load %arg9[%get3A_17] : memref<262144xf32, #tpu.memory_space<vmem>>, vector<262144xf32>
    %reshape3A_19 = vector.shape_cast %get3A_18 : vector<262144xf32> to vector<2048x128xf32>
    %mul3A = arith.mulf %reshape3A, %reshape3A_19 : vector<2048x128xf32>
    %get3A_20 = arith.constant 0 : index
    %get3A_21 = arith.constant 0 : index
    %get3A_22 = vector.load %arg10[%get3A_20, %get3A_21] : memref<1x128xf32, #tpu.memory_space<vmem>>, vector<1x128xf32>
    %reduce_min3A = vector.shape_cast %mul3A : vector<2048x128xf32> to vector<1x2048x128xf32>
    %reduce_min3A_23 = arith.constant dense<0x7F800000> : vector<1xf32>
    %reduce_min3A_24 = vector.multi_reduction <minimumf>, %reduce_min3A, %reduce_min3A_23 [1, 2] : vector<1x2048x128xf32> to vector<1xf32>
    %reduce_min3A_25 = vector.shape_cast %reduce_min3A_24 : vector<1xf32> to vector<1x1x1xf32>
    %reduce_min3A_26 = vector.extract %reduce_min3A_25[0, 0, 0] : f32 from vector<1x1x1xf32>
    %min3A = vector.broadcast %reduce_min3A_26 : f32 to vector<1x128xf32>
    %min3A_27 = arith.minimumf %get3A_22, %min3A : vector<1x128xf32>
    %swap3A = arith.constant 0 : index
    %swap3A_28 = arith.constant 0 : index
    %swap3A_29 = vector.load %arg10[%swap3A, %swap3A_28] : memref<1x128xf32, #tpu.memory_space<vmem>>, vector<1x128xf32>
    tpu.vector_store %arg10[%swap3A, %swap3A_28], %min3A_27 {strides = array<i32>} : memref<1x128xf32, #tpu.memory_space<vmem>>, vector<1x128xf32>,
    %get3A_30 = arith.constant 0 : index
    %get3A_31 = arith.constant 0 : index
    %get3A_32 = vector.load %arg11[%get3A_30, %get3A_31] : memref<1x128xf32, #tpu.memory_space<vmem>>, vector<1x128xf32>
    %reduce_max3A = vector.shape_cast %mul3A : vector<2048x128xf32> to vector<1x2048x128xf32>
    %reduce_max3A_33 = arith.constant dense<0xFF800000> : vector<1xf32>
    %reduce_max3A_34 = vector.multi_reduction <maximumf>, %reduce_max3A, %reduce_max3A_33 [1, 2] : vector<1x2048x128xf32> to vector<1xf32>
    %reduce_max3A_35 = vector.shape_cast %reduce_max3A_34 : vector<1xf32> to vector<1x1x1xf32>
    %reduce_max3A_36 = vector.extract %reduce_max3A_35[0, 0, 0] : f32 from vector<1x1x1xf32>
    %max3A = vector.broadcast %reduce_max3A_36 : f32 to vector<1x128xf32>
    %max3A_37 = arith.maximumf %get3A_32, %max3A : vector<1x128xf32>
    %swap3A_38 = arith.constant 0 : index
    %swap3A_39 = arith.constant 0 : index
    %swap3A_40 = vector.load %arg11[%swap3A_38, %swap3A_39] : memref<1x128xf32, #tpu.memory_space<vmem>>, vector<1x128xf32>
    tpu.vector_store %arg11[%swap3A_38, %swap3A_39], %max3A_37 {strides = array<i32>} : memref<1x128xf32, #tpu.memory_space<vmem>>, vector<1x128xf32>,
    return
  }
  func.func @transform_0(%arg0: i32) -> i32 {
    %c0_i32 = arith.constant 0 : i32
    return %arg0 : i32
  }
  func.func @transform_1(%arg0: i32) -> (i32, i32, i32) {
    %jit3A = arith.constant 32 : i32
    %div3A = arith.divsi %arg0, %jit3A : i32
    %sign3A = arith.constant 0 : i32
    %sign3A_0 = arith.cmpi sgt, %arg0, %sign3A : i32
    %sign3A_1 = arith.extui %sign3A_0 : i1 to i32
    %sign3A_2 = arith.constant 0 : i32
    %sign3A_3 = arith.cmpi slt, %arg0, %sign3A_2 : i32
    %sign3A_4 = arith.extui %sign3A_3 : i1 to i32
    %sign3A_5 = arith.subi %sign3A_1, %sign3A_4 : i32
    %sign3A_6 = arith.constant 0 : i32
    %sign3A_7 = arith.cmpi sgt, %jit3A, %sign3A_6 : i32
    %sign3A_8 = arith.extui %sign3A_7 : i1 to i32
    %sign3A_9 = arith.constant 0 : i32
    %sign3A_10 = arith.cmpi slt, %jit3A, %sign3A_9 : i32
    %sign3A_11 = arith.extui %sign3A_10 : i1 to i32
    %sign3A_12 = arith.subi %sign3A_8, %sign3A_11 : i32
    %ne3A = arith.cmpi ne, %sign3A_5, %sign3A_12 : i32
    %rem3A = arith.remsi %arg0, %jit3A : i32
    %ne3A_13 = arith.constant 0 : i32
    %ne3A_14 = arith.cmpi ne, %rem3A, %ne3A_13 : i32
    %and3A = arith.andi %ne3A, %ne3A_14 : i1
    %sub3A = arith.constant 1 : i32
    %sub3A_15 = arith.subi %div3A, %sub3A : i32
    %select_n3A = arith.select %and3A, %sub3A_15, %div3A : i32
    %c0_i32 = arith.constant 0 : i32
    %c0_i32_16 = arith.constant 0 : i32
    %c0_i32_17 = arith.constant 0 : i32
    return %select_n3A, %c0_i32, %c0_i32_16 : i32, i32, i32
  }
  func.func @transform_2(%arg0: i32) -> (i32, i32) {
    %c0_i32 = arith.constant 0 : i32
    %c0_i32_0 = arith.constant 0 : i32
    %c0_i32_1 = arith.constant 0 : i32
    return %c0_i32, %c0_i32_0 : i32, i32
  }
  func.func @transform_3(%arg0: i32) -> (i32, i32) {
    %c0_i32 = arith.constant 0 : i32
    %c0_i32_0 = arith.constant 0 : i32
    %c0_i32_1 = arith.constant 0 : i32
    return %c0_i32, %c0_i32_0 : i32, i32
  }
  func.func @transform_4(%arg0: i32) -> (i32, i32) {
    %c0_i32 = arith.constant 0 : i32
    %c0_i32_0 = arith.constant 0 : i32
    %c0_i32_1 = arith.constant 0 : i32
    return %c0_i32, %c0_i32_0 : i32, i32
  }
  func.func @transform_5(%arg0: i32) -> (i32, i32) {
    %c0_i32 = arith.constant 0 : i32
    %c0_i32_0 = arith.constant 0 : i32
    %c0_i32_1 = arith.constant 0 : i32
    return %c0_i32, %c0_i32_0 : i32, i32
  }
  func.func @transform_6(%arg0: i32) -> (i32, i32) {
    %c0_i32 = arith.constant 0 : i32
    %c0_i32_0 = arith.constant 0 : i32
    %c0_i32_1 = arith.constant 0 : i32
    return %c0_i32, %c0_i32_0 : i32, i32
  }
  func.func @transform_7(%arg0: i32) -> (i32, i32) {
    %c0_i32 = arith.constant 0 : i32
    %c0_i32_0 = arith.constant 0 : i32
    %c0_i32_1 = arith.constant 0 : i32
    return %c0_i32, %c0_i32_0 : i32, i32
  }
  func.func @transform_8(%arg0: i32) -> i32 {
    %jit3A = arith.constant 32 : i32
    %div3A = arith.divsi %arg0, %jit3A : i32
    %sign3A = arith.constant 0 : i32
    %sign3A_0 = arith.cmpi sgt, %arg0, %sign3A : i32
    %sign3A_1 = arith.extui %sign3A_0 : i1 to i32
    %sign3A_2 = arith.constant 0 : i32
    %sign3A_3 = arith.cmpi slt, %arg0, %sign3A_2 : i32
    %sign3A_4 = arith.extui %sign3A_3 : i1 to i32
    %sign3A_5 = arith.subi %sign3A_1, %sign3A_4 : i32
    %sign3A_6 = arith.constant 0 : i32
    %sign3A_7 = arith.cmpi sgt, %jit3A, %sign3A_6 : i32
    %sign3A_8 = arith.extui %sign3A_7 : i1 to i32
    %sign3A_9 = arith.constant 0 : i32
    %sign3A_10 = arith.cmpi slt, %jit3A, %sign3A_9 : i32
    %sign3A_11 = arith.extui %sign3A_10 : i1 to i32
    %sign3A_12 = arith.subi %sign3A_8, %sign3A_11 : i32
    %ne3A = arith.cmpi ne, %sign3A_5, %sign3A_12 : i32
    %rem3A = arith.remsi %arg0, %jit3A : i32
    %ne3A_13 = arith.constant 0 : i32
    %ne3A_14 = arith.cmpi ne, %rem3A, %ne3A_13 : i32
    %and3A = arith.andi %ne3A, %ne3A_14 : i1
    %sub3A = arith.constant 1 : i32
    %sub3A_15 = arith.subi %div3A, %sub3A : i32
    %select_n3A = arith.select %and3A, %sub3A_15, %div3A : i32
    %c0_i32 = arith.constant 0 : i32
    return %select_n3A : i32
  }
  func.func @transform_9(%arg0: i32) -> (i32, i32) {
    %c0_i32 = arith.constant 0 : i32
    %c0_i32_0 = arith.constant 0 : i32
    %c0_i32_1 = arith.constant 0 : i32
    return %c0_i32, %c0_i32_0 : i32, i32
  }
  func.func @transform_10(%arg0: i32) -> (i32, i32) {
    %c0_i32 = arith.constant 0 : i32
    %c0_i32_0 = arith.constant 0 : i32
    %c0_i32_1 = arith.constant 0 : i32
    return %c0_i32, %c0_i32_0 : i32, i32
  }
}

module attributes {stable_mosaic.version = 14 : i64} {
  func.func @_pool_body(%arg0: i32, %arg1: memref<262144xf32, #tpu.memory_space<vmem>>, %arg2: memref<128x4xf32, #tpu.memory_space<vmem>>, %arg3: memref<2048x16xf32, #tpu.memory_space<vmem>>, %arg4: memref<1x16x4xf32, #tpu.memory_space<vmem>>) attributes {dimension_semantics = [#tpu.dimension_semantics<arbitrary>], iteration_bounds = array<i64: 64>, scalar_prefetch = 0 : i64, scratch_operands = 0 : i64, tpu.core_type = #tpu.core_type<tc>, window_params = [{transform_indices = @transform_0, window_bounds = array<i64: 262144>}, {pipeline_mode = #tpu.pipeline_mode<synchronous>, transform_indices = @transform_1, window_bounds = array<i64: 128, 4>}, {pipeline_mode = #tpu.pipeline_mode<synchronous>, transform_indices = @transform_2, window_bounds = array<i64: 2048, 16>}, {transform_indices = @transform_3, window_bounds = array<i64: 1, 16, 4>}]} {
    %get3A = arith.constant 0 : index
    %get3A_0 = vector.load %arg1[%get3A] : memref<262144xf32, #tpu.memory_space<vmem>>, vector<262144xf32>
    %reshape3A = vector.shape_cast %get3A_0 : vector<262144xf32> to vector<2048x128xf32>
    %get3A_1 = arith.constant 0 : index
    %get3A_2 = arith.constant 0 : index
    %get3A_3 = vector.load %arg2[%get3A_1, %get3A_2] : memref<128x4xf32, #tpu.memory_space<vmem>>, vector<128x4xf32>
    %dot_general3A = arith.constant dense<0.000000e+00> : vector<2048x4xf32>
    %dot_general3A_4 = tpu.matmul %reshape3A, %get3A_3, %dot_general3A {dimension_numbers = #tpu.dot_dimension_numbers<[1], [0], [0], [1], [0, 0, 1, 1], [], []>, transpose_lhs_hint = false} : vector<2048x128xf32>, vector<128x4xf32>, vector<2048x4xf32> -> vector<2048x4xf32>
    %get3A_5 = arith.constant 0 : index
    %get3A_6 = arith.constant 0 : index
    %get3A_7 = vector.load %arg3[%get3A_5, %get3A_6] : memref<2048x16xf32, #tpu.memory_space<vmem>>, vector<2048x16xf32>
    %dot_general3A_8 = arith.constant dense<0.000000e+00> : vector<16x4xf32>
    %dot_general3A_9 = tpu.matmul %get3A_7, %dot_general3A_4, %dot_general3A_8 {dimension_numbers = #tpu.dot_dimension_numbers<[0], [0], [1], [1], [0, 1, 1, 1], [], []>, transpose_lhs_hint = false} : vector<2048x16xf32>, vector<2048x4xf32>, vector<16x4xf32> -> vector<16x4xf32>
    %mul3A = arith.constant 2.44140625E-4 : f32
    %mul3A_10 = vector.broadcast %mul3A : f32 to vector<16x4xf32>
    %mul3A_11 = arith.mulf %dot_general3A_9, %mul3A_10 : vector<16x4xf32>
    %swap3A = arith.constant 0 : index
    %swap3A_12 = arith.constant 0 : index
    %swap3A_13 = arith.constant 0 : index
    %swap3A_14 = vector.load %arg4[%swap3A, %swap3A_12, %swap3A_13] : memref<1x16x4xf32, #tpu.memory_space<vmem>>, vector<1x16x4xf32>
    %swap3A_15 = vector.shape_cast %swap3A_14 : vector<1x16x4xf32> to vector<16x4xf32>
    %swap3A_16 = vector.shape_cast %mul3A_11 : vector<16x4xf32> to vector<1x16x4xf32>
    tpu.vector_store %arg4[%swap3A, %swap3A_12, %swap3A_13], %swap3A_16 {strides = array<i32>} : memref<1x16x4xf32, #tpu.memory_space<vmem>>, vector<1x16x4xf32>,
    return
  }
  func.func @transform_0(%arg0: i32) -> i32 {
    %c0_i32 = arith.constant 0 : i32
    return %arg0 : i32
  }
  func.func @transform_1(%arg0: i32) -> (i32, i32) {
    %c0_i32 = arith.constant 0 : i32
    %c0_i32_0 = arith.constant 0 : i32
    %c0_i32_1 = arith.constant 0 : i32
    return %c0_i32, %c0_i32_0 : i32, i32
  }
  func.func @transform_2(%arg0: i32) -> (i32, i32) {
    %c0_i32 = arith.constant 0 : i32
    %c0_i32_0 = arith.constant 0 : i32
    %c0_i32_1 = arith.constant 0 : i32
    return %c0_i32, %c0_i32_0 : i32, i32
  }
  func.func @transform_3(%arg0: i32) -> (i32, i32, i32) {
    %c0_i32 = arith.constant 0 : i32
    %c0_i32_0 = arith.constant 0 : i32
    %c0_i32_1 = arith.constant 0 : i32
    return %arg0, %c0_i32, %c0_i32_0 : i32, i32, i32
  }
}

module attributes {stable_mosaic.version = 14 : i64} {
  func.func @_entropy_body(%arg0: memref<32x128xf32, #tpu.memory_space<vmem>>, %arg1: memref<1x1xf32, #tpu.memory_space<vmem>>) attributes {dimension_semantics = [], scalar_prefetch = 0 : i64, scratch_operands = 0 : i64, tpu.core_type = #tpu.core_type<tc>} {
    %get3A = arith.constant 0 : index
    %get3A_0 = arith.constant 0 : index
    %get3A_1 = vector.load %arg0[%get3A, %get3A_0] : memref<32x128xf32, #tpu.memory_space<vmem>>, vector<32x128xf32>
    %reduce_sum3A = arith.constant dense<0.000000e+00> : vector<128xf32>
    %reduce_sum3A_2 = vector.multi_reduction <add>, %get3A_1, %reduce_sum3A [0] : vector<32x128xf32> to vector<128xf32>
    %broadcast_in_dim3A = vector.shape_cast %reduce_sum3A_2 : vector<128xf32> to vector<1x128xf32>
    %reduce_sum3A_3 = vector.shape_cast %broadcast_in_dim3A : vector<1x128xf32> to vector<1x1x128xf32>
    %reduce_sum3A_4 = arith.constant dense<0.000000e+00> : vector<1xf32>
    %reduce_sum3A_5 = vector.multi_reduction <add>, %reduce_sum3A_3, %reduce_sum3A_4 [1, 2] : vector<1x1x128xf32> to vector<1xf32>
    %reduce_sum3A_6 = vector.shape_cast %reduce_sum3A_5 : vector<1xf32> to vector<1x1x1xf32>
    %reduce_sum3A_7 = vector.extract %reduce_sum3A_6[0, 0, 0] : f32 from vector<1x1x1xf32>
    %add3A = arith.constant 1.000000e-10 : f32
    %add3A_8 = arith.addf %reduce_sum3A_7, %add3A : f32
    %div3A = vector.broadcast %add3A_8 : f32 to vector<1x128xf32>
    %div3A_9 = arith.divf %broadcast_in_dim3A, %div3A : vector<1x128xf32>
    %add3A_10 = arith.constant 1.000000e-10 : f32
    %add3A_11 = vector.broadcast %add3A_10 : f32 to vector<1x128xf32>
    %add3A_12 = arith.addf %div3A_9, %add3A_11 : vector<1x128xf32>
    %log3A = math.log %add3A_12 : vector<1x128xf32>
    %mul3A = arith.mulf %div3A_9, %log3A : vector<1x128xf32>
    %reduce_sum3A_13 = vector.shape_cast %mul3A : vector<1x128xf32> to vector<1x1x128xf32>
    %reduce_sum3A_14 = arith.constant dense<0.000000e+00> : vector<1xf32>
    %reduce_sum3A_15 = vector.multi_reduction <add>, %reduce_sum3A_13, %reduce_sum3A_14 [1, 2] : vector<1x1x128xf32> to vector<1xf32>
    %reduce_sum3A_16 = vector.shape_cast %reduce_sum3A_15 : vector<1xf32> to vector<1x1x1xf32>
    %reduce_sum3A_17 = vector.extract %reduce_sum3A_16[0, 0, 0] : f32 from vector<1x1x1xf32>
    %neg3A = arith.constant 0.000000e+00 : f32
    %neg3A_18 = arith.subf %neg3A, %reduce_sum3A_17 : f32
    %mul3A_19 = arith.constant 1.44269502 : f32
    %mul3A_20 = arith.mulf %neg3A_18, %mul3A_19 : f32
    %broadcast_in_dim3A_21 = vector.broadcast %mul3A_20 : f32 to vector<1x1xf32>
    %swap3A = arith.constant 0 : index
    %swap3A_22 = arith.constant 0 : index
    %swap3A_23 = vector.load %arg1[%swap3A, %swap3A_22] : memref<1x1xf32, #tpu.memory_space<vmem>>, vector<1x1xf32>
    tpu.vector_store %arg1[%swap3A, %swap3A_22], %broadcast_in_dim3A_21 {strides = array<i32>} : memref<1x1xf32, #tpu.memory_space<vmem>>, vector<1x1xf32>,
    return
  }
}

</mosaic_0001>

<sc_bundles>
// kernel: kernel.6.cloned.1.call-start
scs
__scs_entry_jumppad:
0x0: {  	(pc) =	sbr.rel $0x88, $3  }
0x1: {  	(tag) =	ssettag $0x0;
	lr =	simm.s32 $0x1  }
0x2: {  	[smem:$0x3F9E] =	sst lr;
	_ =	strace $0xD0000000  }
0x3: {  	_ = 	snop  }
0x4: {  	_ = 	snop  }
0x5: {  	_ = 	snop  }
0x6: {  	_ = 	snop  }
0x7: {  	_ = 	snop  }
__scs_overlays_trampoline_lowered:
0x8: {  	[smem:$0x3FAD] =	sst s0  }
0x9: {  	[smem:$0x3FAE] =	sst s1  }
0xa: {  	[smem:$0x3FAF] =	sst s2  }
0xb: {  	[smem:$0x3FB0] =	sst s3  }
0xc: {  	[smem:$0x3FB1] =	sst s4  }
0xd: {  	[smem:$0x3FB2] =	sst s5  }
0xe: {  	[smem:$0x3FB3] =	sst s6  }
0xf: {  	[smem:$0x3FB4] =	sst s7  }
0x10: {  	[smem:$0x3FB5] =	sst s8  }
0x11: {  	[smem:$0x3FB6] =	sst s9;
	s0 =	simm.s32 @!p0 $0x0  }
0x12: {  	s1 =	sld [smem:$0x3F9C];
	s0 =	simm.s32 @p0 $0x1  }
0x13: {  	[smem:$0x3FB7] =	sst s0;
	s0 =	simm.s32 @!p1 $0x0  }
0x14: {  	s2 =	sld [smem:$0x3F9B];
	s0 =	simm.s32 @p1 $0x1  }
0x15: {  	[smem:$0x3FB8] =	sst s0;
	s0 =	simm.s32 @!p2 $0x0  }
0x16: {  	s3 =	sld [smem:$0x3FDB];
	s0 =	simm.s32 @p2 $0x1  }
0x17: {  	s4 =	simm.s32 $0x1BF5;
	[smem:$0x3FBA] =	sst s0  }
0x18: {  	s0 =	sld [smem:$0x3F9D];
	_ =	swait.ge [sflag:s4], $0x0  }
0x19: {  	s7 =	sld [smem:$0x3F9E]  }
0x1a: {  	s8 =	sadd.s32 $0xFFFFE003, lr  }
0x1b: {  	s9 =	sadd.s32 $0xFFFFFEF7, lr;
	s5 =	simm.s32 $0xFFFFFFFF;
	p2 =	slt.u32 s8, $0xFFFFF086  }
0x1c: {  	p1 =	slt.u32 s9, $0xF7A;
	s5 =	simm.s32 @!p2 $0x0  }
0x1d: {  	s5 =	simm.s32 @p1 $0x1;
	p0 =	seq.s32 s7, s2  }
0x1e: {  	s7 =	smul.u32 @!p0 $0xF7A, s2;
	p2 =	seq.s32 @!p0 s5, $0x0  }
0x1f: {  	s9 =	smul.u32 $0xF7A, s1;
	s8 =	simm.s32 @!p0 $0x1BF5;
	p2 =	por !p2, p0  }
0x20: {  	[sflag:s8] =	ssyncset.s32 @!p0 $0xFFFFF086;
	s6 =	sadd.s32 @!p0 s3, s7;
	s7 =	simm.s32 @!p0 $0x108  }
0x21: {  	s3 =	sadd.s32 s3, s9;
	s6 =	sadd.s32 @!p0 $0x88, s6;
	s7 =	simm.s32 @p2 $0x1082  }
0x22: {  	[simem:s7], [sflag:s8] =	dma.local @!p0 [hbm:s6], $0xF7A  }
0x23: {  	s9 =	sor.u32 $0xD0000000, s2;
	s6 =	simm.s32 $0x108;
	_ =	swait.ge @!p0 [sflag:s8], $0x0  }
0x24: {  	s3 =	sadd.s32 $0x88, s3;
	s6 =	simm.s32 @!p1 $0x1082;
	[sflag:s4] =	ssyncset.s32 $0xFFFFF086  }
0x25: {  	[simem:s6], [sflag:s4] =	dma.local [hbm:s3], $0xF7A  }
0x26: {  	[smem:$0x3F9E] =	sst s1;
	(tag) =	ssettag s2;
	_ =	strace s9  }
0x27: {  	s1 =	sld [smem:$0x3FAE]  }
0x28: {  	s2 =	sld [smem:$0x3FAF]  }
0x29: {  	s4 =	sld [smem:$0x3FB1]  }
0x2a: {  	p0 =	seq.s32 s5, $0x0;
	s5 =	sld [smem:$0x3FB2]  }
0x2b: {  	s6 =	sld [smem:$0x3FB3]  }
0x2c: {  	s7 =	sld [smem:$0x3FB4]  }
0x2d: {  	s3 =	simm.s32 $0x108;
	s8 =	sld [smem:$0x3FB5]  }
0x2e: {  	s3 =	simm.s32 @!p0 $0x1082;
	s9 =	sld [smem:$0x3FB6]  }
0x2f: {  	lr =	sadd.s32 s0, s3;
	s0 =	sld [smem:$0x3FAD]  }
0x30: {  	s3 =	sld [smem:$0x3FB0]  }
0x31: {  	[smem:$0x3FB9] =	sst s10  }
0x32: {  	s10 =	sld [smem:$0x3FB7];
	_ =	sdelay $0x3  }
0x33: {  	p0 =	seq.s32 s10, $0x1;
	s10 =	sld [smem:$0x3FB9];
	_ =	sdelay $0x3  }
0x34: {  	[smem:$0x3FB9] =	sst s10  }
0x35: {  	s10 =	sld [smem:$0x3FB8];
	_ =	sdelay $0x3  }
0x36: {  	p1 =	seq.s32 s10, $0x1;
	s10 =	sld [smem:$0x3FB9];
	_ =	sdelay $0x3  }
0x37: {  	[smem:$0x3FB9] =	sst s10  }
0x38: {  	s10 =	sld [smem:$0x3FBA]  }
0x39: {  	_ = 	snop;
	(pc) =	sbr.ind lr, $3  }
0x3a: {  	_ = 	snop  }
0x3b: {  	_ = 	snop  }
0x3c: {  	p2 =	seq.s32 s10, $0x1;
	s10 =	sld [smem:$0x3FB9]  }
0x3d: {  	_ =	shalt  }
0x3e: {  	_ =	shalt  }
0x3f: {  	_ =	shalt  }
0x40: {  	_ =	shalt  }
0x41: {  	_ =	shalt  }
0x42: {  	_ =	shalt  }
0x43: {  	_ =	shalt  }
0x44: {  	_ =	shalt  }
0x45: {  	_ =	shalt  }
0x46: {  	_ =	shalt  }
0x47: {  	_ =	shalt  }
0x48: {  	_ =	shalt  }
0x49: {  	_ =	shalt  }
0x4a: {  	_ =	shalt  }
0x4b: {  	_ =	shalt  }
0x4c: {  	_ =	shalt  }
0x4d: {  	_ =	shalt  }
0x4e: {  	_ =	shalt  }
0x4f: {  	_ =	shalt  }
0x50: {  	_ =	shalt  }
0x51: {  	_ =	shalt  }
0x52: {  	_ =	shalt  }
0x53: {  	_ =	shalt  }
0x54: {  	_ =	shalt  }
0x55: {  	_ =	shalt  }
0x56: {  	_ =	shalt  }
0x57: {  	_ =	shalt  }
0x58: {  	_ =	shalt  }
0x59: {  	_ =	shalt  }
0x5a: {  	_ =	shalt  }
0x5b: {  	_ =	shalt  }
0x5c: {  	_ =	shalt  }
0x5d: {  	_ =	shalt  }
0x5e: {  	_ =	shalt  }
0x5f: {  	_ =	shalt  }
0x60: {  	_ =	shalt  }
0x61: {  	_ =	shalt  }
0x62: {  	_ =	shalt  }
0x63: {  	_ =	shalt  }
0x64: {  	_ =	shalt  }
0x65: {  	_ =	shalt  }
0x66: {  	_ =	shalt  }
0x67: {  	_ =	shalt  }
0x68: {  	_ =	shalt  }
0x69: {  	_ =	shalt  }
0x6a: {  	_ =	shalt  }
0x6b: {  	_ =	shalt  }
0x6c: {  	_ =	shalt  }
0x6d: {  	_ =	shalt  }
0x6e: {  	_ =	shalt  }
0x6f: {  	_ =	shalt  }
0x70: {  	_ =	shalt  }
0x71: {  	_ =	shalt  }
0x72: {  	_ =	shalt  }
0x73: {  	_ =	shalt  }
0x74: {  	_ =	shalt  }
0x75: {  	_ =	shalt  }
0x76: {  	_ =	shalt  }
0x77: {  	_ =	shalt  }
0x78: {  	_ =	shalt  }
0x79: {  	_ =	shalt  }
0x7a: {  	_ =	shalt  }
0x7b: {  	_ =	shalt  }
0x7c: {  	_ =	shalt  }
0x7d: {  	_ =	shalt  }
0x7e: {  	_ =	shalt  }
0x7f: {  	_ =	shalt  }
0x80: {  	_ =	shalt  }
0x81: {  	_ =	shalt  }
0x82: {  	_ =	shalt  }
0x83: {  	_ =	shalt  }
0x84: {  	_ =	shalt  }
0x85: {  	_ =	shalt  }
0x86: {  	_ =	shalt  }
0x87: {  	_ =	shalt  }
.Lfunc_end0:
.L_simem_size_0:
called_computation_lowered:
.L_overlay_start_0:
0x88: {  	s2 =	sld [smem:$0x3FD9]  }
0x89: {  	s3 =	sld [smem:$0x3FFE];
	_ =	sdelay $0x1  }
0x8a: {  	s1 =	srdreg.scid  }
0x8b: {  	s0 =	sand.u32 $0x1, s1  }
0x8c: {  	s16 =	sshll.u32 s0, $0xA;
	s2 =	sadd.s32 s3, s2  }
0x8d: {  	s2 =	sadd.s32 s2, s16  }
0x8e: {  	[smem:$0x3FC5] =	sst s2  }
0x8f: {  	_ = 	snop  }
0x90: {  	(tm) =	ssettm $0x1  }
0x91: {  	s17 =	sld [smem:$0x3FFB];
	_ =	sdelay $0x3  }
0x92: {  	_ =	strace s17  }
0x93: {  	s2 =	sld [smem:$0x3FFC];
	_ =	sdelay $0x3  }
0x94: {  	_ =	strace s2  }
0x95: {  	s2 =	sld [smem:$0x3FFD];
	_ =	sdelay $0x3  }
0x96: {  	_ =	strace s2  }
0x97: {  	_ =	strace $0x8FFFFFFF  }
0x98: {  	s18 =	sld [smem:$0x3FDB];
	_ =	sdelay $0x1  }
0x99: {  	s19 =	simm.s32 $_scs_section_size  }
0x9a: {  	s4 =	simm.s32 $_size__tile_overlayer_lowered;
	s5 =	simm.s32 $_tile_overlayer_lowered  }
0x9b: {  	s22 =	simm.s32 $0x1BFF;
	s21 =	sshll.u32 s5, $0x1;
	s2 =	sadd.s32 s19, s18  }
0x9c: {  	s6 =	simm.s32 $0x0;
	s20 =	sshll.u32 s4, $0x1;
	s4 =	sadd.s32 s21, s2  }
0x9d: {  	[timem:s6], [sflag:s22] =	dma.local [hbm:s4], s20  }
0x9e: {  	_ =	swait.ge [sflag:s22], s20  }
0x9f: {  	s3 =	ssub.s32 $0x0, s20;
	[sflag:s22] =	ssyncset.done $0x0  }
0xa0: {  	[sflag:s22] =	ssyncadd.s32 s3;
	_ =	sdelay $0x1  }
0xa1: {  	s23 =	simm.s32 $0x1B8B  }
0xa2: {  	_ =	swait.ge [sflag:s23], $0x1  }
0xa3: {  	[sflag:s23] =	ssyncset.done $0x0  }
0xa4: {  	s25 =	simm.s32 $0x1B8E;
	s24 =	sld [smem:$0x3FFE];
	[sflag:s23] =	ssyncadd.s32 $0xFFFFFFFF  }
0xa5: {  	s26 =	simm.s32 $execute0_lowered;
	[smem:$0x3FD2] =	sst s25  }
0xa6: {  	s4 =	sshll.u32 s26, $0x1;
	_ =	strace $0x80000046;
	[dreg:$0x1] =	wrdreg $0xFFFFFFFF  }
0xa7: {  	s28 =	simm.s32 $_size_execute0_lowered;
	s2 =	sadd.s32 s2, s4;
	[dreg:$0x0] =	wrdreg $0x0  }
0xa8: {  	s4 =	sshll.u32 s28, $0x1;
	[dreg:$0x2] =	wrdreg s2  }
0xa9: {  	[dreg:$0x3] =	wrdreg s4  }
0xaa: {  	[dreg:$0x4] =	wrdreg $0xC0  }
0xab: {  	_ =	task [dreg:s6], $0x5FFFF  }
0xac: {  	[dreg:$0x1] =	wrdreg $0xFFFFFFFF  }
0xad: {  	[dreg:$0x0] =	wrdreg $0x60  }
0xae: {  	[dreg:$0x2] =	wrdreg s24  }
0xaf: {  	[dreg:$0x3] =	wrdreg $0x9  }
0xb0: {  	_ =	task.clear_ibuf [dreg:s6], $0x4FFFF;
	_ =	strace $0x90000046  }
0xb1: {  	s29 =	simm.s32 $0x9;
	_ =	strace $0x80000048  }
0xb2: {  	_ =	swait.ge [sflag:s29], $0x1  }
0xb3: {  	[sflag:s29] =	ssyncadd.s32 $0xFFFFFFFF  }
0xb4: {  	_ =	strace $0x90000048  }
0xb5: {  	_ =	sfence  }
0xb6: {  	s30 =	sld [smem:$0x0];
	_ =	sdelay $0x2  }
0xb7: {  	s31 =	sshll.u32 s1, $0xD;
	s1 =	sshrl.u32 s1, $0x2  }
0xb8: {  	s3 =	sand.u32 $0x4000, s31;
	s1 =	sadd.s32 s1, s30  }
0xb9: {  	s0 =	sor.u32 s3, s0;
	s1 =	sshll.u32 s1, $0x11  }
0xba: {  	s0 =	sor.u32 s1, s0  }
0xbb: {  	s0 =	sadd.s32 $0x8F2B, s0  }
0xbc: {  	[sflag:s0] =	ssyncadd.remote.s32 $0x1  }
0xbd: {  	_ =	sfence.sel $0xFFFF  }
0xbe: {  	[dreg:$0x0] =	wrdreg $0xFFFFFFFF;
	(pc) =	sbr.abs _section_cstart, $3  }
0xbf: {  	[dreg:$0x1] =	wrdreg $0xFFFFFFFF  }
0xc0: {  	_ =	task.clear_ibuf [dreg:s6], $0x2FFFF;
	_ =	strace $0x9FFFFFFF  }
0xc1: {  	(tm) =	ssettm $0x7FFFFFFF  }
tec
execute0_lowered:
.L_overlay_start_1:
0x0: {  	(tag) =	ssettag $0x1  }
0x1: {  	s0 =	srdreg.scid  }
0x2: {  	s2 =	stileid.u32;
	s3 =	rddreg [dreg:$0x0];
	s9 =	simm.s32 $0x3  }
0x3: {  	s0 =	sand.u32 $0x1, s0;
	s1 =	sshll.u32 s2, $0x1;
	s4 =	sshrl.u32 s2, $0x3  }
0x4: {  	s2 =	simm.s32 $0x0;
	s11 =	sadd.s32 $0x211A00, s3;
	s1 =	sor.u32 s0, s1  }
0x5: {  	s6 =	sshll.u32 s4, $0x17;
	s4 =	sshll.u32 s4, $0x12;
	s10 =	sshll.u32 s1, $0xE  }
0x6: {  	[smem:$0x7FF] =	sst s2;
	s0 =	ssub.s32 $0x2, s0;
	s5 =	sand.u32 $0x3C000, s10  }
0x7: {  	_ =	strace $0x80000047;
	s1 =	sshll.u32 s1, $0x4;
	s4 =	sor.u32 s4, s5  }
0x8: {  	[dreg:$0x2] =	wrdreg s11;
	s6 =	sor.u32 s6, s5;
	s4 =	sshrl.u32 s4, $0x3  }
0x9: {  	s12 =	sshrl.u32 s0, $0x1;
	s6 =	sshrl.u32 s6, $0x3;
	s4 =	sadd.s32 s4, s3  }
0xa: {  	s11 =	simm.s32 $0x1;
	s6 =	sadd.s32 s6, s3;
	s13 =	sadd.s32 $0x201A00, s4  }
0xb: {  	s7 =	sadd.s32 s1, s3;
	s14 =	sadd.s32 $0x1A00, s6;
	[dreg:$0x3] =	wrdreg s13  }
0xc: {  	v0 =	vimm.f32 $1.920000000e+03;
	vm0 =	vcmask $0x300;
	s8 =	ssub.s32 s0, s12;
	s15 =	sadd.s32 $0x9A00, s6;
	[dreg:$0x4] =	wrdreg s14  }
0xd: {  	vm14 =	vcmask $0x704;
	v0 =	vsel vm0, $0x0, v0;
	s10 =	simm.s32 $0x4000;
	s16 =	sadd.s32 $0x11A00, s6;
	[dreg:$0x5] =	wrdreg s15  }
0xe: {  	vm15 =	vcmask $0xB08;
	v0 =	vsel vm14, $0x43000000, v0;
	s12 =	simm.s32 $0xC100;
	s17 =	sadd.s32 $0x19A00, s6;
	[dreg:$0x6] =	wrdreg s16  }
0xf: {  	vm4 =	vcmask $0xF0C;
	v0 =	vsel vm15, $0x43800000, v0;
	s7 =	sadd.s32 $0x211C00, s7;
	s18 =	sadd.s32 $0x21A00, s6;
	[dreg:$0x7] =	wrdreg s17  }
0x10: {  	vm5 =	vcmask $0x1310;
	v0 =	vsel vm4, $0x43C00000, v0;
	s8 =	smax.u32 s8, $0x1;
	s19 =	sadd.s32 $0x29A00, s6;
	[dreg:$0x8] =	wrdreg s18  }
0x11: {  	vm6 =	vcmask $0x1714;
	v0 =	vsel vm5, $0x44000000, v0;
	s20 =	sadd.s32 $0x31A00, s6;
	s21 =	sadd.s32 $0x39A00, s6;
	[dreg:$0x9] =	wrdreg s19  }
0x12: {  	vm7 =	vcmask $0x1B18;
	v0 =	vsel vm6, $0x44200000, v0;
	s22 =	sadd.s32 $0x41A00, s6;
	s23 =	sadd.s32 $0x49A00, s6;
	[dreg:$0xa] =	wrdreg s20  }
0x13: {  	vm8 =	vcmask $0x1F1C;
	v0 =	vsel vm7, $0x44400000, v0;
	s24 =	sadd.s32 $0x51A00, s6;
	s25 =	sadd.s32 $0x59A00, s6;
	[dreg:$0xb] =	wrdreg s21  }
0x14: {  	vm9 =	vcmask $0x2320;
	s26 =	sadd.s32 $0x61A00, s6;
	v0 =	vsel vm8, $0x44600000, v0;
	s28 =	sadd.s32 $0xB1A00, s6;
	[dreg:$0xc] =	wrdreg s22  }
0x15: {  	vm10 =	vcmask $0x2724;
	s29 =	sadd.s32 $0xB9A00, s6;
	s30 =	sadd.s32 $0xC1A00, s6;
	[dreg:$0xd] =	wrdreg s23;
	v0 =	vsel vm9, $0x44800000, v0  }
0x16: {  	vm11 =	vcmask $0x2B28;
	s31 =	sadd.s32 $0xC9A00, s6;
	s1 =	sadd.s32 $0xD1A00, s6;
	[dreg:$0xe] =	wrdreg s24;
	v0 =	vsel vm10, $0x44900000, v0  }
0x17: {  	vm12 =	vcmask $0x2F2C;
	s0 =	sadd.s32 $0xD9A00, s6;
	s3 =	sadd.s32 $0xE1A00, s6;
	[dreg:$0xf] =	wrdreg s25;
	v0 =	vsel vm11, $0x44A00000, v0  }
0x18: {  	vm13 =	vcmask $0x3330;
	s4 =	sadd.s32 $0xE9A00, s6;
	s5 =	sadd.s32 $0xF1A00, s6;
	[dreg:$0x10] =	wrdreg s26;
	v0 =	vsel vm12, $0x44B00000, v0  }
0x19: {  	v1 =	vlaneseq.u32;
	vm14 =	vcmask $0x3734;
	s18 =	sadd.s32 $0x69A00, s6;
	s19 =	sadd.s32 $0x71A00, s6;
	s20 =	sadd.s32 $0x79A00, s6;
	v2 =	vsel vm13, $0x44C00000, v0  }
0x1a: {  	v3 =	vmul.u32 $0x80, v1;
	vm15 =	vcmask $0x3B38;
	s21 =	sadd.s32 $0x81A00, s6;
	s22 =	sadd.s32 $0x89A00, s6;
	s23 =	sadd.s32 $0x91A00, s6;
	v1 =	vsel vm14, $0x44D00000, v2  }
0x1b: {  	s24 =	sadd.s32 $0x99A00, s6;
	s25 =	sadd.s32 $0xA1A00, s6;
	s26 =	sadd.s32 $0xA9A00, s6;
	v1 =	vsel vm15, $0x44E00000, v1  }
0x1c: {  	s6 =	sadd.s32 $0xF9A00, s6;
	s13 =	simm.s32 $0x2;
	s14 =	simm.s32 $0x0;
	v0 =	vimm.f32 $0.0e+00;
	v2 =	vor.u32 $0x7F, v3;
	v3 =	vimm.f32 $1.000000000e+00;
	[tilespmem:$0x1FFF0] =	vst v1  }
.LBB2_1:
0x1d: {  	s15 =	rddreg [dreg:$0x2];
	s16 =	simm.s32 $0xC000  }
0x1e: {  	[tilespmem:s16], [sflag:$0x3] =	stream.linear.gather [hbm4b:s15+s2], $0x100, $0x38;
	[tilespmem:$0xC980] =	vst v63  }
0x1f: {  	_ =	swait.ge [sflag:s9], $0x100  }
0x20: {  	[sflag:s9] =	ssyncset.done $0x0  }
0x21: {  	[sflag:s9] =	ssyncadd.s32 $0xFFFFFF00  }
0x22: {  	v4 =	vld [tilespmem:$0xC000]  }
0x23: {  	v5 =	vld [tilespmem:$0xC080];
	_ =	sdelay $0x4  }
0x24: {  	v5 =	vsub.f32 v5, v4;
	_ =	sdelay $0x1  }
0x25: {  	v5 =	vadd.f32 $9.999999930e-09, v5;
	_ =	sdelay $0x1  }
0x26: {  	(erf) = vrcp.f32 v5;
	_ =	sdelay $0x7  }
0x27: {  	s17 =	simm.s32 $0x8000;
	s16 =	rddreg [dreg:$0x3]  }
0x28: {  	[tilespmem:s17], [sflag:$0x3] =	stream.linear.gather [hbm4b:s16+s2], $0x4000, $0x38;
	v5 =	vpop (erf);
	[tilespmem:$0xC980] =	vst v63  }
0x29: {  	_ =	swait.ge [sflag:s9], $0x4000  }
0x2a: {  	[sflag:s9] =	ssyncset.done $0x0  }
0x2b: {  	s16 =	simm.s32 $0x8020;
	[sflag:s9] =	ssyncadd.s32 $0xFFFFC000  }
0x2c: {  	v6 =	vld [tilespmem:s16+$0xFFFFFFE0]  }
0x2d: {  	v8 =	vld [tilespmem:s16+$0x10]  }
0x2e: {  	v9 =	vld [tilespmem:s16+$0x0]  }
0x2f: {  	v5 =	vmul.f32 $1.280000000e+02, v5  }
0x30: {  	v10 =	vld [tilespmem:s16+$0xFFFFFFF0]  }
0x31: {  	s15 =	simm.s32 $0x8060;
	v11 =	vmul.f32 v6, v5  }
0x32: {  	v7 =	vld [tilespmem:s15+$0xFFFFFFE0];
	v12 =	vmul.f32 v8, v5  }
0x33: {  	v6 =	vld [tilespmem:s15+$0x10];
	[tilespmem:s16+$0xFFFFFFE0] =	vst v11;
	v11 =	vmul.f32 v9, v5  }
0x34: {  	v8 =	vld [tilespmem:s15+$0x0];
	[tilespmem:s16+$0x10] =	vst v12  }
0x35: {  	s17 =	simm.s32 $0x4;
	v10 =	vmul.f32 v10, v5;
	v9 =	vld [tilespmem:s15+$0xFFFFFFF0];
	[tilespmem:s16+$0x0] =	vst v11  }
.LBB2_2:
0x36: {  	s17 =	sadd.s32 $0x4, s17  }
0x37: {  	[tilespmem:s16+$0xFFFFFFF0] =	vst v10;
	s16 =	smov.u32 s15;
	p0 =	slt.u32 s17, $0x3FC  }
.Ltmp0:
0x38: {  	s15 =	sadd.s32 $0x40, s15;
	v10 =	vmul.f32 v7, v5;
	(pc) =	sbr.rel @p0 .LBB2_2-.Ltmp0, $4  }
0x39: {  	v7 =	vld [tilespmem:s15+$0xFFFFFFE0];
	v11 =	vmul.f32 v6, v5  }
0x3a: {  	v6 =	vld [tilespmem:s15+$0x10];
	[tilespmem:s16+$0xFFFFFFE0] =	vst v10;
	v12 =	vmul.f32 v8, v5  }
0x3b: {  	v8 =	vld [tilespmem:s15+$0x0];
	v10 =	vmul.f32 v9, v5;
	[tilespmem:s16+$0x10] =	vst v11  }
0x3c: {  	v9 =	vld [tilespmem:s15+$0xFFFFFFF0];
	[tilespmem:s16+$0x0] =	vst v12  }
0x3d: {  	_ = 	snop  }
0x3e: {  	v7 =	vmul.f32 v7, v5  }
0x3f: {  	[tilespmem:s16+$0xFFFFFFF0] =	vst v10;
	v6 =	vmul.f32 v6, v5  }
0x40: {  	[tilespmem:s15+$0xFFFFFFE0] =	vst v7;
	v7 =	vmul.f32 v8, v5  }
0x41: {  	v63 =	vmul.f32 v9, v5;
	[tilespmem:s15+$0x10] =	vst v6  }
0x42: {  	[tilespmem:s15+$0x0] =	vst v7  }
0x43: {  	s16 =	simm.s32 $0x0;
	[tilespmem:s15+$0xFFFFFFF0] =	vst v63;
	s15 =	simm.s32 $0x40  }
.LBB2_4:
0x44: {  	p0 =	sne.s32 s15, $0x1FC0;
	[tilespmem:s16+$0xC100] =	vst v0;
	s16 =	smov.u32 s15;
	s15 =	sadd.s32 $0x40, s15  }
.Ltmp1:
0x45: {  	(pc) =	sbr.rel @p0 .LBB2_4-.Ltmp1, $2  }
0x46: {  	_ =	sdelay $0x2  }
0x47: {  	s16 =	sshra.s32 s16, $0x2  }
0x48: {  	[tilespmem:s16+$0xC100] =	vst v0;
	s15 =	rddreg [dreg:$0x4]  }
0x49: {  	[tilespmem:s2], [sflag:$0x1] =	stream.linear.gather [hbm4b:s15+s2], $0x4000, $0x38;
	[tilespmem:$0xC980] =	vst v63  }
0x4a: {  	s16 =	rddreg [dreg:$0x5]  }
0x4b: {  	[tilespmem:s10], [sflag:$0x2] =	stream.linear.gather [hbm4b:s16+s2], $0x4000, $0x38;
	[tilespmem:$0xC980] =	vst v63  }
0x4c: {  	_ =	swait.ge [sflag:s11], $0x4000  }
0x4d: {  	[sflag:s11] =	ssyncset.done $0x0  }
0x4e: {  	s17 =	simm.s32 $0x40;
	v1 =	vld [tilespmem:$0x1FFF0];
	[sflag:s11] =	ssyncadd.s32 $0xFFFFC000  }
0x4f: {  	s15 =	simm.s32 $0x8040;
	v6 =	vld [tilespmem:s17+$0x30]  }
0x50: {  	v7 =	vld [tilespmem:s15+$0x30]  }
0x51: {  	v8 =	vld [tilespmem:s15+$0xFFFFFFC0]  }
0x52: {  	v9 =	vld [tilespmem:s17+$0xFFFFFFD0]  }
0x53: {  	v10 =	vld [tilespmem:s15+$0xFFFFFFD0]  }
0x54: {  	v4 =	vmul.f32 v5, v4;
	v5 =	vld [tilespmem:s17+$0xFFFFFFE0]  }
0x55: {  	v11 =	vld [tilespmem:s15+$0xFFFFFFE0]  }
0x56: {  	v12 =	vld [tilespmem:s15+$0xFFFFFFF0]  }
0x57: {  	v13 =	vld [tilespmem:s17+$0x0]  }
0x58: {  	v4 =	vsub.f32 v1, v4;
	v6 =	vmul.f32 v7, v6;
	v7 =	vld [tilespmem:s17+$0xFFFFFFF0]  }
0x59: {  	v61 =	vld [tilespmem:s17+$0xFFFFFFC0]  }
0x5a: {  	v9 =	vmul.f32 v10, v9;
	v10 =	vld [tilespmem:s15+$0x0];
	v5 =	vmul.f32 v11, v5;
	v6 =	vadd.f32 v6, v4  }
0x5b: {  	v14 =	vld [tilespmem:s15+$0x10]  }
0x5c: {  	v11 =	vld [tilespmem:s17+$0x10];
	v5 =	vadd.f32 v5, v4;
	v6 =	vtrunc.f32 v6  }
0x5d: {  	v60 =	vld [tilespmem:s17+$0x20];
	v6 =	vcvt.f32.s32 v6;
	v7 =	vmul.f32 v12, v7  }
0x5e: {  	v15 =	vld [tilespmem:s15+$0x20];
	v62 =	vmul.f32 v8, v61;
	v9 =	vadd.f32 v9, v4;
	v5 =	vtrunc.f32 v5  }
0x5f: {  	v10 =	vmul.f32 v10, v13;
	vm0 =	vlt.s32 v6, v2;
	v7 =	vadd.f32 v7, v4  }
0x60: {  	v9 =	vtrunc.f32 v9;
	v16 =	vcvt.f32.s32 v5;
	v6 =	vsel vm0, v6, v2  }
0x61: {  	v5 =	vtrunc.f32 v7;
	v7 =	vadd.f32 v10, v4;
	v10 =	vmul.f32 v14, v11  }
0x62: {  	v9 =	vcvt.f32.s32 v9;
	vm1 =	vlt.s32 v16, v2;
	v11 =	vcvt.f32.s32 v5  }
0x63: {  	v5 =	vtrunc.f32 v7;
	v7 =	vadd.f32 v10, v4;
	v10 =	vmul.f32 v15, v60  }
0x64: {  	vm0 =	vlt.s32 v9, v2;
	vm2 =	vlt.s32 v11, v2;
	v8 =	vcvt.f32.s32 v5  }
0x65: {  	v5 =	vsel vm0, v9, v2;
	v7 =	vtrunc.f32 v7;
	v63 =	vadd.f32 v10, v4  }
0x66: {  	v10 =	vadd.f32 v62, v4;
	[tilespmem:v6+s12+$0x0] =	vst.idx.add.f32.msk $0xffff, v3;
	v6 =	vsel vm2, v11, v2;
	v9 =	vcvt.f32.s32 v7  }
0x67: {  	s16 =	simm.s32 $0x0;
	s17 =	simm.s32 $0xC0;
	vm0 =	vlt.s32 v8, v2;
	v7 =	vsel vm1, v16, v2;
	v11 =	vtrunc.f32 v63  }
.LBB2_6:
0x68: {  	v12 =	vld [tilespmem:s17+$0x30];
	v10 =	vtrunc.f32 v10;
	vm1 =	vlt.s32 v9, v2;
	v11 =	vcvt.f32.s32 v11;
	s15 =	sadd.s32 $0x80, s15  }
0x69: {  	s16 =	sadd.s32 $0x8, s16;
	v14 =	vsel vm0, v8, v2;
	v13 =	vld [tilespmem:s15+$0x30];
	v10 =	vcvt.f32.s32 v10;
	v15 =	vsel vm1, v9, v2  }
0x6a: {  	p0 =	slt.u32 s16, $0x3F8;
	v8 =	vld [tilespmem:s15+$0xFFFFFFC0];
	vm0 =	vlt.s32 v11, v2  }
0x6b: {  	v9 =	vld [tilespmem:s17+$0xFFFFFFD0];
	vm1 =	vlt.s32 v10, v2;
	v16 =	vsel vm0, v11, v2  }
0x6c: {  	v11 =	vld [tilespmem:s15+$0xFFFFFFD0];
	v10 =	vsel vm1, v10, v2  }
0x6d: {  	v17 =	vld [tilespmem:s17+$0xFFFFFFE0]  }
0x6e: {  	v18 =	vld [tilespmem:s15+$0xFFFFFFE0];
	v12 =	vmul.f32 v13, v12  }
0x6f: {  	v13 =	vld [tilespmem:s17+$0xFFFFFFF0]  }
0x70: {  	v19 =	vld [tilespmem:s15+$0xFFFFFFF0];
	v12 =	vadd.f32 v12, v4  }
0x71: {  	v9 =	vmul.f32 v11, v9;
	v11 =	vld [tilespmem:s17+$0x0]  }
0x72: {  	v20 =	vld [tilespmem:s15+$0x0];
	v12 =	vtrunc.f32 v12  }
0x73: {  	v9 =	vadd.f32 v9, v4;
	v17 =	vmul.f32 v18, v17;
	v18 =	vld [tilespmem:s17+$0x10];
	v12 =	vcvt.f32.s32 v12  }
0x74: {  	v21 =	vld [tilespmem:s15+$0x10]  }
0x75: {  	v17 =	vadd.f32 v17, v4;
	v13 =	vmul.f32 v19, v13;
	v19 =	vld [tilespmem:s17+$0x20];
	vm0 =	vlt.s32 v12, v2  }
0x76: {  	v9 =	vtrunc.f32 v9;
	v22 =	vld [tilespmem:s15+$0x20];
	v12 =	vsel vm0, v12, v2  }
0x77: {  	v23 =	vld [tilespmem:s17+$0xFFFFFFC0];
	v17 =	vtrunc.f32 v17;
	v13 =	vadd.f32 v13, v4;
	v11 =	vmul.f32 v20, v11  }
0x78: {  	v9 =	vcvt.f32.s32 v9;
	v17 =	vcvt.f32.s32 v17;
	[tilespmem:v10+s12+$0x0] =	vst.idx.add.f32.msk $0xffff, v3  }
0x79: {  	v10 =	vtrunc.f32 v13;
	v11 =	vadd.f32 v11, v4;
	v13 =	vmul.f32 v21, v18;
	[tilespmem:v5+s12+$0x0] =	vst.idx.add.f32.msk $0xffff, v3  }
0x7a: {  	vm0 =	vlt.s32 v9, v2;
	vm1 =	vlt.s32 v17, v2;
	v18 =	vcvt.f32.s32 v10;
	[tilespmem:v7+s12+$0x0] =	vst.idx.add.f32.msk $0xffff, v3  }
.Ltmp2:
0x7b: {  	v5 =	vtrunc.f32 v11;
	v7 =	vadd.f32 v13, v4;
	v10 =	vmul.f32 v22, v19;
	[tilespmem:v12+s12+$0x0] =	vst.idx.add.f32.msk $0xffff, v3;
	(pc) =	sbr.rel @p0 .LBB2_6-.Ltmp2, $4  }
0x7c: {  	v11 =	vmul.f32 v8, v23;
	vm2 =	vlt.s32 v18, v2;
	v8 =	vcvt.f32.s32 v5;
	[tilespmem:v6+s12+$0x0] =	vst.idx.add.f32.msk $0xffff, v3  }
0x7d: {  	v5 =	vsel vm0, v9, v2;
	v6 =	vtrunc.f32 v7;
	v12 =	vadd.f32 v10, v4;
	[tilespmem:v14+s12+$0x0] =	vst.idx.add.f32.msk $0xffff, v3  }
0x7e: {  	v10 =	vadd.f32 v11, v4;
	vm0 =	vlt.s32 v8, v2;
	v9 =	vcvt.f32.s32 v6;
	[tilespmem:v15+s12+$0x0] =	vst.idx.add.f32.msk $0xffff, v3  }
0x7f: {  	s17 =	sadd.s32 $0x80, s17;
	v7 =	vsel vm1, v17, v2;
	v6 =	vsel vm2, v18, v2;
	v11 =	vtrunc.f32 v12;
	[tilespmem:v16+s12+$0x0] =	vst.idx.add.f32.msk $0xffff, v3  }
0x80: {  	v10 =	vtrunc.f32 v10  }
0x81: {  	v10 =	vcvt.f32.s32 v10;
	_ =	sdelay $0x1  }
0x82: {  	vm1 =	vlt.s32 v10, v2  }
0x83: {  	v10 =	vsel vm1, v10, v2;
	_ =	sdelay $0x1  }
0x84: {  	v11 =	vcvt.f32.s32 v11  }
0x85: {  	v8 =	vsel vm0, v8, v2;
	vm1 =	vlt.s32 v9, v2  }
0x86: {  	[tilespmem:v5+s12+$0x0] =	vst.idx.add.f32.msk $0xffff, v3;
	vm0 =	vlt.s32 v11, v2;
	v9 =	vsel vm1, v9, v2  }
0x87: {  	[tilespmem:v10+s12+$0x0] =	vst.idx.add.f32.msk $0xffff, v3;
	v10 =	vsel vm0, v11, v2  }
0x88: {  	[tilespmem:v7+s12+$0x0] =	vst.idx.add.f32.msk $0xffff, v3  }
0x89: {  	[tilespmem:v6+s12+$0x0] =	vst.idx.add.f32.msk $0xffff, v3  }
0x8a: {  	[tilespmem:v8+s12+$0x0] =	vst.idx.add.f32.msk $0xffff, v3  }
0x8b: {  	[tilespmem:v9+s12+$0x0] =	vst.idx.add.f32.msk $0xffff, v3  }
0x8c: {  	[tilespmem:v10+s12+$0x0] =	vst.idx.add.f32.msk $0xffff, v3  }
0x8d: {  	s15 =	rddreg [dreg:$0x6]  }
0x8e: {  	[tilespmem:s2], [sflag:$0x1] =	stream.linear.gather [hbm4b:s15+s2], $0x4000, $0x38;
	[tilespmem:$0xC980] =	vst v63  }
0x8f: {  	_ =	swait.ge [sflag:s13], $0x4000  }
0x90: {  	[sflag:s13] =	ssyncset.done $0x0  }
0x91: {  	s16 =	simm.s32 $0x4040;
	[sflag:s13] =	ssyncadd.s32 $0xFFFFC000  }
0x92: {  	s15 =	simm.s32 $0x8040;
	v5 =	vld [tilespmem:s16+$0x30]  }
0x93: {  	v6 =	vld [tilespmem:s15+$0x30]  }
0x94: {  	v7 =	vld [tilespmem:s15+$0xFFFFFFC0]  }
0x95: {  	v8 =	vld [tilespmem:s16+$0xFFFFFFD0]  }
0x96: {  	v9 =	vld [tilespmem:s15+$0xFFFFFFD0]  }
0x97: {  	v10 =	vld [tilespmem:s16+$0xFFFFFFE0]  }
0x98: {  	v11 =	vld [tilespmem:s15+$0xFFFFFFE0]  }
0x99: {  	v12 =	vld [tilespmem:s15+$0xFFFFFFF0]  }
0x9a: {  	v13 =	vld [tilespmem:s16+$0x0]  }
0x9b: {  	v14 =	vld [tilespmem:s15+$0x10]  }
0x9c: {  	v63 =	vld [tilespmem:s16+$0xFFFFFFC0]  }
0x9d: {  	v62 =	vld [tilespmem:s16+$0x20];
	v5 =	vmul.f32 v6, v5  }
0x9e: {  	v6 =	vld [tilespmem:s16+$0xFFFFFFF0];
	v8 =	vmul.f32 v9, v8  }
0x9f: {  	v9 =	vld [tilespmem:s15+$0x0];
	v10 =	vmul.f32 v11, v10;
	v5 =	vadd.f32 v5, v4  }
0xa0: {  	v15 =	vld [tilespmem:s15+$0x20];
	v8 =	vadd.f32 v8, v4  }
0xa1: {  	v11 =	vld [tilespmem:s16+$0x10];
	v7 =	vmul.f32 v7, v63;
	v10 =	vadd.f32 v10, v4;
	v5 =	vtrunc.f32 v5  }
0xa2: {  	v8 =	vtrunc.f32 v8;
	v5 =	vcvt.f32.s32 v5  }
0xa3: {  	v10 =	vtrunc.f32 v10;
	v6 =	vmul.f32 v12, v6  }
0xa4: {  	v9 =	vmul.f32 v9, v13;
	v17 =	vcvt.f32.s32 v10;
	vm0 =	vlt.s32 v5, v2  }
0xa5: {  	v10 =	vmul.f32 v15, v62;
	v6 =	vadd.f32 v6, v4;
	v16 =	vsel vm0, v5, v2  }
0xa6: {  	v5 =	vcvt.f32.s32 v8;
	v8 =	vadd.f32 v9, v4;
	v9 =	vmul.f32 v14, v11  }
0xa7: {  	vm1 =	vlt.s32 v17, v2;
	v11 =	vadd.f32 v10, v4  }
0xa8: {  	v10 =	vadd.f32 v7, v4;
	v6 =	vtrunc.f32 v6;
	v9 =	vadd.f32 v9, v4  }
0xa9: {  	v7 =	vsel vm1, v17, v2;
	v6 =	vcvt.f32.s32 v6;
	v8 =	vtrunc.f32 v8  }
0xaa: {  	vm0 =	vlt.s32 v5, v2;
	v8 =	vcvt.f32.s32 v8;
	v9 =	vtrunc.f32 v9  }
0xab: {  	v5 =	vsel vm0, v5, v2;
	vm2 =	vlt.s32 v6, v2;
	v9 =	vcvt.f32.s32 v9  }
0xac: {  	s17 =	simm.s32 $0x40C0;
	s16 =	simm.s32 $0x0;
	v11 =	vtrunc.f32 v11;
	vm0 =	vlt.s32 v8, v2;
	[tilespmem:v16+s12+$0x0] =	vst.idx.add.f32.msk $0xffff, v3;
	v6 =	vsel vm2, v6, v2  }
.LBB2_8:
0xad: {  	v12 =	vld [tilespmem:s17+$0x30];
	v10 =	vtrunc.f32 v10;
	vm1 =	vlt.s32 v9, v2;
	v11 =	vcvt.f32.s32 v11;
	s15 =	sadd.s32 $0x80, s15  }
0xae: {  	s16 =	sadd.s32 $0x8, s16;
	v14 =	vsel vm0, v8, v2;
	v13 =	vld [tilespmem:s15+$0x30];
	v10 =	vcvt.f32.s32 v10;
	v15 =	vsel vm1, v9, v2  }
0xaf: {  	p0 =	slt.u32 s16, $0x3F8;
	v8 =	vld [tilespmem:s15+$0xFFFFFFC0];
	vm0 =	vlt.s32 v11, v2  }
0xb0: {  	v9 =	vld [tilespmem:s17+$0xFFFFFFD0];
	vm1 =	vlt.s32 v10, v2;
	v16 =	vsel vm0, v11, v2  }
0xb1: {  	v11 =	vld [tilespmem:s15+$0xFFFFFFD0];
	v10 =	vsel vm1, v10, v2  }
0xb2: {  	v17 =	vld [tilespmem:s17+$0xFFFFFFE0]  }
0xb3: {  	v18 =	vld [tilespmem:s15+$0xFFFFFFE0];
	v12 =	vmul.f32 v13, v12  }
0xb4: {  	v13 =	vld [tilespmem:s17+$0xFFFFFFF0]  }
0xb5: {  	v19 =	vld [tilespmem:s15+$0xFFFFFFF0];
	v12 =	vadd.f32 v12, v4  }
0xb6: {  	v9 =	vmul.f32 v11, v9;
	v11 =	vld [tilespmem:s17+$0x0]  }
0xb7: {  	v20 =	vld [tilespmem:s15+$0x0];
	v12 =	vtrunc.f32 v12  }
0xb8: {  	v9 =	vadd.f32 v9, v4;
	v17 =	vmul.f32 v18, v17;
	v18 =	vld [tilespmem:s17+$0x10];
	v12 =	vcvt.f32.s32 v12  }
0xb9: {  	v21 =	vld [tilespmem:s15+$0x10]  }
0xba: {  	v17 =	vadd.f32 v17, v4;
	v13 =	vmul.f32 v19, v13;
	v19 =	vld [tilespmem:s17+$0x20];
	vm0 =	vlt.s32 v12, v2  }
0xbb: {  	v9 =	vtrunc.f32 v9;
	v22 =	vld [tilespmem:s15+$0x20];
	v12 =	vsel vm0, v12, v2  }
0xbc: {  	v23 =	vld [tilespmem:s17+$0xFFFFFFC0];
	v17 =	vtrunc.f32 v17;
	v13 =	vadd.f32 v13, v4;
	v11 =	vmul.f32 v20, v11  }
0xbd: {  	v9 =	vcvt.f32.s32 v9;
	v17 =	vcvt.f32.s32 v17;
	[tilespmem:v10+s12+$0x0] =	vst.idx.add.f32.msk $0xffff, v3  }
0xbe: {  	v10 =	vtrunc.f32 v13;
	v11 =	vadd.f32 v11, v4;
	v13 =	vmul.f32 v21, v18;
	[tilespmem:v5+s12+$0x0] =	vst.idx.add.f32.msk $0xffff, v3  }
0xbf: {  	vm0 =	vlt.s32 v9, v2;
	vm1 =	vlt.s32 v17, v2;
	v18 =	vcvt.f32.s32 v10;
	[tilespmem:v7+s12+$0x0] =	vst.idx.add.f32.msk $0xffff, v3  }
.Ltmp3:
0xc0: {  	v5 =	vtrunc.f32 v11;
	v7 =	vadd.f32 v13, v4;
	v10 =	vmul.f32 v22, v19;
	[tilespmem:v12+s12+$0x0] =	vst.idx.add.f32.msk $0xffff, v3;
	(pc) =	sbr.rel @p0 .LBB2_8-.Ltmp3, $4  }
0xc1: {  	v11 =	vmul.f32 v8, v23;
	vm2 =	vlt.s32 v18, v2;
	v8 =	vcvt.f32.s32 v5;
	[tilespmem:v6+s12+$0x0] =	vst.idx.add.f32.msk $0xffff, v3  }
0xc2: {  	v5 =	vsel vm0, v9, v2;
	v6 =	vtrunc.f32 v7;
	v12 =	vadd.f32 v10, v4;
	[tilespmem:v14+s12+$0x0] =	vst.idx.add.f32.msk $0xffff, v3  }
0xc3: {  	v10 =	vadd.f32 v11, v4;
	vm0 =	vlt.s32 v8, v2;
	v9 =	vcvt.f32.s32 v6;
	[tilespmem:v15+s12+$0x0] =	vst.idx.add.f32.msk $0xffff, v3  }
0xc4: {  	s17 =	sadd.s32 $0x80, s17;
	v7 =	vsel vm1, v17, v2;
	v6 =	vsel vm2, v18, v2;
	v11 =	vtrunc.f32 v12;
	[tilespmem:v16+s12+$0x0] =	vst.idx.add.f32.msk $0xffff, v3  }
0xc5: {  	v10 =	vtrunc.f32 v10  }
0xc6: {  	v10 =	vcvt.f32.s32 v10;
	_ =	sdelay $0x1  }
0xc7: {  	vm1 =	vlt.s32 v10, v2  }
0xc8: {  	v10 =	vsel vm1, v10, v2;
	_ =	sdelay $0x1  }
0xc9: {  	v11 =	vcvt.f32.s32 v11  }
0xca: {  	v8 =	vsel vm0, v8, v2;
	vm1 =	vlt.s32 v9, v2  }
0xcb: {  	[tilespmem:v5+s12+$0x0] =	vst.idx.add.f32.msk $0xffff, v3;
	vm0 =	vlt.s32 v11, v2;
	v9 =	vsel vm1, v9, v2  }
0xcc: {  	[tilespmem:v10+s12+$0x0] =	vst.idx.add.f32.msk $0xffff, v3;
	v10 =	vsel vm0, v11, v2  }
0xcd: {  	[tilespmem:v7+s12+$0x0] =	vst.idx.add.f32.msk $0xffff, v3  }
0xce: {  	[tilespmem:v6+s12+$0x0] =	vst.idx.add.f32.msk $0xffff, v3  }
0xcf: {  	[tilespmem:v8+s12+$0x0] =	vst.idx.add.f32.msk $0xffff, v3  }
0xd0: {  	[tilespmem:v9+s12+$0x0] =	vst.idx.add.f32.msk $0xffff, v3  }
0xd1: {  	[tilespmem:v10+s12+$0x0] =	vst.idx.add.f32.msk $0xffff, v3  }
0xd2: {  	s15 =	rddreg [dreg:$0x7]  }
0xd3: {  	[tilespmem:s10], [sflag:$0x2] =	stream.linear.gather [hbm4b:s15+s2], $0x4000, $0x38;
	[tilespmem:$0xC980] =	vst v63  }
0xd4: {  	_ =	swait.ge [sflag:s11], $0x4000  }
0xd5: {  	[sflag:s11] =	ssyncset.done $0x0  }
0xd6: {  	s16 =	simm.s32 $0x40;
	[sflag:s11] =	ssyncadd.s32 $0xFFFFC000  }
0xd7: {  	s15 =	simm.s32 $0x8040;
	v5 =	vld [tilespmem:s16+$0x30]  }
0xd8: {  	v6 =	vld [tilespmem:s15+$0x30]  }
0xd9: {  	v7 =	vld [tilespmem:s15+$0xFFFFFFC0]  }
0xda: {  	v8 =	vld [tilespmem:s16+$0xFFFFFFD0]  }
0xdb: {  	v9 =	vld [tilespmem:s15+$0xFFFFFFD0]  }
0xdc: {  	v10 =	vld [tilespmem:s16+$0xFFFFFFE0]  }
0xdd: {  	v11 =	vld [tilespmem:s15+$0xFFFFFFE0]  }
0xde: {  	v12 =	vld [tilespmem:s15+$0xFFFFFFF0]  }
0xdf: {  	v13 =	vld [tilespmem:s16+$0x0]  }
0xe0: {  	v14 =	vld [tilespmem:s15+$0x10]  }
0xe1: {  	v63 =	vld [tilespmem:s16+$0xFFFFFFC0]  }
0xe2: {  	v62 =	vld [tilespmem:s16+$0x20];
	v5 =	vmul.f32 v6, v5  }
0xe3: {  	v6 =	vld [tilespmem:s16+$0xFFFFFFF0];
	v8 =	vmul.f32 v9, v8  }
0xe4: {  	v9 =	vld [tilespmem:s15+$0x0];
	v10 =	vmul.f32 v11, v10;
	v5 =	vadd.f32 v5, v4  }
0xe5: {  	v15 =	vld [tilespmem:s15+$0x20];
	v8 =	vadd.f32 v8, v4  }
0xe6: {  	v11 =	vld [tilespmem:s16+$0x10];
	v7 =	vmul.f32 v7, v63;
	v10 =	vadd.f32 v10, v4;
	v5 =	vtrunc.f32 v5  }
0xe7: {  	v8 =	vtrunc.f32 v8;
	v5 =	vcvt.f32.s32 v5  }
0xe8: {  	v10 =	vtrunc.f32 v10;
	v6 =	vmul.f32 v12, v6  }
0xe9: {  	v9 =	vmul.f32 v9, v13;
	v17 =	vcvt.f32.s32 v10;
	vm0 =	vlt.s32 v5, v2  }
0xea: {  	v10 =	vmul.f32 v15, v62;
	v6 =	vadd.f32 v6, v4;
	v16 =	vsel vm0, v5, v2  }
0xeb: {  	v5 =	vcvt.f32.s32 v8;
	v8 =	vadd.f32 v9, v4;
	v9 =	vmul.f32 v14, v11  }
0xec: {  	vm1 =	vlt.s32 v17, v2;
	v11 =	vadd.f32 v10, v4  }
0xed: {  	v10 =	vadd.f32 v7, v4;
	v6 =	vtrunc.f32 v6;
	v9 =	vadd.f32 v9, v4  }
0xee: {  	v7 =	vsel vm1, v17, v2;
	v6 =	vcvt.f32.s32 v6;
	v8 =	vtrunc.f32 v8  }
0xef: {  	vm0 =	vlt.s32 v5, v2;
	v8 =	vcvt.f32.s32 v8;
	v9 =	vtrunc.f32 v9  }
0xf0: {  	v5 =	vsel vm0, v5, v2;
	vm2 =	vlt.s32 v6, v2;
	v9 =	vcvt.f32.s32 v9  }
0xf1: {  	s17 =	simm.s32 $0xC0;
	s16 =	simm.s32 $0x0;
	v11 =	vtrunc.f32 v11;
	vm0 =	vlt.s32 v8, v2;
	[tilespmem:v16+s12+$0x0] =	vst.idx.add.f32.msk $0xffff, v3;
	v6 =	vsel vm2, v6, v2  }
.LBB2_10:
0xf2: {  	v12 =	vld [tilespmem:s17+$0x30];
	v10 =	vtrunc.f32 v10;
	vm1 =	vlt.s32 v9, v2;
	v11 =	vcvt.f32.s32 v11;
	s15 =	sadd.s32 $0x80, s15  }
0xf3: {  	s16 =	sadd.s32 $0x8, s16;
	v14 =	vsel vm0, v8, v2;
	v13 =	vld [tilespmem:s15+$0x30];
	v10 =	vcvt.f32.s32 v10;
	v15 =	vsel vm1, v9, v2  }
0xf4: {  	p0 =	slt.u32 s16, $0x3F8;
	v8 =	vld [tilespmem:s15+$0xFFFFFFC0];
	vm0 =	vlt.s32 v11, v2  }
0xf5: {  	v9 =	vld [tilespmem:s17+$0xFFFFFFD0];
	vm1 =	vlt.s32 v10, v2;
	v16 =	vsel vm0, v11, v2  }
0xf6: {  	v11 =	vld [tilespmem:s15+$0xFFFFFFD0];
	v10 =	vsel vm1, v10, v2  }
0xf7: {  	v17 =	vld [tilespmem:s17+$0xFFFFFFE0]  }
0xf8: {  	v18 =	vld [tilespmem:s15+$0xFFFFFFE0];
	v12 =	vmul.f32 v13, v12  }
0xf9: {  	v13 =	vld [tilespmem:s17+$0xFFFFFFF0]  }
0xfa: {  	v19 =	vld [tilespmem:s15+$0xFFFFFFF0];
	v12 =	vadd.f32 v12, v4  }
0xfb: {  	v9 =	vmul.f32 v11, v9;
	v11 =	vld [tilespmem:s17+$0x0]  }
0xfc: {  	v20 =	vld [tilespmem:s15+$0x0];
	v12 =	vtrunc.f32 v12  }
0xfd: {  	v9 =	vadd.f32 v9, v4;
	v17 =	vmul.f32 v18, v17;
	v18 =	vld [tilespmem:s17+$0x10];
	v12 =	vcvt.f32.s32 v12  }
0xfe: {  	v21 =	vld [tilespmem:s15+$0x10]  }
0xff: {  	v17 =	vadd.f32 v17, v4;
	v13 =	vmul.f32 v19, v13;
	v19 =	vld [tilespmem:s17+$0x20];
	vm0 =	vlt.s32 v12, v2  }
0x100: {  	v9 =	vtrunc.f32 v9;
	v22 =	vld [tilespmem:s15+$0x20];
	v12 =	vsel vm0, v12, v2  }
0x101: {  	v23 =	vld [tilespmem:s17+$0xFFFFFFC0];
	v17 =	vtrunc.f32 v17;
	v13 =	vadd.f32 v13, v4;
	v11 =	vmul.f32 v20, v11  }
0x102: {  	v9 =	vcvt.f32.s32 v9;
	v17 =	vcvt.f32.s32 v17;
	[tilespmem:v10+s12+$0x0] =	vst.idx.add.f32.msk $0xffff, v3  }
0x103: {  	v10 =	vtrunc.f32 v13;
	v11 =	vadd.f32 v11, v4;
	v13 =	vmul.f32 v21, v18;
	[tilespmem:v5+s12+$0x0] =	vst.idx.add.f32.msk $0xffff, v3  }
0x104: {  	vm0 =	vlt.s32 v9, v2;
	vm1 =	vlt.s32 v17, v2;
	v18 =	vcvt.f32.s32 v10;
	[tilespmem:v7+s12+$0x0] =	vst.idx.add.f32.msk $0xffff, v3  }
.Ltmp4:
0x105: {  	v5 =	vtrunc.f32 v11;
	v7 =	vadd.f32 v13, v4;
	v10 =	vmul.f32 v22, v19;
	[tilespmem:v12+s12+$0x0] =	vst.idx.add.f32.msk $0xffff, v3;
	(pc) =	sbr.rel @p0 .LBB2_10-.Ltmp4, $4  }
0x106: {  	v11 =	vmul.f32 v8, v23;
	vm2 =	vlt.s32 v18, v2;
	v8 =	vcvt.f32.s32 v5;
	[tilespmem:v6+s12+$0x0] =	vst.idx.add.f32.msk $0xffff, v3  }
0x107: {  	v5 =	vsel vm0, v9, v2;
	v6 =	vtrunc.f32 v7;
	v12 =	vadd.f32 v10, v4;
	[tilespmem:v14+s12+$0x0] =	vst.idx.add.f32.msk $0xffff, v3  }
0x108: {  	v10 =	vadd.f32 v11, v4;
	vm0 =	vlt.s32 v8, v2;
	v9 =	vcvt.f32.s32 v6;
	[tilespmem:v15+s12+$0x0] =	vst.idx.add.f32.msk $0xffff, v3  }
0x109: {  	s17 =	sadd.s32 $0x80, s17;
	v7 =	vsel vm1, v17, v2;
	v6 =	vsel vm2, v18, v2;
	v11 =	vtrunc.f32 v12;
	[tilespmem:v16+s12+$0x0] =	vst.idx.add.f32.msk $0xffff, v3  }
0x10a: {  	v10 =	vtrunc.f32 v10  }
0x10b: {  	v10 =	vcvt.f32.s32 v10;
	_ =	sdelay $0x1  }
0x10c: {  	vm1 =	vlt.s32 v10, v2  }
0x10d: {  	v10 =	vsel vm1, v10, v2;
	_ =	sdelay $0x1  }
0x10e: {  	v11 =	vcvt.f32.s32 v11  }
0x10f: {  	v8 =	vsel vm0, v8, v2;
	vm1 =	vlt.s32 v9, v2  }
0x110: {  	[tilespmem:v5+s12+$0x0] =	vst.idx.add.f32.msk $0xffff, v3;
	vm0 =	vlt.s32 v11, v2;
	v9 =	vsel vm1, v9, v2  }
0x111: {  	[tilespmem:v10+s12+$0x0] =	vst.idx.add.f32.msk $0xffff, v3;
	v10 =	vsel vm0, v11, v2  }
0x112: {  	[tilespmem:v7+s12+$0x0] =	vst.idx.add.f32.msk $0xffff, v3  }
0x113: {  	[tilespmem:v6+s12+$0x0] =	vst.idx.add.f32.msk $0xffff, v3  }
0x114: {  	[tilespmem:v8+s12+$0x0] =	vst.idx.add.f32.msk $0xffff, v3  }
0x115: {  	[tilespmem:v9+s12+$0x0] =	vst.idx.add.f32.msk $0xffff, v3  }
0x116: {  	[tilespmem:v10+s12+$0x0] =	vst.idx.add.f32.msk $0xffff, v3  }
0x117: {  	s15 =	rddreg [dreg:$0x8]  }
0x118: {  	[tilespmem:s2], [sflag:$0x1] =	stream.linear.gather [hbm4b:s15+s2], $0x4000, $0x38;
	[tilespmem:$0xC980] =	vst v63  }
0x119: {  	_ =	swait.ge [sflag:s13], $0x4000  }
0x11a: {  	[sflag:s13] =	ssyncset.done $0x0  }
0x11b: {  	s16 =	simm.s32 $0x4040;
	[sflag:s13] =	ssyncadd.s32 $0xFFFFC000  }
0x11c: {  	s15 =	simm.s32 $0x8040;
	v5 =	vld [tilespmem:s16+$0x30]  }
0x11d: {  	v6 =	vld [tilespmem:s15+$0x30]  }
0x11e: {  	v7 =	vld [tilespmem:s15+$0xFFFFFFC0]  }
0x11f: {  	v8 =	vld [tilespmem:s16+$0xFFFFFFD0]  }
0x120: {  	v9 =	vld [tilespmem:s15+$0xFFFFFFD0]  }
0x121: {  	v10 =	vld [tilespmem:s16+$0xFFFFFFE0]  }
0x122: {  	v11 =	vld [tilespmem:s15+$0xFFFFFFE0]  }
0x123: {  	v12 =	vld [tilespmem:s15+$0xFFFFFFF0]  }
0x124: {  	v13 =	vld [tilespmem:s16+$0x0]  }
0x125: {  	v14 =	vld [tilespmem:s15+$0x10]  }
0x126: {  	v63 =	vld [tilespmem:s16+$0xFFFFFFC0]  }
0x127: {  	v62 =	vld [tilespmem:s16+$0x20];
	v5 =	vmul.f32 v6, v5  }
0x128: {  	v6 =	vld [tilespmem:s16+$0xFFFFFFF0];
	v8 =	vmul.f32 v9, v8  }
0x129: {  	v9 =	vld [tilespmem:s15+$0x0];
	v10 =	vmul.f32 v11, v10;
	v5 =	vadd.f32 v5, v4  }
0x12a: {  	v15 =	vld [tilespmem:s15+$0x20];
	v8 =	vadd.f32 v8, v4  }
0x12b: {  	v11 =	vld [tilespmem:s16+$0x10];
	v7 =	vmul.f32 v7, v63;
	v10 =	vadd.f32 v10, v4;
	v5 =	vtrunc.f32 v5  }
0x12c: {  	v8 =	vtrunc.f32 v8;
	v5 =	vcvt.f32.s32 v5  }
0x12d: {  	v10 =	vtrunc.f32 v10;
	v6 =	vmul.f32 v12, v6  }
0x12e: {  	v9 =	vmul.f32 v9, v13;
	v17 =	vcvt.f32.s32 v10;
	vm0 =	vlt.s32 v5, v2  }
0x12f: {  	v10 =	vmul.f32 v15, v62;
	v6 =	vadd.f32 v6, v4;
	v16 =	vsel vm0, v5, v2  }
0x130: {  	v5 =	vcvt.f32.s32 v8;
	v8 =	vadd.f32 v9, v4;
	v9 =	vmul.f32 v14, v11  }
0x131: {  	vm1 =	vlt.s32 v17, v2;
	v11 =	vadd.f32 v10, v4  }
0x132: {  	v10 =	vadd.f32 v7, v4;
	v6 =	vtrunc.f32 v6;
	v9 =	vadd.f32 v9, v4  }
0x133: {  	v7 =	vsel vm1, v17, v2;
	v6 =	vcvt.f32.s32 v6;
	v8 =	vtrunc.f32 v8  }
0x134: {  	vm0 =	vlt.s32 v5, v2;
	v8 =	vcvt.f32.s32 v8;
	v9 =	vtrunc.f32 v9  }
0x135: {  	v5 =	vsel vm0, v5, v2;
	vm2 =	vlt.s32 v6, v2;
	v9 =	vcvt.f32.s32 v9  }
0x136: {  	s17 =	simm.s32 $0x40C0;
	s16 =	simm.s32 $0x0;
	v11 =	vtrunc.f32 v11;
	vm0 =	vlt.s32 v8, v2;
	[tilespmem:v16+s12+$0x0] =	vst.idx.add.f32.msk $0xffff, v3;
	v6 =	vsel vm2, v6, v2  }
.LBB2_12:
0x137: {  	v12 =	vld [tilespmem:s17+$0x30];
	v10 =	vtrunc.f32 v10;
	vm1 =	vlt.s32 v9, v2;
	v11 =	vcvt.f32.s32 v11;
	s15 =	sadd.s32 $0x80, s15  }
0x138: {  	s16 =	sadd.s32 $0x8, s16;
	v14 =	vsel vm0, v8, v2;
	v13 =	vld [tilespmem:s15+$0x30];
	v10 =	vcvt.f32.s32 v10;
	v15 =	vsel vm1, v9, v2  }
0x139: {  	p0 =	slt.u32 s16, $0x3F8;
	v8 =	vld [tilespmem:s15+$0xFFFFFFC0];
	vm0 =	vlt.s32 v11, v2  }
0x13a: {  	v9 =	vld [tilespmem:s17+$0xFFFFFFD0];
	vm1 =	vlt.s32 v10, v2;
	v16 =	vsel vm0, v11, v2  }
0x13b: {  	v11 =	vld [tilespmem:s15+$0xFFFFFFD0];
	v10 =	vsel vm1, v10, v2  }
0x13c: {  	v17 =	vld [tilespmem:s17+$0xFFFFFFE0]  }
0x13d: {  	v18 =	vld [tilespmem:s15+$0xFFFFFFE0];
	v12 =	vmul.f32 v13, v12  }
0x13e: {  	v13 =	vld [tilespmem:s17+$0xFFFFFFF0]  }
0x13f: {  	v19 =	vld [tilespmem:s15+$0xFFFFFFF0];
	v12 =	vadd.f32 v12, v4  }
0x140: {  	v9 =	vmul.f32 v11, v9;
	v11 =	vld [tilespmem:s17+$0x0]  }
0x141: {  	v20 =	vld [tilespmem:s15+$0x0];
	v12 =	vtrunc.f32 v12  }
0x142: {  	v9 =	vadd.f32 v9, v4;
	v17 =	vmul.f32 v18, v17;
	v18 =	vld [tilespmem:s17+$0x10];
	v12 =	vcvt.f32.s32 v12  }
0x143: {  	v21 =	vld [tilespmem:s15+$0x10]  }
0x144: {  	v17 =	vadd.f32 v17, v4;
	v13 =	vmul.f32 v19, v13;
	v19 =	vld [tilespmem:s17+$0x20];
	vm0 =	vlt.s32 v12, v2  }
0x145: {  	v9 =	vtrunc.f32 v9;
	v22 =	vld [tilespmem:s15+$0x20];
	v12 =	vsel vm0, v12, v2  }
0x146: {  	v23 =	vld [tilespmem:s17+$0xFFFFFFC0];
	v17 =	vtrunc.f32 v17;
	v13 =	vadd.f32 v13, v4;
	v11 =	vmul.f32 v20, v11  }
0x147: {  	v9 =	vcvt.f32.s32 v9;
	v17 =	vcvt.f32.s32 v17;
	[tilespmem:v10+s12+$0x0] =	vst.idx.add.f32.msk $0xffff, v3  }
0x148: {  	v10 =	vtrunc.f32 v13;
	v11 =	vadd.f32 v11, v4;
	v13 =	vmul.f32 v21, v18;
	[tilespmem:v5+s12+$0x0] =	vst.idx.add.f32.msk $0xffff, v3  }
0x149: {  	vm0 =	vlt.s32 v9, v2;
	vm1 =	vlt.s32 v17, v2;
	v18 =	vcvt.f32.s32 v10;
	[tilespmem:v7+s12+$0x0] =	vst.idx.add.f32.msk $0xffff, v3  }
.Ltmp5:
0x14a: {  	v5 =	vtrunc.f32 v11;
	v7 =	vadd.f32 v13, v4;
	v10 =	vmul.f32 v22, v19;
	[tilespmem:v12+s12+$0x0] =	vst.idx.add.f32.msk $0xffff, v3;
	(pc) =	sbr.rel @p0 .LBB2_12-.Ltmp5, $4  }
0x14b: {  	v11 =	vmul.f32 v8, v23;
	vm2 =	vlt.s32 v18, v2;
	v8 =	vcvt.f32.s32 v5;
	[tilespmem:v6+s12+$0x0] =	vst.idx.add.f32.msk $0xffff, v3  }
0x14c: {  	v5 =	vsel vm0, v9, v2;
	v6 =	vtrunc.f32 v7;
	v12 =	vadd.f32 v10, v4;
	[tilespmem:v14+s12+$0x0] =	vst.idx.add.f32.msk $0xffff, v3  }
0x14d: {  	v10 =	vadd.f32 v11, v4;
	vm0 =	vlt.s32 v8, v2;
	v9 =	vcvt.f32.s32 v6;
	[tilespmem:v15+s12+$0x0] =	vst.idx.add.f32.msk $0xffff, v3  }
0x14e: {  	s17 =	sadd.s32 $0x80, s17;
	v7 =	vsel vm1, v17, v2;
	v6 =	vsel vm2, v18, v2;
	v11 =	vtrunc.f32 v12;
	[tilespmem:v16+s12+$0x0] =	vst.idx.add.f32.msk $0xffff, v3  }
0x14f: {  	v10 =	vtrunc.f32 v10  }
0x150: {  	v10 =	vcvt.f32.s32 v10;
	_ =	sdelay $0x1  }
0x151: {  	vm1 =	vlt.s32 v10, v2  }
0x152: {  	v10 =	vsel vm1, v10, v2;
	_ =	sdelay $0x1  }
0x153: {  	v11 =	vcvt.f32.s32 v11  }
0x154: {  	v8 =	vsel vm0, v8, v2;
	vm1 =	vlt.s32 v9, v2  }
0x155: {  	[tilespmem:v5+s12+$0x0] =	vst.idx.add.f32.msk $0xffff, v3;
	vm0 =	vlt.s32 v11, v2;
	v9 =	vsel vm1, v9, v2  }
0x156: {  	[tilespmem:v10+s12+$0x0] =	vst.idx.add.f32.msk $0xffff, v3;
	v10 =	vsel vm0, v11, v2  }
0x157: {  	[tilespmem:v7+s12+$0x0] =	vst.idx.add.f32.msk $0xffff, v3  }
0x158: {  	[tilespmem:v6+s12+$0x0] =	vst.idx.add.f32.msk $0xffff, v3  }
0x159: {  	[tilespmem:v8+s12+$0x0] =	vst.idx.add.f32.msk $0xffff, v3  }
0x15a: {  	[tilespmem:v9+s12+$0x0] =	vst.idx.add.f32.msk $0xffff, v3  }
0x15b: {  	[tilespmem:v10+s12+$0x0] =	vst.idx.add.f32.msk $0xffff, v3  }
0x15c: {  	s15 =	rddreg [dreg:$0x9]  }
0x15d: {  	[tilespmem:s10], [sflag:$0x2] =	stream.linear.gather [hbm4b:s15+s2], $0x4000, $0x38;
	[tilespmem:$0xC980] =	vst v63  }
0x15e: {  	_ =	swait.ge [sflag:s11], $0x4000  }
0x15f: {  	[sflag:s11] =	ssyncset.done $0x0  }
0x160: {  	s16 =	simm.s32 $0x40;
	[sflag:s11] =	ssyncadd.s32 $0xFFFFC000  }
0x161: {  	s15 =	simm.s32 $0x8040;
	v5 =	vld [tilespmem:s16+$0x30]  }
0x162: {  	v6 =	vld [tilespmem:s15+$0x30]  }
0x163: {  	v7 =	vld [tilespmem:s15+$0xFFFFFFC0]  }
0x164: {  	v8 =	vld [tilespmem:s16+$0xFFFFFFD0]  }
0x165: {  	v9 =	vld [tilespmem:s15+$0xFFFFFFD0]  }
0x166: {  	v10 =	vld [tilespmem:s16+$0xFFFFFFE0]  }
0x167: {  	v11 =	vld [tilespmem:s15+$0xFFFFFFE0]  }
0x168: {  	v12 =	vld [tilespmem:s15+$0xFFFFFFF0]  }
0x169: {  	v13 =	vld [tilespmem:s16+$0x0]  }
0x16a: {  	v14 =	vld [tilespmem:s15+$0x10]  }
0x16b: {  	v63 =	vld [tilespmem:s16+$0xFFFFFFC0]  }
0x16c: {  	v62 =	vld [tilespmem:s16+$0x20];
	v5 =	vmul.f32 v6, v5  }
0x16d: {  	v6 =	vld [tilespmem:s16+$0xFFFFFFF0];
	v8 =	vmul.f32 v9, v8  }
0x16e: {  	v9 =	vld [tilespmem:s15+$0x0];
	v10 =	vmul.f32 v11, v10;
	v5 =	vadd.f32 v5, v4  }
0x16f: {  	v15 =	vld [tilespmem:s15+$0x20];
	v8 =	vadd.f32 v8, v4  }
0x170: {  	v11 =	vld [tilespmem:s16+$0x10];
	v7 =	vmul.f32 v7, v63;
	v10 =	vadd.f32 v10, v4;
	v5 =	vtrunc.f32 v5  }
0x171: {  	v8 =	vtrunc.f32 v8;
	v5 =	vcvt.f32.s32 v5  }
0x172: {  	v10 =	vtrunc.f32 v10;
	v6 =	vmul.f32 v12, v6  }
0x173: {  	v9 =	vmul.f32 v9, v13;
	v17 =	vcvt.f32.s32 v10;
	vm0 =	vlt.s32 v5, v2  }
0x174: {  	v10 =	vmul.f32 v15, v62;
	v6 =	vadd.f32 v6, v4;
	v16 =	vsel vm0, v5, v2  }
0x175: {  	v5 =	vcvt.f32.s32 v8;
	v8 =	vadd.f32 v9, v4;
	v9 =	vmul.f32 v14, v11  }
0x176: {  	vm1 =	vlt.s32 v17, v2;
	v11 =	vadd.f32 v10, v4  }
0x177: {  	v10 =	vadd.f32 v7, v4;
	v6 =	vtrunc.f32 v6;
	v9 =	vadd.f32 v9, v4  }
0x178: {  	v7 =	vsel vm1, v17, v2;
	v6 =	vcvt.f32.s32 v6;
	v8 =	vtrunc.f32 v8  }
0x179: {  	vm0 =	vlt.s32 v5, v2;
	v8 =	vcvt.f32.s32 v8;
	v9 =	vtrunc.f32 v9  }
0x17a: {  	v5 =	vsel vm0, v5, v2;
	vm2 =	vlt.s32 v6, v2;
	v9 =	vcvt.f32.s32 v9  }
0x17b: {  	s17 =	simm.s32 $0xC0;
	s16 =	simm.s32 $0x0;
	v11 =	vtrunc.f32 v11;
	vm0 =	vlt.s32 v8, v2;
	[tilespmem:v16+s12+$0x0] =	vst.idx.add.f32.msk $0xffff, v3;
	v6 =	vsel vm2, v6, v2  }
.LBB2_14:
0x17c: {  	v12 =	vld [tilespmem:s17+$0x30];
	v10 =	vtrunc.f32 v10;
	vm1 =	vlt.s32 v9, v2;
	v11 =	vcvt.f32.s32 v11;
	s15 =	sadd.s32 $0x80, s15  }
0x17d: {  	s16 =	sadd.s32 $0x8, s16;
	v14 =	vsel vm0, v8, v2;
	v13 =	vld [tilespmem:s15+$0x30];
	v10 =	vcvt.f32.s32 v10;
	v15 =	vsel vm1, v9, v2  }
0x17e: {  	p0 =	slt.u32 s16, $0x3F8;
	v8 =	vld [tilespmem:s15+$0xFFFFFFC0];
	vm0 =	vlt.s32 v11, v2  }
0x17f: {  	v9 =	vld [tilespmem:s17+$0xFFFFFFD0];
	vm1 =	vlt.s32 v10, v2;
	v16 =	vsel vm0, v11, v2  }
0x180: {  	v11 =	vld [tilespmem:s15+$0xFFFFFFD0];
	v10 =	vsel vm1, v10, v2  }
0x181: {  	v17 =	vld [tilespmem:s17+$0xFFFFFFE0]  }
0x182: {  	v18 =	vld [tilespmem:s15+$0xFFFFFFE0];
	v12 =	vmul.f32 v13, v12  }
0x183: {  	v13 =	vld [tilespmem:s17+$0xFFFFFFF0]  }
0x184: {  	v19 =	vld [tilespmem:s15+$0xFFFFFFF0];
	v12 =	vadd.f32 v12, v4  }
0x185: {  	v9 =	vmul.f32 v11, v9;
	v11 =	vld [tilespmem:s17+$0x0]  }
0x186: {  	v20 =	vld [tilespmem:s15+$0x0];
	v12 =	vtrunc.f32 v12  }
0x187: {  	v9 =	vadd.f32 v9, v4;
	v17 =	vmul.f32 v18, v17;
	v18 =	vld [tilespmem:s17+$0x10];
	v12 =	vcvt.f32.s32 v12  }
0x188: {  	v21 =	vld [tilespmem:s15+$0x10]  }
0x189: {  	v17 =	vadd.f32 v17, v4;
	v13 =	vmul.f32 v19, v13;
	v19 =	vld [tilespmem:s17+$0x20];
	vm0 =	vlt.s32 v12, v2  }
0x18a: {  	v9 =	vtrunc.f32 v9;
	v22 =	vld [tilespmem:s15+$0x20];
	v12 =	vsel vm0, v12, v2  }
0x18b: {  	v23 =	vld [tilespmem:s17+$0xFFFFFFC0];
	v17 =	vtrunc.f32 v17;
	v13 =	vadd.f32 v13, v4;
	v11 =	vmul.f32 v20, v11  }
0x18c: {  	v9 =	vcvt.f32.s32 v9;
	v17 =	vcvt.f32.s32 v17;
	[tilespmem:v10+s12+$0x0] =	vst.idx.add.f32.msk $0xffff, v3  }
0x18d: {  	v10 =	vtrunc.f32 v13;
	v11 =	vadd.f32 v11, v4;
	v13 =	vmul.f32 v21, v18;
	[tilespmem:v5+s12+$0x0] =	vst.idx.add.f32.msk $0xffff, v3  }
0x18e: {  	vm0 =	vlt.s32 v9, v2;
	vm1 =	vlt.s32 v17, v2;
	v18 =	vcvt.f32.s32 v10;
	[tilespmem:v7+s12+$0x0] =	vst.idx.add.f32.msk $0xffff, v3  }
.Ltmp6:
0x18f: {  	v5 =	vtrunc.f32 v11;
	v7 =	vadd.f32 v13, v4;
	v10 =	vmul.f32 v22, v19;
	[tilespmem:v12+s12+$0x0] =	vst.idx.add.f32.msk $0xffff, v3;
	(pc) =	sbr.rel @p0 .LBB2_14-.Ltmp6, $4  }
0x190: {  	v11 =	vmul.f32 v8, v23;
	vm2 =	vlt.s32 v18, v2;
	v8 =	vcvt.f32.s32 v5;
	[tilespmem:v6+s12+$0x0] =	vst.idx.add.f32.msk $0xffff, v3  }
0x191: {  	v5 =	vsel vm0, v9, v2;
	v6 =	vtrunc.f32 v7;
	v12 =	vadd.f32 v10, v4;
	[tilespmem:v14+s12+$0x0] =	vst.idx.add.f32.msk $0xffff, v3  }
0x192: {  	v10 =	vadd.f32 v11, v4;
	vm0 =	vlt.s32 v8, v2;
	v9 =	vcvt.f32.s32 v6;
	[tilespmem:v15+s12+$0x0] =	vst.idx.add.f32.msk $0xffff, v3  }
0x193: {  	s17 =	sadd.s32 $0x80, s17;
	v7 =	vsel vm1, v17, v2;
	v6 =	vsel vm2, v18, v2;
	v11 =	vtrunc.f32 v12;
	[tilespmem:v16+s12+$0x0] =	vst.idx.add.f32.msk $0xffff, v3  }
0x194: {  	v10 =	vtrunc.f32 v10  }
0x195: {  	v10 =	vcvt.f32.s32 v10;
	_ =	sdelay $0x1  }
0x196: {  	vm1 =	vlt.s32 v10, v2  }
0x197: {  	v10 =	vsel vm1, v10, v2;
	_ =	sdelay $0x1  }
0x198: {  	v11 =	vcvt.f32.s32 v11  }
0x199: {  	v8 =	vsel vm0, v8, v2;
	vm1 =	vlt.s32 v9, v2  }
0x19a: {  	[tilespmem:v5+s12+$0x0] =	vst.idx.add.f32.msk $0xffff, v3;
	vm0 =	vlt.s32 v11, v2;
	v9 =	vsel vm1, v9, v2  }
0x19b: {  	[tilespmem:v10+s12+$0x0] =	vst.idx.add.f32.msk $0xffff, v3;
	v10 =	vsel vm0, v11, v2  }
0x19c: {  	[tilespmem:v7+s12+$0x0] =	vst.idx.add.f32.msk $0xffff, v3  }
0x19d: {  	[tilespmem:v6+s12+$0x0] =	vst.idx.add.f32.msk $0xffff, v3  }
0x19e: {  	[tilespmem:v8+s12+$0x0] =	vst.idx.add.f32.msk $0xffff, v3  }
0x19f: {  	[tilespmem:v9+s12+$0x0] =	vst.idx.add.f32.msk $0xffff, v3  }
0x1a0: {  	[tilespmem:v10+s12+$0x0] =	vst.idx.add.f32.msk $0xffff, v3  }
0x1a1: {  	s15 =	rddreg [dreg:$0xa]  }
0x1a2: {  	[tilespmem:s2], [sflag:$0x1] =	stream.linear.gather [hbm4b:s15+s2], $0x4000, $0x38;
	[tilespmem:$0xC980] =	vst v63  }
0x1a3: {  	_ =	swait.ge [sflag:s13], $0x4000  }
0x1a4: {  	[sflag:s13] =	ssyncset.done $0x0  }
0x1a5: {  	s16 =	simm.s32 $0x4040;
	[sflag:s13] =	ssyncadd.s32 $0xFFFFC000  }
0x1a6: {  	s15 =	simm.s32 $0x8040;
	v5 =	vld [tilespmem:s16+$0x30]  }
0x1a7: {  	v6 =	vld [tilespmem:s15+$0x30]  }
0x1a8: {  	v7 =	vld [tilespmem:s15+$0xFFFFFFC0]  }
0x1a9: {  	v8 =	vld [tilespmem:s16+$0xFFFFFFD0]  }
0x1aa: {  	v9 =	vld [tilespmem:s15+$0xFFFFFFD0]  }
0x1ab: {  	v10 =	vld [tilespmem:s16+$0xFFFFFFE0]  }
0x1ac: {  	v11 =	vld [tilespmem:s15+$0xFFFFFFE0]  }
0x1ad: {  	v12 =	vld [tilespmem:s15+$0xFFFFFFF0]  }
0x1ae: {  	v13 =	vld [tilespmem:s16+$0x0]  }
0x1af: {  	v14 =	vld [tilespmem:s15+$0x10]  }
0x1b0: {  	v63 =	vld [tilespmem:s16+$0xFFFFFFC0]  }
0x1b1: {  	v62 =	vld [tilespmem:s16+$0x20];
	v5 =	vmul.f32 v6, v5  }
0x1b2: {  	v6 =	vld [tilespmem:s16+$0xFFFFFFF0];
	v8 =	vmul.f32 v9, v8  }
0x1b3: {  	v9 =	vld [tilespmem:s15+$0x0];
	v10 =	vmul.f32 v11, v10;
	v5 =	vadd.f32 v5, v4  }
0x1b4: {  	v15 =	vld [tilespmem:s15+$0x20];
	v8 =	vadd.f32 v8, v4  }
0x1b5: {  	v11 =	vld [tilespmem:s16+$0x10];
	v7 =	vmul.f32 v7, v63;
	v10 =	vadd.f32 v10, v4;
	v5 =	vtrunc.f32 v5  }
0x1b6: {  	v8 =	vtrunc.f32 v8;
	v5 =	vcvt.f32.s32 v5  }
0x1b7: {  	v10 =	vtrunc.f32 v10;
	v6 =	vmul.f32 v12, v6  }
0x1b8: {  	v9 =	vmul.f32 v9, v13;
	v17 =	vcvt.f32.s32 v10;
	vm0 =	vlt.s32 v5, v2  }
0x1b9: {  	v10 =	vmul.f32 v15, v62;
	v6 =	vadd.f32 v6, v4;
	v16 =	vsel vm0, v5, v2  }
0x1ba: {  	v5 =	vcvt.f32.s32 v8;
	v8 =	vadd.f32 v9, v4;
	v9 =	vmul.f32 v14, v11  }
0x1bb: {  	vm1 =	vlt.s32 v17, v2;
	v11 =	vadd.f32 v10, v4  }
0x1bc: {  	v10 =	vadd.f32 v7, v4;
	v6 =	vtrunc.f32 v6;
	v9 =	vadd.f32 v9, v4  }
0x1bd: {  	v7 =	vsel vm1, v17, v2;
	v6 =	vcvt.f32.s32 v6;
	v8 =	vtrunc.f32 v8  }
0x1be: {  	vm0 =	vlt.s32 v5, v2;
	v8 =	vcvt.f32.s32 v8;
	v9 =	vtrunc.f32 v9  }
0x1bf: {  	v5 =	vsel vm0, v5, v2;
	vm2 =	vlt.s32 v6, v2;
	v9 =	vcvt.f32.s32 v9  }
0x1c0: {  	s17 =	simm.s32 $0x40C0;
	s16 =	simm.s32 $0x0;
	v11 =	vtrunc.f32 v11;
	vm0 =	vlt.s32 v8, v2;
	[tilespmem:v16+s12+$0x0] =	vst.idx.add.f32.msk $0xffff, v3;
	v6 =	vsel vm2, v6, v2  }
.LBB2_16:
0x1c1: {  	v12 =	vld [tilespmem:s17+$0x30];
	v10 =	vtrunc.f32 v10;
	vm1 =	vlt.s32 v9, v2;
	v11 =	vcvt.f32.s32 v11;
	s15 =	sadd.s32 $0x80, s15  }
0x1c2: {  	s16 =	sadd.s32 $0x8, s16;
	v14 =	vsel vm0, v8, v2;
	v13 =	vld [tilespmem:s15+$0x30];
	v10 =	vcvt.f32.s32 v10;
	v15 =	vsel vm1, v9, v2  }
0x1c3: {  	p0 =	slt.u32 s16, $0x3F8;
	v8 =	vld [tilespmem:s15+$0xFFFFFFC0];
	vm0 =	vlt.s32 v11, v2  }
0x1c4: {  	v9 =	vld [tilespmem:s17+$0xFFFFFFD0];
	vm1 =	vlt.s32 v10, v2;
	v16 =	vsel vm0, v11, v2  }
0x1c5: {  	v11 =	vld [tilespmem:s15+$0xFFFFFFD0];
	v10 =	vsel vm1, v10, v2  }
0x1c6: {  	v17 =	vld [tilespmem:s17+$0xFFFFFFE0]  }
0x1c7: {  	v18 =	vld [tilespmem:s15+$0xFFFFFFE0];
	v12 =	vmul.f32 v13, v12  }
0x1c8: {  	v13 =	vld [tilespmem:s17+$0xFFFFFFF0]  }
0x1c9: {  	v19 =	vld [tilespmem:s15+$0xFFFFFFF0];
	v12 =	vadd.f32 v12, v4  }
0x1ca: {  	v9 =	vmul.f32 v11, v9;
	v11 =	vld [tilespmem:s17+$0x0]  }
0x1cb: {  	v20 =	vld [tilespmem:s15+$0x0];
	v12 =	vtrunc.f32 v12  }
0x1cc: {  	v9 =	vadd.f32 v9, v4;
	v17 =	vmul.f32 v18, v17;
	v18 =	vld [tilespmem:s17+$0x10];
	v12 =	vcvt.f32.s32 v12  }
0x1cd: {  	v21 =	vld [tilespmem:s15+$0x10]  }
0x1ce: {  	v17 =	vadd.f32 v17, v4;
	v13 =	vmul.f32 v19, v13;
	v19 =	vld [tilespmem:s17+$0x20];
	vm0 =	vlt.s32 v12, v2  }
0x1cf: {  	v9 =	vtrunc.f32 v9;
	v22 =	vld [tilespmem:s15+$0x20];
	v12 =	vsel vm0, v12, v2  }
0x1d0: {  	v23 =	vld [tilespmem:s17+$0xFFFFFFC0];
	v17 =	vtrunc.f32 v17;
	v13 =	vadd.f32 v13, v4;
	v11 =	vmul.f32 v20, v11  }
0x1d1: {  	v9 =	vcvt.f32.s32 v9;
	v17 =	vcvt.f32.s32 v17;
	[tilespmem:v10+s12+$0x0] =	vst.idx.add.f32.msk $0xffff, v3  }
0x1d2: {  	v10 =	vtrunc.f32 v13;
	v11 =	vadd.f32 v11, v4;
	v13 =	vmul.f32 v21, v18;
	[tilespmem:v5+s12+$0x0] =	vst.idx.add.f32.msk $0xffff, v3  }
0x1d3: {  	vm0 =	vlt.s32 v9, v2;
	vm1 =	vlt.s32 v17, v2;
	v18 =	vcvt.f32.s32 v10;
	[tilespmem:v7+s12+$0x0] =	vst.idx.add.f32.msk $0xffff, v3  }
.Ltmp7:
0x1d4: {  	v5 =	vtrunc.f32 v11;
	v7 =	vadd.f32 v13, v4;
	v10 =	vmul.f32 v22, v19;
	[tilespmem:v12+s12+$0x0] =	vst.idx.add.f32.msk $0xffff, v3;
	(pc) =	sbr.rel @p0 .LBB2_16-.Ltmp7, $4  }
0x1d5: {  	v11 =	vmul.f32 v8, v23;
	vm2 =	vlt.s32 v18, v2;
	v8 =	vcvt.f32.s32 v5;
	[tilespmem:v6+s12+$0x0] =	vst.idx.add.f32.msk $0xffff, v3  }
0x1d6: {  	v5 =	vsel vm0, v9, v2;
	v6 =	vtrunc.f32 v7;
	v12 =	vadd.f32 v10, v4;
	[tilespmem:v14+s12+$0x0] =	vst.idx.add.f32.msk $0xffff, v3  }
0x1d7: {  	v10 =	vadd.f32 v11, v4;
	vm0 =	vlt.s32 v8, v2;
	v9 =	vcvt.f32.s32 v6;
	[tilespmem:v15+s12+$0x0] =	vst.idx.add.f32.msk $0xffff, v3  }
0x1d8: {  	s17 =	sadd.s32 $0x80, s17;
	v7 =	vsel vm1, v17, v2;
	v6 =	vsel vm2, v18, v2;
	v11 =	vtrunc.f32 v12;
	[tilespmem:v16+s12+$0x0] =	vst.idx.add.f32.msk $0xffff, v3  }
0x1d9: {  	v10 =	vtrunc.f32 v10  }
0x1da: {  	v10 =	vcvt.f32.s32 v10;
	_ =	sdelay $0x1  }
0x1db: {  	vm1 =	vlt.s32 v10, v2  }
0x1dc: {  	v10 =	vsel vm1, v10, v2;
	_ =	sdelay $0x1  }
0x1dd: {  	v11 =	vcvt.f32.s32 v11  }
0x1de: {  	v8 =	vsel vm0, v8, v2;
	vm1 =	vlt.s32 v9, v2  }
0x1df: {  	[tilespmem:v5+s12+$0x0] =	vst.idx.add.f32.msk $0xffff, v3;
	vm0 =	vlt.s32 v11, v2;
	v9 =	vsel vm1, v9, v2  }
0x1e0: {  	[tilespmem:v10+s12+$0x0] =	vst.idx.add.f32.msk $0xffff, v3;
	v10 =	vsel vm0, v11, v2  }
0x1e1: {  	[tilespmem:v7+s12+$0x0] =	vst.idx.add.f32.msk $0xffff, v3  }
0x1e2: {  	[tilespmem:v6+s12+$0x0] =	vst.idx.add.f32.msk $0xffff, v3  }
0x1e3: {  	[tilespmem:v8+s12+$0x0] =	vst.idx.add.f32.msk $0xffff, v3  }
0x1e4: {  	[tilespmem:v9+s12+$0x0] =	vst.idx.add.f32.msk $0xffff, v3  }
0x1e5: {  	[tilespmem:v10+s12+$0x0] =	vst.idx.add.f32.msk $0xffff, v3  }
0x1e6: {  	s15 =	rddreg [dreg:$0xb]  }
0x1e7: {  	[tilespmem:s10], [sflag:$0x2] =	stream.linear.gather [hbm4b:s15+s2], $0x4000, $0x38;
	[tilespmem:$0xC980] =	vst v63  }
0x1e8: {  	_ =	swait.ge [sflag:s11], $0x4000  }
0x1e9: {  	[sflag:s11] =	ssyncset.done $0x0  }
0x1ea: {  	s16 =	simm.s32 $0x40;
	[sflag:s11] =	ssyncadd.s32 $0xFFFFC000  }
0x1eb: {  	s15 =	simm.s32 $0x8040;
	v5 =	vld [tilespmem:s16+$0x30]  }
0x1ec: {  	v6 =	vld [tilespmem:s15+$0x30]  }
0x1ed: {  	v7 =	vld [tilespmem:s15+$0xFFFFFFC0]  }
0x1ee: {  	v8 =	vld [tilespmem:s16+$0xFFFFFFD0]  }
0x1ef: {  	v9 =	vld [tilespmem:s15+$0xFFFFFFD0]  }
0x1f0: {  	v10 =	vld [tilespmem:s16+$0xFFFFFFE0]  }
0x1f1: {  	v11 =	vld [tilespmem:s15+$0xFFFFFFE0]  }
0x1f2: {  	v12 =	vld [tilespmem:s15+$0xFFFFFFF0]  }
0x1f3: {  	v13 =	vld [tilespmem:s16+$0x0]  }
0x1f4: {  	v14 =	vld [tilespmem:s15+$0x10]  }
0x1f5: {  	v63 =	vld [tilespmem:s16+$0xFFFFFFC0]  }
0x1f6: {  	v62 =	vld [tilespmem:s16+$0x20];
	v5 =	vmul.f32 v6, v5  }
0x1f7: {  	v6 =	vld [tilespmem:s16+$0xFFFFFFF0];
	v8 =	vmul.f32 v9, v8  }
0x1f8: {  	v9 =	vld [tilespmem:s15+$0x0];
	v10 =	vmul.f32 v11, v10;
	v5 =	vadd.f32 v5, v4  }
0x1f9: {  	v15 =	vld [tilespmem:s15+$0x20];
	v8 =	vadd.f32 v8, v4  }
0x1fa: {  	v11 =	vld [tilespmem:s16+$0x10];
	v7 =	vmul.f32 v7, v63;
	v10 =	vadd.f32 v10, v4;
	v5 =	vtrunc.f32 v5  }
0x1fb: {  	v8 =	vtrunc.f32 v8;
	v5 =	vcvt.f32.s32 v5  }
0x1fc: {  	v10 =	vtrunc.f32 v10;
	v6 =	vmul.f32 v12, v6  }
0x1fd: {  	v9 =	vmul.f32 v9, v13;
	v17 =	vcvt.f32.s32 v10;
	vm0 =	vlt.s32 v5, v2  }
0x1fe: {  	v10 =	vmul.f32 v15, v62;
	v6 =	vadd.f32 v6, v4;
	v16 =	vsel vm0, v5, v2  }
0x1ff: {  	v5 =	vcvt.f32.s32 v8;
	v8 =	vadd.f32 v9, v4;
	v9 =	vmul.f32 v14, v11  }
0x200: {  	vm1 =	vlt.s32 v17, v2;
	v11 =	vadd.f32 v10, v4  }
0x201: {  	v10 =	vadd.f32 v7, v4;
	v6 =	vtrunc.f32 v6;
	v9 =	vadd.f32 v9, v4  }
0x202: {  	v7 =	vsel vm1, v17, v2;
	v6 =	vcvt.f32.s32 v6;
	v8 =	vtrunc.f32 v8  }
0x203: {  	vm0 =	vlt.s32 v5, v2;
	v8 =	vcvt.f32.s32 v8;
	v9 =	vtrunc.f32 v9  }
0x204: {  	v5 =	vsel vm0, v5, v2;
	vm2 =	vlt.s32 v6, v2;
	v9 =	vcvt.f32.s32 v9  }
0x205: {  	s17 =	simm.s32 $0xC0;
	s16 =	simm.s32 $0x0;
	v11 =	vtrunc.f32 v11;
	vm0 =	vlt.s32 v8, v2;
	[tilespmem:v16+s12+$0x0] =	vst.idx.add.f32.msk $0xffff, v3;
	v6 =	vsel vm2, v6, v2  }
.LBB2_18:
0x206: {  	v12 =	vld [tilespmem:s17+$0x30];
	v10 =	vtrunc.f32 v10;
	vm1 =	vlt.s32 v9, v2;
	v11 =	vcvt.f32.s32 v11;
	s15 =	sadd.s32 $0x80, s15  }
0x207: {  	s16 =	sadd.s32 $0x8, s16;
	v14 =	vsel vm0, v8, v2;
	v13 =	vld [tilespmem:s15+$0x30];
	v10 =	vcvt.f32.s32 v10;
	v15 =	vsel vm1, v9, v2  }
0x208: {  	p0 =	slt.u32 s16, $0x3F8;
	v8 =	vld [tilespmem:s15+$0xFFFFFFC0];
	vm0 =	vlt.s32 v11, v2  }
0x209: {  	v9 =	vld [tilespmem:s17+$0xFFFFFFD0];
	vm1 =	vlt.s32 v10, v2;
	v16 =	vsel vm0, v11, v2  }
0x20a: {  	v11 =	vld [tilespmem:s15+$0xFFFFFFD0];
	v10 =	vsel vm1, v10, v2  }
0x20b: {  	v17 =	vld [tilespmem:s17+$0xFFFFFFE0]  }
0x20c: {  	v18 =	vld [tilespmem:s15+$0xFFFFFFE0];
	v12 =	vmul.f32 v13, v12  }
0x20d: {  	v13 =	vld [tilespmem:s17+$0xFFFFFFF0]  }
0x20e: {  	v19 =	vld [tilespmem:s15+$0xFFFFFFF0];
	v12 =	vadd.f32 v12, v4  }
0x20f: {  	v9 =	vmul.f32 v11, v9;
	v11 =	vld [tilespmem:s17+$0x0]  }
0x210: {  	v20 =	vld [tilespmem:s15+$0x0];
	v12 =	vtrunc.f32 v12  }
0x211: {  	v9 =	vadd.f32 v9, v4;
	v17 =	vmul.f32 v18, v17;
	v18 =	vld [tilespmem:s17+$0x10];
	v12 =	vcvt.f32.s32 v12  }
0x212: {  	v21 =	vld [tilespmem:s15+$0x10]  }
0x213: {  	v17 =	vadd.f32 v17, v4;
	v13 =	vmul.f32 v19, v13;
	v19 =	vld [tilespmem:s17+$0x20];
	vm0 =	vlt.s32 v12, v2  }
0x214: {  	v9 =	vtrunc.f32 v9;
	v22 =	vld [tilespmem:s15+$0x20];
	v12 =	vsel vm0, v12, v2  }
0x215: {  	v23 =	vld [tilespmem:s17+$0xFFFFFFC0];
	v17 =	vtrunc.f32 v17;
	v13 =	vadd.f32 v13, v4;
	v11 =	vmul.f32 v20, v11  }
0x216: {  	v9 =	vcvt.f32.s32 v9;
	v17 =	vcvt.f32.s32 v17;
	[tilespmem:v10+s12+$0x0] =	vst.idx.add.f32.msk $0xffff, v3  }
0x217: {  	v10 =	vtrunc.f32 v13;
	v11 =	vadd.f32 v11, v4;
	v13 =	vmul.f32 v21, v18;
	[tilespmem:v5+s12+$0x0] =	vst.idx.add.f32.msk $0xffff, v3  }
0x218: {  	vm0 =	vlt.s32 v9, v2;
	vm1 =	vlt.s32 v17, v2;
	v18 =	vcvt.f32.s32 v10;
	[tilespmem:v7+s12+$0x0] =	vst.idx.add.f32.msk $0xffff, v3  }
.Ltmp8:
0x219: {  	v5 =	vtrunc.f32 v11;
	v7 =	vadd.f32 v13, v4;
	v10 =	vmul.f32 v22, v19;
	[tilespmem:v12+s12+$0x0] =	vst.idx.add.f32.msk $0xffff, v3;
	(pc) =	sbr.rel @p0 .LBB2_18-.Ltmp8, $4  }
0x21a: {  	v11 =	vmul.f32 v8, v23;
	vm2 =	vlt.s32 v18, v2;
	v8 =	vcvt.f32.s32 v5;
	[tilespmem:v6+s12+$0x0] =	vst.idx.add.f32.msk $0xffff, v3  }
0x21b: {  	v5 =	vsel vm0, v9, v2;
	v6 =	vtrunc.f32 v7;
	v12 =	vadd.f32 v10, v4;
	[tilespmem:v14+s12+$0x0] =	vst.idx.add.f32.msk $0xffff, v3  }
0x21c: {  	v10 =	vadd.f32 v11, v4;
	vm0 =	vlt.s32 v8, v2;
	v9 =	vcvt.f32.s32 v6;
	[tilespmem:v15+s12+$0x0] =	vst.idx.add.f32.msk $0xffff, v3  }
0x21d: {  	s17 =	sadd.s32 $0x80, s17;
	v7 =	vsel vm1, v17, v2;
	v6 =	vsel vm2, v18, v2;
	v11 =	vtrunc.f32 v12;
	[tilespmem:v16+s12+$0x0] =	vst.idx.add.f32.msk $0xffff, v3  }
0x21e: {  	v10 =	vtrunc.f32 v10  }
0x21f: {  	v10 =	vcvt.f32.s32 v10;
	_ =	sdelay $0x1  }
0x220: {  	vm1 =	vlt.s32 v10, v2  }
0x221: {  	v10 =	vsel vm1, v10, v2;
	_ =	sdelay $0x1  }
0x222: {  	v11 =	vcvt.f32.s32 v11  }
0x223: {  	v8 =	vsel vm0, v8, v2;
	vm1 =	vlt.s32 v9, v2  }
0x224: {  	[tilespmem:v5+s12+$0x0] =	vst.idx.add.f32.msk $0xffff, v3;
	vm0 =	vlt.s32 v11, v2;
	v9 =	vsel vm1, v9, v2  }
0x225: {  	[tilespmem:v10+s12+$0x0] =	vst.idx.add.f32.msk $0xffff, v3;
	v10 =	vsel vm0, v11, v2  }
0x226: {  	[tilespmem:v7+s12+$0x0] =	vst.idx.add.f32.msk $0xffff, v3  }
0x227: {  	[tilespmem:v6+s12+$0x0] =	vst.idx.add.f32.msk $0xffff, v3  }
0x228: {  	[tilespmem:v8+s12+$0x0] =	vst.idx.add.f32.msk $0xffff, v3  }
0x229: {  	[tilespmem:v9+s12+$0x0] =	vst.idx.add.f32.msk $0xffff, v3  }
0x22a: {  	[tilespmem:v10+s12+$0x0] =	vst.idx.add.f32.msk $0xffff, v3  }
0x22b: {  	s15 =	rddreg [dreg:$0xc]  }
0x22c: {  	[tilespmem:s2], [sflag:$0x1] =	stream.linear.gather [hbm4b:s15+s2], $0x4000, $0x38;
	[tilespmem:$0xC980] =	vst v63  }
0x22d: {  	_ =	swait.ge [sflag:s13], $0x4000  }
0x22e: {  	[sflag:s13] =	ssyncset.done $0x0  }
0x22f: {  	s16 =	simm.s32 $0x4040;
	[sflag:s13] =	ssyncadd.s32 $0xFFFFC000  }
0x230: {  	s15 =	simm.s32 $0x8040;
	v5 =	vld [tilespmem:s16+$0x30]  }
0x231: {  	v6 =	vld [tilespmem:s15+$0x30]  }
0x232: {  	v7 =	vld [tilespmem:s15+$0xFFFFFFC0]  }
0x233: {  	v8 =	vld [tilespmem:s16+$0xFFFFFFD0]  }
0x234: {  	v9 =	vld [tilespmem:s15+$0xFFFFFFD0]  }
0x235: {  	v10 =	vld [tilespmem:s16+$0xFFFFFFE0]  }
0x236: {  	v11 =	vld [tilespmem:s15+$0xFFFFFFE0]  }
0x237: {  	v12 =	vld [tilespmem:s15+$0xFFFFFFF0]  }
0x238: {  	v13 =	vld [tilespmem:s16+$0x0]  }
0x239: {  	v14 =	vld [tilespmem:s15+$0x10]  }
0x23a: {  	v63 =	vld [tilespmem:s16+$0xFFFFFFC0]  }
0x23b: {  	v62 =	vld [tilespmem:s16+$0x20];
	v5 =	vmul.f32 v6, v5  }
0x23c: {  	v6 =	vld [tilespmem:s16+$0xFFFFFFF0];
	v8 =	vmul.f32 v9, v8  }
0x23d: {  	v9 =	vld [tilespmem:s15+$0x0];
	v10 =	vmul.f32 v11, v10;
	v5 =	vadd.f32 v5, v4  }
0x23e: {  	v15 =	vld [tilespmem:s15+$0x20];
	v8 =	vadd.f32 v8, v4  }
0x23f: {  	v11 =	vld [tilespmem:s16+$0x10];
	v7 =	vmul.f32 v7, v63;
	v10 =	vadd.f32 v10, v4;
	v5 =	vtrunc.f32 v5  }
0x240: {  	v8 =	vtrunc.f32 v8;
	v5 =	vcvt.f32.s32 v5  }
0x241: {  	v10 =	vtrunc.f32 v10;
	v6 =	vmul.f32 v12, v6  }
0x242: {  	v9 =	vmul.f32 v9, v13;
	v17 =	vcvt.f32.s32 v10;
	vm0 =	vlt.s32 v5, v2  }
0x243: {  	v10 =	vmul.f32 v15, v62;
	v6 =	vadd.f32 v6, v4;
	v16 =	vsel vm0, v5, v2  }
0x244: {  	v5 =	vcvt.f32.s32 v8;
	v8 =	vadd.f32 v9, v4;
	v9 =	vmul.f32 v14, v11  }
0x245: {  	vm1 =	vlt.s32 v17, v2;
	v11 =	vadd.f32 v10, v4  }
0x246: {  	v10 =	vadd.f32 v7, v4;
	v6 =	vtrunc.f32 v6;
	v9 =	vadd.f32 v9, v4  }
0x247: {  	v7 =	vsel vm1, v17, v2;
	v6 =	vcvt.f32.s32 v6;
	v8 =	vtrunc.f32 v8  }
0x248: {  	vm0 =	vlt.s32 v5, v2;
	v8 =	vcvt.f32.s32 v8;
	v9 =	vtrunc.f32 v9  }
0x249: {  	v5 =	vsel vm0, v5, v2;
	vm2 =	vlt.s32 v6, v2;
	v9 =	vcvt.f32.s32 v9  }
0x24a: {  	s17 =	simm.s32 $0x40C0;
	s16 =	simm.s32 $0x0;
	v11 =	vtrunc.f32 v11;
	vm0 =	vlt.s32 v8, v2;
	[tilespmem:v16+s12+$0x0] =	vst.idx.add.f32.msk $0xffff, v3;
	v6 =	vsel vm2, v6, v2  }
.LBB2_20:
0x24b: {  	v12 =	vld [tilespmem:s17+$0x30];
	v10 =	vtrunc.f32 v10;
	vm1 =	vlt.s32 v9, v2;
	v11 =	vcvt.f32.s32 v11;
	s15 =	sadd.s32 $0x80, s15  }
0x24c: {  	s16 =	sadd.s32 $0x8, s16;
	v14 =	vsel vm0, v8, v2;
	v13 =	vld [tilespmem:s15+$0x30];
	v10 =	vcvt.f32.s32 v10;
	v15 =	vsel vm1, v9, v2  }
0x24d: {  	p0 =	slt.u32 s16, $0x3F8;
	v8 =	vld [tilespmem:s15+$0xFFFFFFC0];
	vm0 =	vlt.s32 v11, v2  }
0x24e: {  	v9 =	vld [tilespmem:s17+$0xFFFFFFD0];
	vm1 =	vlt.s32 v10, v2;
	v16 =	vsel vm0, v11, v2  }
0x24f: {  	v11 =	vld [tilespmem:s15+$0xFFFFFFD0];
	v10 =	vsel vm1, v10, v2  }
0x250: {  	v17 =	vld [tilespmem:s17+$0xFFFFFFE0]  }
0x251: {  	v18 =	vld [tilespmem:s15+$0xFFFFFFE0];
	v12 =	vmul.f32 v13, v12  }
0x252: {  	v13 =	vld [tilespmem:s17+$0xFFFFFFF0]  }
0x253: {  	v19 =	vld [tilespmem:s15+$0xFFFFFFF0];
	v12 =	vadd.f32 v12, v4  }
0x254: {  	v9 =	vmul.f32 v11, v9;
	v11 =	vld [tilespmem:s17+$0x0]  }
0x255: {  	v20 =	vld [tilespmem:s15+$0x0];
	v12 =	vtrunc.f32 v12  }
0x256: {  	v9 =	vadd.f32 v9, v4;
	v17 =	vmul.f32 v18, v17;
	v18 =	vld [tilespmem:s17+$0x10];
	v12 =	vcvt.f32.s32 v12  }
0x257: {  	v21 =	vld [tilespmem:s15+$0x10]  }
0x258: {  	v17 =	vadd.f32 v17, v4;
	v13 =	vmul.f32 v19, v13;
	v19 =	vld [tilespmem:s17+$0x20];
	vm0 =	vlt.s32 v12, v2  }
0x259: {  	v9 =	vtrunc.f32 v9;
	v22 =	vld [tilespmem:s15+$0x20];
	v12 =	vsel vm0, v12, v2  }
0x25a: {  	v23 =	vld [tilespmem:s17+$0xFFFFFFC0];
	v17 =	vtrunc.f32 v17;
	v13 =	vadd.f32 v13, v4;
	v11 =	vmul.f32 v20, v11  }
0x25b: {  	v9 =	vcvt.f32.s32 v9;
	v17 =	vcvt.f32.s32 v17;
	[tilespmem:v10+s12+$0x0] =	vst.idx.add.f32.msk $0xffff, v3  }
0x25c: {  	v10 =	vtrunc.f32 v13;
	v11 =	vadd.f32 v11, v4;
	v13 =	vmul.f32 v21, v18;
	[tilespmem:v5+s12+$0x0] =	vst.idx.add.f32.msk $0xffff, v3  }
0x25d: {  	vm0 =	vlt.s32 v9, v2;
	vm1 =	vlt.s32 v17, v2;
	v18 =	vcvt.f32.s32 v10;
	[tilespmem:v7+s12+$0x0] =	vst.idx.add.f32.msk $0xffff, v3  }
.Ltmp9:
0x25e: {  	v5 =	vtrunc.f32 v11;
	v7 =	vadd.f32 v13, v4;
	v10 =	vmul.f32 v22, v19;
	[tilespmem:v12+s12+$0x0] =	vst.idx.add.f32.msk $0xffff, v3;
	(pc) =	sbr.rel @p0 .LBB2_20-.Ltmp9, $4  }
0x25f: {  	v11 =	vmul.f32 v8, v23;
	vm2 =	vlt.s32 v18, v2;
	v8 =	vcvt.f32.s32 v5;
	[tilespmem:v6+s12+$0x0] =	vst.idx.add.f32.msk $0xffff, v3  }
0x260: {  	v5 =	vsel vm0, v9, v2;
	v6 =	vtrunc.f32 v7;
	v12 =	vadd.f32 v10, v4;
	[tilespmem:v14+s12+$0x0] =	vst.idx.add.f32.msk $0xffff, v3  }
0x261: {  	v10 =	vadd.f32 v11, v4;
	vm0 =	vlt.s32 v8, v2;
	v9 =	vcvt.f32.s32 v6;
	[tilespmem:v15+s12+$0x0] =	vst.idx.add.f32.msk $0xffff, v3  }
0x262: {  	s17 =	sadd.s32 $0x80, s17;
	v7 =	vsel vm1, v17, v2;
	v6 =	vsel vm2, v18, v2;
	v11 =	vtrunc.f32 v12;
	[tilespmem:v16+s12+$0x0] =	vst.idx.add.f32.msk $0xffff, v3  }
0x263: {  	v10 =	vtrunc.f32 v10  }
0x264: {  	v10 =	vcvt.f32.s32 v10;
	_ =	sdelay $0x1  }
0x265: {  	vm1 =	vlt.s32 v10, v2  }
0x266: {  	v10 =	vsel vm1, v10, v2;
	_ =	sdelay $0x1  }
0x267: {  	v11 =	vcvt.f32.s32 v11  }
0x268: {  	v8 =	vsel vm0, v8, v2;
	vm1 =	vlt.s32 v9, v2  }
0x269: {  	[tilespmem:v5+s12+$0x0] =	vst.idx.add.f32.msk $0xffff, v3;
	vm0 =	vlt.s32 v11, v2;
	v9 =	vsel vm1, v9, v2  }
0x26a: {  	[tilespmem:v10+s12+$0x0] =	vst.idx.add.f32.msk $0xffff, v3;
	v10 =	vsel vm0, v11, v2  }
0x26b: {  	[tilespmem:v7+s12+$0x0] =	vst.idx.add.f32.msk $0xffff, v3  }
0x26c: {  	[tilespmem:v6+s12+$0x0] =	vst.idx.add.f32.msk $0xffff, v3  }
0x26d: {  	[tilespmem:v8+s12+$0x0] =	vst.idx.add.f32.msk $0xffff, v3  }
0x26e: {  	[tilespmem:v9+s12+$0x0] =	vst.idx.add.f32.msk $0xffff, v3  }
0x26f: {  	[tilespmem:v10+s12+$0x0] =	vst.idx.add.f32.msk $0xffff, v3  }
0x270: {  	s15 =	rddreg [dreg:$0xd]  }
0x271: {  	[tilespmem:s10], [sflag:$0x2] =	stream.linear.gather [hbm4b:s15+s2], $0x4000, $0x38;
	[tilespmem:$0xC980] =	vst v63  }
0x272: {  	_ =	swait.ge [sflag:s11], $0x4000  }
0x273: {  	[sflag:s11] =	ssyncset.done $0x0  }
0x274: {  	s16 =	simm.s32 $0x40;
	[sflag:s11] =	ssyncadd.s32 $0xFFFFC000  }
0x275: {  	s15 =	simm.s32 $0x8040;
	v5 =	vld [tilespmem:s16+$0x30]  }
0x276: {  	v6 =	vld [tilespmem:s15+$0x30]  }
0x277: {  	v7 =	vld [tilespmem:s15+$0xFFFFFFC0]  }
0x278: {  	v8 =	vld [tilespmem:s16+$0xFFFFFFD0]  }
0x279: {  	v9 =	vld [tilespmem:s15+$0xFFFFFFD0]  }
0x27a: {  	v10 =	vld [tilespmem:s16+$0xFFFFFFE0]  }
0x27b: {  	v11 =	vld [tilespmem:s15+$0xFFFFFFE0]  }
0x27c: {  	v12 =	vld [tilespmem:s15+$0xFFFFFFF0]  }
0x27d: {  	v13 =	vld [tilespmem:s16+$0x0]  }
0x27e: {  	v14 =	vld [tilespmem:s15+$0x10]  }
0x27f: {  	v63 =	vld [tilespmem:s16+$0xFFFFFFC0]  }
0x280: {  	v62 =	vld [tilespmem:s16+$0x20];
	v5 =	vmul.f32 v6, v5  }
0x281: {  	v6 =	vld [tilespmem:s16+$0xFFFFFFF0];
	v8 =	vmul.f32 v9, v8  }
0x282: {  	v9 =	vld [tilespmem:s15+$0x0];
	v10 =	vmul.f32 v11, v10;
	v5 =	vadd.f32 v5, v4  }
0x283: {  	v15 =	vld [tilespmem:s15+$0x20];
	v8 =	vadd.f32 v8, v4  }
0x284: {  	v11 =	vld [tilespmem:s16+$0x10];
	v7 =	vmul.f32 v7, v63;
	v10 =	vadd.f32 v10, v4;
	v5 =	vtrunc.f32 v5  }
0x285: {  	v8 =	vtrunc.f32 v8;
	v5 =	vcvt.f32.s32 v5  }
0x286: {  	v10 =	vtrunc.f32 v10;
	v6 =	vmul.f32 v12, v6  }
0x287: {  	v9 =	vmul.f32 v9, v13;
	v17 =	vcvt.f32.s32 v10;
	vm0 =	vlt.s32 v5, v2  }
0x288: {  	v10 =	vmul.f32 v15, v62;
	v6 =	vadd.f32 v6, v4;
	v16 =	vsel vm0, v5, v2  }
0x289: {  	v5 =	vcvt.f32.s32 v8;
	v8 =	vadd.f32 v9, v4;
	v9 =	vmul.f32 v14, v11  }
0x28a: {  	vm1 =	vlt.s32 v17, v2;
	v11 =	vadd.f32 v10, v4  }
0x28b: {  	v10 =	vadd.f32 v7, v4;
	v6 =	vtrunc.f32 v6;
	v9 =	vadd.f32 v9, v4  }
0x28c: {  	v7 =	vsel vm1, v17, v2;
	v6 =	vcvt.f32.s32 v6;
	v8 =	vtrunc.f32 v8  }
0x28d: {  	vm0 =	vlt.s32 v5, v2;
	v8 =	vcvt.f32.s32 v8;
	v9 =	vtrunc.f32 v9  }
0x28e: {  	v5 =	vsel vm0, v5, v2;
	vm2 =	vlt.s32 v6, v2;
	v9 =	vcvt.f32.s32 v9  }
0x28f: {  	s17 =	simm.s32 $0xC0;
	s16 =	simm.s32 $0x0;
	v11 =	vtrunc.f32 v11;
	vm0 =	vlt.s32 v8, v2;
	[tilespmem:v16+s12+$0x0] =	vst.idx.add.f32.msk $0xffff, v3;
	v6 =	vsel vm2, v6, v2  }
.LBB2_22:
0x290: {  	v12 =	vld [tilespmem:s17+$0x30];
	v10 =	vtrunc.f32 v10;
	vm1 =	vlt.s32 v9, v2;
	v11 =	vcvt.f32.s32 v11;
	s15 =	sadd.s32 $0x80, s15  }
0x291: {  	s16 =	sadd.s32 $0x8, s16;
	v14 =	vsel vm0, v8, v2;
	v13 =	vld [tilespmem:s15+$0x30];
	v10 =	vcvt.f32.s32 v10;
	v15 =	vsel vm1, v9, v2  }
0x292: {  	p0 =	slt.u32 s16, $0x3F8;
	v8 =	vld [tilespmem:s15+$0xFFFFFFC0];
	vm0 =	vlt.s32 v11, v2  }
0x293: {  	v9 =	vld [tilespmem:s17+$0xFFFFFFD0];
	vm1 =	vlt.s32 v10, v2;
	v16 =	vsel vm0, v11, v2  }
0x294: {  	v11 =	vld [tilespmem:s15+$0xFFFFFFD0];
	v10 =	vsel vm1, v10, v2  }
0x295: {  	v17 =	vld [tilespmem:s17+$0xFFFFFFE0]  }
0x296: {  	v18 =	vld [tilespmem:s15+$0xFFFFFFE0];
	v12 =	vmul.f32 v13, v12  }
0x297: {  	v13 =	vld [tilespmem:s17+$0xFFFFFFF0]  }
0x298: {  	v19 =	vld [tilespmem:s15+$0xFFFFFFF0];
	v12 =	vadd.f32 v12, v4  }
0x299: {  	v9 =	vmul.f32 v11, v9;
	v11 =	vld [tilespmem:s17+$0x0]  }
0x29a: {  	v20 =	vld [tilespmem:s15+$0x0];
	v12 =	vtrunc.f32 v12  }
0x29b: {  	v9 =	vadd.f32 v9, v4;
	v17 =	vmul.f32 v18, v17;
	v18 =	vld [tilespmem:s17+$0x10];
	v12 =	vcvt.f32.s32 v12  }
0x29c: {  	v21 =	vld [tilespmem:s15+$0x10]  }
0x29d: {  	v17 =	vadd.f32 v17, v4;
	v13 =	vmul.f32 v19, v13;
	v19 =	vld [tilespmem:s17+$0x20];
	vm0 =	vlt.s32 v12, v2  }
0x29e: {  	v9 =	vtrunc.f32 v9;
	v22 =	vld [tilespmem:s15+$0x20];
	v12 =	vsel vm0, v12, v2  }
0x29f: {  	v23 =	vld [tilespmem:s17+$0xFFFFFFC0];
	v17 =	vtrunc.f32 v17;
	v13 =	vadd.f32 v13, v4;
	v11 =	vmul.f32 v20, v11  }
0x2a0: {  	v9 =	vcvt.f32.s32 v9;
	v17 =	vcvt.f32.s32 v17;
	[tilespmem:v10+s12+$0x0] =	vst.idx.add.f32.msk $0xffff, v3  }
0x2a1: {  	v10 =	vtrunc.f32 v13;
	v11 =	vadd.f32 v11, v4;
	v13 =	vmul.f32 v21, v18;
	[tilespmem:v5+s12+$0x0] =	vst.idx.add.f32.msk $0xffff, v3  }
0x2a2: {  	vm0 =	vlt.s32 v9, v2;
	vm1 =	vlt.s32 v17, v2;
	v18 =	vcvt.f32.s32 v10;
	[tilespmem:v7+s12+$0x0] =	vst.idx.add.f32.msk $0xffff, v3  }
.Ltmp10:
0x2a3: {  	v5 =	vtrunc.f32 v11;
	v7 =	vadd.f32 v13, v4;
	v10 =	vmul.f32 v22, v19;
	[tilespmem:v12+s12+$0x0] =	vst.idx.add.f32.msk $0xffff, v3;
	(pc) =	sbr.rel @p0 .LBB2_22-.Ltmp10, $4  }
0x2a4: {  	v11 =	vmul.f32 v8, v23;
	vm2 =	vlt.s32 v18, v2;
	v8 =	vcvt.f32.s32 v5;
	[tilespmem:v6+s12+$0x0] =	vst.idx.add.f32.msk $0xffff, v3  }
0x2a5: {  	v5 =	vsel vm0, v9, v2;
	v6 =	vtrunc.f32 v7;
	v12 =	vadd.f32 v10, v4;
	[tilespmem:v14+s12+$0x0] =	vst.idx.add.f32.msk $0xffff, v3  }
0x2a6: {  	v10 =	vadd.f32 v11, v4;
	vm0 =	vlt.s32 v8, v2;
	v9 =	vcvt.f32.s32 v6;
	[tilespmem:v15+s12+$0x0] =	vst.idx.add.f32.msk $0xffff, v3  }
0x2a7: {  	s17 =	sadd.s32 $0x80, s17;
	v7 =	vsel vm1, v17, v2;
	v6 =	vsel vm2, v18, v2;
	v11 =	vtrunc.f32 v12;
	[tilespmem:v16+s12+$0x0] =	vst.idx.add.f32.msk $0xffff, v3  }
0x2a8: {  	v10 =	vtrunc.f32 v10  }
0x2a9: {  	v10 =	vcvt.f32.s32 v10;
	_ =	sdelay $0x1  }
0x2aa: {  	vm1 =	vlt.s32 v10, v2  }
0x2ab: {  	v10 =	vsel vm1, v10, v2;
	_ =	sdelay $0x1  }
0x2ac: {  	v11 =	vcvt.f32.s32 v11  }
0x2ad: {  	v8 =	vsel vm0, v8, v2;
	vm1 =	vlt.s32 v9, v2  }
0x2ae: {  	[tilespmem:v5+s12+$0x0] =	vst.idx.add.f32.msk $0xffff, v3;
	vm0 =	vlt.s32 v11, v2;
	v9 =	vsel vm1, v9, v2  }
0x2af: {  	[tilespmem:v10+s12+$0x0] =	vst.idx.add.f32.msk $0xffff, v3;
	v10 =	vsel vm0, v11, v2  }
0x2b0: {  	[tilespmem:v7+s12+$0x0] =	vst.idx.add.f32.msk $0xffff, v3  }
0x2b1: {  	[tilespmem:v6+s12+$0x0] =	vst.idx.add.f32.msk $0xffff, v3  }
0x2b2: {  	[tilespmem:v8+s12+$0x0] =	vst.idx.add.f32.msk $0xffff, v3  }
0x2b3: {  	[tilespmem:v9+s12+$0x0] =	vst.idx.add.f32.msk $0xffff, v3  }
0x2b4: {  	[tilespmem:v10+s12+$0x0] =	vst.idx.add.f32.msk $0xffff, v3  }
0x2b5: {  	s15 =	rddreg [dreg:$0xe]  }
0x2b6: {  	[tilespmem:s2], [sflag:$0x1] =	stream.linear.gather [hbm4b:s15+s2], $0x4000, $0x38;
	[tilespmem:$0xC980] =	vst v63  }
0x2b7: {  	_ =	swait.ge [sflag:s13], $0x4000  }
0x2b8: {  	[sflag:s13] =	ssyncset.done $0x0  }
0x2b9: {  	s16 =	simm.s32 $0x4040;
	[sflag:s13] =	ssyncadd.s32 $0xFFFFC000  }
0x2ba: {  	s15 =	simm.s32 $0x8040;
	v5 =	vld [tilespmem:s16+$0x30]  }
0x2bb: {  	v6 =	vld [tilespmem:s15+$0x30]  }
0x2bc: {  	v7 =	vld [tilespmem:s15+$0xFFFFFFC0]  }
0x2bd: {  	v8 =	vld [tilespmem:s16+$0xFFFFFFD0]  }
0x2be: {  	v9 =	vld [tilespmem:s15+$0xFFFFFFD0]  }
0x2bf: {  	v10 =	vld [tilespmem:s16+$0xFFFFFFE0]  }
0x2c0: {  	v11 =	vld [tilespmem:s15+$0xFFFFFFE0]  }
0x2c1: {  	v12 =	vld [tilespmem:s15+$0xFFFFFFF0]  }
0x2c2: {  	v13 =	vld [tilespmem:s16+$0x0]  }
0x2c3: {  	v14 =	vld [tilespmem:s15+$0x10]  }
0x2c4: {  	v63 =	vld [tilespmem:s16+$0xFFFFFFC0]  }
0x2c5: {  	v62 =	vld [tilespmem:s16+$0x20];
	v5 =	vmul.f32 v6, v5  }
0x2c6: {  	v6 =	vld [tilespmem:s16+$0xFFFFFFF0];
	v8 =	vmul.f32 v9, v8  }
0x2c7: {  	v9 =	vld [tilespmem:s15+$0x0];
	v10 =	vmul.f32 v11, v10;
	v5 =	vadd.f32 v5, v4  }
0x2c8: {  	v15 =	vld [tilespmem:s15+$0x20];
	v8 =	vadd.f32 v8, v4  }
0x2c9: {  	v11 =	vld [tilespmem:s16+$0x10];
	v7 =	vmul.f32 v7, v63;
	v10 =	vadd.f32 v10, v4;
	v5 =	vtrunc.f32 v5  }
0x2ca: {  	v8 =	vtrunc.f32 v8;
	v5 =	vcvt.f32.s32 v5  }
0x2cb: {  	v10 =	vtrunc.f32 v10;
	v6 =	vmul.f32 v12, v6  }
0x2cc: {  	v9 =	vmul.f32 v9, v13;
	v17 =	vcvt.f32.s32 v10;
	vm0 =	vlt.s32 v5, v2  }
0x2cd: {  	v10 =	vmul.f32 v15, v62;
	v6 =	vadd.f32 v6, v4;
	v16 =	vsel vm0, v5, v2  }
0x2ce: {  	v5 =	vcvt.f32.s32 v8;
	v8 =	vadd.f32 v9, v4;
	v9 =	vmul.f32 v14, v11  }
0x2cf: {  	vm1 =	vlt.s32 v17, v2;
	v11 =	vadd.f32 v10, v4  }
0x2d0: {  	v10 =	vadd.f32 v7, v4;
	v6 =	vtrunc.f32 v6;
	v9 =	vadd.f32 v9, v4  }
0x2d1: {  	v7 =	vsel vm1, v17, v2;
	v6 =	vcvt.f32.s32 v6;
	v8 =	vtrunc.f32 v8  }
0x2d2: {  	vm0 =	vlt.s32 v5, v2;
	v8 =	vcvt.f32.s32 v8;
	v9 =	vtrunc.f32 v9  }
0x2d3: {  	v5 =	vsel vm0, v5, v2;
	vm2 =	vlt.s32 v6, v2;
	v9 =	vcvt.f32.s32 v9  }
0x2d4: {  	s17 =	simm.s32 $0x40C0;
	s16 =	simm.s32 $0x0;
	v11 =	vtrunc.f32 v11;
	vm0 =	vlt.s32 v8, v2;
	[tilespmem:v16+s12+$0x0] =	vst.idx.add.f32.msk $0xffff, v3;
	v6 =	vsel vm2, v6, v2  }
.LBB2_24:
0x2d5: {  	v12 =	vld [tilespmem:s17+$0x30];
	v10 =	vtrunc.f32 v10;
	vm1 =	vlt.s32 v9, v2;
	v11 =	vcvt.f32.s32 v11;
	s15 =	sadd.s32 $0x80, s15  }
0x2d6: {  	s16 =	sadd.s32 $0x8, s16;
	v14 =	vsel vm0, v8, v2;
	v13 =	vld [tilespmem:s15+$0x30];
	v10 =	vcvt.f32.s32 v10;
	v15 =	vsel vm1, v9, v2  }
0x2d7: {  	p0 =	slt.u32 s16, $0x3F8;
	v8 =	vld [tilespmem:s15+$0xFFFFFFC0];
	vm0 =	vlt.s32 v11, v2  }
0x2d8: {  	v9 =	vld [tilespmem:s17+$0xFFFFFFD0];
	vm1 =	vlt.s32 v10, v2;
	v16 =	vsel vm0, v11, v2  }
0x2d9: {  	v11 =	vld [tilespmem:s15+$0xFFFFFFD0];
	v10 =	vsel vm1, v10, v2  }
0x2da: {  	v17 =	vld [tilespmem:s17+$0xFFFFFFE0]  }
0x2db: {  	v18 =	vld [tilespmem:s15+$0xFFFFFFE0];
	v12 =	vmul.f32 v13, v12  }
0x2dc: {  	v13 =	vld [tilespmem:s17+$0xFFFFFFF0]  }
0x2dd: {  	v19 =	vld [tilespmem:s15+$0xFFFFFFF0];
	v12 =	vadd.f32 v12, v4  }
0x2de: {  	v9 =	vmul.f32 v11, v9;
	v11 =	vld [tilespmem:s17+$0x0]  }
0x2df: {  	v20 =	vld [tilespmem:s15+$0x0];
	v12 =	vtrunc.f32 v12  }
0x2e0: {  	v9 =	vadd.f32 v9, v4;
	v17 =	vmul.f32 v18, v17;
	v18 =	vld [tilespmem:s17+$0x10];
	v12 =	vcvt.f32.s32 v12  }
0x2e1: {  	v21 =	vld [tilespmem:s15+$0x10]  }
0x2e2: {  	v17 =	vadd.f32 v17, v4;
	v13 =	vmul.f32 v19, v13;
	v19 =	vld [tilespmem:s17+$0x20];
	vm0 =	vlt.s32 v12, v2  }
0x2e3: {  	v9 =	vtrunc.f32 v9;
	v22 =	vld [tilespmem:s15+$0x20];
	v12 =	vsel vm0, v12, v2  }
0x2e4: {  	v23 =	vld [tilespmem:s17+$0xFFFFFFC0];
	v17 =	vtrunc.f32 v17;
	v13 =	vadd.f32 v13, v4;
	v11 =	vmul.f32 v20, v11  }
0x2e5: {  	v9 =	vcvt.f32.s32 v9;
	v17 =	vcvt.f32.s32 v17;
	[tilespmem:v10+s12+$0x0] =	vst.idx.add.f32.msk $0xffff, v3  }
0x2e6: {  	v10 =	vtrunc.f32 v13;
	v11 =	vadd.f32 v11, v4;
	v13 =	vmul.f32 v21, v18;
	[tilespmem:v5+s12+$0x0] =	vst.idx.add.f32.msk $0xffff, v3  }
0x2e7: {  	vm0 =	vlt.s32 v9, v2;
	vm1 =	vlt.s32 v17, v2;
	v18 =	vcvt.f32.s32 v10;
	[tilespmem:v7+s12+$0x0] =	vst.idx.add.f32.msk $0xffff, v3  }
.Ltmp11:
0x2e8: {  	v5 =	vtrunc.f32 v11;
	v7 =	vadd.f32 v13, v4;
	v10 =	vmul.f32 v22, v19;
	[tilespmem:v12+s12+$0x0] =	vst.idx.add.f32.msk $0xffff, v3;
	(pc) =	sbr.rel @p0 .LBB2_24-.Ltmp11, $4  }
0x2e9: {  	v11 =	vmul.f32 v8, v23;
	vm2 =	vlt.s32 v18, v2;
	v8 =	vcvt.f32.s32 v5;
	[tilespmem:v6+s12+$0x0] =	vst.idx.add.f32.msk $0xffff, v3  }
0x2ea: {  	v5 =	vsel vm0, v9, v2;
	v6 =	vtrunc.f32 v7;
	v12 =	vadd.f32 v10, v4;
	[tilespmem:v14+s12+$0x0] =	vst.idx.add.f32.msk $0xffff, v3  }
0x2eb: {  	v10 =	vadd.f32 v11, v4;
	vm0 =	vlt.s32 v8, v2;
	v9 =	vcvt.f32.s32 v6;
	[tilespmem:v15+s12+$0x0] =	vst.idx.add.f32.msk $0xffff, v3  }
0x2ec: {  	s17 =	sadd.s32 $0x80, s17;
	v7 =	vsel vm1, v17, v2;
	v6 =	vsel vm2, v18, v2;
	v11 =	vtrunc.f32 v12;
	[tilespmem:v16+s12+$0x0] =	vst.idx.add.f32.msk $0xffff, v3  }
0x2ed: {  	v10 =	vtrunc.f32 v10  }
0x2ee: {  	v10 =	vcvt.f32.s32 v10;
	_ =	sdelay $0x1  }
0x2ef: {  	vm1 =	vlt.s32 v10, v2  }
0x2f0: {  	v10 =	vsel vm1, v10, v2;
	_ =	sdelay $0x1  }
0x2f1: {  	v11 =	vcvt.f32.s32 v11  }
0x2f2: {  	v8 =	vsel vm0, v8, v2;
	vm1 =	vlt.s32 v9, v2  }
0x2f3: {  	[tilespmem:v5+s12+$0x0] =	vst.idx.add.f32.msk $0xffff, v3;
	vm0 =	vlt.s32 v11, v2;
	v9 =	vsel vm1, v9, v2  }
0x2f4: {  	[tilespmem:v10+s12+$0x0] =	vst.idx.add.f32.msk $0xffff, v3;
	v10 =	vsel vm0, v11, v2  }
0x2f5: {  	[tilespmem:v7+s12+$0x0] =	vst.idx.add.f32.msk $0xffff, v3  }
0x2f6: {  	[tilespmem:v6+s12+$0x0] =	vst.idx.add.f32.msk $0xffff, v3  }
0x2f7: {  	[tilespmem:v8+s12+$0x0] =	vst.idx.add.f32.msk $0xffff, v3  }
0x2f8: {  	[tilespmem:v9+s12+$0x0] =	vst.idx.add.f32.msk $0xffff, v3  }
0x2f9: {  	[tilespmem:v10+s12+$0x0] =	vst.idx.add.f32.msk $0xffff, v3  }
0x2fa: {  	s15 =	rddreg [dreg:$0xf]  }
0x2fb: {  	[tilespmem:s10], [sflag:$0x2] =	stream.linear.gather [hbm4b:s15+s2], $0x4000, $0x38;
	[tilespmem:$0xC980] =	vst v63  }
0x2fc: {  	_ =	swait.ge [sflag:s11], $0x4000  }
0x2fd: {  	[sflag:s11] =	ssyncset.done $0x0  }
0x2fe: {  	s16 =	simm.s32 $0x40;
	[sflag:s11] =	ssyncadd.s32 $0xFFFFC000  }
0x2ff: {  	s15 =	simm.s32 $0x8040;
	v5 =	vld [tilespmem:s16+$0x30]  }
0x300: {  	v6 =	vld [tilespmem:s15+$0x30]  }
0x301: {  	v7 =	vld [tilespmem:s15+$0xFFFFFFC0]  }
0x302: {  	v8 =	vld [tilespmem:s16+$0xFFFFFFD0]  }
0x303: {  	v9 =	vld [tilespmem:s15+$0xFFFFFFD0]  }
0x304: {  	v10 =	vld [tilespmem:s16+$0xFFFFFFE0]  }
0x305: {  	v11 =	vld [tilespmem:s15+$0xFFFFFFE0]  }
0x306: {  	v12 =	vld [tilespmem:s15+$0xFFFFFFF0]  }
0x307: {  	v13 =	vld [tilespmem:s16+$0x0]  }
0x308: {  	v14 =	vld [tilespmem:s15+$0x10]  }
0x309: {  	v63 =	vld [tilespmem:s16+$0xFFFFFFC0]  }
0x30a: {  	v62 =	vld [tilespmem:s16+$0x20];
	v5 =	vmul.f32 v6, v5  }
0x30b: {  	v6 =	vld [tilespmem:s16+$0xFFFFFFF0];
	v8 =	vmul.f32 v9, v8  }
0x30c: {  	v9 =	vld [tilespmem:s15+$0x0];
	v10 =	vmul.f32 v11, v10;
	v5 =	vadd.f32 v5, v4  }
0x30d: {  	v15 =	vld [tilespmem:s15+$0x20];
	v8 =	vadd.f32 v8, v4  }
0x30e: {  	v11 =	vld [tilespmem:s16+$0x10];
	v7 =	vmul.f32 v7, v63;
	v10 =	vadd.f32 v10, v4;
	v5 =	vtrunc.f32 v5  }
0x30f: {  	v8 =	vtrunc.f32 v8;
	v5 =	vcvt.f32.s32 v5  }
0x310: {  	v10 =	vtrunc.f32 v10;
	v6 =	vmul.f32 v12, v6  }
0x311: {  	v9 =	vmul.f32 v9, v13;
	v17 =	vcvt.f32.s32 v10;
	vm0 =	vlt.s32 v5, v2  }
0x312: {  	v10 =	vmul.f32 v15, v62;
	v6 =	vadd.f32 v6, v4;
	v16 =	vsel vm0, v5, v2  }
0x313: {  	v5 =	vcvt.f32.s32 v8;
	v8 =	vadd.f32 v9, v4;
	v9 =	vmul.f32 v14, v11  }
0x314: {  	vm1 =	vlt.s32 v17, v2;
	v11 =	vadd.f32 v10, v4  }
0x315: {  	v10 =	vadd.f32 v7, v4;
	v6 =	vtrunc.f32 v6;
	v9 =	vadd.f32 v9, v4  }
0x316: {  	v7 =	vsel vm1, v17, v2;
	v6 =	vcvt.f32.s32 v6;
	v8 =	vtrunc.f32 v8  }
0x317: {  	vm0 =	vlt.s32 v5, v2;
	v8 =	vcvt.f32.s32 v8;
	v9 =	vtrunc.f32 v9  }
0x318: {  	v5 =	vsel vm0, v5, v2;
	vm2 =	vlt.s32 v6, v2;
	v9 =	vcvt.f32.s32 v9  }
0x319: {  	s17 =	simm.s32 $0xC0;
	s16 =	simm.s32 $0x0;
	v11 =	vtrunc.f32 v11;
	vm0 =	vlt.s32 v8, v2;
	[tilespmem:v16+s12+$0x0] =	vst.idx.add.f32.msk $0xffff, v3;
	v6 =	vsel vm2, v6, v2  }
.LBB2_26:
0x31a: {  	v12 =	vld [tilespmem:s17+$0x30];
	v10 =	vtrunc.f32 v10;
	vm1 =	vlt.s32 v9, v2;
	v11 =	vcvt.f32.s32 v11;
	s15 =	sadd.s32 $0x80, s15  }
0x31b: {  	s16 =	sadd.s32 $0x8, s16;
	v14 =	vsel vm0, v8, v2;
	v13 =	vld [tilespmem:s15+$0x30];
	v10 =	vcvt.f32.s32 v10;
	v15 =	vsel vm1, v9, v2  }
0x31c: {  	p0 =	slt.u32 s16, $0x3F8;
	v8 =	vld [tilespmem:s15+$0xFFFFFFC0];
	vm0 =	vlt.s32 v11, v2  }
0x31d: {  	v9 =	vld [tilespmem:s17+$0xFFFFFFD0];
	vm1 =	vlt.s32 v10, v2;
	v16 =	vsel vm0, v11, v2  }
0x31e: {  	v11 =	vld [tilespmem:s15+$0xFFFFFFD0];
	v10 =	vsel vm1, v10, v2  }
0x31f: {  	v17 =	vld [tilespmem:s17+$0xFFFFFFE0]  }
0x320: {  	v18 =	vld [tilespmem:s15+$0xFFFFFFE0];
	v12 =	vmul.f32 v13, v12  }
0x321: {  	v13 =	vld [tilespmem:s17+$0xFFFFFFF0]  }
0x322: {  	v19 =	vld [tilespmem:s15+$0xFFFFFFF0];
	v12 =	vadd.f32 v12, v4  }
0x323: {  	v9 =	vmul.f32 v11, v9;
	v11 =	vld [tilespmem:s17+$0x0]  }
0x324: {  	v20 =	vld [tilespmem:s15+$0x0];
	v12 =	vtrunc.f32 v12  }
0x325: {  	v9 =	vadd.f32 v9, v4;
	v17 =	vmul.f32 v18, v17;
	v18 =	vld [tilespmem:s17+$0x10];
	v12 =	vcvt.f32.s32 v12  }
0x326: {  	v21 =	vld [tilespmem:s15+$0x10]  }
0x327: {  	v17 =	vadd.f32 v17, v4;
	v13 =	vmul.f32 v19, v13;
	v19 =	vld [tilespmem:s17+$0x20];
	vm0 =	vlt.s32 v12, v2  }
0x328: {  	v9 =	vtrunc.f32 v9;
	v22 =	vld [tilespmem:s15+$0x20];
	v12 =	vsel vm0, v12, v2  }
0x329: {  	v23 =	vld [tilespmem:s17+$0xFFFFFFC0];
	v17 =	vtrunc.f32 v17;
	v13 =	vadd.f32 v13, v4;
	v11 =	vmul.f32 v20, v11  }
0x32a: {  	v9 =	vcvt.f32.s32 v9;
	v17 =	vcvt.f32.s32 v17;
	[tilespmem:v10+s12+$0x0] =	vst.idx.add.f32.msk $0xffff, v3  }
0x32b: {  	v10 =	vtrunc.f32 v13;
	v11 =	vadd.f32 v11, v4;
	v13 =	vmul.f32 v21, v18;
	[tilespmem:v5+s12+$0x0] =	vst.idx.add.f32.msk $0xffff, v3  }
0x32c: {  	vm0 =	vlt.s32 v9, v2;
	vm1 =	vlt.s32 v17, v2;
	v18 =	vcvt.f32.s32 v10;
	[tilespmem:v7+s12+$0x0] =	vst.idx.add.f32.msk $0xffff, v3  }
.Ltmp12:
0x32d: {  	v5 =	vtrunc.f32 v11;
	v7 =	vadd.f32 v13, v4;
	v10 =	vmul.f32 v22, v19;
	[tilespmem:v12+s12+$0x0] =	vst.idx.add.f32.msk $0xffff, v3;
	(pc) =	sbr.rel @p0 .LBB2_26-.Ltmp12, $4  }
0x32e: {  	v11 =	vmul.f32 v8, v23;
	vm2 =	vlt.s32 v18, v2;
	v8 =	vcvt.f32.s32 v5;
	[tilespmem:v6+s12+$0x0] =	vst.idx.add.f32.msk $0xffff, v3  }
0x32f: {  	v5 =	vsel vm0, v9, v2;
	v6 =	vtrunc.f32 v7;
	v12 =	vadd.f32 v10, v4;
	[tilespmem:v14+s12+$0x0] =	vst.idx.add.f32.msk $0xffff, v3  }
0x330: {  	v10 =	vadd.f32 v11, v4;
	vm0 =	vlt.s32 v8, v2;
	v9 =	vcvt.f32.s32 v6;
	[tilespmem:v15+s12+$0x0] =	vst.idx.add.f32.msk $0xffff, v3  }
0x331: {  	s17 =	sadd.s32 $0x80, s17;
	v7 =	vsel vm1, v17, v2;
	v6 =	vsel vm2, v18, v2;
	v11 =	vtrunc.f32 v12;
	[tilespmem:v16+s12+$0x0] =	vst.idx.add.f32.msk $0xffff, v3  }
0x332: {  	v10 =	vtrunc.f32 v10  }
0x333: {  	v10 =	vcvt.f32.s32 v10;
	_ =	sdelay $0x1  }
0x334: {  	vm1 =	vlt.s32 v10, v2  }
0x335: {  	v10 =	vsel vm1, v10, v2;
	_ =	sdelay $0x1  }
0x336: {  	v11 =	vcvt.f32.s32 v11  }
0x337: {  	v8 =	vsel vm0, v8, v2;
	vm1 =	vlt.s32 v9, v2  }
0x338: {  	[tilespmem:v5+s12+$0x0] =	vst.idx.add.f32.msk $0xffff, v3;
	vm0 =	vlt.s32 v11, v2;
	v9 =	vsel vm1, v9, v2  }
0x339: {  	[tilespmem:v10+s12+$0x0] =	vst.idx.add.f32.msk $0xffff, v3;
	v10 =	vsel vm0, v11, v2  }
0x33a: {  	[tilespmem:v7+s12+$0x0] =	vst.idx.add.f32.msk $0xffff, v3  }
0x33b: {  	[tilespmem:v6+s12+$0x0] =	vst.idx.add.f32.msk $0xffff, v3  }
0x33c: {  	[tilespmem:v8+s12+$0x0] =	vst.idx.add.f32.msk $0xffff, v3  }
0x33d: {  	[tilespmem:v9+s12+$0x0] =	vst.idx.add.f32.msk $0xffff, v3  }
0x33e: {  	[tilespmem:v10+s12+$0x0] =	vst.idx.add.f32.msk $0xffff, v3  }
0x33f: {  	s15 =	rddreg [dreg:$0x10]  }
0x340: {  	[tilespmem:s2], [sflag:$0x1] =	stream.linear.gather [hbm4b:s15+s2], $0x4000, $0x38;
	[tilespmem:$0xC980] =	vst v63  }
0x341: {  	_ =	swait.ge [sflag:s13], $0x4000  }
0x342: {  	[sflag:s13] =	ssyncset.done $0x0  }
0x343: {  	s16 =	simm.s32 $0x4040;
	[sflag:s13] =	ssyncadd.s32 $0xFFFFC000  }
0x344: {  	s15 =	simm.s32 $0x8040;
	v5 =	vld [tilespmem:s16+$0x30]  }
0x345: {  	v6 =	vld [tilespmem:s15+$0x30]  }
0x346: {  	v7 =	vld [tilespmem:s15+$0xFFFFFFC0]  }
0x347: {  	v8 =	vld [tilespmem:s16+$0xFFFFFFD0]  }
0x348: {  	v9 =	vld [tilespmem:s15+$0xFFFFFFD0]  }
0x349: {  	v10 =	vld [tilespmem:s16+$0xFFFFFFE0]  }
0x34a: {  	v11 =	vld [tilespmem:s15+$0xFFFFFFE0]  }
0x34b: {  	v12 =	vld [tilespmem:s15+$0xFFFFFFF0]  }
0x34c: {  	v13 =	vld [tilespmem:s16+$0x0]  }
0x34d: {  	v14 =	vld [tilespmem:s15+$0x10]  }
0x34e: {  	v63 =	vld [tilespmem:s16+$0xFFFFFFC0]  }
0x34f: {  	v62 =	vld [tilespmem:s16+$0x20];
	v5 =	vmul.f32 v6, v5  }
0x350: {  	v6 =	vld [tilespmem:s16+$0xFFFFFFF0];
	v8 =	vmul.f32 v9, v8  }
0x351: {  	v9 =	vld [tilespmem:s15+$0x0];
	v10 =	vmul.f32 v11, v10;
	v5 =	vadd.f32 v5, v4  }
0x352: {  	v15 =	vld [tilespmem:s15+$0x20];
	v8 =	vadd.f32 v8, v4  }
0x353: {  	v11 =	vld [tilespmem:s16+$0x10];
	v7 =	vmul.f32 v7, v63;
	v10 =	vadd.f32 v10, v4;
	v5 =	vtrunc.f32 v5  }
0x354: {  	v8 =	vtrunc.f32 v8;
	v5 =	vcvt.f32.s32 v5  }
0x355: {  	v10 =	vtrunc.f32 v10;
	v6 =	vmul.f32 v12, v6  }
0x356: {  	v9 =	vmul.f32 v9, v13;
	v17 =	vcvt.f32.s32 v10;
	vm0 =	vlt.s32 v5, v2  }
0x357: {  	v10 =	vmul.f32 v15, v62;
	v6 =	vadd.f32 v6, v4;
	v16 =	vsel vm0, v5, v2  }
0x358: {  	v5 =	vcvt.f32.s32 v8;
	v8 =	vadd.f32 v9, v4;
	v9 =	vmul.f32 v14, v11  }
0x359: {  	vm1 =	vlt.s32 v17, v2;
	v11 =	vadd.f32 v10, v4  }
0x35a: {  	v10 =	vadd.f32 v7, v4;
	v6 =	vtrunc.f32 v6;
	v9 =	vadd.f32 v9, v4  }
0x35b: {  	v7 =	vsel vm1, v17, v2;
	v6 =	vcvt.f32.s32 v6;
	v8 =	vtrunc.f32 v8  }
0x35c: {  	vm0 =	vlt.s32 v5, v2;
	v8 =	vcvt.f32.s32 v8;
	v9 =	vtrunc.f32 v9  }
0x35d: {  	v5 =	vsel vm0, v5, v2;
	vm2 =	vlt.s32 v6, v2;
	v9 =	vcvt.f32.s32 v9  }
0x35e: {  	s17 =	simm.s32 $0x40C0;
	s16 =	simm.s32 $0x0;
	v11 =	vtrunc.f32 v11;
	vm0 =	vlt.s32 v8, v2;
	[tilespmem:v16+s12+$0x0] =	vst.idx.add.f32.msk $0xffff, v3;
	v6 =	vsel vm2, v6, v2  }
.LBB2_28:
0x35f: {  	v12 =	vld [tilespmem:s17+$0x30];
	v10 =	vtrunc.f32 v10;
	vm1 =	vlt.s32 v9, v2;
	v11 =	vcvt.f32.s32 v11;
	s15 =	sadd.s32 $0x80, s15  }
0x360: {  	s16 =	sadd.s32 $0x8, s16;
	v14 =	vsel vm0, v8, v2;
	v13 =	vld [tilespmem:s15+$0x30];
	v10 =	vcvt.f32.s32 v10;
	v15 =	vsel vm1, v9, v2  }
0x361: {  	p0 =	slt.u32 s16, $0x3F8;
	v8 =	vld [tilespmem:s15+$0xFFFFFFC0];
	vm0 =	vlt.s32 v11, v2  }
0x362: {  	v9 =	vld [tilespmem:s17+$0xFFFFFFD0];
	vm1 =	vlt.s32 v10, v2;
	v16 =	vsel vm0, v11, v2  }
0x363: {  	v11 =	vld [tilespmem:s15+$0xFFFFFFD0];
	v10 =	vsel vm1, v10, v2  }
0x364: {  	v17 =	vld [tilespmem:s17+$0xFFFFFFE0]  }
0x365: {  	v18 =	vld [tilespmem:s15+$0xFFFFFFE0];
	v12 =	vmul.f32 v13, v12  }
0x366: {  	v13 =	vld [tilespmem:s17+$0xFFFFFFF0]  }
0x367: {  	v19 =	vld [tilespmem:s15+$0xFFFFFFF0];
	v12 =	vadd.f32 v12, v4  }
0x368: {  	v9 =	vmul.f32 v11, v9;
	v11 =	vld [tilespmem:s17+$0x0]  }
0x369: {  	v20 =	vld [tilespmem:s15+$0x0];
	v12 =	vtrunc.f32 v12  }
0x36a: {  	v9 =	vadd.f32 v9, v4;
	v17 =	vmul.f32 v18, v17;
	v18 =	vld [tilespmem:s17+$0x10];
	v12 =	vcvt.f32.s32 v12  }
0x36b: {  	v21 =	vld [tilespmem:s15+$0x10]  }
0x36c: {  	v17 =	vadd.f32 v17, v4;
	v13 =	vmul.f32 v19, v13;
	v19 =	vld [tilespmem:s17+$0x20];
	vm0 =	vlt.s32 v12, v2  }
0x36d: {  	v9 =	vtrunc.f32 v9;
	v22 =	vld [tilespmem:s15+$0x20];
	v12 =	vsel vm0, v12, v2  }
0x36e: {  	v23 =	vld [tilespmem:s17+$0xFFFFFFC0];
	v17 =	vtrunc.f32 v17;
	v13 =	vadd.f32 v13, v4;
	v11 =	vmul.f32 v20, v11  }
0x36f: {  	v9 =	vcvt.f32.s32 v9;
	v17 =	vcvt.f32.s32 v17;
	[tilespmem:v10+s12+$0x0] =	vst.idx.add.f32.msk $0xffff, v3  }
0x370: {  	v10 =	vtrunc.f32 v13;
	v11 =	vadd.f32 v11, v4;
	v13 =	vmul.f32 v21, v18;
	[tilespmem:v5+s12+$0x0] =	vst.idx.add.f32.msk $0xffff, v3  }
0x371: {  	vm0 =	vlt.s32 v9, v2;
	vm1 =	vlt.s32 v17, v2;
	v18 =	vcvt.f32.s32 v10;
	[tilespmem:v7+s12+$0x0] =	vst.idx.add.f32.msk $0xffff, v3  }
.Ltmp13:
0x372: {  	v5 =	vtrunc.f32 v11;
	v7 =	vadd.f32 v13, v4;
	v10 =	vmul.f32 v22, v19;
	[tilespmem:v12+s12+$0x0] =	vst.idx.add.f32.msk $0xffff, v3;
	(pc) =	sbr.rel @p0 .LBB2_28-.Ltmp13, $4  }
0x373: {  	v11 =	vmul.f32 v8, v23;
	vm2 =	vlt.s32 v18, v2;
	v8 =	vcvt.f32.s32 v5;
	[tilespmem:v6+s12+$0x0] =	vst.idx.add.f32.msk $0xffff, v3  }
0x374: {  	v5 =	vsel vm0, v9, v2;
	v6 =	vtrunc.f32 v7;
	v12 =	vadd.f32 v10, v4;
	[tilespmem:v14+s12+$0x0] =	vst.idx.add.f32.msk $0xffff, v3  }
0x375: {  	v10 =	vadd.f32 v11, v4;
	vm0 =	vlt.s32 v8, v2;
	v9 =	vcvt.f32.s32 v6;
	[tilespmem:v15+s12+$0x0] =	vst.idx.add.f32.msk $0xffff, v3  }
0x376: {  	s17 =	sadd.s32 $0x80, s17;
	v7 =	vsel vm1, v17, v2;
	v6 =	vsel vm2, v18, v2;
	v11 =	vtrunc.f32 v12;
	[tilespmem:v16+s12+$0x0] =	vst.idx.add.f32.msk $0xffff, v3  }
0x377: {  	v10 =	vtrunc.f32 v10  }
0x378: {  	v10 =	vcvt.f32.s32 v10;
	_ =	sdelay $0x1  }
0x379: {  	vm1 =	vlt.s32 v10, v2  }
0x37a: {  	v10 =	vsel vm1, v10, v2;
	_ =	sdelay $0x1  }
0x37b: {  	v11 =	vcvt.f32.s32 v11  }
0x37c: {  	v8 =	vsel vm0, v8, v2;
	vm1 =	vlt.s32 v9, v2  }
0x37d: {  	[tilespmem:v5+s12+$0x0] =	vst.idx.add.f32.msk $0xffff, v3;
	vm0 =	vlt.s32 v11, v2;
	v9 =	vsel vm1, v9, v2  }
0x37e: {  	[tilespmem:v10+s12+$0x0] =	vst.idx.add.f32.msk $0xffff, v3;
	v10 =	vsel vm0, v11, v2  }
0x37f: {  	[tilespmem:v7+s12+$0x0] =	vst.idx.add.f32.msk $0xffff, v3  }
0x380: {  	[tilespmem:v6+s12+$0x0] =	vst.idx.add.f32.msk $0xffff, v3  }
0x381: {  	[tilespmem:v8+s12+$0x0] =	vst.idx.add.f32.msk $0xffff, v3  }
0x382: {  	[tilespmem:v9+s12+$0x0] =	vst.idx.add.f32.msk $0xffff, v3  }
0x383: {  	[tilespmem:v10+s12+$0x0] =	vst.idx.add.f32.msk $0xffff, v3  }
0x384: {  	[tilespmem:s10], [sflag:$0x2] =	stream.linear.gather [hbm4b:s18+s2], $0x4000, $0x38;
	[tilespmem:$0xC980] =	vst v63  }
0x385: {  	_ =	swait.ge [sflag:s11], $0x4000  }
0x386: {  	[sflag:s11] =	ssyncset.done $0x0  }
0x387: {  	s16 =	simm.s32 $0x40;
	[sflag:s11] =	ssyncadd.s32 $0xFFFFC000  }
0x388: {  	s15 =	simm.s32 $0x8040;
	v5 =	vld [tilespmem:s16+$0x30]  }
0x389: {  	v6 =	vld [tilespmem:s15+$0x30]  }
0x38a: {  	v7 =	vld [tilespmem:s15+$0xFFFFFFC0]  }
0x38b: {  	v8 =	vld [tilespmem:s16+$0xFFFFFFD0]  }
0x38c: {  	v9 =	vld [tilespmem:s15+$0xFFFFFFD0]  }
0x38d: {  	v10 =	vld [tilespmem:s16+$0xFFFFFFE0]  }
0x38e: {  	v11 =	vld [tilespmem:s15+$0xFFFFFFE0]  }
0x38f: {  	v12 =	vld [tilespmem:s15+$0xFFFFFFF0]  }
0x390: {  	v13 =	vld [tilespmem:s16+$0x0]  }
0x391: {  	v14 =	vld [tilespmem:s15+$0x10]  }
0x392: {  	v63 =	vld [tilespmem:s16+$0xFFFFFFC0]  }
0x393: {  	v62 =	vld [tilespmem:s16+$0x20];
	v5 =	vmul.f32 v6, v5  }
0x394: {  	v6 =	vld [tilespmem:s16+$0xFFFFFFF0];
	v8 =	vmul.f32 v9, v8  }
0x395: {  	v9 =	vld [tilespmem:s15+$0x0];
	v10 =	vmul.f32 v11, v10;
	v5 =	vadd.f32 v5, v4  }
0x396: {  	v15 =	vld [tilespmem:s15+$0x20];
	v8 =	vadd.f32 v8, v4  }
0x397: {  	v11 =	vld [tilespmem:s16+$0x10];
	v7 =	vmul.f32 v7, v63;
	v10 =	vadd.f32 v10, v4;
	v5 =	vtrunc.f32 v5  }
0x398: {  	v8 =	vtrunc.f32 v8;
	v5 =	vcvt.f32.s32 v5  }
0x399: {  	v10 =	vtrunc.f32 v10;
	v6 =	vmul.f32 v12, v6  }
0x39a: {  	v9 =	vmul.f32 v9, v13;
	v17 =	vcvt.f32.s32 v10;
	vm0 =	vlt.s32 v5, v2  }
0x39b: {  	v10 =	vmul.f32 v15, v62;
	v6 =	vadd.f32 v6, v4;
	v16 =	vsel vm0, v5, v2  }
0x39c: {  	v5 =	vcvt.f32.s32 v8;
	v8 =	vadd.f32 v9, v4;
	v9 =	vmul.f32 v14, v11  }
0x39d: {  	vm1 =	vlt.s32 v17, v2;
	v11 =	vadd.f32 v10, v4  }
0x39e: {  	v10 =	vadd.f32 v7, v4;
	v6 =	vtrunc.f32 v6;
	v9 =	vadd.f32 v9, v4  }
0x39f: {  	v7 =	vsel vm1, v17, v2;
	v6 =	vcvt.f32.s32 v6;
	v8 =	vtrunc.f32 v8  }
0x3a0: {  	vm0 =	vlt.s32 v5, v2;
	v8 =	vcvt.f32.s32 v8;
	v9 =	vtrunc.f32 v9  }
0x3a1: {  	v5 =	vsel vm0, v5, v2;
	vm2 =	vlt.s32 v6, v2;
	v9 =	vcvt.f32.s32 v9  }
0x3a2: {  	s17 =	simm.s32 $0xC0;
	s16 =	simm.s32 $0x0;
	v11 =	vtrunc.f32 v11;
	vm0 =	vlt.s32 v8, v2;
	[tilespmem:v16+s12+$0x0] =	vst.idx.add.f32.msk $0xffff, v3;
	v6 =	vsel vm2, v6, v2  }
.LBB2_30:
0x3a3: {  	v12 =	vld [tilespmem:s17+$0x30];
	v10 =	vtrunc.f32 v10;
	vm1 =	vlt.s32 v9, v2;
	v11 =	vcvt.f32.s32 v11;
	s15 =	sadd.s32 $0x80, s15  }
0x3a4: {  	s16 =	sadd.s32 $0x8, s16;
	v14 =	vsel vm0, v8, v2;
	v13 =	vld [tilespmem:s15+$0x30];
	v10 =	vcvt.f32.s32 v10;
	v15 =	vsel vm1, v9, v2  }
0x3a5: {  	p0 =	slt.u32 s16, $0x3F8;
	v8 =	vld [tilespmem:s15+$0xFFFFFFC0];
	vm0 =	vlt.s32 v11, v2  }
0x3a6: {  	v9 =	vld [tilespmem:s17+$0xFFFFFFD0];
	vm1 =	vlt.s32 v10, v2;
	v16 =	vsel vm0, v11, v2  }
0x3a7: {  	v11 =	vld [tilespmem:s15+$0xFFFFFFD0];
	v10 =	vsel vm1, v10, v2  }
0x3a8: {  	v17 =	vld [tilespmem:s17+$0xFFFFFFE0]  }
0x3a9: {  	v18 =	vld [tilespmem:s15+$0xFFFFFFE0];
	v12 =	vmul.f32 v13, v12  }
0x3aa: {  	v13 =	vld [tilespmem:s17+$0xFFFFFFF0]  }
0x3ab: {  	v19 =	vld [tilespmem:s15+$0xFFFFFFF0];
	v12 =	vadd.f32 v12, v4  }
0x3ac: {  	v9 =	vmul.f32 v11, v9;
	v11 =	vld [tilespmem:s17+$0x0]  }
0x3ad: {  	v20 =	vld [tilespmem:s15+$0x0];
	v12 =	vtrunc.f32 v12  }
0x3ae: {  	v9 =	vadd.f32 v9, v4;
	v17 =	vmul.f32 v18, v17;
	v18 =	vld [tilespmem:s17+$0x10];
	v12 =	vcvt.f32.s32 v12  }
0x3af: {  	v21 =	vld [tilespmem:s15+$0x10]  }
0x3b0: {  	v17 =	vadd.f32 v17, v4;
	v13 =	vmul.f32 v19, v13;
	v19 =	vld [tilespmem:s17+$0x20];
	vm0 =	vlt.s32 v12, v2  }
0x3b1: {  	v9 =	vtrunc.f32 v9;
	v22 =	vld [tilespmem:s15+$0x20];
	v12 =	vsel vm0, v12, v2  }
0x3b2: {  	v23 =	vld [tilespmem:s17+$0xFFFFFFC0];
	v17 =	vtrunc.f32 v17;
	v13 =	vadd.f32 v13, v4;
	v11 =	vmul.f32 v20, v11  }
0x3b3: {  	v9 =	vcvt.f32.s32 v9;
	v17 =	vcvt.f32.s32 v17;
	[tilespmem:v10+s12+$0x0] =	vst.idx.add.f32.msk $0xffff, v3  }
0x3b4: {  	v10 =	vtrunc.f32 v13;
	v11 =	vadd.f32 v11, v4;
	v13 =	vmul.f32 v21, v18;
	[tilespmem:v5+s12+$0x0] =	vst.idx.add.f32.msk $0xffff, v3  }
0x3b5: {  	vm0 =	vlt.s32 v9, v2;
	vm1 =	vlt.s32 v17, v2;
	v18 =	vcvt.f32.s32 v10;
	[tilespmem:v7+s12+$0x0] =	vst.idx.add.f32.msk $0xffff, v3  }
.Ltmp14:
0x3b6: {  	v5 =	vtrunc.f32 v11;
	v7 =	vadd.f32 v13, v4;
	v10 =	vmul.f32 v22, v19;
	[tilespmem:v12+s12+$0x0] =	vst.idx.add.f32.msk $0xffff, v3;
	(pc) =	sbr.rel @p0 .LBB2_30-.Ltmp14, $4  }
0x3b7: {  	v11 =	vmul.f32 v8, v23;
	vm2 =	vlt.s32 v18, v2;
	v8 =	vcvt.f32.s32 v5;
	[tilespmem:v6+s12+$0x0] =	vst.idx.add.f32.msk $0xffff, v3  }
0x3b8: {  	v5 =	vsel vm0, v9, v2;
	v6 =	vtrunc.f32 v7;
	v12 =	vadd.f32 v10, v4;
	[tilespmem:v14+s12+$0x0] =	vst.idx.add.f32.msk $0xffff, v3  }
0x3b9: {  	v10 =	vadd.f32 v11, v4;
	vm0 =	vlt.s32 v8, v2;
	v9 =	vcvt.f32.s32 v6;
	[tilespmem:v15+s12+$0x0] =	vst.idx.add.f32.msk $0xffff, v3  }
0x3ba: {  	s17 =	sadd.s32 $0x80, s17;
	v7 =	vsel vm1, v17, v2;
	v6 =	vsel vm2, v18, v2;
	v11 =	vtrunc.f32 v12;
	[tilespmem:v16+s12+$0x0] =	vst.idx.add.f32.msk $0xffff, v3  }
0x3bb: {  	v10 =	vtrunc.f32 v10  }
0x3bc: {  	v10 =	vcvt.f32.s32 v10;
	_ =	sdelay $0x1  }
0x3bd: {  	vm1 =	vlt.s32 v10, v2  }
0x3be: {  	v10 =	vsel vm1, v10, v2;
	_ =	sdelay $0x1  }
0x3bf: {  	v11 =	vcvt.f32.s32 v11  }
0x3c0: {  	v8 =	vsel vm0, v8, v2;
	vm1 =	vlt.s32 v9, v2  }
0x3c1: {  	[tilespmem:v5+s12+$0x0] =	vst.idx.add.f32.msk $0xffff, v3;
	vm0 =	vlt.s32 v11, v2;
	v9 =	vsel vm1, v9, v2  }
0x3c2: {  	[tilespmem:v10+s12+$0x0] =	vst.idx.add.f32.msk $0xffff, v3;
	v10 =	vsel vm0, v11, v2  }
0x3c3: {  	[tilespmem:v7+s12+$0x0] =	vst.idx.add.f32.msk $0xffff, v3  }
0x3c4: {  	[tilespmem:v6+s12+$0x0] =	vst.idx.add.f32.msk $0xffff, v3  }
0x3c5: {  	[tilespmem:v8+s12+$0x0] =	vst.idx.add.f32.msk $0xffff, v3  }
0x3c6: {  	[tilespmem:v9+s12+$0x0] =	vst.idx.add.f32.msk $0xffff, v3  }
0x3c7: {  	[tilespmem:v10+s12+$0x0] =	vst.idx.add.f32.msk $0xffff, v3  }
0x3c8: {  	[tilespmem:s2], [sflag:$0x1] =	stream.linear.gather [hbm4b:s19+s2], $0x4000, $0x38;
	[tilespmem:$0xC980] =	vst v63  }
0x3c9: {  	_ =	swait.ge [sflag:s13], $0x4000  }
0x3ca: {  	[sflag:s13] =	ssyncset.done $0x0  }
0x3cb: {  	s16 =	simm.s32 $0x4040;
	[sflag:s13] =	ssyncadd.s32 $0xFFFFC000  }
0x3cc: {  	s15 =	simm.s32 $0x8040;
	v5 =	vld [tilespmem:s16+$0x30]  }
0x3cd: {  	v6 =	vld [tilespmem:s15+$0x30]  }
0x3ce: {  	v7 =	vld [tilespmem:s15+$0xFFFFFFC0]  }
0x3cf: {  	v8 =	vld [tilespmem:s16+$0xFFFFFFD0]  }
0x3d0: {  	v9 =	vld [tilespmem:s15+$0xFFFFFFD0]  }
0x3d1: {  	v10 =	vld [tilespmem:s16+$0xFFFFFFE0]  }
0x3d2: {  	v11 =	vld [tilespmem:s15+$0xFFFFFFE0]  }
0x3d3: {  	v12 =	vld [tilespmem:s15+$0xFFFFFFF0]  }
0x3d4: {  	v13 =	vld [tilespmem:s16+$0x0]  }
0x3d5: {  	v14 =	vld [tilespmem:s15+$0x10]  }
0x3d6: {  	v63 =	vld [tilespmem:s16+$0xFFFFFFC0]  }
0x3d7: {  	v62 =	vld [tilespmem:s16+$0x20];
	v5 =	vmul.f32 v6, v5  }
0x3d8: {  	v6 =	vld [tilespmem:s16+$0xFFFFFFF0];
	v8 =	vmul.f32 v9, v8  }
0x3d9: {  	v9 =	vld [tilespmem:s15+$0x0];
	v10 =	vmul.f32 v11, v10;
	v5 =	vadd.f32 v5, v4  }
0x3da: {  	v15 =	vld [tilespmem:s15+$0x20];
	v8 =	vadd.f32 v8, v4  }
0x3db: {  	v11 =	vld [tilespmem:s16+$0x10];
	v7 =	vmul.f32 v7, v63;
	v10 =	vadd.f32 v10, v4;
	v5 =	vtrunc.f32 v5  }
0x3dc: {  	v8 =	vtrunc.f32 v8;
	v5 =	vcvt.f32.s32 v5  }
0x3dd: {  	v10 =	vtrunc.f32 v10;
	v6 =	vmul.f32 v12, v6  }
0x3de: {  	v9 =	vmul.f32 v9, v13;
	v17 =	vcvt.f32.s32 v10;
	vm0 =	vlt.s32 v5, v2  }
0x3df: {  	v10 =	vmul.f32 v15, v62;
	v6 =	vadd.f32 v6, v4;
	v16 =	vsel vm0, v5, v2  }
0x3e0: {  	v5 =	vcvt.f32.s32 v8;
	v8 =	vadd.f32 v9, v4;
	v9 =	vmul.f32 v14, v11  }
0x3e1: {  	vm1 =	vlt.s32 v17, v2;
	v11 =	vadd.f32 v10, v4  }
0x3e2: {  	v10 =	vadd.f32 v7, v4;
	v6 =	vtrunc.f32 v6;
	v9 =	vadd.f32 v9, v4  }
0x3e3: {  	v7 =	vsel vm1, v17, v2;
	v6 =	vcvt.f32.s32 v6;
	v8 =	vtrunc.f32 v8  }
0x3e4: {  	vm0 =	vlt.s32 v5, v2;
	v8 =	vcvt.f32.s32 v8;
	v9 =	vtrunc.f32 v9  }
0x3e5: {  	v5 =	vsel vm0, v5, v2;
	vm2 =	vlt.s32 v6, v2;
	v9 =	vcvt.f32.s32 v9  }
0x3e6: {  	s17 =	simm.s32 $0x40C0;
	s16 =	simm.s32 $0x0;
	v11 =	vtrunc.f32 v11;
	vm0 =	vlt.s32 v8, v2;
	[tilespmem:v16+s12+$0x0] =	vst.idx.add.f32.msk $0xffff, v3;
	v6 =	vsel vm2, v6, v2  }
.LBB2_32:
0x3e7: {  	v12 =	vld [tilespmem:s17+$0x30];
	v10 =	vtrunc.f32 v10;
	vm1 =	vlt.s32 v9, v2;
	v11 =	vcvt.f32.s32 v11;
	s15 =	sadd.s32 $0x80, s15  }
0x3e8: {  	s16 =	sadd.s32 $0x8, s16;
	v14 =	vsel vm0, v8, v2;
	v13 =	vld [tilespmem:s15+$0x30];
	v10 =	vcvt.f32.s32 v10;
	v15 =	vsel vm1, v9, v2  }
0x3e9: {  	p0 =	slt.u32 s16, $0x3F8;
	v8 =	vld [tilespmem:s15+$0xFFFFFFC0];
	vm0 =	vlt.s32 v11, v2  }
0x3ea: {  	v9 =	vld [tilespmem:s17+$0xFFFFFFD0];
	vm1 =	vlt.s32 v10, v2;
	v16 =	vsel vm0, v11, v2  }
0x3eb: {  	v11 =	vld [tilespmem:s15+$0xFFFFFFD0];
	v10 =	vsel vm1, v10, v2  }
0x3ec: {  	v17 =	vld [tilespmem:s17+$0xFFFFFFE0]  }
0x3ed: {  	v18 =	vld [tilespmem:s15+$0xFFFFFFE0];
	v12 =	vmul.f32 v13, v12  }
0x3ee: {  	v13 =	vld [tilespmem:s17+$0xFFFFFFF0]  }
0x3ef: {  	v19 =	vld [tilespmem:s15+$0xFFFFFFF0];
	v12 =	vadd.f32 v12, v4  }
0x3f0: {  	v9 =	vmul.f32 v11, v9;
	v11 =	vld [tilespmem:s17+$0x0]  }
0x3f1: {  	v20 =	vld [tilespmem:s15+$0x0];
	v12 =	vtrunc.f32 v12  }
0x3f2: {  	v9 =	vadd.f32 v9, v4;
	v17 =	vmul.f32 v18, v17;
	v18 =	vld [tilespmem:s17+$0x10];
	v12 =	vcvt.f32.s32 v12  }
0x3f3: {  	v21 =	vld [tilespmem:s15+$0x10]  }
0x3f4: {  	v17 =	vadd.f32 v17, v4;
	v13 =	vmul.f32 v19, v13;
	v19 =	vld [tilespmem:s17+$0x20];
	vm0 =	vlt.s32 v12, v2  }
0x3f5: {  	v9 =	vtrunc.f32 v9;
	v22 =	vld [tilespmem:s15+$0x20];
	v12 =	vsel vm0, v12, v2  }
0x3f6: {  	v23 =	vld [tilespmem:s17+$0xFFFFFFC0];
	v17 =	vtrunc.f32 v17;
	v13 =	vadd.f32 v13, v4;
	v11 =	vmul.f32 v20, v11  }
0x3f7: {  	v9 =	vcvt.f32.s32 v9;
	v17 =	vcvt.f32.s32 v17;
	[tilespmem:v10+s12+$0x0] =	vst.idx.add.f32.msk $0xffff, v3  }
0x3f8: {  	v10 =	vtrunc.f32 v13;
	v11 =	vadd.f32 v11, v4;
	v13 =	vmul.f32 v21, v18;
	[tilespmem:v5+s12+$0x0] =	vst.idx.add.f32.msk $0xffff, v3  }
0x3f9: {  	vm0 =	vlt.s32 v9, v2;
	vm1 =	vlt.s32 v17, v2;
	v18 =	vcvt.f32.s32 v10;
	[tilespmem:v7+s12+$0x0] =	vst.idx.add.f32.msk $0xffff, v3  }
.Ltmp15:
0x3fa: {  	v5 =	vtrunc.f32 v11;
	v7 =	vadd.f32 v13, v4;
	v10 =	vmul.f32 v22, v19;
	[tilespmem:v12+s12+$0x0] =	vst.idx.add.f32.msk $0xffff, v3;
	(pc) =	sbr.rel @p0 .LBB2_32-.Ltmp15, $4  }
0x3fb: {  	v11 =	vmul.f32 v8, v23;
	vm2 =	vlt.s32 v18, v2;
	v8 =	vcvt.f32.s32 v5;
	[tilespmem:v6+s12+$0x0] =	vst.idx.add.f32.msk $0xffff, v3  }
0x3fc: {  	v5 =	vsel vm0, v9, v2;
	v6 =	vtrunc.f32 v7;
	v12 =	vadd.f32 v10, v4;
	[tilespmem:v14+s12+$0x0] =	vst.idx.add.f32.msk $0xffff, v3  }
0x3fd: {  	v10 =	vadd.f32 v11, v4;
	vm0 =	vlt.s32 v8, v2;
	v9 =	vcvt.f32.s32 v6;
	[tilespmem:v15+s12+$0x0] =	vst.idx.add.f32.msk $0xffff, v3  }
0x3fe: {  	s17 =	sadd.s32 $0x80, s17;
	v7 =	vsel vm1, v17, v2;
	v6 =	vsel vm2, v18, v2;
	v11 =	vtrunc.f32 v12;
	[tilespmem:v16+s12+$0x0] =	vst.idx.add.f32.msk $0xffff, v3  }
0x3ff: {  	v10 =	vtrunc.f32 v10  }
0x400: {  	v10 =	vcvt.f32.s32 v10;
	_ =	sdelay $0x1  }
0x401: {  	vm1 =	vlt.s32 v10, v2  }
0x402: {  	v10 =	vsel vm1, v10, v2;
	_ =	sdelay $0x1  }
0x403: {  	v11 =	vcvt.f32.s32 v11  }
0x404: {  	v8 =	vsel vm0, v8, v2;
	vm1 =	vlt.s32 v9, v2  }
0x405: {  	[tilespmem:v5+s12+$0x0] =	vst.idx.add.f32.msk $0xffff, v3;
	vm0 =	vlt.s32 v11, v2;
	v9 =	vsel vm1, v9, v2  }
0x406: {  	[tilespmem:v10+s12+$0x0] =	vst.idx.add.f32.msk $0xffff, v3;
	v10 =	vsel vm0, v11, v2  }
0x407: {  	[tilespmem:v7+s12+$0x0] =	vst.idx.add.f32.msk $0xffff, v3  }
0x408: {  	[tilespmem:v6+s12+$0x0] =	vst.idx.add.f32.msk $0xffff, v3  }
0x409: {  	[tilespmem:v8+s12+$0x0] =	vst.idx.add.f32.msk $0xffff, v3  }
0x40a: {  	[tilespmem:v9+s12+$0x0] =	vst.idx.add.f32.msk $0xffff, v3  }
0x40b: {  	[tilespmem:v10+s12+$0x0] =	vst.idx.add.f32.msk $0xffff, v3  }
0x40c: {  	[tilespmem:s10], [sflag:$0x2] =	stream.linear.gather [hbm4b:s20+s2], $0x4000, $0x38;
	[tilespmem:$0xC980] =	vst v63  }
0x40d: {  	_ =	swait.ge [sflag:s11], $0x4000  }
0x40e: {  	[sflag:s11] =	ssyncset.done $0x0  }
0x40f: {  	s16 =	simm.s32 $0x40;
	[sflag:s11] =	ssyncadd.s32 $0xFFFFC000  }
0x410: {  	s15 =	simm.s32 $0x8040;
	v5 =	vld [tilespmem:s16+$0x30]  }
0x411: {  	v6 =	vld [tilespmem:s15+$0x30]  }
0x412: {  	v7 =	vld [tilespmem:s15+$0xFFFFFFC0]  }
0x413: {  	v8 =	vld [tilespmem:s16+$0xFFFFFFD0]  }
0x414: {  	v9 =	vld [tilespmem:s15+$0xFFFFFFD0]  }
0x415: {  	v10 =	vld [tilespmem:s16+$0xFFFFFFE0]  }
0x416: {  	v11 =	vld [tilespmem:s15+$0xFFFFFFE0]  }
0x417: {  	v12 =	vld [tilespmem:s15+$0xFFFFFFF0]  }
0x418: {  	v13 =	vld [tilespmem:s16+$0x0]  }
0x419: {  	v14 =	vld [tilespmem:s15+$0x10]  }
0x41a: {  	v63 =	vld [tilespmem:s16+$0xFFFFFFC0]  }
0x41b: {  	v62 =	vld [tilespmem:s16+$0x20];
	v5 =	vmul.f32 v6, v5  }
0x41c: {  	v6 =	vld [tilespmem:s16+$0xFFFFFFF0];
	v8 =	vmul.f32 v9, v8  }
0x41d: {  	v9 =	vld [tilespmem:s15+$0x0];
	v10 =	vmul.f32 v11, v10;
	v5 =	vadd.f32 v5, v4  }
0x41e: {  	v15 =	vld [tilespmem:s15+$0x20];
	v8 =	vadd.f32 v8, v4  }
0x41f: {  	v11 =	vld [tilespmem:s16+$0x10];
	v7 =	vmul.f32 v7, v63;
	v10 =	vadd.f32 v10, v4;
	v5 =	vtrunc.f32 v5  }
0x420: {  	v8 =	vtrunc.f32 v8;
	v5 =	vcvt.f32.s32 v5  }
0x421: {  	v10 =	vtrunc.f32 v10;
	v6 =	vmul.f32 v12, v6  }
0x422: {  	v9 =	vmul.f32 v9, v13;
	v17 =	vcvt.f32.s32 v10;
	vm0 =	vlt.s32 v5, v2  }
0x423: {  	v10 =	vmul.f32 v15, v62;
	v6 =	vadd.f32 v6, v4;
	v16 =	vsel vm0, v5, v2  }
0x424: {  	v5 =	vcvt.f32.s32 v8;
	v8 =	vadd.f32 v9, v4;
	v9 =	vmul.f32 v14, v11  }
0x425: {  	vm1 =	vlt.s32 v17, v2;
	v11 =	vadd.f32 v10, v4  }
0x426: {  	v10 =	vadd.f32 v7, v4;
	v6 =	vtrunc.f32 v6;
	v9 =	vadd.f32 v9, v4  }
0x427: {  	v7 =	vsel vm1, v17, v2;
	v6 =	vcvt.f32.s32 v6;
	v8 =	vtrunc.f32 v8  }
0x428: {  	vm0 =	vlt.s32 v5, v2;
	v8 =	vcvt.f32.s32 v8;
	v9 =	vtrunc.f32 v9  }
0x429: {  	v5 =	vsel vm0, v5, v2;
	vm2 =	vlt.s32 v6, v2;
	v9 =	vcvt.f32.s32 v9  }
0x42a: {  	s17 =	simm.s32 $0xC0;
	s16 =	simm.s32 $0x0;
	v11 =	vtrunc.f32 v11;
	vm0 =	vlt.s32 v8, v2;
	[tilespmem:v16+s12+$0x0] =	vst.idx.add.f32.msk $0xffff, v3;
	v6 =	vsel vm2, v6, v2  }
.LBB2_34:
0x42b: {  	v12 =	vld [tilespmem:s17+$0x30];
	v10 =	vtrunc.f32 v10;
	vm1 =	vlt.s32 v9, v2;
	v11 =	vcvt.f32.s32 v11;
	s15 =	sadd.s32 $0x80, s15  }
0x42c: {  	s16 =	sadd.s32 $0x8, s16;
	v14 =	vsel vm0, v8, v2;
	v13 =	vld [tilespmem:s15+$0x30];
	v10 =	vcvt.f32.s32 v10;
	v15 =	vsel vm1, v9, v2  }
0x42d: {  	p0 =	slt.u32 s16, $0x3F8;
	v8 =	vld [tilespmem:s15+$0xFFFFFFC0];
	vm0 =	vlt.s32 v11, v2  }
0x42e: {  	v9 =	vld [tilespmem:s17+$0xFFFFFFD0];
	vm1 =	vlt.s32 v10, v2;
	v16 =	vsel vm0, v11, v2  }
0x42f: {  	v11 =	vld [tilespmem:s15+$0xFFFFFFD0];
	v10 =	vsel vm1, v10, v2  }
0x430: {  	v17 =	vld [tilespmem:s17+$0xFFFFFFE0]  }
0x431: {  	v18 =	vld [tilespmem:s15+$0xFFFFFFE0];
	v12 =	vmul.f32 v13, v12  }
0x432: {  	v13 =	vld [tilespmem:s17+$0xFFFFFFF0]  }
0x433: {  	v19 =	vld [tilespmem:s15+$0xFFFFFFF0];
	v12 =	vadd.f32 v12, v4  }
0x434: {  	v9 =	vmul.f32 v11, v9;
	v11 =	vld [tilespmem:s17+$0x0]  }
0x435: {  	v20 =	vld [tilespmem:s15+$0x0];
	v12 =	vtrunc.f32 v12  }
0x436: {  	v9 =	vadd.f32 v9, v4;
	v17 =	vmul.f32 v18, v17;
	v18 =	vld [tilespmem:s17+$0x10];
	v12 =	vcvt.f32.s32 v12  }
0x437: {  	v21 =	vld [tilespmem:s15+$0x10]  }
0x438: {  	v17 =	vadd.f32 v17, v4;
	v13 =	vmul.f32 v19, v13;
	v19 =	vld [tilespmem:s17+$0x20];
	vm0 =	vlt.s32 v12, v2  }
0x439: {  	v9 =	vtrunc.f32 v9;
	v22 =	vld [tilespmem:s15+$0x20];
	v12 =	vsel vm0, v12, v2  }
0x43a: {  	v23 =	vld [tilespmem:s17+$0xFFFFFFC0];
	v17 =	vtrunc.f32 v17;
	v13 =	vadd.f32 v13, v4;
	v11 =	vmul.f32 v20, v11  }
0x43b: {  	v9 =	vcvt.f32.s32 v9;
	v17 =	vcvt.f32.s32 v17;
	[tilespmem:v10+s12+$0x0] =	vst.idx.add.f32.msk $0xffff, v3  }
0x43c: {  	v10 =	vtrunc.f32 v13;
	v11 =	vadd.f32 v11, v4;
	v13 =	vmul.f32 v21, v18;
	[tilespmem:v5+s12+$0x0] =	vst.idx.add.f32.msk $0xffff, v3  }
0x43d: {  	vm0 =	vlt.s32 v9, v2;
	vm1 =	vlt.s32 v17, v2;
	v18 =	vcvt.f32.s32 v10;
	[tilespmem:v7+s12+$0x0] =	vst.idx.add.f32.msk $0xffff, v3  }
.Ltmp16:
0x43e: {  	v5 =	vtrunc.f32 v11;
	v7 =	vadd.f32 v13, v4;
	v10 =	vmul.f32 v22, v19;
	[tilespmem:v12+s12+$0x0] =	vst.idx.add.f32.msk $0xffff, v3;
	(pc) =	sbr.rel @p0 .LBB2_34-.Ltmp16, $4  }
0x43f: {  	v11 =	vmul.f32 v8, v23;
	vm2 =	vlt.s32 v18, v2;
	v8 =	vcvt.f32.s32 v5;
	[tilespmem:v6+s12+$0x0] =	vst.idx.add.f32.msk $0xffff, v3  }
0x440: {  	v5 =	vsel vm0, v9, v2;
	v6 =	vtrunc.f32 v7;
	v12 =	vadd.f32 v10, v4;
	[tilespmem:v14+s12+$0x0] =	vst.idx.add.f32.msk $0xffff, v3  }
0x441: {  	v10 =	vadd.f32 v11, v4;
	vm0 =	vlt.s32 v8, v2;
	v9 =	vcvt.f32.s32 v6;
	[tilespmem:v15+s12+$0x0] =	vst.idx.add.f32.msk $0xffff, v3  }
0x442: {  	s17 =	sadd.s32 $0x80, s17;
	v7 =	vsel vm1, v17, v2;
	v6 =	vsel vm2, v18, v2;
	v11 =	vtrunc.f32 v12;
	[tilespmem:v16+s12+$0x0] =	vst.idx.add.f32.msk $0xffff, v3  }
0x443: {  	v10 =	vtrunc.f32 v10  }
0x444: {  	v10 =	vcvt.f32.s32 v10;
	_ =	sdelay $0x1  }
0x445: {  	vm1 =	vlt.s32 v10, v2  }
0x446: {  	v10 =	vsel vm1, v10, v2;
	_ =	sdelay $0x1  }
0x447: {  	v11 =	vcvt.f32.s32 v11  }
0x448: {  	v8 =	vsel vm0, v8, v2;
	vm1 =	vlt.s32 v9, v2  }
0x449: {  	[tilespmem:v5+s12+$0x0] =	vst.idx.add.f32.msk $0xffff, v3;
	vm0 =	vlt.s32 v11, v2;
	v9 =	vsel vm1, v9, v2  }
0x44a: {  	[tilespmem:v10+s12+$0x0] =	vst.idx.add.f32.msk $0xffff, v3;
	v10 =	vsel vm0, v11, v2  }
0x44b: {  	[tilespmem:v7+s12+$0x0] =	vst.idx.add.f32.msk $0xffff, v3  }
0x44c: {  	[tilespmem:v6+s12+$0x0] =	vst.idx.add.f32.msk $0xffff, v3  }
0x44d: {  	[tilespmem:v8+s12+$0x0] =	vst.idx.add.f32.msk $0xffff, v3  }
0x44e: {  	[tilespmem:v9+s12+$0x0] =	vst.idx.add.f32.msk $0xffff, v3  }
0x44f: {  	[tilespmem:v10+s12+$0x0] =	vst.idx.add.f32.msk $0xffff, v3  }
0x450: {  	[tilespmem:s2], [sflag:$0x1] =	stream.linear.gather [hbm4b:s21+s2], $0x4000, $0x38;
	[tilespmem:$0xC980] =	vst v63  }
0x451: {  	_ =	swait.ge [sflag:s13], $0x4000  }
0x452: {  	[sflag:s13] =	ssyncset.done $0x0  }
0x453: {  	s16 =	simm.s32 $0x4040;
	[sflag:s13] =	ssyncadd.s32 $0xFFFFC000  }
0x454: {  	s15 =	simm.s32 $0x8040;
	v5 =	vld [tilespmem:s16+$0x30]  }
0x455: {  	v6 =	vld [tilespmem:s15+$0x30]  }
0x456: {  	v7 =	vld [tilespmem:s15+$0xFFFFFFC0]  }
0x457: {  	v8 =	vld [tilespmem:s16+$0xFFFFFFD0]  }
0x458: {  	v9 =	vld [tilespmem:s15+$0xFFFFFFD0]  }
0x459: {  	v10 =	vld [tilespmem:s16+$0xFFFFFFE0]  }
0x45a: {  	v11 =	vld [tilespmem:s15+$0xFFFFFFE0]  }
0x45b: {  	v12 =	vld [tilespmem:s15+$0xFFFFFFF0]  }
0x45c: {  	v13 =	vld [tilespmem:s16+$0x0]  }
0x45d: {  	v14 =	vld [tilespmem:s15+$0x10]  }
0x45e: {  	v63 =	vld [tilespmem:s16+$0xFFFFFFC0]  }
0x45f: {  	v62 =	vld [tilespmem:s16+$0x20];
	v5 =	vmul.f32 v6, v5  }
0x460: {  	v6 =	vld [tilespmem:s16+$0xFFFFFFF0];
	v8 =	vmul.f32 v9, v8  }
0x461: {  	v9 =	vld [tilespmem:s15+$0x0];
	v10 =	vmul.f32 v11, v10;
	v5 =	vadd.f32 v5, v4  }
0x462: {  	v15 =	vld [tilespmem:s15+$0x20];
	v8 =	vadd.f32 v8, v4  }
0x463: {  	v11 =	vld [tilespmem:s16+$0x10];
	v7 =	vmul.f32 v7, v63;
	v10 =	vadd.f32 v10, v4;
	v5 =	vtrunc.f32 v5  }
0x464: {  	v8 =	vtrunc.f32 v8;
	v5 =	vcvt.f32.s32 v5  }
0x465: {  	v10 =	vtrunc.f32 v10;
	v6 =	vmul.f32 v12, v6  }
0x466: {  	v9 =	vmul.f32 v9, v13;
	v17 =	vcvt.f32.s32 v10;
	vm0 =	vlt.s32 v5, v2  }
0x467: {  	v10 =	vmul.f32 v15, v62;
	v6 =	vadd.f32 v6, v4;
	v16 =	vsel vm0, v5, v2  }
0x468: {  	v5 =	vcvt.f32.s32 v8;
	v8 =	vadd.f32 v9, v4;
	v9 =	vmul.f32 v14, v11  }
0x469: {  	vm1 =	vlt.s32 v17, v2;
	v11 =	vadd.f32 v10, v4  }
0x46a: {  	v10 =	vadd.f32 v7, v4;
	v6 =	vtrunc.f32 v6;
	v9 =	vadd.f32 v9, v4  }
0x46b: {  	v7 =	vsel vm1, v17, v2;
	v6 =	vcvt.f32.s32 v6;
	v8 =	vtrunc.f32 v8  }
0x46c: {  	vm0 =	vlt.s32 v5, v2;
	v8 =	vcvt.f32.s32 v8;
	v9 =	vtrunc.f32 v9  }
0x46d: {  	v5 =	vsel vm0, v5, v2;
	vm2 =	vlt.s32 v6, v2;
	v9 =	vcvt.f32.s32 v9  }
0x46e: {  	s17 =	simm.s32 $0x40C0;
	s16 =	simm.s32 $0x0;
	v11 =	vtrunc.f32 v11;
	vm0 =	vlt.s32 v8, v2;
	[tilespmem:v16+s12+$0x0] =	vst.idx.add.f32.msk $0xffff, v3;
	v6 =	vsel vm2, v6, v2  }
.LBB2_36:
0x46f: {  	v12 =	vld [tilespmem:s17+$0x30];
	v10 =	vtrunc.f32 v10;
	vm1 =	vlt.s32 v9, v2;
	v11 =	vcvt.f32.s32 v11;
	s15 =	sadd.s32 $0x80, s15  }
0x470: {  	s16 =	sadd.s32 $0x8, s16;
	v14 =	vsel vm0, v8, v2;
	v13 =	vld [tilespmem:s15+$0x30];
	v10 =	vcvt.f32.s32 v10;
	v15 =	vsel vm1, v9, v2  }
0x471: {  	p0 =	slt.u32 s16, $0x3F8;
	v8 =	vld [tilespmem:s15+$0xFFFFFFC0];
	vm0 =	vlt.s32 v11, v2  }
0x472: {  	v9 =	vld [tilespmem:s17+$0xFFFFFFD0];
	vm1 =	vlt.s32 v10, v2;
	v16 =	vsel vm0, v11, v2  }
0x473: {  	v11 =	vld [tilespmem:s15+$0xFFFFFFD0];
	v10 =	vsel vm1, v10, v2  }
0x474: {  	v17 =	vld [tilespmem:s17+$0xFFFFFFE0]  }
0x475: {  	v18 =	vld [tilespmem:s15+$0xFFFFFFE0];
	v12 =	vmul.f32 v13, v12  }
0x476: {  	v13 =	vld [tilespmem:s17+$0xFFFFFFF0]  }
0x477: {  	v19 =	vld [tilespmem:s15+$0xFFFFFFF0];
	v12 =	vadd.f32 v12, v4  }
0x478: {  	v9 =	vmul.f32 v11, v9;
	v11 =	vld [tilespmem:s17+$0x0]  }
0x479: {  	v20 =	vld [tilespmem:s15+$0x0];
	v12 =	vtrunc.f32 v12  }
0x47a: {  	v9 =	vadd.f32 v9, v4;
	v17 =	vmul.f32 v18, v17;
	v18 =	vld [tilespmem:s17+$0x10];
	v12 =	vcvt.f32.s32 v12  }
0x47b: {  	v21 =	vld [tilespmem:s15+$0x10]  }
0x47c: {  	v17 =	vadd.f32 v17, v4;
	v13 =	vmul.f32 v19, v13;
	v19 =	vld [tilespmem:s17+$0x20];
	vm0 =	vlt.s32 v12, v2  }
0x47d: {  	v9 =	vtrunc.f32 v9;
	v22 =	vld [tilespmem:s15+$0x20];
	v12 =	vsel vm0, v12, v2  }
0x47e: {  	v23 =	vld [tilespmem:s17+$0xFFFFFFC0];
	v17 =	vtrunc.f32 v17;
	v13 =	vadd.f32 v13, v4;
	v11 =	vmul.f32 v20, v11  }
0x47f: {  	v9 =	vcvt.f32.s32 v9;
	v17 =	vcvt.f32.s32 v17;
	[tilespmem:v10+s12+$0x0] =	vst.idx.add.f32.msk $0xffff, v3  }
0x480: {  	v10 =	vtrunc.f32 v13;
	v11 =	vadd.f32 v11, v4;
	v13 =	vmul.f32 v21, v18;
	[tilespmem:v5+s12+$0x0] =	vst.idx.add.f32.msk $0xffff, v3  }
0x481: {  	vm0 =	vlt.s32 v9, v2;
	vm1 =	vlt.s32 v17, v2;
	v18 =	vcvt.f32.s32 v10;
	[tilespmem:v7+s12+$0x0] =	vst.idx.add.f32.msk $0xffff, v3  }
.Ltmp17:
0x482: {  	v5 =	vtrunc.f32 v11;
	v7 =	vadd.f32 v13, v4;
	v10 =	vmul.f32 v22, v19;
	[tilespmem:v12+s12+$0x0] =	vst.idx.add.f32.msk $0xffff, v3;
	(pc) =	sbr.rel @p0 .LBB2_36-.Ltmp17, $4  }
0x483: {  	v11 =	vmul.f32 v8, v23;
	vm2 =	vlt.s32 v18, v2;
	v8 =	vcvt.f32.s32 v5;
	[tilespmem:v6+s12+$0x0] =	vst.idx.add.f32.msk $0xffff, v3  }
0x484: {  	v5 =	vsel vm0, v9, v2;
	v6 =	vtrunc.f32 v7;
	v12 =	vadd.f32 v10, v4;
	[tilespmem:v14+s12+$0x0] =	vst.idx.add.f32.msk $0xffff, v3  }
0x485: {  	v10 =	vadd.f32 v11, v4;
	vm0 =	vlt.s32 v8, v2;
	v9 =	vcvt.f32.s32 v6;
	[tilespmem:v15+s12+$0x0] =	vst.idx.add.f32.msk $0xffff, v3  }
0x486: {  	s17 =	sadd.s32 $0x80, s17;
	v7 =	vsel vm1, v17, v2;
	v6 =	vsel vm2, v18, v2;
	v11 =	vtrunc.f32 v12;
	[tilespmem:v16+s12+$0x0] =	vst.idx.add.f32.msk $0xffff, v3  }
0x487: {  	v10 =	vtrunc.f32 v10  }
0x488: {  	v10 =	vcvt.f32.s32 v10;
	_ =	sdelay $0x1  }
0x489: {  	vm1 =	vlt.s32 v10, v2  }
0x48a: {  	v10 =	vsel vm1, v10, v2;
	_ =	sdelay $0x1  }
0x48b: {  	v11 =	vcvt.f32.s32 v11  }
0x48c: {  	v8 =	vsel vm0, v8, v2;
	vm1 =	vlt.s32 v9, v2  }
0x48d: {  	[tilespmem:v5+s12+$0x0] =	vst.idx.add.f32.msk $0xffff, v3;
	vm0 =	vlt.s32 v11, v2;
	v9 =	vsel vm1, v9, v2  }
0x48e: {  	[tilespmem:v10+s12+$0x0] =	vst.idx.add.f32.msk $0xffff, v3;
	v10 =	vsel vm0, v11, v2  }
0x48f: {  	[tilespmem:v7+s12+$0x0] =	vst.idx.add.f32.msk $0xffff, v3  }
0x490: {  	[tilespmem:v6+s12+$0x0] =	vst.idx.add.f32.msk $0xffff, v3  }
0x491: {  	[tilespmem:v8+s12+$0x0] =	vst.idx.add.f32.msk $0xffff, v3  }
0x492: {  	[tilespmem:v9+s12+$0x0] =	vst.idx.add.f32.msk $0xffff, v3  }
0x493: {  	[tilespmem:v10+s12+$0x0] =	vst.idx.add.f32.msk $0xffff, v3  }
0x494: {  	[tilespmem:s10], [sflag:$0x2] =	stream.linear.gather [hbm4b:s22+s2], $0x4000, $0x38;
	[tilespmem:$0xC980] =	vst v63  }
0x495: {  	_ =	swait.ge [sflag:s11], $0x4000  }
0x496: {  	[sflag:s11] =	ssyncset.done $0x0  }
0x497: {  	s16 =	simm.s32 $0x40;
	[sflag:s11] =	ssyncadd.s32 $0xFFFFC000  }
0x498: {  	s15 =	simm.s32 $0x8040;
	v5 =	vld [tilespmem:s16+$0x30]  }
0x499: {  	v6 =	vld [tilespmem:s15+$0x30]  }
0x49a: {  	v7 =	vld [tilespmem:s15+$0xFFFFFFC0]  }
0x49b: {  	v8 =	vld [tilespmem:s16+$0xFFFFFFD0]  }
0x49c: {  	v9 =	vld [tilespmem:s15+$0xFFFFFFD0]  }
0x49d: {  	v10 =	vld [tilespmem:s16+$0xFFFFFFE0]  }
0x49e: {  	v11 =	vld [tilespmem:s15+$0xFFFFFFE0]  }
0x49f: {  	v12 =	vld [tilespmem:s15+$0xFFFFFFF0]  }
0x4a0: {  	v13 =	vld [tilespmem:s16+$0x0]  }
0x4a1: {  	v14 =	vld [tilespmem:s15+$0x10]  }
0x4a2: {  	v63 =	vld [tilespmem:s16+$0xFFFFFFC0]  }
0x4a3: {  	v62 =	vld [tilespmem:s16+$0x20];
	v5 =	vmul.f32 v6, v5  }
0x4a4: {  	v6 =	vld [tilespmem:s16+$0xFFFFFFF0];
	v8 =	vmul.f32 v9, v8  }
0x4a5: {  	v9 =	vld [tilespmem:s15+$0x0];
	v10 =	vmul.f32 v11, v10;
	v5 =	vadd.f32 v5, v4  }
0x4a6: {  	v15 =	vld [tilespmem:s15+$0x20];
	v8 =	vadd.f32 v8, v4  }
0x4a7: {  	v11 =	vld [tilespmem:s16+$0x10];
	v7 =	vmul.f32 v7, v63;
	v10 =	vadd.f32 v10, v4;
	v5 =	vtrunc.f32 v5  }
0x4a8: {  	v8 =	vtrunc.f32 v8;
	v5 =	vcvt.f32.s32 v5  }
0x4a9: {  	v10 =	vtrunc.f32 v10;
	v6 =	vmul.f32 v12, v6  }
0x4aa: {  	v9 =	vmul.f32 v9, v13;
	v17 =	vcvt.f32.s32 v10;
	vm0 =	vlt.s32 v5, v2  }
0x4ab: {  	v10 =	vmul.f32 v15, v62;
	v6 =	vadd.f32 v6, v4;
	v16 =	vsel vm0, v5, v2  }
0x4ac: {  	v5 =	vcvt.f32.s32 v8;
	v8 =	vadd.f32 v9, v4;
	v9 =	vmul.f32 v14, v11  }
0x4ad: {  	vm1 =	vlt.s32 v17, v2;
	v11 =	vadd.f32 v10, v4  }
0x4ae: {  	v10 =	vadd.f32 v7, v4;
	v6 =	vtrunc.f32 v6;
	v9 =	vadd.f32 v9, v4  }
0x4af: {  	v7 =	vsel vm1, v17, v2;
	v6 =	vcvt.f32.s32 v6;
	v8 =	vtrunc.f32 v8  }
0x4b0: {  	vm0 =	vlt.s32 v5, v2;
	v8 =	vcvt.f32.s32 v8;
	v9 =	vtrunc.f32 v9  }
0x4b1: {  	v5 =	vsel vm0, v5, v2;
	vm2 =	vlt.s32 v6, v2;
	v9 =	vcvt.f32.s32 v9  }
0x4b2: {  	s17 =	simm.s32 $0xC0;
	s16 =	simm.s32 $0x0;
	v11 =	vtrunc.f32 v11;
	vm0 =	vlt.s32 v8, v2;
	[tilespmem:v16+s12+$0x0] =	vst.idx.add.f32.msk $0xffff, v3;
	v6 =	vsel vm2, v6, v2  }
.LBB2_38:
0x4b3: {  	v12 =	vld [tilespmem:s17+$0x30];
	v10 =	vtrunc.f32 v10;
	vm1 =	vlt.s32 v9, v2;
	v11 =	vcvt.f32.s32 v11;
	s15 =	sadd.s32 $0x80, s15  }
0x4b4: {  	s16 =	sadd.s32 $0x8, s16;
	v14 =	vsel vm0, v8, v2;
	v13 =	vld [tilespmem:s15+$0x30];
	v10 =	vcvt.f32.s32 v10;
	v15 =	vsel vm1, v9, v2  }
0x4b5: {  	p0 =	slt.u32 s16, $0x3F8;
	v8 =	vld [tilespmem:s15+$0xFFFFFFC0];
	vm0 =	vlt.s32 v11, v2  }
0x4b6: {  	v9 =	vld [tilespmem:s17+$0xFFFFFFD0];
	vm1 =	vlt.s32 v10, v2;
	v16 =	vsel vm0, v11, v2  }
0x4b7: {  	v11 =	vld [tilespmem:s15+$0xFFFFFFD0];
	v10 =	vsel vm1, v10, v2  }
0x4b8: {  	v17 =	vld [tilespmem:s17+$0xFFFFFFE0]  }
0x4b9: {  	v18 =	vld [tilespmem:s15+$0xFFFFFFE0];
	v12 =	vmul.f32 v13, v12  }
0x4ba: {  	v13 =	vld [tilespmem:s17+$0xFFFFFFF0]  }
0x4bb: {  	v19 =	vld [tilespmem:s15+$0xFFFFFFF0];
	v12 =	vadd.f32 v12, v4  }
0x4bc: {  	v9 =	vmul.f32 v11, v9;
	v11 =	vld [tilespmem:s17+$0x0]  }
0x4bd: {  	v20 =	vld [tilespmem:s15+$0x0];
	v12 =	vtrunc.f32 v12  }
0x4be: {  	v9 =	vadd.f32 v9, v4;
	v17 =	vmul.f32 v18, v17;
	v18 =	vld [tilespmem:s17+$0x10];
	v12 =	vcvt.f32.s32 v12  }
0x4bf: {  	v21 =	vld [tilespmem:s15+$0x10]  }
0x4c0: {  	v17 =	vadd.f32 v17, v4;
	v13 =	vmul.f32 v19, v13;
	v19 =	vld [tilespmem:s17+$0x20];
	vm0 =	vlt.s32 v12, v2  }
0x4c1: {  	v9 =	vtrunc.f32 v9;
	v22 =	vld [tilespmem:s15+$0x20];
	v12 =	vsel vm0, v12, v2  }
0x4c2: {  	v23 =	vld [tilespmem:s17+$0xFFFFFFC0];
	v17 =	vtrunc.f32 v17;
	v13 =	vadd.f32 v13, v4;
	v11 =	vmul.f32 v20, v11  }
0x4c3: {  	v9 =	vcvt.f32.s32 v9;
	v17 =	vcvt.f32.s32 v17;
	[tilespmem:v10+s12+$0x0] =	vst.idx.add.f32.msk $0xffff, v3  }
0x4c4: {  	v10 =	vtrunc.f32 v13;
	v11 =	vadd.f32 v11, v4;
	v13 =	vmul.f32 v21, v18;
	[tilespmem:v5+s12+$0x0] =	vst.idx.add.f32.msk $0xffff, v3  }
0x4c5: {  	vm0 =	vlt.s32 v9, v2;
	vm1 =	vlt.s32 v17, v2;
	v18 =	vcvt.f32.s32 v10;
	[tilespmem:v7+s12+$0x0] =	vst.idx.add.f32.msk $0xffff, v3  }
.Ltmp18:
0x4c6: {  	v5 =	vtrunc.f32 v11;
	v7 =	vadd.f32 v13, v4;
	v10 =	vmul.f32 v22, v19;
	[tilespmem:v12+s12+$0x0] =	vst.idx.add.f32.msk $0xffff, v3;
	(pc) =	sbr.rel @p0 .LBB2_38-.Ltmp18, $4  }
0x4c7: {  	v11 =	vmul.f32 v8, v23;
	vm2 =	vlt.s32 v18, v2;
	v8 =	vcvt.f32.s32 v5;
	[tilespmem:v6+s12+$0x0] =	vst.idx.add.f32.msk $0xffff, v3  }
0x4c8: {  	v5 =	vsel vm0, v9, v2;
	v6 =	vtrunc.f32 v7;
	v12 =	vadd.f32 v10, v4;
	[tilespmem:v14+s12+$0x0] =	vst.idx.add.f32.msk $0xffff, v3  }
0x4c9: {  	v10 =	vadd.f32 v11, v4;
	vm0 =	vlt.s32 v8, v2;
	v9 =	vcvt.f32.s32 v6;
	[tilespmem:v15+s12+$0x0] =	vst.idx.add.f32.msk $0xffff, v3  }
0x4ca: {  	s17 =	sadd.s32 $0x80, s17;
	v7 =	vsel vm1, v17, v2;
	v6 =	vsel vm2, v18, v2;
	v11 =	vtrunc.f32 v12;
	[tilespmem:v16+s12+$0x0] =	vst.idx.add.f32.msk $0xffff, v3  }
0x4cb: {  	v10 =	vtrunc.f32 v10  }
0x4cc: {  	v10 =	vcvt.f32.s32 v10;
	_ =	sdelay $0x1  }
0x4cd: {  	vm1 =	vlt.s32 v10, v2  }
0x4ce: {  	v10 =	vsel vm1, v10, v2;
	_ =	sdelay $0x1  }
0x4cf: {  	v11 =	vcvt.f32.s32 v11  }
0x4d0: {  	v8 =	vsel vm0, v8, v2;
	vm1 =	vlt.s32 v9, v2  }
0x4d1: {  	[tilespmem:v5+s12+$0x0] =	vst.idx.add.f32.msk $0xffff, v3;
	vm0 =	vlt.s32 v11, v2;
	v9 =	vsel vm1, v9, v2  }
0x4d2: {  	[tilespmem:v10+s12+$0x0] =	vst.idx.add.f32.msk $0xffff, v3;
	v10 =	vsel vm0, v11, v2  }
0x4d3: {  	[tilespmem:v7+s12+$0x0] =	vst.idx.add.f32.msk $0xffff, v3  }
0x4d4: {  	[tilespmem:v6+s12+$0x0] =	vst.idx.add.f32.msk $0xffff, v3  }
0x4d5: {  	[tilespmem:v8+s12+$0x0] =	vst.idx.add.f32.msk $0xffff, v3  }
0x4d6: {  	[tilespmem:v9+s12+$0x0] =	vst.idx.add.f32.msk $0xffff, v3  }
0x4d7: {  	[tilespmem:v10+s12+$0x0] =	vst.idx.add.f32.msk $0xffff, v3  }
0x4d8: {  	[tilespmem:s2], [sflag:$0x1] =	stream.linear.gather [hbm4b:s23+s2], $0x4000, $0x38;
	[tilespmem:$0xC980] =	vst v63  }
0x4d9: {  	_ =	swait.ge [sflag:s13], $0x4000  }
0x4da: {  	[sflag:s13] =	ssyncset.done $0x0  }
0x4db: {  	s16 =	simm.s32 $0x4040;
	[sflag:s13] =	ssyncadd.s32 $0xFFFFC000  }
0x4dc: {  	s15 =	simm.s32 $0x8040;
	v5 =	vld [tilespmem:s16+$0x30]  }
0x4dd: {  	v6 =	vld [tilespmem:s15+$0x30]  }
0x4de: {  	v7 =	vld [tilespmem:s15+$0xFFFFFFC0]  }
0x4df: {  	v8 =	vld [tilespmem:s16+$0xFFFFFFD0]  }
0x4e0: {  	v9 =	vld [tilespmem:s15+$0xFFFFFFD0]  }
0x4e1: {  	v10 =	vld [tilespmem:s16+$0xFFFFFFE0]  }
0x4e2: {  	v11 =	vld [tilespmem:s15+$0xFFFFFFE0]  }
0x4e3: {  	v12 =	vld [tilespmem:s15+$0xFFFFFFF0]  }
0x4e4: {  	v13 =	vld [tilespmem:s16+$0x0]  }
0x4e5: {  	v14 =	vld [tilespmem:s15+$0x10]  }
0x4e6: {  	v63 =	vld [tilespmem:s16+$0xFFFFFFC0]  }
0x4e7: {  	v62 =	vld [tilespmem:s16+$0x20];
	v5 =	vmul.f32 v6, v5  }
0x4e8: {  	v6 =	vld [tilespmem:s16+$0xFFFFFFF0];
	v8 =	vmul.f32 v9, v8  }
0x4e9: {  	v9 =	vld [tilespmem:s15+$0x0];
	v10 =	vmul.f32 v11, v10;
	v5 =	vadd.f32 v5, v4  }
0x4ea: {  	v15 =	vld [tilespmem:s15+$0x20];
	v8 =	vadd.f32 v8, v4  }
0x4eb: {  	v11 =	vld [tilespmem:s16+$0x10];
	v7 =	vmul.f32 v7, v63;
	v10 =	vadd.f32 v10, v4;
	v5 =	vtrunc.f32 v5  }
0x4ec: {  	v8 =	vtrunc.f32 v8;
	v5 =	vcvt.f32.s32 v5  }
0x4ed: {  	v10 =	vtrunc.f32 v10;
	v6 =	vmul.f32 v12, v6  }
0x4ee: {  	v9 =	vmul.f32 v9, v13;
	v17 =	vcvt.f32.s32 v10;
	vm0 =	vlt.s32 v5, v2  }
0x4ef: {  	v10 =	vmul.f32 v15, v62;
	v6 =	vadd.f32 v6, v4;
	v16 =	vsel vm0, v5, v2  }
0x4f0: {  	v5 =	vcvt.f32.s32 v8;
	v8 =	vadd.f32 v9, v4;
	v9 =	vmul.f32 v14, v11  }
0x4f1: {  	vm1 =	vlt.s32 v17, v2;
	v11 =	vadd.f32 v10, v4  }
0x4f2: {  	v10 =	vadd.f32 v7, v4;
	v6 =	vtrunc.f32 v6;
	v9 =	vadd.f32 v9, v4  }
0x4f3: {  	v7 =	vsel vm1, v17, v2;
	v6 =	vcvt.f32.s32 v6;
	v8 =	vtrunc.f32 v8  }
0x4f4: {  	vm0 =	vlt.s32 v5, v2;
	v8 =	vcvt.f32.s32 v8;
	v9 =	vtrunc.f32 v9  }
0x4f5: {  	v5 =	vsel vm0, v5, v2;
	vm2 =	vlt.s32 v6, v2;
	v9 =	vcvt.f32.s32 v9  }
0x4f6: {  	s17 =	simm.s32 $0x40C0;
	s16 =	simm.s32 $0x0;
	v11 =	vtrunc.f32 v11;
	vm0 =	vlt.s32 v8, v2;
	[tilespmem:v16+s12+$0x0] =	vst.idx.add.f32.msk $0xffff, v3;
	v6 =	vsel vm2, v6, v2  }
.LBB2_40:
0x4f7: {  	v12 =	vld [tilespmem:s17+$0x30];
	v10 =	vtrunc.f32 v10;
	vm1 =	vlt.s32 v9, v2;
	v11 =	vcvt.f32.s32 v11;
	s15 =	sadd.s32 $0x80, s15  }
0x4f8: {  	s16 =	sadd.s32 $0x8, s16;
	v14 =	vsel vm0, v8, v2;
	v13 =	vld [tilespmem:s15+$0x30];
	v10 =	vcvt.f32.s32 v10;
	v15 =	vsel vm1, v9, v2  }
0x4f9: {  	p0 =	slt.u32 s16, $0x3F8;
	v8 =	vld [tilespmem:s15+$0xFFFFFFC0];
	vm0 =	vlt.s32 v11, v2  }
0x4fa: {  	v9 =	vld [tilespmem:s17+$0xFFFFFFD0];
	vm1 =	vlt.s32 v10, v2;
	v16 =	vsel vm0, v11, v2  }
0x4fb: {  	v11 =	vld [tilespmem:s15+$0xFFFFFFD0];
	v10 =	vsel vm1, v10, v2  }
0x4fc: {  	v17 =	vld [tilespmem:s17+$0xFFFFFFE0]  }
0x4fd: {  	v18 =	vld [tilespmem:s15+$0xFFFFFFE0];
	v12 =	vmul.f32 v13, v12  }
0x4fe: {  	v13 =	vld [tilespmem:s17+$0xFFFFFFF0]  }
0x4ff: {  	v19 =	vld [tilespmem:s15+$0xFFFFFFF0];
	v12 =	vadd.f32 v12, v4  }
0x500: {  	v9 =	vmul.f32 v11, v9;
	v11 =	vld [tilespmem:s17+$0x0]  }
0x501: {  	v20 =	vld [tilespmem:s15+$0x0];
	v12 =	vtrunc.f32 v12  }
0x502: {  	v9 =	vadd.f32 v9, v4;
	v17 =	vmul.f32 v18, v17;
	v18 =	vld [tilespmem:s17+$0x10];
	v12 =	vcvt.f32.s32 v12  }
0x503: {  	v21 =	vld [tilespmem:s15+$0x10]  }
0x504: {  	v17 =	vadd.f32 v17, v4;
	v13 =	vmul.f32 v19, v13;
	v19 =	vld [tilespmem:s17+$0x20];
	vm0 =	vlt.s32 v12, v2  }
0x505: {  	v9 =	vtrunc.f32 v9;
	v22 =	vld [tilespmem:s15+$0x20];
	v12 =	vsel vm0, v12, v2  }
0x506: {  	v23 =	vld [tilespmem:s17+$0xFFFFFFC0];
	v17 =	vtrunc.f32 v17;
	v13 =	vadd.f32 v13, v4;
	v11 =	vmul.f32 v20, v11  }
0x507: {  	v9 =	vcvt.f32.s32 v9;
	v17 =	vcvt.f32.s32 v17;
	[tilespmem:v10+s12+$0x0] =	vst.idx.add.f32.msk $0xffff, v3  }
0x508: {  	v10 =	vtrunc.f32 v13;
	v11 =	vadd.f32 v11, v4;
	v13 =	vmul.f32 v21, v18;
	[tilespmem:v5+s12+$0x0] =	vst.idx.add.f32.msk $0xffff, v3  }
0x509: {  	vm0 =	vlt.s32 v9, v2;
	vm1 =	vlt.s32 v17, v2;
	v18 =	vcvt.f32.s32 v10;
	[tilespmem:v7+s12+$0x0] =	vst.idx.add.f32.msk $0xffff, v3  }
.Ltmp19:
0x50a: {  	v5 =	vtrunc.f32 v11;
	v7 =	vadd.f32 v13, v4;
	v10 =	vmul.f32 v22, v19;
	[tilespmem:v12+s12+$0x0] =	vst.idx.add.f32.msk $0xffff, v3;
	(pc) =	sbr.rel @p0 .LBB2_40-.Ltmp19, $4  }
0x50b: {  	v11 =	vmul.f32 v8, v23;
	vm2 =	vlt.s32 v18, v2;
	v8 =	vcvt.f32.s32 v5;
	[tilespmem:v6+s12+$0x0] =	vst.idx.add.f32.msk $0xffff, v3  }
0x50c: {  	v5 =	vsel vm0, v9, v2;
	v6 =	vtrunc.f32 v7;
	v12 =	vadd.f32 v10, v4;
	[tilespmem:v14+s12+$0x0] =	vst.idx.add.f32.msk $0xffff, v3  }
0x50d: {  	v10 =	vadd.f32 v11, v4;
	vm0 =	vlt.s32 v8, v2;
	v9 =	vcvt.f32.s32 v6;
	[tilespmem:v15+s12+$0x0] =	vst.idx.add.f32.msk $0xffff, v3  }
0x50e: {  	s17 =	sadd.s32 $0x80, s17;
	v7 =	vsel vm1, v17, v2;
	v6 =	vsel vm2, v18, v2;
	v11 =	vtrunc.f32 v12;
	[tilespmem:v16+s12+$0x0] =	vst.idx.add.f32.msk $0xffff, v3  }
0x50f: {  	v10 =	vtrunc.f32 v10  }
0x510: {  	v10 =	vcvt.f32.s32 v10;
	_ =	sdelay $0x1  }
0x511: {  	vm1 =	vlt.s32 v10, v2  }
0x512: {  	v10 =	vsel vm1, v10, v2;
	_ =	sdelay $0x1  }
0x513: {  	v11 =	vcvt.f32.s32 v11  }
0x514: {  	v8 =	vsel vm0, v8, v2;
	vm1 =	vlt.s32 v9, v2  }
0x515: {  	[tilespmem:v5+s12+$0x0] =	vst.idx.add.f32.msk $0xffff, v3;
	vm0 =	vlt.s32 v11, v2;
	v9 =	vsel vm1, v9, v2  }
0x516: {  	[tilespmem:v10+s12+$0x0] =	vst.idx.add.f32.msk $0xffff, v3;
	v10 =	vsel vm0, v11, v2  }
0x517: {  	[tilespmem:v7+s12+$0x0] =	vst.idx.add.f32.msk $0xffff, v3  }
0x518: {  	[tilespmem:v6+s12+$0x0] =	vst.idx.add.f32.msk $0xffff, v3  }
0x519: {  	[tilespmem:v8+s12+$0x0] =	vst.idx.add.f32.msk $0xffff, v3  }
0x51a: {  	[tilespmem:v9+s12+$0x0] =	vst.idx.add.f32.msk $0xffff, v3  }
0x51b: {  	[tilespmem:v10+s12+$0x0] =	vst.idx.add.f32.msk $0xffff, v3  }
0x51c: {  	[tilespmem:s10], [sflag:$0x2] =	stream.linear.gather [hbm4b:s24+s2], $0x4000, $0x38;
	[tilespmem:$0xC980] =	vst v63  }
0x51d: {  	_ =	swait.ge [sflag:s11], $0x4000  }
0x51e: {  	[sflag:s11] =	ssyncset.done $0x0  }
0x51f: {  	s16 =	simm.s32 $0x40;
	[sflag:s11] =	ssyncadd.s32 $0xFFFFC000  }
0x520: {  	s15 =	simm.s32 $0x8040;
	v5 =	vld [tilespmem:s16+$0x30]  }
0x521: {  	v6 =	vld [tilespmem:s15+$0x30]  }
0x522: {  	v7 =	vld [tilespmem:s15+$0xFFFFFFC0]  }
0x523: {  	v8 =	vld [tilespmem:s16+$0xFFFFFFD0]  }
0x524: {  	v9 =	vld [tilespmem:s15+$0xFFFFFFD0]  }
0x525: {  	v10 =	vld [tilespmem:s16+$0xFFFFFFE0]  }
0x526: {  	v11 =	vld [tilespmem:s15+$0xFFFFFFE0]  }
0x527: {  	v12 =	vld [tilespmem:s15+$0xFFFFFFF0]  }
0x528: {  	v13 =	vld [tilespmem:s16+$0x0]  }
0x529: {  	v14 =	vld [tilespmem:s15+$0x10]  }
0x52a: {  	v63 =	vld [tilespmem:s16+$0xFFFFFFC0]  }
0x52b: {  	v62 =	vld [tilespmem:s16+$0x20];
	v5 =	vmul.f32 v6, v5  }
0x52c: {  	v6 =	vld [tilespmem:s16+$0xFFFFFFF0];
	v8 =	vmul.f32 v9, v8  }
0x52d: {  	v9 =	vld [tilespmem:s15+$0x0];
	v10 =	vmul.f32 v11, v10;
	v5 =	vadd.f32 v5, v4  }
0x52e: {  	v15 =	vld [tilespmem:s15+$0x20];
	v8 =	vadd.f32 v8, v4  }
0x52f: {  	v11 =	vld [tilespmem:s16+$0x10];
	v7 =	vmul.f32 v7, v63;
	v10 =	vadd.f32 v10, v4;
	v5 =	vtrunc.f32 v5  }
0x530: {  	v8 =	vtrunc.f32 v8;
	v5 =	vcvt.f32.s32 v5  }
0x531: {  	v10 =	vtrunc.f32 v10;
	v6 =	vmul.f32 v12, v6  }
0x532: {  	v9 =	vmul.f32 v9, v13;
	v17 =	vcvt.f32.s32 v10;
	vm0 =	vlt.s32 v5, v2  }
0x533: {  	v10 =	vmul.f32 v15, v62;
	v6 =	vadd.f32 v6, v4;
	v16 =	vsel vm0, v5, v2  }
0x534: {  	v5 =	vcvt.f32.s32 v8;
	v8 =	vadd.f32 v9, v4;
	v9 =	vmul.f32 v14, v11  }
0x535: {  	vm1 =	vlt.s32 v17, v2;
	v11 =	vadd.f32 v10, v4  }
0x536: {  	v10 =	vadd.f32 v7, v4;
	v6 =	vtrunc.f32 v6;
	v9 =	vadd.f32 v9, v4  }
0x537: {  	v7 =	vsel vm1, v17, v2;
	v6 =	vcvt.f32.s32 v6;
	v8 =	vtrunc.f32 v8  }
0x538: {  	vm0 =	vlt.s32 v5, v2;
	v8 =	vcvt.f32.s32 v8;
	v9 =	vtrunc.f32 v9  }
0x539: {  	v5 =	vsel vm0, v5, v2;
	vm2 =	vlt.s32 v6, v2;
	v9 =	vcvt.f32.s32 v9  }
0x53a: {  	s17 =	simm.s32 $0xC0;
	s16 =	simm.s32 $0x0;
	v11 =	vtrunc.f32 v11;
	vm0 =	vlt.s32 v8, v2;
	[tilespmem:v16+s12+$0x0] =	vst.idx.add.f32.msk $0xffff, v3;
	v6 =	vsel vm2, v6, v2  }
.LBB2_42:
0x53b: {  	v12 =	vld [tilespmem:s17+$0x30];
	v10 =	vtrunc.f32 v10;
	vm1 =	vlt.s32 v9, v2;
	v11 =	vcvt.f32.s32 v11;
	s15 =	sadd.s32 $0x80, s15  }
0x53c: {  	s16 =	sadd.s32 $0x8, s16;
	v14 =	vsel vm0, v8, v2;
	v13 =	vld [tilespmem:s15+$0x30];
	v10 =	vcvt.f32.s32 v10;
	v15 =	vsel vm1, v9, v2  }
0x53d: {  	p0 =	slt.u32 s16, $0x3F8;
	v8 =	vld [tilespmem:s15+$0xFFFFFFC0];
	vm0 =	vlt.s32 v11, v2  }
0x53e: {  	v9 =	vld [tilespmem:s17+$0xFFFFFFD0];
	vm1 =	vlt.s32 v10, v2;
	v16 =	vsel vm0, v11, v2  }
0x53f: {  	v11 =	vld [tilespmem:s15+$0xFFFFFFD0];
	v10 =	vsel vm1, v10, v2  }
0x540: {  	v17 =	vld [tilespmem:s17+$0xFFFFFFE0]  }
0x541: {  	v18 =	vld [tilespmem:s15+$0xFFFFFFE0];
	v12 =	vmul.f32 v13, v12  }
0x542: {  	v13 =	vld [tilespmem:s17+$0xFFFFFFF0]  }
0x543: {  	v19 =	vld [tilespmem:s15+$0xFFFFFFF0];
	v12 =	vadd.f32 v12, v4  }
0x544: {  	v9 =	vmul.f32 v11, v9;
	v11 =	vld [tilespmem:s17+$0x0]  }
0x545: {  	v20 =	vld [tilespmem:s15+$0x0];
	v12 =	vtrunc.f32 v12  }
0x546: {  	v9 =	vadd.f32 v9, v4;
	v17 =	vmul.f32 v18, v17;
	v18 =	vld [tilespmem:s17+$0x10];
	v12 =	vcvt.f32.s32 v12  }
0x547: {  	v21 =	vld [tilespmem:s15+$0x10]  }
0x548: {  	v17 =	vadd.f32 v17, v4;
	v13 =	vmul.f32 v19, v13;
	v19 =	vld [tilespmem:s17+$0x20];
	vm0 =	vlt.s32 v12, v2  }
0x549: {  	v9 =	vtrunc.f32 v9;
	v22 =	vld [tilespmem:s15+$0x20];
	v12 =	vsel vm0, v12, v2  }
0x54a: {  	v23 =	vld [tilespmem:s17+$0xFFFFFFC0];
	v17 =	vtrunc.f32 v17;
	v13 =	vadd.f32 v13, v4;
	v11 =	vmul.f32 v20, v11  }
0x54b: {  	v9 =	vcvt.f32.s32 v9;
	v17 =	vcvt.f32.s32 v17;
	[tilespmem:v10+s12+$0x0] =	vst.idx.add.f32.msk $0xffff, v3  }
0x54c: {  	v10 =	vtrunc.f32 v13;
	v11 =	vadd.f32 v11, v4;
	v13 =	vmul.f32 v21, v18;
	[tilespmem:v5+s12+$0x0] =	vst.idx.add.f32.msk $0xffff, v3  }
0x54d: {  	vm0 =	vlt.s32 v9, v2;
	vm1 =	vlt.s32 v17, v2;
	v18 =	vcvt.f32.s32 v10;
	[tilespmem:v7+s12+$0x0] =	vst.idx.add.f32.msk $0xffff, v3  }
.Ltmp20:
0x54e: {  	v5 =	vtrunc.f32 v11;
	v7 =	vadd.f32 v13, v4;
	v10 =	vmul.f32 v22, v19;
	[tilespmem:v12+s12+$0x0] =	vst.idx.add.f32.msk $0xffff, v3;
	(pc) =	sbr.rel @p0 .LBB2_42-.Ltmp20, $4  }
0x54f: {  	v11 =	vmul.f32 v8, v23;
	vm2 =	vlt.s32 v18, v2;
	v8 =	vcvt.f32.s32 v5;
	[tilespmem:v6+s12+$0x0] =	vst.idx.add.f32.msk $0xffff, v3  }
0x550: {  	v5 =	vsel vm0, v9, v2;
	v6 =	vtrunc.f32 v7;
	v12 =	vadd.f32 v10, v4;
	[tilespmem:v14+s12+$0x0] =	vst.idx.add.f32.msk $0xffff, v3  }
0x551: {  	v10 =	vadd.f32 v11, v4;
	vm0 =	vlt.s32 v8, v2;
	v9 =	vcvt.f32.s32 v6;
	[tilespmem:v15+s12+$0x0] =	vst.idx.add.f32.msk $0xffff, v3  }
0x552: {  	s17 =	sadd.s32 $0x80, s17;
	v7 =	vsel vm1, v17, v2;
	v6 =	vsel vm2, v18, v2;
	v11 =	vtrunc.f32 v12;
	[tilespmem:v16+s12+$0x0] =	vst.idx.add.f32.msk $0xffff, v3  }
0x553: {  	v10 =	vtrunc.f32 v10  }
0x554: {  	v10 =	vcvt.f32.s32 v10;
	_ =	sdelay $0x1  }
0x555: {  	vm1 =	vlt.s32 v10, v2  }
0x556: {  	v10 =	vsel vm1, v10, v2;
	_ =	sdelay $0x1  }
0x557: {  	v11 =	vcvt.f32.s32 v11  }
0x558: {  	v8 =	vsel vm0, v8, v2;
	vm1 =	vlt.s32 v9, v2  }
0x559: {  	[tilespmem:v5+s12+$0x0] =	vst.idx.add.f32.msk $0xffff, v3;
	vm0 =	vlt.s32 v11, v2;
	v9 =	vsel vm1, v9, v2  }
0x55a: {  	[tilespmem:v10+s12+$0x0] =	vst.idx.add.f32.msk $0xffff, v3;
	v10 =	vsel vm0, v11, v2  }
0x55b: {  	[tilespmem:v7+s12+$0x0] =	vst.idx.add.f32.msk $0xffff, v3  }
0x55c: {  	[tilespmem:v6+s12+$0x0] =	vst.idx.add.f32.msk $0xffff, v3  }
0x55d: {  	[tilespmem:v8+s12+$0x0] =	vst.idx.add.f32.msk $0xffff, v3  }
0x55e: {  	[tilespmem:v9+s12+$0x0] =	vst.idx.add.f32.msk $0xffff, v3  }
0x55f: {  	[tilespmem:v10+s12+$0x0] =	vst.idx.add.f32.msk $0xffff, v3  }
0x560: {  	[tilespmem:s2], [sflag:$0x1] =	stream.linear.gather [hbm4b:s25+s2], $0x4000, $0x38;
	[tilespmem:$0xC980] =	vst v63  }
0x561: {  	_ =	swait.ge [sflag:s13], $0x4000  }
0x562: {  	[sflag:s13] =	ssyncset.done $0x0  }
0x563: {  	s16 =	simm.s32 $0x4040;
	[sflag:s13] =	ssyncadd.s32 $0xFFFFC000  }
0x564: {  	s15 =	simm.s32 $0x8040;
	v5 =	vld [tilespmem:s16+$0x30]  }
0x565: {  	v6 =	vld [tilespmem:s15+$0x30]  }
0x566: {  	v7 =	vld [tilespmem:s15+$0xFFFFFFC0]  }
0x567: {  	v8 =	vld [tilespmem:s16+$0xFFFFFFD0]  }
0x568: {  	v9 =	vld [tilespmem:s15+$0xFFFFFFD0]  }
0x569: {  	v10 =	vld [tilespmem:s16+$0xFFFFFFE0]  }
0x56a: {  	v11 =	vld [tilespmem:s15+$0xFFFFFFE0]  }
0x56b: {  	v12 =	vld [tilespmem:s15+$0xFFFFFFF0]  }
0x56c: {  	v13 =	vld [tilespmem:s16+$0x0]  }
0x56d: {  	v14 =	vld [tilespmem:s15+$0x10]  }
0x56e: {  	v63 =	vld [tilespmem:s16+$0xFFFFFFC0]  }
0x56f: {  	v62 =	vld [tilespmem:s16+$0x20];
	v5 =	vmul.f32 v6, v5  }
0x570: {  	v6 =	vld [tilespmem:s16+$0xFFFFFFF0];
	v8 =	vmul.f32 v9, v8  }
0x571: {  	v9 =	vld [tilespmem:s15+$0x0];
	v10 =	vmul.f32 v11, v10;
	v5 =	vadd.f32 v5, v4  }
0x572: {  	v15 =	vld [tilespmem:s15+$0x20];
	v8 =	vadd.f32 v8, v4  }
0x573: {  	v11 =	vld [tilespmem:s16+$0x10];
	v7 =	vmul.f32 v7, v63;
	v10 =	vadd.f32 v10, v4;
	v5 =	vtrunc.f32 v5  }
0x574: {  	v8 =	vtrunc.f32 v8;
	v5 =	vcvt.f32.s32 v5  }
0x575: {  	v10 =	vtrunc.f32 v10;
	v6 =	vmul.f32 v12, v6  }
0x576: {  	v9 =	vmul.f32 v9, v13;
	v17 =	vcvt.f32.s32 v10;
	vm0 =	vlt.s32 v5, v2  }
0x577: {  	v10 =	vmul.f32 v15, v62;
	v6 =	vadd.f32 v6, v4;
	v16 =	vsel vm0, v5, v2  }
0x578: {  	v5 =	vcvt.f32.s32 v8;
	v8 =	vadd.f32 v9, v4;
	v9 =	vmul.f32 v14, v11  }
0x579: {  	vm1 =	vlt.s32 v17, v2;
	v11 =	vadd.f32 v10, v4  }
0x57a: {  	v10 =	vadd.f32 v7, v4;
	v6 =	vtrunc.f32 v6;
	v9 =	vadd.f32 v9, v4  }
0x57b: {  	v7 =	vsel vm1, v17, v2;
	v6 =	vcvt.f32.s32 v6;
	v8 =	vtrunc.f32 v8  }
0x57c: {  	vm0 =	vlt.s32 v5, v2;
	v8 =	vcvt.f32.s32 v8;
	v9 =	vtrunc.f32 v9  }
0x57d: {  	v5 =	vsel vm0, v5, v2;
	vm2 =	vlt.s32 v6, v2;
	v9 =	vcvt.f32.s32 v9  }
0x57e: {  	s17 =	simm.s32 $0x40C0;
	s16 =	simm.s32 $0x0;
	v11 =	vtrunc.f32 v11;
	vm0 =	vlt.s32 v8, v2;
	[tilespmem:v16+s12+$0x0] =	vst.idx.add.f32.msk $0xffff, v3;
	v6 =	vsel vm2, v6, v2  }
.LBB2_44:
0x57f: {  	v12 =	vld [tilespmem:s17+$0x30];
	v10 =	vtrunc.f32 v10;
	vm1 =	vlt.s32 v9, v2;
	v11 =	vcvt.f32.s32 v11;
	s15 =	sadd.s32 $0x80, s15  }
0x580: {  	s16 =	sadd.s32 $0x8, s16;
	v14 =	vsel vm0, v8, v2;
	v13 =	vld [tilespmem:s15+$0x30];
	v10 =	vcvt.f32.s32 v10;
	v15 =	vsel vm1, v9, v2  }
0x581: {  	p0 =	slt.u32 s16, $0x3F8;
	v8 =	vld [tilespmem:s15+$0xFFFFFFC0];
	vm0 =	vlt.s32 v11, v2  }
0x582: {  	v9 =	vld [tilespmem:s17+$0xFFFFFFD0];
	vm1 =	vlt.s32 v10, v2;
	v16 =	vsel vm0, v11, v2  }
0x583: {  	v11 =	vld [tilespmem:s15+$0xFFFFFFD0];
	v10 =	vsel vm1, v10, v2  }
0x584: {  	v17 =	vld [tilespmem:s17+$0xFFFFFFE0]  }
0x585: {  	v18 =	vld [tilespmem:s15+$0xFFFFFFE0];
	v12 =	vmul.f32 v13, v12  }
0x586: {  	v13 =	vld [tilespmem:s17+$0xFFFFFFF0]  }
0x587: {  	v19 =	vld [tilespmem:s15+$0xFFFFFFF0];
	v12 =	vadd.f32 v12, v4  }
0x588: {  	v9 =	vmul.f32 v11, v9;
	v11 =	vld [tilespmem:s17+$0x0]  }
0x589: {  	v20 =	vld [tilespmem:s15+$0x0];
	v12 =	vtrunc.f32 v12  }
0x58a: {  	v9 =	vadd.f32 v9, v4;
	v17 =	vmul.f32 v18, v17;
	v18 =	vld [tilespmem:s17+$0x10];
	v12 =	vcvt.f32.s32 v12  }
0x58b: {  	v21 =	vld [tilespmem:s15+$0x10]  }
0x58c: {  	v17 =	vadd.f32 v17, v4;
	v13 =	vmul.f32 v19, v13;
	v19 =	vld [tilespmem:s17+$0x20];
	vm0 =	vlt.s32 v12, v2  }
0x58d: {  	v9 =	vtrunc.f32 v9;
	v22 =	vld [tilespmem:s15+$0x20];
	v12 =	vsel vm0, v12, v2  }
0x58e: {  	v23 =	vld [tilespmem:s17+$0xFFFFFFC0];
	v17 =	vtrunc.f32 v17;
	v13 =	vadd.f32 v13, v4;
	v11 =	vmul.f32 v20, v11  }
0x58f: {  	v9 =	vcvt.f32.s32 v9;
	v17 =	vcvt.f32.s32 v17;
	[tilespmem:v10+s12+$0x0] =	vst.idx.add.f32.msk $0xffff, v3  }
0x590: {  	v10 =	vtrunc.f32 v13;
	v11 =	vadd.f32 v11, v4;
	v13 =	vmul.f32 v21, v18;
	[tilespmem:v5+s12+$0x0] =	vst.idx.add.f32.msk $0xffff, v3  }
0x591: {  	vm0 =	vlt.s32 v9, v2;
	vm1 =	vlt.s32 v17, v2;
	v18 =	vcvt.f32.s32 v10;
	[tilespmem:v7+s12+$0x0] =	vst.idx.add.f32.msk $0xffff, v3  }
.Ltmp21:
0x592: {  	v5 =	vtrunc.f32 v11;
	v7 =	vadd.f32 v13, v4;
	v10 =	vmul.f32 v22, v19;
	[tilespmem:v12+s12+$0x0] =	vst.idx.add.f32.msk $0xffff, v3;
	(pc) =	sbr.rel @p0 .LBB2_44-.Ltmp21, $4  }
0x593: {  	v11 =	vmul.f32 v8, v23;
	vm2 =	vlt.s32 v18, v2;
	v8 =	vcvt.f32.s32 v5;
	[tilespmem:v6+s12+$0x0] =	vst.idx.add.f32.msk $0xffff, v3  }
0x594: {  	v5 =	vsel vm0, v9, v2;
	v6 =	vtrunc.f32 v7;
	v12 =	vadd.f32 v10, v4;
	[tilespmem:v14+s12+$0x0] =	vst.idx.add.f32.msk $0xffff, v3  }
0x595: {  	v10 =	vadd.f32 v11, v4;
	vm0 =	vlt.s32 v8, v2;
	v9 =	vcvt.f32.s32 v6;
	[tilespmem:v15+s12+$0x0] =	vst.idx.add.f32.msk $0xffff, v3  }
0x596: {  	s17 =	sadd.s32 $0x80, s17;
	v7 =	vsel vm1, v17, v2;
	v6 =	vsel vm2, v18, v2;
	v11 =	vtrunc.f32 v12;
	[tilespmem:v16+s12+$0x0] =	vst.idx.add.f32.msk $0xffff, v3  }
0x597: {  	v10 =	vtrunc.f32 v10  }
0x598: {  	v10 =	vcvt.f32.s32 v10;
	_ =	sdelay $0x1  }
0x599: {  	vm1 =	vlt.s32 v10, v2  }
0x59a: {  	v10 =	vsel vm1, v10, v2;
	_ =	sdelay $0x1  }
0x59b: {  	v11 =	vcvt.f32.s32 v11  }
0x59c: {  	v8 =	vsel vm0, v8, v2;
	vm1 =	vlt.s32 v9, v2  }
0x59d: {  	[tilespmem:v5+s12+$0x0] =	vst.idx.add.f32.msk $0xffff, v3;
	vm0 =	vlt.s32 v11, v2;
	v9 =	vsel vm1, v9, v2  }
0x59e: {  	[tilespmem:v10+s12+$0x0] =	vst.idx.add.f32.msk $0xffff, v3;
	v10 =	vsel vm0, v11, v2  }
0x59f: {  	[tilespmem:v7+s12+$0x0] =	vst.idx.add.f32.msk $0xffff, v3  }
0x5a0: {  	[tilespmem:v6+s12+$0x0] =	vst.idx.add.f32.msk $0xffff, v3  }
0x5a1: {  	[tilespmem:v8+s12+$0x0] =	vst.idx.add.f32.msk $0xffff, v3  }
0x5a2: {  	[tilespmem:v9+s12+$0x0] =	vst.idx.add.f32.msk $0xffff, v3  }
0x5a3: {  	[tilespmem:v10+s12+$0x0] =	vst.idx.add.f32.msk $0xffff, v3  }
0x5a4: {  	[tilespmem:s10], [sflag:$0x2] =	stream.linear.gather [hbm4b:s26+s2], $0x4000, $0x38;
	[tilespmem:$0xC980] =	vst v63  }
0x5a5: {  	_ =	swait.ge [sflag:s11], $0x4000  }
0x5a6: {  	[sflag:s11] =	ssyncset.done $0x0  }
0x5a7: {  	s16 =	simm.s32 $0x40;
	[sflag:s11] =	ssyncadd.s32 $0xFFFFC000  }
0x5a8: {  	s15 =	simm.s32 $0x8040;
	v5 =	vld [tilespmem:s16+$0x30]  }
0x5a9: {  	v6 =	vld [tilespmem:s15+$0x30]  }
0x5aa: {  	v7 =	vld [tilespmem:s15+$0xFFFFFFC0]  }
0x5ab: {  	v8 =	vld [tilespmem:s16+$0xFFFFFFD0]  }
0x5ac: {  	v9 =	vld [tilespmem:s15+$0xFFFFFFD0]  }
0x5ad: {  	v10 =	vld [tilespmem:s16+$0xFFFFFFE0]  }
0x5ae: {  	v11 =	vld [tilespmem:s15+$0xFFFFFFE0]  }
0x5af: {  	v12 =	vld [tilespmem:s15+$0xFFFFFFF0]  }
0x5b0: {  	v13 =	vld [tilespmem:s16+$0x0]  }
0x5b1: {  	v14 =	vld [tilespmem:s15+$0x10]  }
0x5b2: {  	v63 =	vld [tilespmem:s16+$0xFFFFFFC0]  }
0x5b3: {  	v62 =	vld [tilespmem:s16+$0x20];
	v5 =	vmul.f32 v6, v5  }
0x5b4: {  	v6 =	vld [tilespmem:s16+$0xFFFFFFF0];
	v8 =	vmul.f32 v9, v8  }
0x5b5: {  	v9 =	vld [tilespmem:s15+$0x0];
	v10 =	vmul.f32 v11, v10;
	v5 =	vadd.f32 v5, v4  }
0x5b6: {  	v15 =	vld [tilespmem:s15+$0x20];
	v8 =	vadd.f32 v8, v4  }
0x5b7: {  	v11 =	vld [tilespmem:s16+$0x10];
	v7 =	vmul.f32 v7, v63;
	v10 =	vadd.f32 v10, v4;
	v5 =	vtrunc.f32 v5  }
0x5b8: {  	v8 =	vtrunc.f32 v8;
	v5 =	vcvt.f32.s32 v5  }
0x5b9: {  	v10 =	vtrunc.f32 v10;
	v6 =	vmul.f32 v12, v6  }
0x5ba: {  	v9 =	vmul.f32 v9, v13;
	v17 =	vcvt.f32.s32 v10;
	vm0 =	vlt.s32 v5, v2  }
0x5bb: {  	v10 =	vmul.f32 v15, v62;
	v6 =	vadd.f32 v6, v4;
	v16 =	vsel vm0, v5, v2  }
0x5bc: {  	v5 =	vcvt.f32.s32 v8;
	v8 =	vadd.f32 v9, v4;
	v9 =	vmul.f32 v14, v11  }
0x5bd: {  	vm1 =	vlt.s32 v17, v2;
	v11 =	vadd.f32 v10, v4  }
0x5be: {  	v10 =	vadd.f32 v7, v4;
	v6 =	vtrunc.f32 v6;
	v9 =	vadd.f32 v9, v4  }
0x5bf: {  	v7 =	vsel vm1, v17, v2;
	v6 =	vcvt.f32.s32 v6;
	v8 =	vtrunc.f32 v8  }
0x5c0: {  	vm0 =	vlt.s32 v5, v2;
	v8 =	vcvt.f32.s32 v8;
	v9 =	vtrunc.f32 v9  }
0x5c1: {  	v5 =	vsel vm0, v5, v2;
	vm2 =	vlt.s32 v6, v2;
	v9 =	vcvt.f32.s32 v9  }
0x5c2: {  	s17 =	simm.s32 $0xC0;
	s16 =	simm.s32 $0x0;
	v11 =	vtrunc.f32 v11;
	vm0 =	vlt.s32 v8, v2;
	[tilespmem:v16+s12+$0x0] =	vst.idx.add.f32.msk $0xffff, v3;
	v6 =	vsel vm2, v6, v2  }
.LBB2_46:
0x5c3: {  	v12 =	vld [tilespmem:s17+$0x30];
	v10 =	vtrunc.f32 v10;
	vm1 =	vlt.s32 v9, v2;
	v11 =	vcvt.f32.s32 v11;
	s15 =	sadd.s32 $0x80, s15  }
0x5c4: {  	s16 =	sadd.s32 $0x8, s16;
	v14 =	vsel vm0, v8, v2;
	v13 =	vld [tilespmem:s15+$0x30];
	v10 =	vcvt.f32.s32 v10;
	v15 =	vsel vm1, v9, v2  }
0x5c5: {  	p0 =	slt.u32 s16, $0x3F8;
	v8 =	vld [tilespmem:s15+$0xFFFFFFC0];
	vm0 =	vlt.s32 v11, v2  }
0x5c6: {  	v9 =	vld [tilespmem:s17+$0xFFFFFFD0];
	vm1 =	vlt.s32 v10, v2;
	v16 =	vsel vm0, v11, v2  }
0x5c7: {  	v11 =	vld [tilespmem:s15+$0xFFFFFFD0];
	v10 =	vsel vm1, v10, v2  }
0x5c8: {  	v17 =	vld [tilespmem:s17+$0xFFFFFFE0]  }
0x5c9: {  	v18 =	vld [tilespmem:s15+$0xFFFFFFE0];
	v12 =	vmul.f32 v13, v12  }
0x5ca: {  	v13 =	vld [tilespmem:s17+$0xFFFFFFF0]  }
0x5cb: {  	v19 =	vld [tilespmem:s15+$0xFFFFFFF0];
	v12 =	vadd.f32 v12, v4  }
0x5cc: {  	v9 =	vmul.f32 v11, v9;
	v11 =	vld [tilespmem:s17+$0x0]  }
0x5cd: {  	v20 =	vld [tilespmem:s15+$0x0];
	v12 =	vtrunc.f32 v12  }
0x5ce: {  	v9 =	vadd.f32 v9, v4;
	v17 =	vmul.f32 v18, v17;
	v18 =	vld [tilespmem:s17+$0x10];
	v12 =	vcvt.f32.s32 v12  }
0x5cf: {  	v21 =	vld [tilespmem:s15+$0x10]  }
0x5d0: {  	v17 =	vadd.f32 v17, v4;
	v13 =	vmul.f32 v19, v13;
	v19 =	vld [tilespmem:s17+$0x20];
	vm0 =	vlt.s32 v12, v2  }
0x5d1: {  	v9 =	vtrunc.f32 v9;
	v22 =	vld [tilespmem:s15+$0x20];
	v12 =	vsel vm0, v12, v2  }
0x5d2: {  	v23 =	vld [tilespmem:s17+$0xFFFFFFC0];
	v17 =	vtrunc.f32 v17;
	v13 =	vadd.f32 v13, v4;
	v11 =	vmul.f32 v20, v11  }
0x5d3: {  	v9 =	vcvt.f32.s32 v9;
	v17 =	vcvt.f32.s32 v17;
	[tilespmem:v10+s12+$0x0] =	vst.idx.add.f32.msk $0xffff, v3  }
0x5d4: {  	v10 =	vtrunc.f32 v13;
	v11 =	vadd.f32 v11, v4;
	v13 =	vmul.f32 v21, v18;
	[tilespmem:v5+s12+$0x0] =	vst.idx.add.f32.msk $0xffff, v3  }
0x5d5: {  	vm0 =	vlt.s32 v9, v2;
	vm1 =	vlt.s32 v17, v2;
	v18 =	vcvt.f32.s32 v10;
	[tilespmem:v7+s12+$0x0] =	vst.idx.add.f32.msk $0xffff, v3  }
.Ltmp22:
0x5d6: {  	v5 =	vtrunc.f32 v11;
	v7 =	vadd.f32 v13, v4;
	v10 =	vmul.f32 v22, v19;
	[tilespmem:v12+s12+$0x0] =	vst.idx.add.f32.msk $0xffff, v3;
	(pc) =	sbr.rel @p0 .LBB2_46-.Ltmp22, $4  }
0x5d7: {  	v11 =	vmul.f32 v8, v23;
	vm2 =	vlt.s32 v18, v2;
	v8 =	vcvt.f32.s32 v5;
	[tilespmem:v6+s12+$0x0] =	vst.idx.add.f32.msk $0xffff, v3  }
0x5d8: {  	v5 =	vsel vm0, v9, v2;
	v6 =	vtrunc.f32 v7;
	v12 =	vadd.f32 v10, v4;
	[tilespmem:v14+s12+$0x0] =	vst.idx.add.f32.msk $0xffff, v3  }
0x5d9: {  	v10 =	vadd.f32 v11, v4;
	vm0 =	vlt.s32 v8, v2;
	v9 =	vcvt.f32.s32 v6;
	[tilespmem:v15+s12+$0x0] =	vst.idx.add.f32.msk $0xffff, v3  }
0x5da: {  	s17 =	sadd.s32 $0x80, s17;
	v7 =	vsel vm1, v17, v2;
	v6 =	vsel vm2, v18, v2;
	v11 =	vtrunc.f32 v12;
	[tilespmem:v16+s12+$0x0] =	vst.idx.add.f32.msk $0xffff, v3  }
0x5db: {  	v10 =	vtrunc.f32 v10  }
0x5dc: {  	v10 =	vcvt.f32.s32 v10;
	_ =	sdelay $0x1  }
0x5dd: {  	vm1 =	vlt.s32 v10, v2  }
0x5de: {  	v10 =	vsel vm1, v10, v2;
	_ =	sdelay $0x1  }
0x5df: {  	v11 =	vcvt.f32.s32 v11  }
0x5e0: {  	v8 =	vsel vm0, v8, v2;
	vm1 =	vlt.s32 v9, v2  }
0x5e1: {  	[tilespmem:v5+s12+$0x0] =	vst.idx.add.f32.msk $0xffff, v3;
	vm0 =	vlt.s32 v11, v2;
	v9 =	vsel vm1, v9, v2  }
0x5e2: {  	[tilespmem:v10+s12+$0x0] =	vst.idx.add.f32.msk $0xffff, v3;
	v10 =	vsel vm0, v11, v2  }
0x5e3: {  	[tilespmem:v7+s12+$0x0] =	vst.idx.add.f32.msk $0xffff, v3  }
0x5e4: {  	[tilespmem:v6+s12+$0x0] =	vst.idx.add.f32.msk $0xffff, v3  }
0x5e5: {  	[tilespmem:v8+s12+$0x0] =	vst.idx.add.f32.msk $0xffff, v3  }
0x5e6: {  	[tilespmem:v9+s12+$0x0] =	vst.idx.add.f32.msk $0xffff, v3  }
0x5e7: {  	[tilespmem:v10+s12+$0x0] =	vst.idx.add.f32.msk $0xffff, v3  }
0x5e8: {  	[tilespmem:s2], [sflag:$0x1] =	stream.linear.gather [hbm4b:s28+s2], $0x4000, $0x38;
	[tilespmem:$0xC980] =	vst v63  }
0x5e9: {  	_ =	swait.ge [sflag:s13], $0x4000  }
0x5ea: {  	[sflag:s13] =	ssyncset.done $0x0  }
0x5eb: {  	s16 =	simm.s32 $0x4040;
	[sflag:s13] =	ssyncadd.s32 $0xFFFFC000  }
0x5ec: {  	s15 =	simm.s32 $0x8040;
	v5 =	vld [tilespmem:s16+$0x30]  }
0x5ed: {  	v6 =	vld [tilespmem:s15+$0x30]  }
0x5ee: {  	v7 =	vld [tilespmem:s15+$0xFFFFFFC0]  }
0x5ef: {  	v8 =	vld [tilespmem:s16+$0xFFFFFFD0]  }
0x5f0: {  	v9 =	vld [tilespmem:s15+$0xFFFFFFD0]  }
0x5f1: {  	v10 =	vld [tilespmem:s16+$0xFFFFFFE0]  }
0x5f2: {  	v11 =	vld [tilespmem:s15+$0xFFFFFFE0]  }
0x5f3: {  	v12 =	vld [tilespmem:s15+$0xFFFFFFF0]  }
0x5f4: {  	v13 =	vld [tilespmem:s16+$0x0]  }
0x5f5: {  	v14 =	vld [tilespmem:s15+$0x10]  }
0x5f6: {  	v63 =	vld [tilespmem:s16+$0xFFFFFFC0]  }
0x5f7: {  	v62 =	vld [tilespmem:s16+$0x20];
	v5 =	vmul.f32 v6, v5  }
0x5f8: {  	v6 =	vld [tilespmem:s16+$0xFFFFFFF0];
	v8 =	vmul.f32 v9, v8  }
0x5f9: {  	v9 =	vld [tilespmem:s15+$0x0];
	v10 =	vmul.f32 v11, v10;
	v5 =	vadd.f32 v5, v4  }
0x5fa: {  	v15 =	vld [tilespmem:s15+$0x20];
	v8 =	vadd.f32 v8, v4  }
0x5fb: {  	v11 =	vld [tilespmem:s16+$0x10];
	v7 =	vmul.f32 v7, v63;
	v10 =	vadd.f32 v10, v4;
	v5 =	vtrunc.f32 v5  }
0x5fc: {  	v8 =	vtrunc.f32 v8;
	v5 =	vcvt.f32.s32 v5  }
0x5fd: {  	v10 =	vtrunc.f32 v10;
	v6 =	vmul.f32 v12, v6  }
0x5fe: {  	v9 =	vmul.f32 v9, v13;
	v17 =	vcvt.f32.s32 v10;
	vm0 =	vlt.s32 v5, v2  }
0x5ff: {  	v10 =	vmul.f32 v15, v62;
	v6 =	vadd.f32 v6, v4;
	v16 =	vsel vm0, v5, v2  }
0x600: {  	v5 =	vcvt.f32.s32 v8;
	v8 =	vadd.f32 v9, v4;
	v9 =	vmul.f32 v14, v11  }
0x601: {  	vm1 =	vlt.s32 v17, v2;
	v11 =	vadd.f32 v10, v4  }
0x602: {  	v10 =	vadd.f32 v7, v4;
	v6 =	vtrunc.f32 v6;
	v9 =	vadd.f32 v9, v4  }
0x603: {  	v7 =	vsel vm1, v17, v2;
	v6 =	vcvt.f32.s32 v6;
	v8 =	vtrunc.f32 v8  }
0x604: {  	vm0 =	vlt.s32 v5, v2;
	v8 =	vcvt.f32.s32 v8;
	v9 =	vtrunc.f32 v9  }
0x605: {  	v5 =	vsel vm0, v5, v2;
	vm2 =	vlt.s32 v6, v2;
	v9 =	vcvt.f32.s32 v9  }
0x606: {  	s17 =	simm.s32 $0x40C0;
	s16 =	simm.s32 $0x0;
	v11 =	vtrunc.f32 v11;
	vm0 =	vlt.s32 v8, v2;
	[tilespmem:v16+s12+$0x0] =	vst.idx.add.f32.msk $0xffff, v3;
	v6 =	vsel vm2, v6, v2  }
.LBB2_48:
0x607: {  	v12 =	vld [tilespmem:s17+$0x30];
	v10 =	vtrunc.f32 v10;
	vm1 =	vlt.s32 v9, v2;
	v11 =	vcvt.f32.s32 v11;
	s15 =	sadd.s32 $0x80, s15  }
0x608: {  	s16 =	sadd.s32 $0x8, s16;
	v14 =	vsel vm0, v8, v2;
	v13 =	vld [tilespmem:s15+$0x30];
	v10 =	vcvt.f32.s32 v10;
	v15 =	vsel vm1, v9, v2  }
0x609: {  	p0 =	slt.u32 s16, $0x3F8;
	v8 =	vld [tilespmem:s15+$0xFFFFFFC0];
	vm0 =	vlt.s32 v11, v2  }
0x60a: {  	v9 =	vld [tilespmem:s17+$0xFFFFFFD0];
	vm1 =	vlt.s32 v10, v2;
	v16 =	vsel vm0, v11, v2  }
0x60b: {  	v11 =	vld [tilespmem:s15+$0xFFFFFFD0];
	v10 =	vsel vm1, v10, v2  }
0x60c: {  	v17 =	vld [tilespmem:s17+$0xFFFFFFE0]  }
0x60d: {  	v18 =	vld [tilespmem:s15+$0xFFFFFFE0];
	v12 =	vmul.f32 v13, v12  }
0x60e: {  	v13 =	vld [tilespmem:s17+$0xFFFFFFF0]  }
0x60f: {  	v19 =	vld [tilespmem:s15+$0xFFFFFFF0];
	v12 =	vadd.f32 v12, v4  }
0x610: {  	v9 =	vmul.f32 v11, v9;
	v11 =	vld [tilespmem:s17+$0x0]  }
0x611: {  	v20 =	vld [tilespmem:s15+$0x0];
	v12 =	vtrunc.f32 v12  }
0x612: {  	v9 =	vadd.f32 v9, v4;
	v17 =	vmul.f32 v18, v17;
	v18 =	vld [tilespmem:s17+$0x10];
	v12 =	vcvt.f32.s32 v12  }
0x613: {  	v21 =	vld [tilespmem:s15+$0x10]  }
0x614: {  	v17 =	vadd.f32 v17, v4;
	v13 =	vmul.f32 v19, v13;
	v19 =	vld [tilespmem:s17+$0x20];
	vm0 =	vlt.s32 v12, v2  }
0x615: {  	v9 =	vtrunc.f32 v9;
	v22 =	vld [tilespmem:s15+$0x20];
	v12 =	vsel vm0, v12, v2  }
0x616: {  	v23 =	vld [tilespmem:s17+$0xFFFFFFC0];
	v17 =	vtrunc.f32 v17;
	v13 =	vadd.f32 v13, v4;
	v11 =	vmul.f32 v20, v11  }
0x617: {  	v9 =	vcvt.f32.s32 v9;
	v17 =	vcvt.f32.s32 v17;
	[tilespmem:v10+s12+$0x0] =	vst.idx.add.f32.msk $0xffff, v3  }
0x618: {  	v10 =	vtrunc.f32 v13;
	v11 =	vadd.f32 v11, v4;
	v13 =	vmul.f32 v21, v18;
	[tilespmem:v5+s12+$0x0] =	vst.idx.add.f32.msk $0xffff, v3  }
0x619: {  	vm0 =	vlt.s32 v9, v2;
	vm1 =	vlt.s32 v17, v2;
	v18 =	vcvt.f32.s32 v10;
	[tilespmem:v7+s12+$0x0] =	vst.idx.add.f32.msk $0xffff, v3  }
.Ltmp23:
0x61a: {  	v5 =	vtrunc.f32 v11;
	v7 =	vadd.f32 v13, v4;
	v10 =	vmul.f32 v22, v19;
	[tilespmem:v12+s12+$0x0] =	vst.idx.add.f32.msk $0xffff, v3;
	(pc) =	sbr.rel @p0 .LBB2_48-.Ltmp23, $4  }
0x61b: {  	v11 =	vmul.f32 v8, v23;
	vm2 =	vlt.s32 v18, v2;
	v8 =	vcvt.f32.s32 v5;
	[tilespmem:v6+s12+$0x0] =	vst.idx.add.f32.msk $0xffff, v3  }
0x61c: {  	v5 =	vsel vm0, v9, v2;
	v6 =	vtrunc.f32 v7;
	v12 =	vadd.f32 v10, v4;
	[tilespmem:v14+s12+$0x0] =	vst.idx.add.f32.msk $0xffff, v3  }
0x61d: {  	v10 =	vadd.f32 v11, v4;
	vm0 =	vlt.s32 v8, v2;
	v9 =	vcvt.f32.s32 v6;
	[tilespmem:v15+s12+$0x0] =	vst.idx.add.f32.msk $0xffff, v3  }
0x61e: {  	s17 =	sadd.s32 $0x80, s17;
	v7 =	vsel vm1, v17, v2;
	v6 =	vsel vm2, v18, v2;
	v11 =	vtrunc.f32 v12;
	[tilespmem:v16+s12+$0x0] =	vst.idx.add.f32.msk $0xffff, v3  }
0x61f: {  	v10 =	vtrunc.f32 v10  }
0x620: {  	v10 =	vcvt.f32.s32 v10;
	_ =	sdelay $0x1  }
0x621: {  	vm1 =	vlt.s32 v10, v2  }
0x622: {  	v10 =	vsel vm1, v10, v2;
	_ =	sdelay $0x1  }
0x623: {  	v11 =	vcvt.f32.s32 v11  }
0x624: {  	v8 =	vsel vm0, v8, v2;
	vm1 =	vlt.s32 v9, v2  }
0x625: {  	[tilespmem:v5+s12+$0x0] =	vst.idx.add.f32.msk $0xffff, v3;
	vm0 =	vlt.s32 v11, v2;
	v9 =	vsel vm1, v9, v2  }
0x626: {  	[tilespmem:v10+s12+$0x0] =	vst.idx.add.f32.msk $0xffff, v3;
	v10 =	vsel vm0, v11, v2  }
0x627: {  	[tilespmem:v7+s12+$0x0] =	vst.idx.add.f32.msk $0xffff, v3  }
0x628: {  	[tilespmem:v6+s12+$0x0] =	vst.idx.add.f32.msk $0xffff, v3  }
0x629: {  	[tilespmem:v8+s12+$0x0] =	vst.idx.add.f32.msk $0xffff, v3  }
0x62a: {  	[tilespmem:v9+s12+$0x0] =	vst.idx.add.f32.msk $0xffff, v3  }
0x62b: {  	[tilespmem:v10+s12+$0x0] =	vst.idx.add.f32.msk $0xffff, v3  }
0x62c: {  	[tilespmem:s10], [sflag:$0x2] =	stream.linear.gather [hbm4b:s29+s2], $0x4000, $0x38;
	[tilespmem:$0xC980] =	vst v63  }
0x62d: {  	_ =	swait.ge [sflag:s11], $0x4000  }
0x62e: {  	[sflag:s11] =	ssyncset.done $0x0  }
0x62f: {  	s16 =	simm.s32 $0x40;
	[sflag:s11] =	ssyncadd.s32 $0xFFFFC000  }
0x630: {  	s15 =	simm.s32 $0x8040;
	v5 =	vld [tilespmem:s16+$0x30]  }
0x631: {  	v6 =	vld [tilespmem:s15+$0x30]  }
0x632: {  	v7 =	vld [tilespmem:s15+$0xFFFFFFC0]  }
0x633: {  	v8 =	vld [tilespmem:s16+$0xFFFFFFD0]  }
0x634: {  	v9 =	vld [tilespmem:s15+$0xFFFFFFD0]  }
0x635: {  	v10 =	vld [tilespmem:s16+$0xFFFFFFE0]  }
0x636: {  	v11 =	vld [tilespmem:s15+$0xFFFFFFE0]  }
0x637: {  	v12 =	vld [tilespmem:s15+$0xFFFFFFF0]  }
0x638: {  	v13 =	vld [tilespmem:s16+$0x0]  }
0x639: {  	v14 =	vld [tilespmem:s15+$0x10]  }
0x63a: {  	v63 =	vld [tilespmem:s16+$0xFFFFFFC0]  }
0x63b: {  	v62 =	vld [tilespmem:s16+$0x20];
	v5 =	vmul.f32 v6, v5  }
0x63c: {  	v6 =	vld [tilespmem:s16+$0xFFFFFFF0];
	v8 =	vmul.f32 v9, v8  }
0x63d: {  	v9 =	vld [tilespmem:s15+$0x0];
	v10 =	vmul.f32 v11, v10;
	v5 =	vadd.f32 v5, v4  }
0x63e: {  	v15 =	vld [tilespmem:s15+$0x20];
	v8 =	vadd.f32 v8, v4  }
0x63f: {  	v11 =	vld [tilespmem:s16+$0x10];
	v7 =	vmul.f32 v7, v63;
	v10 =	vadd.f32 v10, v4;
	v5 =	vtrunc.f32 v5  }
0x640: {  	v8 =	vtrunc.f32 v8;
	v5 =	vcvt.f32.s32 v5  }
0x641: {  	v10 =	vtrunc.f32 v10;
	v6 =	vmul.f32 v12, v6  }
0x642: {  	v9 =	vmul.f32 v9, v13;
	v17 =	vcvt.f32.s32 v10;
	vm0 =	vlt.s32 v5, v2  }
0x643: {  	v10 =	vmul.f32 v15, v62;
	v6 =	vadd.f32 v6, v4;
	v16 =	vsel vm0, v5, v2  }
0x644: {  	v5 =	vcvt.f32.s32 v8;
	v8 =	vadd.f32 v9, v4;
	v9 =	vmul.f32 v14, v11  }
0x645: {  	vm1 =	vlt.s32 v17, v2;
	v11 =	vadd.f32 v10, v4  }
0x646: {  	v10 =	vadd.f32 v7, v4;
	v6 =	vtrunc.f32 v6;
	v9 =	vadd.f32 v9, v4  }
0x647: {  	v7 =	vsel vm1, v17, v2;
	v6 =	vcvt.f32.s32 v6;
	v8 =	vtrunc.f32 v8  }
0x648: {  	vm0 =	vlt.s32 v5, v2;
	v8 =	vcvt.f32.s32 v8;
	v9 =	vtrunc.f32 v9  }
0x649: {  	v5 =	vsel vm0, v5, v2;
	vm2 =	vlt.s32 v6, v2;
	v9 =	vcvt.f32.s32 v9  }
0x64a: {  	s17 =	simm.s32 $0xC0;
	s16 =	simm.s32 $0x0;
	v11 =	vtrunc.f32 v11;
	vm0 =	vlt.s32 v8, v2;
	[tilespmem:v16+s12+$0x0] =	vst.idx.add.f32.msk $0xffff, v3;
	v6 =	vsel vm2, v6, v2  }
.LBB2_50:
0x64b: {  	v12 =	vld [tilespmem:s17+$0x30];
	v10 =	vtrunc.f32 v10;
	vm1 =	vlt.s32 v9, v2;
	v11 =	vcvt.f32.s32 v11;
	s15 =	sadd.s32 $0x80, s15  }
0x64c: {  	s16 =	sadd.s32 $0x8, s16;
	v14 =	vsel vm0, v8, v2;
	v13 =	vld [tilespmem:s15+$0x30];
	v10 =	vcvt.f32.s32 v10;
	v15 =	vsel vm1, v9, v2  }
0x64d: {  	p0 =	slt.u32 s16, $0x3F8;
	v8 =	vld [tilespmem:s15+$0xFFFFFFC0];
	vm0 =	vlt.s32 v11, v2  }
0x64e: {  	v9 =	vld [tilespmem:s17+$0xFFFFFFD0];
	vm1 =	vlt.s32 v10, v2;
	v16 =	vsel vm0, v11, v2  }
0x64f: {  	v11 =	vld [tilespmem:s15+$0xFFFFFFD0];
	v10 =	vsel vm1, v10, v2  }
0x650: {  	v17 =	vld [tilespmem:s17+$0xFFFFFFE0]  }
0x651: {  	v18 =	vld [tilespmem:s15+$0xFFFFFFE0];
	v12 =	vmul.f32 v13, v12  }
0x652: {  	v13 =	vld [tilespmem:s17+$0xFFFFFFF0]  }
0x653: {  	v19 =	vld [tilespmem:s15+$0xFFFFFFF0];
	v12 =	vadd.f32 v12, v4  }
0x654: {  	v9 =	vmul.f32 v11, v9;
	v11 =	vld [tilespmem:s17+$0x0]  }
0x655: {  	v20 =	vld [tilespmem:s15+$0x0];
	v12 =	vtrunc.f32 v12  }
0x656: {  	v9 =	vadd.f32 v9, v4;
	v17 =	vmul.f32 v18, v17;
	v18 =	vld [tilespmem:s17+$0x10];
	v12 =	vcvt.f32.s32 v12  }
0x657: {  	v21 =	vld [tilespmem:s15+$0x10]  }
0x658: {  	v17 =	vadd.f32 v17, v4;
	v13 =	vmul.f32 v19, v13;
	v19 =	vld [tilespmem:s17+$0x20];
	vm0 =	vlt.s32 v12, v2  }
0x659: {  	v9 =	vtrunc.f32 v9;
	v22 =	vld [tilespmem:s15+$0x20];
	v12 =	vsel vm0, v12, v2  }
0x65a: {  	v23 =	vld [tilespmem:s17+$0xFFFFFFC0];
	v17 =	vtrunc.f32 v17;
	v13 =	vadd.f32 v13, v4;
	v11 =	vmul.f32 v20, v11  }
0x65b: {  	v9 =	vcvt.f32.s32 v9;
	v17 =	vcvt.f32.s32 v17;
	[tilespmem:v10+s12+$0x0] =	vst.idx.add.f32.msk $0xffff, v3  }
0x65c: {  	v10 =	vtrunc.f32 v13;
	v11 =	vadd.f32 v11, v4;
	v13 =	vmul.f32 v21, v18;
	[tilespmem:v5+s12+$0x0] =	vst.idx.add.f32.msk $0xffff, v3  }
0x65d: {  	vm0 =	vlt.s32 v9, v2;
	vm1 =	vlt.s32 v17, v2;
	v18 =	vcvt.f32.s32 v10;
	[tilespmem:v7+s12+$0x0] =	vst.idx.add.f32.msk $0xffff, v3  }
.Ltmp24:
0x65e: {  	v5 =	vtrunc.f32 v11;
	v7 =	vadd.f32 v13, v4;
	v10 =	vmul.f32 v22, v19;
	[tilespmem:v12+s12+$0x0] =	vst.idx.add.f32.msk $0xffff, v3;
	(pc) =	sbr.rel @p0 .LBB2_50-.Ltmp24, $4  }
0x65f: {  	v11 =	vmul.f32 v8, v23;
	vm2 =	vlt.s32 v18, v2;
	v8 =	vcvt.f32.s32 v5;
	[tilespmem:v6+s12+$0x0] =	vst.idx.add.f32.msk $0xffff, v3  }
0x660: {  	v5 =	vsel vm0, v9, v2;
	v6 =	vtrunc.f32 v7;
	v12 =	vadd.f32 v10, v4;
	[tilespmem:v14+s12+$0x0] =	vst.idx.add.f32.msk $0xffff, v3  }
0x661: {  	v10 =	vadd.f32 v11, v4;
	vm0 =	vlt.s32 v8, v2;
	v9 =	vcvt.f32.s32 v6;
	[tilespmem:v15+s12+$0x0] =	vst.idx.add.f32.msk $0xffff, v3  }
0x662: {  	s17 =	sadd.s32 $0x80, s17;
	v7 =	vsel vm1, v17, v2;
	v6 =	vsel vm2, v18, v2;
	v11 =	vtrunc.f32 v12;
	[tilespmem:v16+s12+$0x0] =	vst.idx.add.f32.msk $0xffff, v3  }
0x663: {  	v10 =	vtrunc.f32 v10  }
0x664: {  	v10 =	vcvt.f32.s32 v10;
	_ =	sdelay $0x1  }
0x665: {  	vm1 =	vlt.s32 v10, v2  }
0x666: {  	v10 =	vsel vm1, v10, v2;
	_ =	sdelay $0x1  }
0x667: {  	v11 =	vcvt.f32.s32 v11  }
0x668: {  	v8 =	vsel vm0, v8, v2;
	vm1 =	vlt.s32 v9, v2  }
0x669: {  	[tilespmem:v5+s12+$0x0] =	vst.idx.add.f32.msk $0xffff, v3;
	vm0 =	vlt.s32 v11, v2;
	v9 =	vsel vm1, v9, v2  }
0x66a: {  	[tilespmem:v10+s12+$0x0] =	vst.idx.add.f32.msk $0xffff, v3;
	v10 =	vsel vm0, v11, v2  }
0x66b: {  	[tilespmem:v7+s12+$0x0] =	vst.idx.add.f32.msk $0xffff, v3  }
0x66c: {  	[tilespmem:v6+s12+$0x0] =	vst.idx.add.f32.msk $0xffff, v3  }
0x66d: {  	[tilespmem:v8+s12+$0x0] =	vst.idx.add.f32.msk $0xffff, v3  }
0x66e: {  	[tilespmem:v9+s12+$0x0] =	vst.idx.add.f32.msk $0xffff, v3  }
0x66f: {  	[tilespmem:v10+s12+$0x0] =	vst.idx.add.f32.msk $0xffff, v3  }
0x670: {  	[tilespmem:s2], [sflag:$0x1] =	stream.linear.gather [hbm4b:s30+s2], $0x4000, $0x38;
	[tilespmem:$0xC980] =	vst v63  }
0x671: {  	_ =	swait.ge [sflag:s13], $0x4000  }
0x672: {  	[sflag:s13] =	ssyncset.done $0x0  }
0x673: {  	s16 =	simm.s32 $0x4040;
	[sflag:s13] =	ssyncadd.s32 $0xFFFFC000  }
0x674: {  	s15 =	simm.s32 $0x8040;
	v5 =	vld [tilespmem:s16+$0x30]  }
0x675: {  	v6 =	vld [tilespmem:s15+$0x30]  }
0x676: {  	v7 =	vld [tilespmem:s15+$0xFFFFFFC0]  }
0x677: {  	v8 =	vld [tilespmem:s16+$0xFFFFFFD0]  }
0x678: {  	v9 =	vld [tilespmem:s15+$0xFFFFFFD0]  }
0x679: {  	v10 =	vld [tilespmem:s16+$0xFFFFFFE0]  }
0x67a: {  	v11 =	vld [tilespmem:s15+$0xFFFFFFE0]  }
0x67b: {  	v12 =	vld [tilespmem:s15+$0xFFFFFFF0]  }
0x67c: {  	v13 =	vld [tilespmem:s16+$0x0]  }
0x67d: {  	v14 =	vld [tilespmem:s15+$0x10]  }
0x67e: {  	v63 =	vld [tilespmem:s16+$0xFFFFFFC0]  }
0x67f: {  	v62 =	vld [tilespmem:s16+$0x20];
	v5 =	vmul.f32 v6, v5  }
0x680: {  	v6 =	vld [tilespmem:s16+$0xFFFFFFF0];
	v8 =	vmul.f32 v9, v8  }
0x681: {  	v9 =	vld [tilespmem:s15+$0x0];
	v10 =	vmul.f32 v11, v10;
	v5 =	vadd.f32 v5, v4  }
0x682: {  	v15 =	vld [tilespmem:s15+$0x20];
	v8 =	vadd.f32 v8, v4  }
0x683: {  	v11 =	vld [tilespmem:s16+$0x10];
	v7 =	vmul.f32 v7, v63;
	v10 =	vadd.f32 v10, v4;
	v5 =	vtrunc.f32 v5  }
0x684: {  	v8 =	vtrunc.f32 v8;
	v5 =	vcvt.f32.s32 v5  }
0x685: {  	v10 =	vtrunc.f32 v10;
	v6 =	vmul.f32 v12, v6  }
0x686: {  	v9 =	vmul.f32 v9, v13;
	v17 =	vcvt.f32.s32 v10;
	vm0 =	vlt.s32 v5, v2  }
0x687: {  	v10 =	vmul.f32 v15, v62;
	v6 =	vadd.f32 v6, v4;
	v16 =	vsel vm0, v5, v2  }
0x688: {  	v5 =	vcvt.f32.s32 v8;
	v8 =	vadd.f32 v9, v4;
	v9 =	vmul.f32 v14, v11  }
0x689: {  	vm1 =	vlt.s32 v17, v2;
	v11 =	vadd.f32 v10, v4  }
0x68a: {  	v10 =	vadd.f32 v7, v4;
	v6 =	vtrunc.f32 v6;
	v9 =	vadd.f32 v9, v4  }
0x68b: {  	v7 =	vsel vm1, v17, v2;
	v6 =	vcvt.f32.s32 v6;
	v8 =	vtrunc.f32 v8  }
0x68c: {  	vm0 =	vlt.s32 v5, v2;
	v8 =	vcvt.f32.s32 v8;
	v9 =	vtrunc.f32 v9  }
0x68d: {  	v5 =	vsel vm0, v5, v2;
	vm2 =	vlt.s32 v6, v2;
	v9 =	vcvt.f32.s32 v9  }
0x68e: {  	s17 =	simm.s32 $0x40C0;
	s16 =	simm.s32 $0x0;
	v11 =	vtrunc.f32 v11;
	vm0 =	vlt.s32 v8, v2;
	[tilespmem:v16+s12+$0x0] =	vst.idx.add.f32.msk $0xffff, v3;
	v6 =	vsel vm2, v6, v2  }
.LBB2_52:
0x68f: {  	v12 =	vld [tilespmem:s17+$0x30];
	v10 =	vtrunc.f32 v10;
	vm1 =	vlt.s32 v9, v2;
	v11 =	vcvt.f32.s32 v11;
	s15 =	sadd.s32 $0x80, s15  }
0x690: {  	s16 =	sadd.s32 $0x8, s16;
	v14 =	vsel vm0, v8, v2;
	v13 =	vld [tilespmem:s15+$0x30];
	v10 =	vcvt.f32.s32 v10;
	v15 =	vsel vm1, v9, v2  }
0x691: {  	p0 =	slt.u32 s16, $0x3F8;
	v8 =	vld [tilespmem:s15+$0xFFFFFFC0];
	vm0 =	vlt.s32 v11, v2  }
0x692: {  	v9 =	vld [tilespmem:s17+$0xFFFFFFD0];
	vm1 =	vlt.s32 v10, v2;
	v16 =	vsel vm0, v11, v2  }
0x693: {  	v11 =	vld [tilespmem:s15+$0xFFFFFFD0];
	v10 =	vsel vm1, v10, v2  }
0x694: {  	v17 =	vld [tilespmem:s17+$0xFFFFFFE0]  }
0x695: {  	v18 =	vld [tilespmem:s15+$0xFFFFFFE0];
	v12 =	vmul.f32 v13, v12  }
0x696: {  	v13 =	vld [tilespmem:s17+$0xFFFFFFF0]  }
0x697: {  	v19 =	vld [tilespmem:s15+$0xFFFFFFF0];
	v12 =	vadd.f32 v12, v4  }
0x698: {  	v9 =	vmul.f32 v11, v9;
	v11 =	vld [tilespmem:s17+$0x0]  }
0x699: {  	v20 =	vld [tilespmem:s15+$0x0];
	v12 =	vtrunc.f32 v12  }
0x69a: {  	v9 =	vadd.f32 v9, v4;
	v17 =	vmul.f32 v18, v17;
	v18 =	vld [tilespmem:s17+$0x10];
	v12 =	vcvt.f32.s32 v12  }
0x69b: {  	v21 =	vld [tilespmem:s15+$0x10]  }
0x69c: {  	v17 =	vadd.f32 v17, v4;
	v13 =	vmul.f32 v19, v13;
	v19 =	vld [tilespmem:s17+$0x20];
	vm0 =	vlt.s32 v12, v2  }
0x69d: {  	v9 =	vtrunc.f32 v9;
	v22 =	vld [tilespmem:s15+$0x20];
	v12 =	vsel vm0, v12, v2  }
0x69e: {  	v23 =	vld [tilespmem:s17+$0xFFFFFFC0];
	v17 =	vtrunc.f32 v17;
	v13 =	vadd.f32 v13, v4;
	v11 =	vmul.f32 v20, v11  }
0x69f: {  	v9 =	vcvt.f32.s32 v9;
	v17 =	vcvt.f32.s32 v17;
	[tilespmem:v10+s12+$0x0] =	vst.idx.add.f32.msk $0xffff, v3  }
0x6a0: {  	v10 =	vtrunc.f32 v13;
	v11 =	vadd.f32 v11, v4;
	v13 =	vmul.f32 v21, v18;
	[tilespmem:v5+s12+$0x0] =	vst.idx.add.f32.msk $0xffff, v3  }
0x6a1: {  	vm0 =	vlt.s32 v9, v2;
	vm1 =	vlt.s32 v17, v2;
	v18 =	vcvt.f32.s32 v10;
	[tilespmem:v7+s12+$0x0] =	vst.idx.add.f32.msk $0xffff, v3  }
.Ltmp25:
0x6a2: {  	v5 =	vtrunc.f32 v11;
	v7 =	vadd.f32 v13, v4;
	v10 =	vmul.f32 v22, v19;
	[tilespmem:v12+s12+$0x0] =	vst.idx.add.f32.msk $0xffff, v3;
	(pc) =	sbr.rel @p0 .LBB2_52-.Ltmp25, $4  }
0x6a3: {  	v11 =	vmul.f32 v8, v23;
	vm2 =	vlt.s32 v18, v2;
	v8 =	vcvt.f32.s32 v5;
	[tilespmem:v6+s12+$0x0] =	vst.idx.add.f32.msk $0xffff, v3  }
0x6a4: {  	v5 =	vsel vm0, v9, v2;
	v6 =	vtrunc.f32 v7;
	v12 =	vadd.f32 v10, v4;
	[tilespmem:v14+s12+$0x0] =	vst.idx.add.f32.msk $0xffff, v3  }
0x6a5: {  	v10 =	vadd.f32 v11, v4;
	vm0 =	vlt.s32 v8, v2;
	v9 =	vcvt.f32.s32 v6;
	[tilespmem:v15+s12+$0x0] =	vst.idx.add.f32.msk $0xffff, v3  }
0x6a6: {  	s17 =	sadd.s32 $0x80, s17;
	v7 =	vsel vm1, v17, v2;
	v6 =	vsel vm2, v18, v2;
	v11 =	vtrunc.f32 v12;
	[tilespmem:v16+s12+$0x0] =	vst.idx.add.f32.msk $0xffff, v3  }
0x6a7: {  	v10 =	vtrunc.f32 v10  }
0x6a8: {  	v10 =	vcvt.f32.s32 v10;
	_ =	sdelay $0x1  }
0x6a9: {  	vm1 =	vlt.s32 v10, v2  }
0x6aa: {  	v10 =	vsel vm1, v10, v2;
	_ =	sdelay $0x1  }
0x6ab: {  	v11 =	vcvt.f32.s32 v11  }
0x6ac: {  	v8 =	vsel vm0, v8, v2;
	vm1 =	vlt.s32 v9, v2  }
0x6ad: {  	[tilespmem:v5+s12+$0x0] =	vst.idx.add.f32.msk $0xffff, v3;
	vm0 =	vlt.s32 v11, v2;
	v9 =	vsel vm1, v9, v2  }
0x6ae: {  	[tilespmem:v10+s12+$0x0] =	vst.idx.add.f32.msk $0xffff, v3;
	v10 =	vsel vm0, v11, v2  }
0x6af: {  	[tilespmem:v7+s12+$0x0] =	vst.idx.add.f32.msk $0xffff, v3  }
0x6b0: {  	[tilespmem:v6+s12+$0x0] =	vst.idx.add.f32.msk $0xffff, v3  }
0x6b1: {  	[tilespmem:v8+s12+$0x0] =	vst.idx.add.f32.msk $0xffff, v3  }
0x6b2: {  	[tilespmem:v9+s12+$0x0] =	vst.idx.add.f32.msk $0xffff, v3  }
0x6b3: {  	[tilespmem:v10+s12+$0x0] =	vst.idx.add.f32.msk $0xffff, v3  }
0x6b4: {  	[tilespmem:s10], [sflag:$0x2] =	stream.linear.gather [hbm4b:s31+s2], $0x4000, $0x38;
	[tilespmem:$0xC980] =	vst v63  }
0x6b5: {  	_ =	swait.ge [sflag:s11], $0x4000  }
0x6b6: {  	[sflag:s11] =	ssyncset.done $0x0  }
0x6b7: {  	s16 =	simm.s32 $0x40;
	[sflag:s11] =	ssyncadd.s32 $0xFFFFC000  }
0x6b8: {  	s15 =	simm.s32 $0x8040;
	v5 =	vld [tilespmem:s16+$0x30]  }
0x6b9: {  	v6 =	vld [tilespmem:s15+$0x30]  }
0x6ba: {  	v7 =	vld [tilespmem:s15+$0xFFFFFFC0]  }
0x6bb: {  	v8 =	vld [tilespmem:s16+$0xFFFFFFD0]  }
0x6bc: {  	v9 =	vld [tilespmem:s15+$0xFFFFFFD0]  }
0x6bd: {  	v10 =	vld [tilespmem:s16+$0xFFFFFFE0]  }
0x6be: {  	v11 =	vld [tilespmem:s15+$0xFFFFFFE0]  }
0x6bf: {  	v12 =	vld [tilespmem:s15+$0xFFFFFFF0]  }
0x6c0: {  	v13 =	vld [tilespmem:s16+$0x0]  }
0x6c1: {  	v14 =	vld [tilespmem:s15+$0x10]  }
0x6c2: {  	v63 =	vld [tilespmem:s16+$0xFFFFFFC0]  }
0x6c3: {  	v62 =	vld [tilespmem:s16+$0x20];
	v5 =	vmul.f32 v6, v5  }
0x6c4: {  	v6 =	vld [tilespmem:s16+$0xFFFFFFF0];
	v8 =	vmul.f32 v9, v8  }
0x6c5: {  	v9 =	vld [tilespmem:s15+$0x0];
	v10 =	vmul.f32 v11, v10;
	v5 =	vadd.f32 v5, v4  }
0x6c6: {  	v15 =	vld [tilespmem:s15+$0x20];
	v8 =	vadd.f32 v8, v4  }
0x6c7: {  	v11 =	vld [tilespmem:s16+$0x10];
	v7 =	vmul.f32 v7, v63;
	v10 =	vadd.f32 v10, v4;
	v5 =	vtrunc.f32 v5  }
0x6c8: {  	v8 =	vtrunc.f32 v8;
	v5 =	vcvt.f32.s32 v5  }
0x6c9: {  	v10 =	vtrunc.f32 v10;
	v6 =	vmul.f32 v12, v6  }
0x6ca: {  	v9 =	vmul.f32 v9, v13;
	v17 =	vcvt.f32.s32 v10;
	vm0 =	vlt.s32 v5, v2  }
0x6cb: {  	v10 =	vmul.f32 v15, v62;
	v6 =	vadd.f32 v6, v4;
	v16 =	vsel vm0, v5, v2  }
0x6cc: {  	v5 =	vcvt.f32.s32 v8;
	v8 =	vadd.f32 v9, v4;
	v9 =	vmul.f32 v14, v11  }
0x6cd: {  	vm1 =	vlt.s32 v17, v2;
	v11 =	vadd.f32 v10, v4  }
0x6ce: {  	v10 =	vadd.f32 v7, v4;
	v6 =	vtrunc.f32 v6;
	v9 =	vadd.f32 v9, v4  }
0x6cf: {  	v7 =	vsel vm1, v17, v2;
	v6 =	vcvt.f32.s32 v6;
	v8 =	vtrunc.f32 v8  }
0x6d0: {  	vm0 =	vlt.s32 v5, v2;
	v8 =	vcvt.f32.s32 v8;
	v9 =	vtrunc.f32 v9  }
0x6d1: {  	v5 =	vsel vm0, v5, v2;
	vm2 =	vlt.s32 v6, v2;
	v9 =	vcvt.f32.s32 v9  }
0x6d2: {  	s17 =	simm.s32 $0xC0;
	s16 =	simm.s32 $0x0;
	v11 =	vtrunc.f32 v11;
	vm0 =	vlt.s32 v8, v2;
	[tilespmem:v16+s12+$0x0] =	vst.idx.add.f32.msk $0xffff, v3;
	v6 =	vsel vm2, v6, v2  }
.LBB2_54:
0x6d3: {  	v12 =	vld [tilespmem:s17+$0x30];
	v10 =	vtrunc.f32 v10;
	vm1 =	vlt.s32 v9, v2;
	v11 =	vcvt.f32.s32 v11;
	s15 =	sadd.s32 $0x80, s15  }
0x6d4: {  	s16 =	sadd.s32 $0x8, s16;
	v14 =	vsel vm0, v8, v2;
	v13 =	vld [tilespmem:s15+$0x30];
	v10 =	vcvt.f32.s32 v10;
	v15 =	vsel vm1, v9, v2  }
0x6d5: {  	p0 =	slt.u32 s16, $0x3F8;
	v8 =	vld [tilespmem:s15+$0xFFFFFFC0];
	vm0 =	vlt.s32 v11, v2  }
0x6d6: {  	v9 =	vld [tilespmem:s17+$0xFFFFFFD0];
	vm1 =	vlt.s32 v10, v2;
	v16 =	vsel vm0, v11, v2  }
0x6d7: {  	v11 =	vld [tilespmem:s15+$0xFFFFFFD0];
	v10 =	vsel vm1, v10, v2  }
0x6d8: {  	v17 =	vld [tilespmem:s17+$0xFFFFFFE0]  }
0x6d9: {  	v18 =	vld [tilespmem:s15+$0xFFFFFFE0];
	v12 =	vmul.f32 v13, v12  }
0x6da: {  	v13 =	vld [tilespmem:s17+$0xFFFFFFF0]  }
0x6db: {  	v19 =	vld [tilespmem:s15+$0xFFFFFFF0];
	v12 =	vadd.f32 v12, v4  }
0x6dc: {  	v9 =	vmul.f32 v11, v9;
	v11 =	vld [tilespmem:s17+$0x0]  }
0x6dd: {  	v20 =	vld [tilespmem:s15+$0x0];
	v12 =	vtrunc.f32 v12  }
0x6de: {  	v9 =	vadd.f32 v9, v4;
	v17 =	vmul.f32 v18, v17;
	v18 =	vld [tilespmem:s17+$0x10];
	v12 =	vcvt.f32.s32 v12  }
0x6df: {  	v21 =	vld [tilespmem:s15+$0x10]  }
0x6e0: {  	v17 =	vadd.f32 v17, v4;
	v13 =	vmul.f32 v19, v13;
	v19 =	vld [tilespmem:s17+$0x20];
	vm0 =	vlt.s32 v12, v2  }
0x6e1: {  	v9 =	vtrunc.f32 v9;
	v22 =	vld [tilespmem:s15+$0x20];
	v12 =	vsel vm0, v12, v2  }
0x6e2: {  	v23 =	vld [tilespmem:s17+$0xFFFFFFC0];
	v17 =	vtrunc.f32 v17;
	v13 =	vadd.f32 v13, v4;
	v11 =	vmul.f32 v20, v11  }
0x6e3: {  	v9 =	vcvt.f32.s32 v9;
	v17 =	vcvt.f32.s32 v17;
	[tilespmem:v10+s12+$0x0] =	vst.idx.add.f32.msk $0xffff, v3  }
0x6e4: {  	v10 =	vtrunc.f32 v13;
	v11 =	vadd.f32 v11, v4;
	v13 =	vmul.f32 v21, v18;
	[tilespmem:v5+s12+$0x0] =	vst.idx.add.f32.msk $0xffff, v3  }
0x6e5: {  	vm0 =	vlt.s32 v9, v2;
	vm1 =	vlt.s32 v17, v2;
	v18 =	vcvt.f32.s32 v10;
	[tilespmem:v7+s12+$0x0] =	vst.idx.add.f32.msk $0xffff, v3  }
.Ltmp26:
0x6e6: {  	v5 =	vtrunc.f32 v11;
	v7 =	vadd.f32 v13, v4;
	v10 =	vmul.f32 v22, v19;
	[tilespmem:v12+s12+$0x0] =	vst.idx.add.f32.msk $0xffff, v3;
	(pc) =	sbr.rel @p0 .LBB2_54-.Ltmp26, $4  }
0x6e7: {  	v11 =	vmul.f32 v8, v23;
	vm2 =	vlt.s32 v18, v2;
	v8 =	vcvt.f32.s32 v5;
	[tilespmem:v6+s12+$0x0] =	vst.idx.add.f32.msk $0xffff, v3  }
0x6e8: {  	v5 =	vsel vm0, v9, v2;
	v6 =	vtrunc.f32 v7;
	v12 =	vadd.f32 v10, v4;
	[tilespmem:v14+s12+$0x0] =	vst.idx.add.f32.msk $0xffff, v3  }
0x6e9: {  	v10 =	vadd.f32 v11, v4;
	vm0 =	vlt.s32 v8, v2;
	v9 =	vcvt.f32.s32 v6;
	[tilespmem:v15+s12+$0x0] =	vst.idx.add.f32.msk $0xffff, v3  }
0x6ea: {  	s17 =	sadd.s32 $0x80, s17;
	v7 =	vsel vm1, v17, v2;
	v6 =	vsel vm2, v18, v2;
	v11 =	vtrunc.f32 v12;
	[tilespmem:v16+s12+$0x0] =	vst.idx.add.f32.msk $0xffff, v3  }
0x6eb: {  	v10 =	vtrunc.f32 v10  }
0x6ec: {  	v10 =	vcvt.f32.s32 v10;
	_ =	sdelay $0x1  }
0x6ed: {  	vm1 =	vlt.s32 v10, v2  }
0x6ee: {  	v10 =	vsel vm1, v10, v2;
	_ =	sdelay $0x1  }
0x6ef: {  	v11 =	vcvt.f32.s32 v11  }
0x6f0: {  	v8 =	vsel vm0, v8, v2;
	vm1 =	vlt.s32 v9, v2  }
0x6f1: {  	[tilespmem:v5+s12+$0x0] =	vst.idx.add.f32.msk $0xffff, v3;
	vm0 =	vlt.s32 v11, v2;
	v9 =	vsel vm1, v9, v2  }
0x6f2: {  	[tilespmem:v10+s12+$0x0] =	vst.idx.add.f32.msk $0xffff, v3;
	v10 =	vsel vm0, v11, v2  }
0x6f3: {  	[tilespmem:v7+s12+$0x0] =	vst.idx.add.f32.msk $0xffff, v3  }
0x6f4: {  	[tilespmem:v6+s12+$0x0] =	vst.idx.add.f32.msk $0xffff, v3  }
0x6f5: {  	[tilespmem:v8+s12+$0x0] =	vst.idx.add.f32.msk $0xffff, v3  }
0x6f6: {  	[tilespmem:v9+s12+$0x0] =	vst.idx.add.f32.msk $0xffff, v3  }
0x6f7: {  	[tilespmem:v10+s12+$0x0] =	vst.idx.add.f32.msk $0xffff, v3  }
0x6f8: {  	[tilespmem:s2], [sflag:$0x1] =	stream.linear.gather [hbm4b:s1+s2], $0x4000, $0x38;
	[tilespmem:$0xC980] =	vst v63  }
0x6f9: {  	_ =	swait.ge [sflag:s13], $0x4000  }
0x6fa: {  	[sflag:s13] =	ssyncset.done $0x0  }
0x6fb: {  	s16 =	simm.s32 $0x4040;
	[sflag:s13] =	ssyncadd.s32 $0xFFFFC000  }
0x6fc: {  	s15 =	simm.s32 $0x8040;
	v5 =	vld [tilespmem:s16+$0x30]  }
0x6fd: {  	v6 =	vld [tilespmem:s15+$0x30]  }
0x6fe: {  	v7 =	vld [tilespmem:s15+$0xFFFFFFC0]  }
0x6ff: {  	v8 =	vld [tilespmem:s16+$0xFFFFFFD0]  }
0x700: {  	v9 =	vld [tilespmem:s15+$0xFFFFFFD0]  }
0x701: {  	v10 =	vld [tilespmem:s16+$0xFFFFFFE0]  }
0x702: {  	v11 =	vld [tilespmem:s15+$0xFFFFFFE0]  }
0x703: {  	v12 =	vld [tilespmem:s15+$0xFFFFFFF0]  }
0x704: {  	v13 =	vld [tilespmem:s16+$0x0]  }
0x705: {  	v14 =	vld [tilespmem:s15+$0x10]  }
0x706: {  	v63 =	vld [tilespmem:s16+$0xFFFFFFC0]  }
0x707: {  	v62 =	vld [tilespmem:s16+$0x20];
	v5 =	vmul.f32 v6, v5  }
0x708: {  	v6 =	vld [tilespmem:s16+$0xFFFFFFF0];
	v8 =	vmul.f32 v9, v8  }
0x709: {  	v9 =	vld [tilespmem:s15+$0x0];
	v10 =	vmul.f32 v11, v10;
	v5 =	vadd.f32 v5, v4  }
0x70a: {  	v15 =	vld [tilespmem:s15+$0x20];
	v8 =	vadd.f32 v8, v4  }
0x70b: {  	v11 =	vld [tilespmem:s16+$0x10];
	v7 =	vmul.f32 v7, v63;
	v10 =	vadd.f32 v10, v4;
	v5 =	vtrunc.f32 v5  }
0x70c: {  	v8 =	vtrunc.f32 v8;
	v5 =	vcvt.f32.s32 v5  }
0x70d: {  	v10 =	vtrunc.f32 v10;
	v6 =	vmul.f32 v12, v6  }
0x70e: {  	v9 =	vmul.f32 v9, v13;
	v17 =	vcvt.f32.s32 v10;
	vm0 =	vlt.s32 v5, v2  }
0x70f: {  	v10 =	vmul.f32 v15, v62;
	v6 =	vadd.f32 v6, v4;
	v16 =	vsel vm0, v5, v2  }
0x710: {  	v5 =	vcvt.f32.s32 v8;
	v8 =	vadd.f32 v9, v4;
	v9 =	vmul.f32 v14, v11  }
0x711: {  	vm1 =	vlt.s32 v17, v2;
	v11 =	vadd.f32 v10, v4  }
0x712: {  	v10 =	vadd.f32 v7, v4;
	v6 =	vtrunc.f32 v6;
	v9 =	vadd.f32 v9, v4  }
0x713: {  	v7 =	vsel vm1, v17, v2;
	v6 =	vcvt.f32.s32 v6;
	v8 =	vtrunc.f32 v8  }
0x714: {  	vm0 =	vlt.s32 v5, v2;
	v8 =	vcvt.f32.s32 v8;
	v9 =	vtrunc.f32 v9  }
0x715: {  	v5 =	vsel vm0, v5, v2;
	vm2 =	vlt.s32 v6, v2;
	v9 =	vcvt.f32.s32 v9  }
0x716: {  	s17 =	simm.s32 $0x40C0;
	s16 =	simm.s32 $0x0;
	v11 =	vtrunc.f32 v11;
	vm0 =	vlt.s32 v8, v2;
	[tilespmem:v16+s12+$0x0] =	vst.idx.add.f32.msk $0xffff, v3;
	v6 =	vsel vm2, v6, v2  }
.LBB2_56:
0x717: {  	v12 =	vld [tilespmem:s17+$0x30];
	v10 =	vtrunc.f32 v10;
	vm1 =	vlt.s32 v9, v2;
	v11 =	vcvt.f32.s32 v11;
	s15 =	sadd.s32 $0x80, s15  }
0x718: {  	s16 =	sadd.s32 $0x8, s16;
	v14 =	vsel vm0, v8, v2;
	v13 =	vld [tilespmem:s15+$0x30];
	v10 =	vcvt.f32.s32 v10;
	v15 =	vsel vm1, v9, v2  }
0x719: {  	p0 =	slt.u32 s16, $0x3F8;
	v8 =	vld [tilespmem:s15+$0xFFFFFFC0];
	vm0 =	vlt.s32 v11, v2  }
0x71a: {  	v9 =	vld [tilespmem:s17+$0xFFFFFFD0];
	vm1 =	vlt.s32 v10, v2;
	v16 =	vsel vm0, v11, v2  }
0x71b: {  	v11 =	vld [tilespmem:s15+$0xFFFFFFD0];
	v10 =	vsel vm1, v10, v2  }
0x71c: {  	v17 =	vld [tilespmem:s17+$0xFFFFFFE0]  }
0x71d: {  	v18 =	vld [tilespmem:s15+$0xFFFFFFE0];
	v12 =	vmul.f32 v13, v12  }
0x71e: {  	v13 =	vld [tilespmem:s17+$0xFFFFFFF0]  }
0x71f: {  	v19 =	vld [tilespmem:s15+$0xFFFFFFF0];
	v12 =	vadd.f32 v12, v4  }
0x720: {  	v9 =	vmul.f32 v11, v9;
	v11 =	vld [tilespmem:s17+$0x0]  }
0x721: {  	v20 =	vld [tilespmem:s15+$0x0];
	v12 =	vtrunc.f32 v12  }
0x722: {  	v9 =	vadd.f32 v9, v4;
	v17 =	vmul.f32 v18, v17;
	v18 =	vld [tilespmem:s17+$0x10];
	v12 =	vcvt.f32.s32 v12  }
0x723: {  	v21 =	vld [tilespmem:s15+$0x10]  }
0x724: {  	v17 =	vadd.f32 v17, v4;
	v13 =	vmul.f32 v19, v13;
	v19 =	vld [tilespmem:s17+$0x20];
	vm0 =	vlt.s32 v12, v2  }
0x725: {  	v9 =	vtrunc.f32 v9;
	v22 =	vld [tilespmem:s15+$0x20];
	v12 =	vsel vm0, v12, v2  }
0x726: {  	v23 =	vld [tilespmem:s17+$0xFFFFFFC0];
	v17 =	vtrunc.f32 v17;
	v13 =	vadd.f32 v13, v4;
	v11 =	vmul.f32 v20, v11  }
0x727: {  	v9 =	vcvt.f32.s32 v9;
	v17 =	vcvt.f32.s32 v17;
	[tilespmem:v10+s12+$0x0] =	vst.idx.add.f32.msk $0xffff, v3  }
0x728: {  	v10 =	vtrunc.f32 v13;
	v11 =	vadd.f32 v11, v4;
	v13 =	vmul.f32 v21, v18;
	[tilespmem:v5+s12+$0x0] =	vst.idx.add.f32.msk $0xffff, v3  }
0x729: {  	vm0 =	vlt.s32 v9, v2;
	vm1 =	vlt.s32 v17, v2;
	v18 =	vcvt.f32.s32 v10;
	[tilespmem:v7+s12+$0x0] =	vst.idx.add.f32.msk $0xffff, v3  }
.Ltmp27:
0x72a: {  	v5 =	vtrunc.f32 v11;
	v7 =	vadd.f32 v13, v4;
	v10 =	vmul.f32 v22, v19;
	[tilespmem:v12+s12+$0x0] =	vst.idx.add.f32.msk $0xffff, v3;
	(pc) =	sbr.rel @p0 .LBB2_56-.Ltmp27, $4  }
0x72b: {  	v11 =	vmul.f32 v8, v23;
	vm2 =	vlt.s32 v18, v2;
	v8 =	vcvt.f32.s32 v5;
	[tilespmem:v6+s12+$0x0] =	vst.idx.add.f32.msk $0xffff, v3  }
0x72c: {  	v5 =	vsel vm0, v9, v2;
	v6 =	vtrunc.f32 v7;
	v12 =	vadd.f32 v10, v4;
	[tilespmem:v14+s12+$0x0] =	vst.idx.add.f32.msk $0xffff, v3  }
0x72d: {  	v10 =	vadd.f32 v11, v4;
	vm0 =	vlt.s32 v8, v2;
	v9 =	vcvt.f32.s32 v6;
	[tilespmem:v15+s12+$0x0] =	vst.idx.add.f32.msk $0xffff, v3  }
0x72e: {  	s17 =	sadd.s32 $0x80, s17;
	v7 =	vsel vm1, v17, v2;
	v6 =	vsel vm2, v18, v2;
	v11 =	vtrunc.f32 v12;
	[tilespmem:v16+s12+$0x0] =	vst.idx.add.f32.msk $0xffff, v3  }
0x72f: {  	v10 =	vtrunc.f32 v10  }
0x730: {  	v10 =	vcvt.f32.s32 v10;
	_ =	sdelay $0x1  }
0x731: {  	vm1 =	vlt.s32 v10, v2  }
0x732: {  	v10 =	vsel vm1, v10, v2;
	_ =	sdelay $0x1  }
0x733: {  	v11 =	vcvt.f32.s32 v11  }
0x734: {  	v8 =	vsel vm0, v8, v2;
	vm1 =	vlt.s32 v9, v2  }
0x735: {  	[tilespmem:v5+s12+$0x0] =	vst.idx.add.f32.msk $0xffff, v3;
	vm0 =	vlt.s32 v11, v2;
	v9 =	vsel vm1, v9, v2  }
0x736: {  	[tilespmem:v10+s12+$0x0] =	vst.idx.add.f32.msk $0xffff, v3;
	v10 =	vsel vm0, v11, v2  }
0x737: {  	[tilespmem:v7+s12+$0x0] =	vst.idx.add.f32.msk $0xffff, v3  }
0x738: {  	[tilespmem:v6+s12+$0x0] =	vst.idx.add.f32.msk $0xffff, v3  }
0x739: {  	[tilespmem:v8+s12+$0x0] =	vst.idx.add.f32.msk $0xffff, v3  }
0x73a: {  	[tilespmem:v9+s12+$0x0] =	vst.idx.add.f32.msk $0xffff, v3  }
0x73b: {  	[tilespmem:v10+s12+$0x0] =	vst.idx.add.f32.msk $0xffff, v3  }
0x73c: {  	[tilespmem:s10], [sflag:$0x2] =	stream.linear.gather [hbm4b:s0+s2], $0x4000, $0x38;
	[tilespmem:$0xC980] =	vst v63  }
0x73d: {  	_ =	swait.ge [sflag:s11], $0x4000  }
0x73e: {  	[sflag:s11] =	ssyncset.done $0x0  }
0x73f: {  	s16 =	simm.s32 $0x40;
	[sflag:s11] =	ssyncadd.s32 $0xFFFFC000  }
0x740: {  	s15 =	simm.s32 $0x8040;
	v5 =	vld [tilespmem:s16+$0x30]  }
0x741: {  	v6 =	vld [tilespmem:s15+$0x30]  }
0x742: {  	v7 =	vld [tilespmem:s15+$0xFFFFFFC0]  }
0x743: {  	v8 =	vld [tilespmem:s16+$0xFFFFFFD0]  }
0x744: {  	v9 =	vld [tilespmem:s15+$0xFFFFFFD0]  }
0x745: {  	v10 =	vld [tilespmem:s16+$0xFFFFFFE0]  }
0x746: {  	v11 =	vld [tilespmem:s15+$0xFFFFFFE0]  }
0x747: {  	v12 =	vld [tilespmem:s15+$0xFFFFFFF0]  }
0x748: {  	v13 =	vld [tilespmem:s16+$0x0]  }
0x749: {  	v14 =	vld [tilespmem:s15+$0x10]  }
0x74a: {  	v63 =	vld [tilespmem:s16+$0xFFFFFFC0]  }
0x74b: {  	v62 =	vld [tilespmem:s16+$0x20];
	v5 =	vmul.f32 v6, v5  }
0x74c: {  	v6 =	vld [tilespmem:s16+$0xFFFFFFF0];
	v8 =	vmul.f32 v9, v8  }
0x74d: {  	v9 =	vld [tilespmem:s15+$0x0];
	v10 =	vmul.f32 v11, v10;
	v5 =	vadd.f32 v5, v4  }
0x74e: {  	v15 =	vld [tilespmem:s15+$0x20];
	v8 =	vadd.f32 v8, v4  }
0x74f: {  	v11 =	vld [tilespmem:s16+$0x10];
	v7 =	vmul.f32 v7, v63;
	v10 =	vadd.f32 v10, v4;
	v5 =	vtrunc.f32 v5  }
0x750: {  	v8 =	vtrunc.f32 v8;
	v5 =	vcvt.f32.s32 v5  }
0x751: {  	v10 =	vtrunc.f32 v10;
	v6 =	vmul.f32 v12, v6  }
0x752: {  	v9 =	vmul.f32 v9, v13;
	v17 =	vcvt.f32.s32 v10;
	vm0 =	vlt.s32 v5, v2  }
0x753: {  	v10 =	vmul.f32 v15, v62;
	v6 =	vadd.f32 v6, v4;
	v16 =	vsel vm0, v5, v2  }
0x754: {  	v5 =	vcvt.f32.s32 v8;
	v8 =	vadd.f32 v9, v4;
	v9 =	vmul.f32 v14, v11  }
0x755: {  	vm1 =	vlt.s32 v17, v2;
	v11 =	vadd.f32 v10, v4  }
0x756: {  	v10 =	vadd.f32 v7, v4;
	v6 =	vtrunc.f32 v6;
	v9 =	vadd.f32 v9, v4  }
0x757: {  	v7 =	vsel vm1, v17, v2;
	v6 =	vcvt.f32.s32 v6;
	v8 =	vtrunc.f32 v8  }
0x758: {  	vm0 =	vlt.s32 v5, v2;
	v8 =	vcvt.f32.s32 v8;
	v9 =	vtrunc.f32 v9  }
0x759: {  	v5 =	vsel vm0, v5, v2;
	vm2 =	vlt.s32 v6, v2;
	v9 =	vcvt.f32.s32 v9  }
0x75a: {  	s17 =	simm.s32 $0xC0;
	s16 =	simm.s32 $0x0;
	v11 =	vtrunc.f32 v11;
	vm0 =	vlt.s32 v8, v2;
	[tilespmem:v16+s12+$0x0] =	vst.idx.add.f32.msk $0xffff, v3;
	v6 =	vsel vm2, v6, v2  }
.LBB2_58:
0x75b: {  	v12 =	vld [tilespmem:s17+$0x30];
	v10 =	vtrunc.f32 v10;
	vm1 =	vlt.s32 v9, v2;
	v11 =	vcvt.f32.s32 v11;
	s15 =	sadd.s32 $0x80, s15  }
0x75c: {  	s16 =	sadd.s32 $0x8, s16;
	v14 =	vsel vm0, v8, v2;
	v13 =	vld [tilespmem:s15+$0x30];
	v10 =	vcvt.f32.s32 v10;
	v15 =	vsel vm1, v9, v2  }
0x75d: {  	p0 =	slt.u32 s16, $0x3F8;
	v8 =	vld [tilespmem:s15+$0xFFFFFFC0];
	vm0 =	vlt.s32 v11, v2  }
0x75e: {  	v9 =	vld [tilespmem:s17+$0xFFFFFFD0];
	vm1 =	vlt.s32 v10, v2;
	v16 =	vsel vm0, v11, v2  }
0x75f: {  	v11 =	vld [tilespmem:s15+$0xFFFFFFD0];
	v10 =	vsel vm1, v10, v2  }
0x760: {  	v17 =	vld [tilespmem:s17+$0xFFFFFFE0]  }
0x761: {  	v18 =	vld [tilespmem:s15+$0xFFFFFFE0];
	v12 =	vmul.f32 v13, v12  }
0x762: {  	v13 =	vld [tilespmem:s17+$0xFFFFFFF0]  }
0x763: {  	v19 =	vld [tilespmem:s15+$0xFFFFFFF0];
	v12 =	vadd.f32 v12, v4  }
0x764: {  	v9 =	vmul.f32 v11, v9;
	v11 =	vld [tilespmem:s17+$0x0]  }
0x765: {  	v20 =	vld [tilespmem:s15+$0x0];
	v12 =	vtrunc.f32 v12  }
0x766: {  	v9 =	vadd.f32 v9, v4;
	v17 =	vmul.f32 v18, v17;
	v18 =	vld [tilespmem:s17+$0x10];
	v12 =	vcvt.f32.s32 v12  }
0x767: {  	v21 =	vld [tilespmem:s15+$0x10]  }
0x768: {  	v17 =	vadd.f32 v17, v4;
	v13 =	vmul.f32 v19, v13;
	v19 =	vld [tilespmem:s17+$0x20];
	vm0 =	vlt.s32 v12, v2  }
0x769: {  	v9 =	vtrunc.f32 v9;
	v22 =	vld [tilespmem:s15+$0x20];
	v12 =	vsel vm0, v12, v2  }
0x76a: {  	v23 =	vld [tilespmem:s17+$0xFFFFFFC0];
	v17 =	vtrunc.f32 v17;
	v13 =	vadd.f32 v13, v4;
	v11 =	vmul.f32 v20, v11  }
0x76b: {  	v9 =	vcvt.f32.s32 v9;
	v17 =	vcvt.f32.s32 v17;
	[tilespmem:v10+s12+$0x0] =	vst.idx.add.f32.msk $0xffff, v3  }
0x76c: {  	v10 =	vtrunc.f32 v13;
	v11 =	vadd.f32 v11, v4;
	v13 =	vmul.f32 v21, v18;
	[tilespmem:v5+s12+$0x0] =	vst.idx.add.f32.msk $0xffff, v3  }
0x76d: {  	vm0 =	vlt.s32 v9, v2;
	vm1 =	vlt.s32 v17, v2;
	v18 =	vcvt.f32.s32 v10;
	[tilespmem:v7+s12+$0x0] =	vst.idx.add.f32.msk $0xffff, v3  }
.Ltmp28:
0x76e: {  	v5 =	vtrunc.f32 v11;
	v7 =	vadd.f32 v13, v4;
	v10 =	vmul.f32 v22, v19;
	[tilespmem:v12+s12+$0x0] =	vst.idx.add.f32.msk $0xffff, v3;
	(pc) =	sbr.rel @p0 .LBB2_58-.Ltmp28, $4  }
0x76f: {  	v11 =	vmul.f32 v8, v23;
	vm2 =	vlt.s32 v18, v2;
	v8 =	vcvt.f32.s32 v5;
	[tilespmem:v6+s12+$0x0] =	vst.idx.add.f32.msk $0xffff, v3  }
0x770: {  	v5 =	vsel vm0, v9, v2;
	v6 =	vtrunc.f32 v7;
	v12 =	vadd.f32 v10, v4;
	[tilespmem:v14+s12+$0x0] =	vst.idx.add.f32.msk $0xffff, v3  }
0x771: {  	v10 =	vadd.f32 v11, v4;
	vm0 =	vlt.s32 v8, v2;
	v9 =	vcvt.f32.s32 v6;
	[tilespmem:v15+s12+$0x0] =	vst.idx.add.f32.msk $0xffff, v3  }
0x772: {  	s17 =	sadd.s32 $0x80, s17;
	v7 =	vsel vm1, v17, v2;
	v6 =	vsel vm2, v18, v2;
	v11 =	vtrunc.f32 v12;
	[tilespmem:v16+s12+$0x0] =	vst.idx.add.f32.msk $0xffff, v3  }
0x773: {  	v10 =	vtrunc.f32 v10  }
0x774: {  	v10 =	vcvt.f32.s32 v10;
	_ =	sdelay $0x1  }
0x775: {  	vm1 =	vlt.s32 v10, v2  }
0x776: {  	v10 =	vsel vm1, v10, v2;
	_ =	sdelay $0x1  }
0x777: {  	v11 =	vcvt.f32.s32 v11  }
0x778: {  	v8 =	vsel vm0, v8, v2;
	vm1 =	vlt.s32 v9, v2  }
0x779: {  	[tilespmem:v5+s12+$0x0] =	vst.idx.add.f32.msk $0xffff, v3;
	vm0 =	vlt.s32 v11, v2;
	v9 =	vsel vm1, v9, v2  }
0x77a: {  	[tilespmem:v10+s12+$0x0] =	vst.idx.add.f32.msk $0xffff, v3;
	v10 =	vsel vm0, v11, v2  }
0x77b: {  	[tilespmem:v7+s12+$0x0] =	vst.idx.add.f32.msk $0xffff, v3  }
0x77c: {  	[tilespmem:v6+s12+$0x0] =	vst.idx.add.f32.msk $0xffff, v3  }
0x77d: {  	[tilespmem:v8+s12+$0x0] =	vst.idx.add.f32.msk $0xffff, v3  }
0x77e: {  	[tilespmem:v9+s12+$0x0] =	vst.idx.add.f32.msk $0xffff, v3  }
0x77f: {  	[tilespmem:v10+s12+$0x0] =	vst.idx.add.f32.msk $0xffff, v3  }
0x780: {  	[tilespmem:s2], [sflag:$0x1] =	stream.linear.gather [hbm4b:s3+s2], $0x4000, $0x38;
	[tilespmem:$0xC980] =	vst v63  }
0x781: {  	_ =	swait.ge [sflag:s13], $0x4000  }
0x782: {  	[sflag:s13] =	ssyncset.done $0x0  }
0x783: {  	s16 =	simm.s32 $0x4040;
	[sflag:s13] =	ssyncadd.s32 $0xFFFFC000  }
0x784: {  	s15 =	simm.s32 $0x8040;
	v5 =	vld [tilespmem:s16+$0x30]  }
0x785: {  	v6 =	vld [tilespmem:s15+$0x30]  }
0x786: {  	v7 =	vld [tilespmem:s15+$0xFFFFFFC0]  }
0x787: {  	v8 =	vld [tilespmem:s16+$0xFFFFFFD0]  }
0x788: {  	v9 =	vld [tilespmem:s15+$0xFFFFFFD0]  }
0x789: {  	v10 =	vld [tilespmem:s16+$0xFFFFFFE0]  }
0x78a: {  	v11 =	vld [tilespmem:s15+$0xFFFFFFE0]  }
0x78b: {  	v12 =	vld [tilespmem:s15+$0xFFFFFFF0]  }
0x78c: {  	v13 =	vld [tilespmem:s16+$0x0]  }
0x78d: {  	v14 =	vld [tilespmem:s15+$0x10]  }
0x78e: {  	v63 =	vld [tilespmem:s16+$0xFFFFFFC0]  }
0x78f: {  	v62 =	vld [tilespmem:s16+$0x20];
	v5 =	vmul.f32 v6, v5  }
0x790: {  	v6 =	vld [tilespmem:s16+$0xFFFFFFF0];
	v8 =	vmul.f32 v9, v8  }
0x791: {  	v9 =	vld [tilespmem:s15+$0x0];
	v10 =	vmul.f32 v11, v10;
	v5 =	vadd.f32 v5, v4  }
0x792: {  	v15 =	vld [tilespmem:s15+$0x20];
	v8 =	vadd.f32 v8, v4  }
0x793: {  	v11 =	vld [tilespmem:s16+$0x10];
	v7 =	vmul.f32 v7, v63;
	v10 =	vadd.f32 v10, v4;
	v5 =	vtrunc.f32 v5  }
0x794: {  	v8 =	vtrunc.f32 v8;
	v5 =	vcvt.f32.s32 v5  }
0x795: {  	v10 =	vtrunc.f32 v10;
	v6 =	vmul.f32 v12, v6  }
0x796: {  	v9 =	vmul.f32 v9, v13;
	v17 =	vcvt.f32.s32 v10;
	vm0 =	vlt.s32 v5, v2  }
0x797: {  	v10 =	vmul.f32 v15, v62;
	v6 =	vadd.f32 v6, v4;
	v16 =	vsel vm0, v5, v2  }
0x798: {  	v5 =	vcvt.f32.s32 v8;
	v8 =	vadd.f32 v9, v4;
	v9 =	vmul.f32 v14, v11  }
0x799: {  	vm1 =	vlt.s32 v17, v2;
	v11 =	vadd.f32 v10, v4  }
0x79a: {  	v10 =	vadd.f32 v7, v4;
	v6 =	vtrunc.f32 v6;
	v9 =	vadd.f32 v9, v4  }
0x79b: {  	v7 =	vsel vm1, v17, v2;
	v6 =	vcvt.f32.s32 v6;
	v8 =	vtrunc.f32 v8  }
0x79c: {  	vm0 =	vlt.s32 v5, v2;
	v8 =	vcvt.f32.s32 v8;
	v9 =	vtrunc.f32 v9  }
0x79d: {  	v5 =	vsel vm0, v5, v2;
	vm2 =	vlt.s32 v6, v2;
	v9 =	vcvt.f32.s32 v9  }
0x79e: {  	s17 =	simm.s32 $0x40C0;
	s16 =	simm.s32 $0x0;
	v11 =	vtrunc.f32 v11;
	vm0 =	vlt.s32 v8, v2;
	[tilespmem:v16+s12+$0x0] =	vst.idx.add.f32.msk $0xffff, v3;
	v6 =	vsel vm2, v6, v2  }
.LBB2_60:
0x79f: {  	v12 =	vld [tilespmem:s17+$0x30];
	v10 =	vtrunc.f32 v10;
	vm1 =	vlt.s32 v9, v2;
	v11 =	vcvt.f32.s32 v11;
	s15 =	sadd.s32 $0x80, s15  }
0x7a0: {  	s16 =	sadd.s32 $0x8, s16;
	v14 =	vsel vm0, v8, v2;
	v13 =	vld [tilespmem:s15+$0x30];
	v10 =	vcvt.f32.s32 v10;
	v15 =	vsel vm1, v9, v2  }
0x7a1: {  	p0 =	slt.u32 s16, $0x3F8;
	v8 =	vld [tilespmem:s15+$0xFFFFFFC0];
	vm0 =	vlt.s32 v11, v2  }
0x7a2: {  	v9 =	vld [tilespmem:s17+$0xFFFFFFD0];
	vm1 =	vlt.s32 v10, v2;
	v16 =	vsel vm0, v11, v2  }
0x7a3: {  	v11 =	vld [tilespmem:s15+$0xFFFFFFD0];
	v10 =	vsel vm1, v10, v2  }
0x7a4: {  	v17 =	vld [tilespmem:s17+$0xFFFFFFE0]  }
0x7a5: {  	v18 =	vld [tilespmem:s15+$0xFFFFFFE0];
	v12 =	vmul.f32 v13, v12  }
0x7a6: {  	v13 =	vld [tilespmem:s17+$0xFFFFFFF0]  }
0x7a7: {  	v19 =	vld [tilespmem:s15+$0xFFFFFFF0];
	v12 =	vadd.f32 v12, v4  }
0x7a8: {  	v9 =	vmul.f32 v11, v9;
	v11 =	vld [tilespmem:s17+$0x0]  }
0x7a9: {  	v20 =	vld [tilespmem:s15+$0x0];
	v12 =	vtrunc.f32 v12  }
0x7aa: {  	v9 =	vadd.f32 v9, v4;
	v17 =	vmul.f32 v18, v17;
	v18 =	vld [tilespmem:s17+$0x10];
	v12 =	vcvt.f32.s32 v12  }
0x7ab: {  	v21 =	vld [tilespmem:s15+$0x10]  }
0x7ac: {  	v17 =	vadd.f32 v17, v4;
	v13 =	vmul.f32 v19, v13;
	v19 =	vld [tilespmem:s17+$0x20];
	vm0 =	vlt.s32 v12, v2  }
0x7ad: {  	v9 =	vtrunc.f32 v9;
	v22 =	vld [tilespmem:s15+$0x20];
	v12 =	vsel vm0, v12, v2  }
0x7ae: {  	v23 =	vld [tilespmem:s17+$0xFFFFFFC0];
	v17 =	vtrunc.f32 v17;
	v13 =	vadd.f32 v13, v4;
	v11 =	vmul.f32 v20, v11  }
0x7af: {  	v9 =	vcvt.f32.s32 v9;
	v17 =	vcvt.f32.s32 v17;
	[tilespmem:v10+s12+$0x0] =	vst.idx.add.f32.msk $0xffff, v3  }
0x7b0: {  	v10 =	vtrunc.f32 v13;
	v11 =	vadd.f32 v11, v4;
	v13 =	vmul.f32 v21, v18;
	[tilespmem:v5+s12+$0x0] =	vst.idx.add.f32.msk $0xffff, v3  }
0x7b1: {  	vm0 =	vlt.s32 v9, v2;
	vm1 =	vlt.s32 v17, v2;
	v18 =	vcvt.f32.s32 v10;
	[tilespmem:v7+s12+$0x0] =	vst.idx.add.f32.msk $0xffff, v3  }
.Ltmp29:
0x7b2: {  	v5 =	vtrunc.f32 v11;
	v7 =	vadd.f32 v13, v4;
	v10 =	vmul.f32 v22, v19;
	[tilespmem:v12+s12+$0x0] =	vst.idx.add.f32.msk $0xffff, v3;
	(pc) =	sbr.rel @p0 .LBB2_60-.Ltmp29, $4  }
0x7b3: {  	v11 =	vmul.f32 v8, v23;
	vm2 =	vlt.s32 v18, v2;
	v8 =	vcvt.f32.s32 v5;
	[tilespmem:v6+s12+$0x0] =	vst.idx.add.f32.msk $0xffff, v3  }
0x7b4: {  	v5 =	vsel vm0, v9, v2;
	v6 =	vtrunc.f32 v7;
	v12 =	vadd.f32 v10, v4;
	[tilespmem:v14+s12+$0x0] =	vst.idx.add.f32.msk $0xffff, v3  }
0x7b5: {  	v10 =	vadd.f32 v11, v4;
	vm0 =	vlt.s32 v8, v2;
	v9 =	vcvt.f32.s32 v6;
	[tilespmem:v15+s12+$0x0] =	vst.idx.add.f32.msk $0xffff, v3  }
0x7b6: {  	s17 =	sadd.s32 $0x80, s17;
	v7 =	vsel vm1, v17, v2;
	v6 =	vsel vm2, v18, v2;
	v11 =	vtrunc.f32 v12;
	[tilespmem:v16+s12+$0x0] =	vst.idx.add.f32.msk $0xffff, v3  }
0x7b7: {  	v10 =	vtrunc.f32 v10  }
0x7b8: {  	v10 =	vcvt.f32.s32 v10;
	_ =	sdelay $0x1  }
0x7b9: {  	vm1 =	vlt.s32 v10, v2  }
0x7ba: {  	v10 =	vsel vm1, v10, v2;
	_ =	sdelay $0x1  }
0x7bb: {  	v11 =	vcvt.f32.s32 v11  }
0x7bc: {  	v8 =	vsel vm0, v8, v2;
	vm1 =	vlt.s32 v9, v2  }
0x7bd: {  	[tilespmem:v5+s12+$0x0] =	vst.idx.add.f32.msk $0xffff, v3;
	vm0 =	vlt.s32 v11, v2;
	v9 =	vsel vm1, v9, v2  }
0x7be: {  	[tilespmem:v10+s12+$0x0] =	vst.idx.add.f32.msk $0xffff, v3;
	v10 =	vsel vm0, v11, v2  }
0x7bf: {  	[tilespmem:v7+s12+$0x0] =	vst.idx.add.f32.msk $0xffff, v3  }
0x7c0: {  	[tilespmem:v6+s12+$0x0] =	vst.idx.add.f32.msk $0xffff, v3  }
0x7c1: {  	[tilespmem:v8+s12+$0x0] =	vst.idx.add.f32.msk $0xffff, v3  }
0x7c2: {  	[tilespmem:v9+s12+$0x0] =	vst.idx.add.f32.msk $0xffff, v3  }
0x7c3: {  	[tilespmem:v10+s12+$0x0] =	vst.idx.add.f32.msk $0xffff, v3  }
0x7c4: {  	[tilespmem:s10], [sflag:$0x2] =	stream.linear.gather [hbm4b:s4+s2], $0x4000, $0x38;
	[tilespmem:$0xC980] =	vst v63  }
0x7c5: {  	_ =	swait.ge [sflag:s11], $0x4000  }
0x7c6: {  	[sflag:s11] =	ssyncset.done $0x0  }
0x7c7: {  	s16 =	simm.s32 $0x40;
	[sflag:s11] =	ssyncadd.s32 $0xFFFFC000  }
0x7c8: {  	s15 =	simm.s32 $0x8040;
	v5 =	vld [tilespmem:s16+$0x30]  }
0x7c9: {  	v6 =	vld [tilespmem:s15+$0x30]  }
0x7ca: {  	v7 =	vld [tilespmem:s15+$0xFFFFFFC0]  }
0x7cb: {  	v8 =	vld [tilespmem:s16+$0xFFFFFFD0]  }
0x7cc: {  	v9 =	vld [tilespmem:s15+$0xFFFFFFD0]  }
0x7cd: {  	v10 =	vld [tilespmem:s16+$0xFFFFFFE0]  }
0x7ce: {  	v11 =	vld [tilespmem:s15+$0xFFFFFFE0]  }
0x7cf: {  	v12 =	vld [tilespmem:s15+$0xFFFFFFF0]  }
0x7d0: {  	v13 =	vld [tilespmem:s16+$0x0]  }
0x7d1: {  	v14 =	vld [tilespmem:s15+$0x10]  }
0x7d2: {  	v63 =	vld [tilespmem:s16+$0xFFFFFFC0]  }
0x7d3: {  	v62 =	vld [tilespmem:s16+$0x20];
	v5 =	vmul.f32 v6, v5  }
0x7d4: {  	v6 =	vld [tilespmem:s16+$0xFFFFFFF0];
	v8 =	vmul.f32 v9, v8  }
0x7d5: {  	v9 =	vld [tilespmem:s15+$0x0];
	v10 =	vmul.f32 v11, v10;
	v5 =	vadd.f32 v5, v4  }
0x7d6: {  	v15 =	vld [tilespmem:s15+$0x20];
	v8 =	vadd.f32 v8, v4  }
0x7d7: {  	v11 =	vld [tilespmem:s16+$0x10];
	v7 =	vmul.f32 v7, v63;
	v10 =	vadd.f32 v10, v4;
	v5 =	vtrunc.f32 v5  }
0x7d8: {  	v8 =	vtrunc.f32 v8;
	v5 =	vcvt.f32.s32 v5  }
0x7d9: {  	v10 =	vtrunc.f32 v10;
	v6 =	vmul.f32 v12, v6  }
0x7da: {  	v9 =	vmul.f32 v9, v13;
	v17 =	vcvt.f32.s32 v10;
	vm0 =	vlt.s32 v5, v2  }
0x7db: {  	v10 =	vmul.f32 v15, v62;
	v6 =	vadd.f32 v6, v4;
	v16 =	vsel vm0, v5, v2  }
0x7dc: {  	v5 =	vcvt.f32.s32 v8;
	v8 =	vadd.f32 v9, v4;
	v9 =	vmul.f32 v14, v11  }
0x7dd: {  	vm1 =	vlt.s32 v17, v2;
	v11 =	vadd.f32 v10, v4  }
0x7de: {  	v10 =	vadd.f32 v7, v4;
	v6 =	vtrunc.f32 v6;
	v9 =	vadd.f32 v9, v4  }
0x7df: {  	v7 =	vsel vm1, v17, v2;
	v6 =	vcvt.f32.s32 v6;
	v8 =	vtrunc.f32 v8  }
0x7e0: {  	vm0 =	vlt.s32 v5, v2;
	v8 =	vcvt.f32.s32 v8;
	v9 =	vtrunc.f32 v9  }
0x7e1: {  	v5 =	vsel vm0, v5, v2;
	vm2 =	vlt.s32 v6, v2;
	v9 =	vcvt.f32.s32 v9  }
0x7e2: {  	s17 =	simm.s32 $0xC0;
	s16 =	simm.s32 $0x0;
	v11 =	vtrunc.f32 v11;
	vm0 =	vlt.s32 v8, v2;
	[tilespmem:v16+s12+$0x0] =	vst.idx.add.f32.msk $0xffff, v3;
	v6 =	vsel vm2, v6, v2  }
.LBB2_62:
0x7e3: {  	v12 =	vld [tilespmem:s17+$0x30];
	v10 =	vtrunc.f32 v10;
	vm1 =	vlt.s32 v9, v2;
	v11 =	vcvt.f32.s32 v11;
	s15 =	sadd.s32 $0x80, s15  }
0x7e4: {  	s16 =	sadd.s32 $0x8, s16;
	v14 =	vsel vm0, v8, v2;
	v13 =	vld [tilespmem:s15+$0x30];
	v10 =	vcvt.f32.s32 v10;
	v15 =	vsel vm1, v9, v2  }
0x7e5: {  	p0 =	slt.u32 s16, $0x3F8;
	v8 =	vld [tilespmem:s15+$0xFFFFFFC0];
	vm0 =	vlt.s32 v11, v2  }
0x7e6: {  	v9 =	vld [tilespmem:s17+$0xFFFFFFD0];
	vm1 =	vlt.s32 v10, v2;
	v16 =	vsel vm0, v11, v2  }
0x7e7: {  	v11 =	vld [tilespmem:s15+$0xFFFFFFD0];
	v10 =	vsel vm1, v10, v2  }
0x7e8: {  	v17 =	vld [tilespmem:s17+$0xFFFFFFE0]  }
0x7e9: {  	v18 =	vld [tilespmem:s15+$0xFFFFFFE0];
	v12 =	vmul.f32 v13, v12  }
0x7ea: {  	v13 =	vld [tilespmem:s17+$0xFFFFFFF0]  }
0x7eb: {  	v19 =	vld [tilespmem:s15+$0xFFFFFFF0];
	v12 =	vadd.f32 v12, v4  }
0x7ec: {  	v9 =	vmul.f32 v11, v9;
	v11 =	vld [tilespmem:s17+$0x0]  }
0x7ed: {  	v20 =	vld [tilespmem:s15+$0x0];
	v12 =	vtrunc.f32 v12  }
0x7ee: {  	v9 =	vadd.f32 v9, v4;
	v17 =	vmul.f32 v18, v17;
	v18 =	vld [tilespmem:s17+$0x10];
	v12 =	vcvt.f32.s32 v12  }
0x7ef: {  	v21 =	vld [tilespmem:s15+$0x10]  }
0x7f0: {  	v17 =	vadd.f32 v17, v4;
	v13 =	vmul.f32 v19, v13;
	v19 =	vld [tilespmem:s17+$0x20];
	vm0 =	vlt.s32 v12, v2  }
0x7f1: {  	v9 =	vtrunc.f32 v9;
	v22 =	vld [tilespmem:s15+$0x20];
	v12 =	vsel vm0, v12, v2  }
0x7f2: {  	v23 =	vld [tilespmem:s17+$0xFFFFFFC0];
	v17 =	vtrunc.f32 v17;
	v13 =	vadd.f32 v13, v4;
	v11 =	vmul.f32 v20, v11  }
0x7f3: {  	v9 =	vcvt.f32.s32 v9;
	v17 =	vcvt.f32.s32 v17;
	[tilespmem:v10+s12+$0x0] =	vst.idx.add.f32.msk $0xffff, v3  }
0x7f4: {  	v10 =	vtrunc.f32 v13;
	v11 =	vadd.f32 v11, v4;
	v13 =	vmul.f32 v21, v18;
	[tilespmem:v5+s12+$0x0] =	vst.idx.add.f32.msk $0xffff, v3  }
0x7f5: {  	vm0 =	vlt.s32 v9, v2;
	vm1 =	vlt.s32 v17, v2;
	v18 =	vcvt.f32.s32 v10;
	[tilespmem:v7+s12+$0x0] =	vst.idx.add.f32.msk $0xffff, v3  }
.Ltmp30:
0x7f6: {  	v5 =	vtrunc.f32 v11;
	v7 =	vadd.f32 v13, v4;
	v10 =	vmul.f32 v22, v19;
	[tilespmem:v12+s12+$0x0] =	vst.idx.add.f32.msk $0xffff, v3;
	(pc) =	sbr.rel @p0 .LBB2_62-.Ltmp30, $4  }
0x7f7: {  	v11 =	vmul.f32 v8, v23;
	vm2 =	vlt.s32 v18, v2;
	v8 =	vcvt.f32.s32 v5;
	[tilespmem:v6+s12+$0x0] =	vst.idx.add.f32.msk $0xffff, v3  }
0x7f8: {  	v5 =	vsel vm0, v9, v2;
	v6 =	vtrunc.f32 v7;
	v12 =	vadd.f32 v10, v4;
	[tilespmem:v14+s12+$0x0] =	vst.idx.add.f32.msk $0xffff, v3  }
0x7f9: {  	v10 =	vadd.f32 v11, v4;
	vm0 =	vlt.s32 v8, v2;
	v9 =	vcvt.f32.s32 v6;
	[tilespmem:v15+s12+$0x0] =	vst.idx.add.f32.msk $0xffff, v3  }
0x7fa: {  	s17 =	sadd.s32 $0x80, s17;
	v7 =	vsel vm1, v17, v2;
	v6 =	vsel vm2, v18, v2;
	v11 =	vtrunc.f32 v12;
	[tilespmem:v16+s12+$0x0] =	vst.idx.add.f32.msk $0xffff, v3  }
0x7fb: {  	v10 =	vtrunc.f32 v10  }
0x7fc: {  	v10 =	vcvt.f32.s32 v10;
	_ =	sdelay $0x1  }
0x7fd: {  	vm1 =	vlt.s32 v10, v2  }
0x7fe: {  	v10 =	vsel vm1, v10, v2;
	_ =	sdelay $0x1  }
0x7ff: {  	v11 =	vcvt.f32.s32 v11  }
0x800: {  	v8 =	vsel vm0, v8, v2;
	vm1 =	vlt.s32 v9, v2  }
0x801: {  	[tilespmem:v5+s12+$0x0] =	vst.idx.add.f32.msk $0xffff, v3;
	vm0 =	vlt.s32 v11, v2;
	v9 =	vsel vm1, v9, v2  }
0x802: {  	[tilespmem:v10+s12+$0x0] =	vst.idx.add.f32.msk $0xffff, v3;
	v10 =	vsel vm0, v11, v2  }
0x803: {  	[tilespmem:v7+s12+$0x0] =	vst.idx.add.f32.msk $0xffff, v3  }
0x804: {  	[tilespmem:v6+s12+$0x0] =	vst.idx.add.f32.msk $0xffff, v3  }
0x805: {  	[tilespmem:v8+s12+$0x0] =	vst.idx.add.f32.msk $0xffff, v3  }
0x806: {  	[tilespmem:v9+s12+$0x0] =	vst.idx.add.f32.msk $0xffff, v3  }
0x807: {  	[tilespmem:v10+s12+$0x0] =	vst.idx.add.f32.msk $0xffff, v3  }
0x808: {  	[tilespmem:s2], [sflag:$0x1] =	stream.linear.gather [hbm4b:s5+s2], $0x4000, $0x38;
	[tilespmem:$0xC980] =	vst v63  }
0x809: {  	_ =	swait.ge [sflag:s13], $0x4000  }
0x80a: {  	[sflag:s13] =	ssyncset.done $0x0  }
0x80b: {  	s16 =	simm.s32 $0x4040;
	[sflag:s13] =	ssyncadd.s32 $0xFFFFC000  }
0x80c: {  	s15 =	simm.s32 $0x8040;
	v5 =	vld [tilespmem:s16+$0x30]  }
0x80d: {  	v6 =	vld [tilespmem:s15+$0x30]  }
0x80e: {  	v7 =	vld [tilespmem:s15+$0xFFFFFFC0]  }
0x80f: {  	v8 =	vld [tilespmem:s16+$0xFFFFFFD0]  }
0x810: {  	v9 =	vld [tilespmem:s15+$0xFFFFFFD0]  }
0x811: {  	v10 =	vld [tilespmem:s16+$0xFFFFFFE0]  }
0x812: {  	v11 =	vld [tilespmem:s15+$0xFFFFFFE0]  }
0x813: {  	v12 =	vld [tilespmem:s15+$0xFFFFFFF0]  }
0x814: {  	v13 =	vld [tilespmem:s16+$0x0]  }
0x815: {  	v14 =	vld [tilespmem:s15+$0x10]  }
0x816: {  	v63 =	vld [tilespmem:s16+$0xFFFFFFC0]  }
0x817: {  	v62 =	vld [tilespmem:s16+$0x20];
	v5 =	vmul.f32 v6, v5  }
0x818: {  	v6 =	vld [tilespmem:s16+$0xFFFFFFF0];
	v8 =	vmul.f32 v9, v8  }
0x819: {  	v9 =	vld [tilespmem:s15+$0x0];
	v10 =	vmul.f32 v11, v10;
	v5 =	vadd.f32 v5, v4  }
0x81a: {  	v15 =	vld [tilespmem:s15+$0x20];
	v8 =	vadd.f32 v8, v4  }
0x81b: {  	v11 =	vld [tilespmem:s16+$0x10];
	v7 =	vmul.f32 v7, v63;
	v10 =	vadd.f32 v10, v4;
	v5 =	vtrunc.f32 v5  }
0x81c: {  	v8 =	vtrunc.f32 v8;
	v5 =	vcvt.f32.s32 v5  }
0x81d: {  	v10 =	vtrunc.f32 v10;
	v6 =	vmul.f32 v12, v6  }
0x81e: {  	v9 =	vmul.f32 v9, v13;
	v17 =	vcvt.f32.s32 v10;
	vm0 =	vlt.s32 v5, v2  }
0x81f: {  	v10 =	vmul.f32 v15, v62;
	v6 =	vadd.f32 v6, v4;
	v16 =	vsel vm0, v5, v2  }
0x820: {  	v5 =	vcvt.f32.s32 v8;
	v8 =	vadd.f32 v9, v4;
	v9 =	vmul.f32 v14, v11  }
0x821: {  	vm1 =	vlt.s32 v17, v2;
	v11 =	vadd.f32 v10, v4  }
0x822: {  	v10 =	vadd.f32 v7, v4;
	v6 =	vtrunc.f32 v6;
	v9 =	vadd.f32 v9, v4  }
0x823: {  	v7 =	vsel vm1, v17, v2;
	v6 =	vcvt.f32.s32 v6;
	v8 =	vtrunc.f32 v8  }
0x824: {  	vm0 =	vlt.s32 v5, v2;
	v8 =	vcvt.f32.s32 v8;
	v9 =	vtrunc.f32 v9  }
0x825: {  	v5 =	vsel vm0, v5, v2;
	vm2 =	vlt.s32 v6, v2;
	v9 =	vcvt.f32.s32 v9  }
0x826: {  	s17 =	simm.s32 $0x40C0;
	s16 =	simm.s32 $0x0;
	v11 =	vtrunc.f32 v11;
	vm0 =	vlt.s32 v8, v2;
	[tilespmem:v16+s12+$0x0] =	vst.idx.add.f32.msk $0xffff, v3;
	v6 =	vsel vm2, v6, v2  }
.LBB2_64:
0x827: {  	v12 =	vld [tilespmem:s17+$0x30];
	v10 =	vtrunc.f32 v10;
	vm1 =	vlt.s32 v9, v2;
	v11 =	vcvt.f32.s32 v11;
	s15 =	sadd.s32 $0x80, s15  }
0x828: {  	s16 =	sadd.s32 $0x8, s16;
	v14 =	vsel vm0, v8, v2;
	v13 =	vld [tilespmem:s15+$0x30];
	v10 =	vcvt.f32.s32 v10;
	v15 =	vsel vm1, v9, v2  }
0x829: {  	p0 =	slt.u32 s16, $0x3F8;
	v8 =	vld [tilespmem:s15+$0xFFFFFFC0];
	vm0 =	vlt.s32 v11, v2  }
0x82a: {  	v9 =	vld [tilespmem:s17+$0xFFFFFFD0];
	vm1 =	vlt.s32 v10, v2;
	v16 =	vsel vm0, v11, v2  }
0x82b: {  	v11 =	vld [tilespmem:s15+$0xFFFFFFD0];
	v10 =	vsel vm1, v10, v2  }
0x82c: {  	v17 =	vld [tilespmem:s17+$0xFFFFFFE0]  }
0x82d: {  	v18 =	vld [tilespmem:s15+$0xFFFFFFE0];
	v12 =	vmul.f32 v13, v12  }
0x82e: {  	v13 =	vld [tilespmem:s17+$0xFFFFFFF0]  }
0x82f: {  	v19 =	vld [tilespmem:s15+$0xFFFFFFF0];
	v12 =	vadd.f32 v12, v4  }
0x830: {  	v9 =	vmul.f32 v11, v9;
	v11 =	vld [tilespmem:s17+$0x0]  }
0x831: {  	v20 =	vld [tilespmem:s15+$0x0];
	v12 =	vtrunc.f32 v12  }
0x832: {  	v9 =	vadd.f32 v9, v4;
	v17 =	vmul.f32 v18, v17;
	v18 =	vld [tilespmem:s17+$0x10];
	v12 =	vcvt.f32.s32 v12  }
0x833: {  	v21 =	vld [tilespmem:s15+$0x10]  }
0x834: {  	v17 =	vadd.f32 v17, v4;
	v13 =	vmul.f32 v19, v13;
	v19 =	vld [tilespmem:s17+$0x20];
	vm0 =	vlt.s32 v12, v2  }
0x835: {  	v9 =	vtrunc.f32 v9;
	v22 =	vld [tilespmem:s15+$0x20];
	v12 =	vsel vm0, v12, v2  }
0x836: {  	v23 =	vld [tilespmem:s17+$0xFFFFFFC0];
	v17 =	vtrunc.f32 v17;
	v13 =	vadd.f32 v13, v4;
	v11 =	vmul.f32 v20, v11  }
0x837: {  	v9 =	vcvt.f32.s32 v9;
	v17 =	vcvt.f32.s32 v17;
	[tilespmem:v10+s12+$0x0] =	vst.idx.add.f32.msk $0xffff, v3  }
0x838: {  	v10 =	vtrunc.f32 v13;
	v11 =	vadd.f32 v11, v4;
	v13 =	vmul.f32 v21, v18;
	[tilespmem:v5+s12+$0x0] =	vst.idx.add.f32.msk $0xffff, v3  }
0x839: {  	vm0 =	vlt.s32 v9, v2;
	vm1 =	vlt.s32 v17, v2;
	v18 =	vcvt.f32.s32 v10;
	[tilespmem:v7+s12+$0x0] =	vst.idx.add.f32.msk $0xffff, v3  }
.Ltmp31:
0x83a: {  	v5 =	vtrunc.f32 v11;
	v7 =	vadd.f32 v13, v4;
	v10 =	vmul.f32 v22, v19;
	[tilespmem:v12+s12+$0x0] =	vst.idx.add.f32.msk $0xffff, v3;
	(pc) =	sbr.rel @p0 .LBB2_64-.Ltmp31, $4  }
0x83b: {  	v11 =	vmul.f32 v8, v23;
	vm2 =	vlt.s32 v18, v2;
	v8 =	vcvt.f32.s32 v5;
	[tilespmem:v6+s12+$0x0] =	vst.idx.add.f32.msk $0xffff, v3  }
0x83c: {  	v5 =	vsel vm0, v9, v2;
	v6 =	vtrunc.f32 v7;
	v12 =	vadd.f32 v10, v4;
	[tilespmem:v14+s12+$0x0] =	vst.idx.add.f32.msk $0xffff, v3  }
0x83d: {  	v10 =	vadd.f32 v11, v4;
	vm0 =	vlt.s32 v8, v2;
	v9 =	vcvt.f32.s32 v6;
	[tilespmem:v15+s12+$0x0] =	vst.idx.add.f32.msk $0xffff, v3  }
0x83e: {  	s17 =	sadd.s32 $0x80, s17;
	v7 =	vsel vm1, v17, v2;
	v6 =	vsel vm2, v18, v2;
	v11 =	vtrunc.f32 v12;
	[tilespmem:v16+s12+$0x0] =	vst.idx.add.f32.msk $0xffff, v3  }
0x83f: {  	v10 =	vtrunc.f32 v10  }
0x840: {  	v10 =	vcvt.f32.s32 v10;
	_ =	sdelay $0x1  }
0x841: {  	vm1 =	vlt.s32 v10, v2  }
0x842: {  	v10 =	vsel vm1, v10, v2;
	_ =	sdelay $0x1  }
0x843: {  	v11 =	vcvt.f32.s32 v11  }
0x844: {  	v8 =	vsel vm0, v8, v2;
	vm1 =	vlt.s32 v9, v2  }
0x845: {  	[tilespmem:v5+s12+$0x0] =	vst.idx.add.f32.msk $0xffff, v3;
	vm0 =	vlt.s32 v11, v2;
	v9 =	vsel vm1, v9, v2  }
0x846: {  	[tilespmem:v10+s12+$0x0] =	vst.idx.add.f32.msk $0xffff, v3;
	v10 =	vsel vm0, v11, v2  }
0x847: {  	[tilespmem:v7+s12+$0x0] =	vst.idx.add.f32.msk $0xffff, v3  }
0x848: {  	[tilespmem:v6+s12+$0x0] =	vst.idx.add.f32.msk $0xffff, v3  }
0x849: {  	[tilespmem:v8+s12+$0x0] =	vst.idx.add.f32.msk $0xffff, v3  }
0x84a: {  	[tilespmem:v9+s12+$0x0] =	vst.idx.add.f32.msk $0xffff, v3  }
0x84b: {  	[tilespmem:v10+s12+$0x0] =	vst.idx.add.f32.msk $0xffff, v3  }
0x84c: {  	[tilespmem:s10], [sflag:$0x2] =	stream.linear.gather [hbm4b:s6+s2], $0x4000, $0x38;
	[tilespmem:$0xC980] =	vst v63  }
0x84d: {  	_ =	swait.ge [sflag:s11], $0x4000  }
0x84e: {  	[sflag:s11] =	ssyncset.done $0x0  }
0x84f: {  	s16 =	simm.s32 $0x40;
	[sflag:s11] =	ssyncadd.s32 $0xFFFFC000  }
0x850: {  	s15 =	simm.s32 $0x8040;
	v5 =	vld [tilespmem:s16+$0x30]  }
0x851: {  	v6 =	vld [tilespmem:s15+$0x30]  }
0x852: {  	v7 =	vld [tilespmem:s15+$0xFFFFFFC0]  }
0x853: {  	v8 =	vld [tilespmem:s16+$0xFFFFFFD0]  }
0x854: {  	v9 =	vld [tilespmem:s15+$0xFFFFFFD0]  }
0x855: {  	v10 =	vld [tilespmem:s16+$0xFFFFFFE0]  }
0x856: {  	v11 =	vld [tilespmem:s15+$0xFFFFFFE0]  }
0x857: {  	v12 =	vld [tilespmem:s15+$0xFFFFFFF0]  }
0x858: {  	v13 =	vld [tilespmem:s16+$0x0]  }
0x859: {  	v14 =	vld [tilespmem:s15+$0x10]  }
0x85a: {  	v63 =	vld [tilespmem:s16+$0xFFFFFFC0]  }
0x85b: {  	v62 =	vld [tilespmem:s16+$0x20];
	v5 =	vmul.f32 v6, v5  }
0x85c: {  	v6 =	vld [tilespmem:s16+$0xFFFFFFF0];
	v8 =	vmul.f32 v9, v8  }
0x85d: {  	v9 =	vld [tilespmem:s15+$0x0];
	v10 =	vmul.f32 v11, v10;
	v5 =	vadd.f32 v5, v4  }
0x85e: {  	v15 =	vld [tilespmem:s15+$0x20];
	v8 =	vadd.f32 v8, v4  }
0x85f: {  	v11 =	vld [tilespmem:s16+$0x10];
	v7 =	vmul.f32 v7, v63;
	v10 =	vadd.f32 v10, v4;
	v5 =	vtrunc.f32 v5  }
0x860: {  	v8 =	vtrunc.f32 v8;
	v5 =	vcvt.f32.s32 v5  }
0x861: {  	v10 =	vtrunc.f32 v10;
	v6 =	vmul.f32 v12, v6  }
0x862: {  	v9 =	vmul.f32 v9, v13;
	v17 =	vcvt.f32.s32 v10;
	vm0 =	vlt.s32 v5, v2  }
0x863: {  	v10 =	vmul.f32 v15, v62;
	v6 =	vadd.f32 v6, v4;
	v16 =	vsel vm0, v5, v2  }
0x864: {  	v5 =	vcvt.f32.s32 v8;
	v8 =	vadd.f32 v9, v4;
	v9 =	vmul.f32 v14, v11  }
0x865: {  	vm1 =	vlt.s32 v17, v2;
	v11 =	vadd.f32 v10, v4  }
0x866: {  	v10 =	vadd.f32 v7, v4;
	v6 =	vtrunc.f32 v6;
	v9 =	vadd.f32 v9, v4  }
0x867: {  	v7 =	vsel vm1, v17, v2;
	v6 =	vcvt.f32.s32 v6;
	v8 =	vtrunc.f32 v8  }
0x868: {  	vm0 =	vlt.s32 v5, v2;
	v8 =	vcvt.f32.s32 v8;
	v9 =	vtrunc.f32 v9  }
0x869: {  	v5 =	vsel vm0, v5, v2;
	vm2 =	vlt.s32 v6, v2;
	v9 =	vcvt.f32.s32 v9  }
0x86a: {  	s17 =	simm.s32 $0xC0;
	s16 =	simm.s32 $0x0;
	v11 =	vtrunc.f32 v11;
	vm0 =	vlt.s32 v8, v2;
	[tilespmem:v16+s12+$0x0] =	vst.idx.add.f32.msk $0xffff, v3;
	v6 =	vsel vm2, v6, v2  }
.LBB2_66:
0x86b: {  	v12 =	vld [tilespmem:s17+$0x30];
	v10 =	vtrunc.f32 v10;
	vm1 =	vlt.s32 v9, v2;
	v11 =	vcvt.f32.s32 v11;
	s15 =	sadd.s32 $0x80, s15  }
0x86c: {  	s16 =	sadd.s32 $0x8, s16;
	v14 =	vsel vm0, v8, v2;
	v13 =	vld [tilespmem:s15+$0x30];
	v10 =	vcvt.f32.s32 v10;
	v15 =	vsel vm1, v9, v2  }
0x86d: {  	p0 =	slt.u32 s16, $0x3F8;
	v8 =	vld [tilespmem:s15+$0xFFFFFFC0];
	vm0 =	vlt.s32 v11, v2  }
0x86e: {  	v9 =	vld [tilespmem:s17+$0xFFFFFFD0];
	vm1 =	vlt.s32 v10, v2;
	v16 =	vsel vm0, v11, v2  }
0x86f: {  	v11 =	vld [tilespmem:s15+$0xFFFFFFD0];
	v10 =	vsel vm1, v10, v2  }
0x870: {  	v17 =	vld [tilespmem:s17+$0xFFFFFFE0]  }
0x871: {  	v18 =	vld [tilespmem:s15+$0xFFFFFFE0];
	v12 =	vmul.f32 v13, v12  }
0x872: {  	v13 =	vld [tilespmem:s17+$0xFFFFFFF0]  }
0x873: {  	v19 =	vld [tilespmem:s15+$0xFFFFFFF0];
	v12 =	vadd.f32 v12, v4  }
0x874: {  	v9 =	vmul.f32 v11, v9;
	v11 =	vld [tilespmem:s17+$0x0]  }
0x875: {  	v20 =	vld [tilespmem:s15+$0x0];
	v12 =	vtrunc.f32 v12  }
0x876: {  	v9 =	vadd.f32 v9, v4;
	v17 =	vmul.f32 v18, v17;
	v18 =	vld [tilespmem:s17+$0x10];
	v12 =	vcvt.f32.s32 v12  }
0x877: {  	v21 =	vld [tilespmem:s15+$0x10]  }
0x878: {  	v17 =	vadd.f32 v17, v4;
	v13 =	vmul.f32 v19, v13;
	v19 =	vld [tilespmem:s17+$0x20];
	vm0 =	vlt.s32 v12, v2  }
0x879: {  	v9 =	vtrunc.f32 v9;
	v22 =	vld [tilespmem:s15+$0x20];
	v12 =	vsel vm0, v12, v2  }
0x87a: {  	v23 =	vld [tilespmem:s17+$0xFFFFFFC0];
	v17 =	vtrunc.f32 v17;
	v13 =	vadd.f32 v13, v4;
	v11 =	vmul.f32 v20, v11  }
0x87b: {  	v9 =	vcvt.f32.s32 v9;
	v17 =	vcvt.f32.s32 v17;
	[tilespmem:v10+s12+$0x0] =	vst.idx.add.f32.msk $0xffff, v3  }
0x87c: {  	v10 =	vtrunc.f32 v13;
	v11 =	vadd.f32 v11, v4;
	v13 =	vmul.f32 v21, v18;
	[tilespmem:v5+s12+$0x0] =	vst.idx.add.f32.msk $0xffff, v3  }
0x87d: {  	vm0 =	vlt.s32 v9, v2;
	vm1 =	vlt.s32 v17, v2;
	v18 =	vcvt.f32.s32 v10;
	[tilespmem:v7+s12+$0x0] =	vst.idx.add.f32.msk $0xffff, v3  }
.Ltmp32:
0x87e: {  	v5 =	vtrunc.f32 v11;
	v7 =	vadd.f32 v13, v4;
	v10 =	vmul.f32 v22, v19;
	[tilespmem:v12+s12+$0x0] =	vst.idx.add.f32.msk $0xffff, v3;
	(pc) =	sbr.rel @p0 .LBB2_66-.Ltmp32, $4  }
0x87f: {  	v11 =	vmul.f32 v8, v23;
	vm2 =	vlt.s32 v18, v2;
	v8 =	vcvt.f32.s32 v5;
	[tilespmem:v6+s12+$0x0] =	vst.idx.add.f32.msk $0xffff, v3  }
0x880: {  	v5 =	vsel vm0, v9, v2;
	v6 =	vtrunc.f32 v7;
	v12 =	vadd.f32 v10, v4;
	[tilespmem:v14+s12+$0x0] =	vst.idx.add.f32.msk $0xffff, v3  }
0x881: {  	v10 =	vadd.f32 v11, v4;
	vm0 =	vlt.s32 v8, v2;
	v9 =	vcvt.f32.s32 v6;
	[tilespmem:v15+s12+$0x0] =	vst.idx.add.f32.msk $0xffff, v3  }
0x882: {  	s17 =	sadd.s32 $0x80, s17;
	v7 =	vsel vm1, v17, v2;
	v6 =	vsel vm2, v18, v2;
	v11 =	vtrunc.f32 v12;
	[tilespmem:v16+s12+$0x0] =	vst.idx.add.f32.msk $0xffff, v3  }
0x883: {  	v10 =	vtrunc.f32 v10  }
0x884: {  	v10 =	vcvt.f32.s32 v10;
	_ =	sdelay $0x1  }
0x885: {  	vm1 =	vlt.s32 v10, v2  }
0x886: {  	v10 =	vsel vm1, v10, v2;
	_ =	sdelay $0x1  }
0x887: {  	v11 =	vcvt.f32.s32 v11  }
0x888: {  	v8 =	vsel vm0, v8, v2;
	vm1 =	vlt.s32 v9, v2  }
0x889: {  	[tilespmem:v5+s12+$0x0] =	vst.idx.add.f32.msk $0xffff, v3;
	vm0 =	vlt.s32 v11, v2;
	v9 =	vsel vm1, v9, v2  }
0x88a: {  	[tilespmem:v10+s12+$0x0] =	vst.idx.add.f32.msk $0xffff, v3;
	v10 =	vsel vm0, v11, v2  }
0x88b: {  	[tilespmem:v7+s12+$0x0] =	vst.idx.add.f32.msk $0xffff, v3  }
0x88c: {  	[tilespmem:v6+s12+$0x0] =	vst.idx.add.f32.msk $0xffff, v3  }
0x88d: {  	[tilespmem:v8+s12+$0x0] =	vst.idx.add.f32.msk $0xffff, v3  }
0x88e: {  	[tilespmem:v9+s12+$0x0] =	vst.idx.add.f32.msk $0xffff, v3  }
0x88f: {  	[tilespmem:v10+s12+$0x0] =	vst.idx.add.f32.msk $0xffff, v3  }
0x890: {  	_ =	swait.ge [sflag:s13], $0x4000  }
0x891: {  	[sflag:s13] =	ssyncset.done $0x0  }
0x892: {  	s16 =	simm.s32 $0x4040;
	[sflag:s13] =	ssyncadd.s32 $0xFFFFC000  }
0x893: {  	s15 =	simm.s32 $0x8040;
	v5 =	vld [tilespmem:s16+$0x30]  }
0x894: {  	v6 =	vld [tilespmem:s15+$0x30]  }
0x895: {  	v7 =	vld [tilespmem:s15+$0xFFFFFFC0]  }
0x896: {  	v8 =	vld [tilespmem:s16+$0xFFFFFFD0]  }
0x897: {  	v9 =	vld [tilespmem:s15+$0xFFFFFFD0]  }
0x898: {  	v10 =	vld [tilespmem:s16+$0xFFFFFFE0]  }
0x899: {  	v11 =	vld [tilespmem:s15+$0xFFFFFFE0]  }
0x89a: {  	v12 =	vld [tilespmem:s15+$0xFFFFFFF0]  }
0x89b: {  	v13 =	vld [tilespmem:s16+$0x0]  }
0x89c: {  	v14 =	vld [tilespmem:s15+$0x10]  }
0x89d: {  	v63 =	vld [tilespmem:s16+$0xFFFFFFC0]  }
0x89e: {  	v62 =	vld [tilespmem:s16+$0x20];
	v5 =	vmul.f32 v6, v5  }
0x89f: {  	v6 =	vld [tilespmem:s16+$0xFFFFFFF0];
	v8 =	vmul.f32 v9, v8  }
0x8a0: {  	v9 =	vld [tilespmem:s15+$0x0];
	v10 =	vmul.f32 v11, v10;
	v5 =	vadd.f32 v5, v4  }
0x8a1: {  	v15 =	vld [tilespmem:s15+$0x20];
	v8 =	vadd.f32 v8, v4  }
0x8a2: {  	v11 =	vld [tilespmem:s16+$0x10];
	v7 =	vmul.f32 v7, v63;
	v10 =	vadd.f32 v10, v4;
	v5 =	vtrunc.f32 v5  }
0x8a3: {  	v8 =	vtrunc.f32 v8;
	v5 =	vcvt.f32.s32 v5  }
0x8a4: {  	v10 =	vtrunc.f32 v10;
	v6 =	vmul.f32 v12, v6  }
0x8a5: {  	v9 =	vmul.f32 v9, v13;
	v17 =	vcvt.f32.s32 v10;
	vm0 =	vlt.s32 v5, v2  }
0x8a6: {  	v10 =	vmul.f32 v15, v62;
	v6 =	vadd.f32 v6, v4;
	v16 =	vsel vm0, v5, v2  }
0x8a7: {  	v5 =	vcvt.f32.s32 v8;
	v8 =	vadd.f32 v9, v4;
	v9 =	vmul.f32 v14, v11  }
0x8a8: {  	vm1 =	vlt.s32 v17, v2;
	v11 =	vadd.f32 v10, v4  }
0x8a9: {  	v10 =	vadd.f32 v7, v4;
	v6 =	vtrunc.f32 v6;
	v9 =	vadd.f32 v9, v4  }
0x8aa: {  	v7 =	vsel vm1, v17, v2;
	v6 =	vcvt.f32.s32 v6;
	v8 =	vtrunc.f32 v8  }
0x8ab: {  	vm0 =	vlt.s32 v5, v2;
	v8 =	vcvt.f32.s32 v8;
	v9 =	vtrunc.f32 v9  }
0x8ac: {  	v5 =	vsel vm0, v5, v2;
	vm2 =	vlt.s32 v6, v2;
	v9 =	vcvt.f32.s32 v9  }
0x8ad: {  	s17 =	simm.s32 $0x40C0;
	s16 =	simm.s32 $0x0;
	v11 =	vtrunc.f32 v11;
	vm0 =	vlt.s32 v8, v2;
	[tilespmem:v16+s12+$0x0] =	vst.idx.add.f32.msk $0xffff, v3;
	v6 =	vsel vm2, v6, v2  }
.LBB2_68:
0x8ae: {  	v12 =	vld [tilespmem:s17+$0x30];
	v10 =	vtrunc.f32 v10;
	vm1 =	vlt.s32 v9, v2;
	v11 =	vcvt.f32.s32 v11;
	s15 =	sadd.s32 $0x80, s15  }
0x8af: {  	s16 =	sadd.s32 $0x8, s16;
	v14 =	vsel vm0, v8, v2;
	v13 =	vld [tilespmem:s15+$0x30];
	v10 =	vcvt.f32.s32 v10;
	v15 =	vsel vm1, v9, v2  }
0x8b0: {  	p0 =	slt.u32 s16, $0x3F8;
	v8 =	vld [tilespmem:s15+$0xFFFFFFC0];
	vm0 =	vlt.s32 v11, v2  }
0x8b1: {  	v9 =	vld [tilespmem:s17+$0xFFFFFFD0];
	vm1 =	vlt.s32 v10, v2;
	v16 =	vsel vm0, v11, v2  }
0x8b2: {  	v11 =	vld [tilespmem:s15+$0xFFFFFFD0];
	v10 =	vsel vm1, v10, v2  }
0x8b3: {  	v17 =	vld [tilespmem:s17+$0xFFFFFFE0]  }
0x8b4: {  	v18 =	vld [tilespmem:s15+$0xFFFFFFE0];
	v12 =	vmul.f32 v13, v12  }
0x8b5: {  	v13 =	vld [tilespmem:s17+$0xFFFFFFF0]  }
0x8b6: {  	v19 =	vld [tilespmem:s15+$0xFFFFFFF0];
	v12 =	vadd.f32 v12, v4  }
0x8b7: {  	v9 =	vmul.f32 v11, v9;
	v11 =	vld [tilespmem:s17+$0x0]  }
0x8b8: {  	v20 =	vld [tilespmem:s15+$0x0];
	v12 =	vtrunc.f32 v12  }
0x8b9: {  	v9 =	vadd.f32 v9, v4;
	v17 =	vmul.f32 v18, v17;
	v18 =	vld [tilespmem:s17+$0x10];
	v12 =	vcvt.f32.s32 v12  }
0x8ba: {  	v21 =	vld [tilespmem:s15+$0x10]  }
0x8bb: {  	v17 =	vadd.f32 v17, v4;
	v13 =	vmul.f32 v19, v13;
	v19 =	vld [tilespmem:s17+$0x20];
	vm0 =	vlt.s32 v12, v2  }
0x8bc: {  	v9 =	vtrunc.f32 v9;
	v22 =	vld [tilespmem:s15+$0x20];
	v12 =	vsel vm0, v12, v2  }
0x8bd: {  	v23 =	vld [tilespmem:s17+$0xFFFFFFC0];
	v17 =	vtrunc.f32 v17;
	v13 =	vadd.f32 v13, v4;
	v11 =	vmul.f32 v20, v11  }
0x8be: {  	v9 =	vcvt.f32.s32 v9;
	v17 =	vcvt.f32.s32 v17;
	[tilespmem:v10+s12+$0x0] =	vst.idx.add.f32.msk $0xffff, v3  }
0x8bf: {  	v10 =	vtrunc.f32 v13;
	v11 =	vadd.f32 v11, v4;
	v13 =	vmul.f32 v21, v18;
	[tilespmem:v5+s12+$0x0] =	vst.idx.add.f32.msk $0xffff, v3  }
0x8c0: {  	vm0 =	vlt.s32 v9, v2;
	vm1 =	vlt.s32 v17, v2;
	v18 =	vcvt.f32.s32 v10;
	[tilespmem:v7+s12+$0x0] =	vst.idx.add.f32.msk $0xffff, v3  }
.Ltmp33:
0x8c1: {  	v5 =	vtrunc.f32 v11;
	v7 =	vadd.f32 v13, v4;
	v10 =	vmul.f32 v22, v19;
	[tilespmem:v12+s12+$0x0] =	vst.idx.add.f32.msk $0xffff, v3;
	(pc) =	sbr.rel @p0 .LBB2_68-.Ltmp33, $4  }
0x8c2: {  	v11 =	vmul.f32 v8, v23;
	vm2 =	vlt.s32 v18, v2;
	v8 =	vcvt.f32.s32 v5;
	[tilespmem:v6+s12+$0x0] =	vst.idx.add.f32.msk $0xffff, v3  }
0x8c3: {  	v5 =	vsel vm0, v9, v2;
	v6 =	vtrunc.f32 v7;
	v12 =	vadd.f32 v10, v4;
	[tilespmem:v14+s12+$0x0] =	vst.idx.add.f32.msk $0xffff, v3  }
0x8c4: {  	v10 =	vadd.f32 v11, v4;
	vm0 =	vlt.s32 v8, v2;
	v9 =	vcvt.f32.s32 v6;
	[tilespmem:v15+s12+$0x0] =	vst.idx.add.f32.msk $0xffff, v3  }
0x8c5: {  	s17 =	sadd.s32 $0x80, s17;
	v7 =	vsel vm1, v17, v2;
	v6 =	vsel vm2, v18, v2;
	v11 =	vtrunc.f32 v12;
	[tilespmem:v16+s12+$0x0] =	vst.idx.add.f32.msk $0xffff, v3  }
0x8c6: {  	v4 =	vtrunc.f32 v10  }
0x8c7: {  	v4 =	vcvt.f32.s32 v4;
	_ =	sdelay $0x1  }
0x8c8: {  	vm1 =	vlt.s32 v4, v2  }
0x8c9: {  	v4 =	vsel vm1, v4, v2;
	_ =	sdelay $0x1  }
0x8ca: {  	v53 =	vcvt.f32.s32 v11  }
0x8cb: {  	vm14 =	vlt.s32 v9, v2;
	v8 =	vsel vm0, v8, v2  }
0x8cc: {  	[tilespmem:v5+s12+$0x0] =	vst.idx.add.f32.msk $0xffff, v3;
	v9 =	vsel vm14, v9, v2;
	vm15 =	vlt.s32 v53, v2  }
0x8cd: {  	[tilespmem:v4+s12+$0x0] =	vst.idx.add.f32.msk $0xffff, v3;
	v4 =	vsel vm15, v53, v2  }
0x8ce: {  	[tilespmem:v7+s12+$0x0] =	vst.idx.add.f32.msk $0xffff, v3  }
0x8cf: {  	[tilespmem:v6+s12+$0x0] =	vst.idx.add.f32.msk $0xffff, v3  }
0x8d0: {  	[tilespmem:v8+s12+$0x0] =	vst.idx.add.f32.msk $0xffff, v3  }
0x8d1: {  	[tilespmem:v9+s12+$0x0] =	vst.idx.add.f32.msk $0xffff, v3  }
0x8d2: {  	[tilespmem:v4+s12+$0x0] =	vst.idx.add.f32.msk $0xffff, v3  }
0x8d3: {  	v4 =	vld [tilespmem:$0xC100]  }
0x8d4: {  	v5 =	vld [tilespmem:$0xC180]  }
0x8d5: {  	v6 =	vld [tilespmem:$0xC200]  }
0x8d6: {  	v7 =	vld [tilespmem:$0xC280]  }
0x8d7: {  	v13 =	vld [tilespmem:$0xC300]  }
0x8d8: {  	v14 =	vld [tilespmem:$0xC380]  }
0x8d9: {  	v15 =	vld [tilespmem:$0xC400]  }
0x8da: {  	v18 =	vld [tilespmem:$0xC480]  }
0x8db: {  	v21 =	vld [tilespmem:$0xC500]  }
0x8dc: {  	v33 =	vld [tilespmem:$0xC580]  }
0x8dd: {  	v1 =	vld [tilespmem:$0xC600]  }
0x8de: {  	v9 =	vld [tilespmem:$0xC110]  }
0x8df: {  	v11 =	vld [tilespmem:$0xC190]  }
0x8e0: {  	v23 =	vld [tilespmem:$0xC210]  }
0x8e1: {  	v24 =	vld [tilespmem:$0xC290]  }
0x8e2: {  	v25 =	vld [tilespmem:$0xC310]  }
0x8e3: {  	v26 =	vld [tilespmem:$0xC390]  }
0x8e4: {  	v27 =	vld [tilespmem:$0xC410]  }
0x8e5: {  	v28 =	vld [tilespmem:$0xC490]  }
0x8e6: {  	v29 =	vld [tilespmem:$0xC510]  }
0x8e7: {  	v30 =	vld [tilespmem:$0xC590]  }
0x8e8: {  	v31 =	vld [tilespmem:$0xC610]  }
0x8e9: {  	v32 =	vld [tilespmem:$0xC690]  }
0x8ea: {  	v35 =	vld [tilespmem:$0xC710]  }
0x8eb: {  	v12 =	vld [tilespmem:$0xC120]  }
0x8ec: {  	v37 =	vld [tilespmem:$0xC1A0]  }
0x8ed: {  	v38 =	vld [tilespmem:$0xC220]  }
0x8ee: {  	v39 =	vld [tilespmem:$0xC2A0]  }
0x8ef: {  	v40 =	vld [tilespmem:$0xC320]  }
0x8f0: {  	v41 =	vld [tilespmem:$0xC3A0]  }
0x8f1: {  	v42 =	vld [tilespmem:$0xC420]  }
0x8f2: {  	v43 =	vld [tilespmem:$0xC4A0]  }
0x8f3: {  	v44 =	vld [tilespmem:$0xC520]  }
0x8f4: {  	v45 =	vld [tilespmem:$0xC5A0]  }
0x8f5: {  	v46 =	vld [tilespmem:$0xC620]  }
0x8f6: {  	v47 =	vld [tilespmem:$0xC6A0]  }
0x8f7: {  	v48 =	vld [tilespmem:$0xC720]  }
0x8f8: {  	v49 =	vld [tilespmem:$0xC7A0]  }
0x8f9: {  	v50 =	vld [tilespmem:$0xC820]  }
0x8fa: {  	v51 =	vld [tilespmem:$0xC8A0]  }
0x8fb: {  	v52 =	vld [tilespmem:$0xC130]  }
0x8fc: {  	v53 =	vld [tilespmem:$0xC1B0]  }
0x8fd: {  	v54 =	vld [tilespmem:$0xC230]  }
0x8fe: {  	v55 =	vld [tilespmem:$0xC2B0]  }
0x8ff: {  	v56 =	vld [tilespmem:$0xC330]  }
0x900: {  	v57 =	vld [tilespmem:$0xC3B0]  }
0x901: {  	v58 =	vld [tilespmem:$0xC430]  }
0x902: {  	v59 =	vld [tilespmem:$0xC4B0]  }
0x903: {  	v60 =	vld [tilespmem:$0xC530]  }
0x904: {  	v61 =	vld [tilespmem:$0xC5B0]  }
0x905: {  	v62 =	vld [tilespmem:$0xC630]  }
0x906: {  	v63 =	vld [tilespmem:$0xC6B0]  }
0x907: {  	v8 =	vld [tilespmem:$0xC7B0]  }
0x908: {  	v10 =	vld [tilespmem:$0xC830]  }
0x909: {  	v19 =	vld [tilespmem:$0xC8B0]  }
0x90a: {  	v17 =	vld [tilespmem:$0xC140]  }
0x90b: {  	v16 =	vld [tilespmem:$0xC1C0]  }
0x90c: {  	v36 =	vld [tilespmem:$0xC3C0]  }
0x90d: {  	v20 =	vld [tilespmem:$0xC240]  }
0x90e: {  	v22 =	vld [tilespmem:$0xC2C0]  }
0x90f: {  	v34 =	vld [tilespmem:$0xC340]  }
0x910: {  	[tilespmem:$0x1FF40] =	vst v1;
	v1 =	vld [tilespmem:$0xC680]  }
0x911: {  	[tilespmem:$0x1FFD0] =	vst v36;
	v36 =	vld [tilespmem:$0xC440]  }
0x912: {  	v4 =	vadd.f32 v5, v4;
	v5 =	vld [tilespmem:$0xC4C0]  }
0x913: {  	v9 =	vadd.f32 v11, v9;
	v11 =	vld [tilespmem:$0xC540]  }
0x914: {  	v52 =	vadd.f32 v53, v52;
	v53 =	vld [tilespmem:$0xC150]  }
0x915: {  	v4 =	vadd.f32 v6, v4;
	v6 =	vadd.f32 v37, v12;
	v12 =	vld [tilespmem:$0xC5C0]  }
0x916: {  	v37 =	vadd.f32 v23, v9;
	v23 =	vld [tilespmem:$0xC640]  }
0x917: {  	v9 =	vld [tilespmem:$0xC6C0]  }
0x918: {  	[tilespmem:$0x1FF50] =	vst v1;
	v1 =	vld [tilespmem:$0xC700]  }
0x919: {  	v4 =	vadd.f32 v7, v4;
	v7 =	vld [tilespmem:$0xC740]  }
0x91a: {  	v6 =	vadd.f32 v38, v6;
	v24 =	vadd.f32 v24, v37;
	v37 =	vld [tilespmem:$0xC4F0]  }
0x91b: {  	v54 =	vadd.f32 v54, v52;
	[tilespmem:$0x1FFE0] =	vst v36;
	v36 =	vld [tilespmem:$0xC5D0]  }
0x91c: {  	v16 =	vadd.f32 v16, v17;
	v38 =	vadd.f32 v39, v6;
	v6 =	vld [tilespmem:$0xC7C0]  }
0x91d: {  	v55 =	vadd.f32 v55, v54;
	[tilespmem:$0x1FF60] =	vst v1;
	v1 =	vld [tilespmem:$0xC780]  }
0x91e: {  	v16 =	vadd.f32 v20, v16;
	v4 =	vadd.f32 v13, v4;
	v13 =	vld [tilespmem:$0xC840]  }
0x91f: {  	v24 =	vadd.f32 v25, v24;
	v25 =	vadd.f32 v56, v55;
	v55 =	vld [tilespmem:$0xC1D0]  }
0x920: {  	v56 =	vld [tilespmem:$0x1FF40]  }
0x921: {  	v16 =	vadd.f32 v22, v16;
	v39 =	vld [tilespmem:$0xC7D0]  }
0x922: {  	[tilespmem:$0x1FF70] =	vst v1;
	v1 =	vld [tilespmem:$0xC800]  }
0x923: {  	v16 =	vadd.f32 v34, v16;
	v34 =	vld [tilespmem:$0x1FFE0]  }
0x924: {  	v14 =	vadd.f32 v14, v4;
	v4 =	vld [tilespmem:$0xC8C0]  }
0x925: {  	v25 =	vadd.f32 v57, v25;
	v57 =	vld [tilespmem:$0x1FF50]  }
0x926: {  	v52 =	vadd.f32 v40, v38;
	v38 =	vld [tilespmem:$0xC6D0]  }
0x927: {  	v24 =	vadd.f32 v26, v24;
	[tilespmem:$0x1FF90] =	vst v1;
	v1 =	vld [tilespmem:$0xC880]  }
0x928: {  	v40 =	vld [tilespmem:$0xC8D0]  }
0x929: {  	v24 =	vadd.f32 v27, v24;
	v27 =	vld [tilespmem:$0xC250]  }
0x92a: {  	v54 =	vadd.f32 v41, v52;
	v52 =	vld [tilespmem:$0xC270]  }
0x92b: {  	v41 =	vld [tilespmem:$0xC560]  }
0x92c: {  	v14 =	vadd.f32 v15, v14;
	[tilespmem:$0x1FFB0] =	vst v1;
	v1 =	vld [tilespmem:$0xC790]  }
0x92d: {  	v25 =	vadd.f32 v58, v25;
	v58 =	vld [tilespmem:$0x1FF60]  }
0x92e: {  	v14 =	vadd.f32 v18, v14;
	v18 =	vld [tilespmem:$0xC2D0]  }
0x92f: {  	v24 =	vadd.f32 v28, v24;
	v28 =	vld [tilespmem:$0xC350]  }
0x930: {  	v15 =	vadd.f32 v42, v54;
	v54 =	vld [tilespmem:$0xC2E0]  }
0x931: {  	[tilespmem:$0x1FF80] =	vst v1;
	v1 =	vld [tilespmem:$0xC810]  }
0x932: {  	v42 =	vld [tilespmem:$0xC570]  }
0x933: {  	v14 =	vadd.f32 v21, v14;
	v15 =	vadd.f32 v43, v15;
	v21 =	vld [tilespmem:$0xC3D0]  }
0x934: {  	v25 =	vadd.f32 v59, v25;
	v24 =	vadd.f32 v29, v24;
	v29 =	vld [tilespmem:$0xC450]  }
0x935: {  	v43 =	vld [tilespmem:$0xC5E0];
	v15 =	vadd.f32 v44, v15  }
0x936: {  	v25 =	vadd.f32 v60, v25;
	v14 =	vadd.f32 v33, v14;
	[tilespmem:$0x1FFA0] =	vst v1;
	v1 =	vld [tilespmem:$0xC890]  }
0x937: {  	v33 =	vld [tilespmem:$0xC4D0];
	v15 =	vadd.f32 v45, v15  }
0x938: {  	v25 =	vadd.f32 v61, v25;
	v59 =	vld [tilespmem:$0x1FF70];
	v14 =	vadd.f32 v56, v14  }
0x939: {  	v61 =	vld [tilespmem:$0xC160];
	v15 =	vadd.f32 v46, v15  }
0x93a: {  	v25 =	vadd.f32 v62, v25;
	v14 =	vadd.f32 v57, v14;
	v62 =	vld [tilespmem:$0x1FF90]  }
0x93b: {  	v24 =	vadd.f32 v30, v24;
	v15 =	vadd.f32 v47, v15;
	[tilespmem:$0x1FFC0] =	vst v1;
	v1 =	vld [tilespmem:$0xC730]  }
0x93c: {  	v25 =	vadd.f32 v63, v25;
	v63 =	vld [tilespmem:$0xC1E0];
	v14 =	vadd.f32 v58, v14  }
0x93d: {  	v24 =	vadd.f32 v31, v24;
	v46 =	vld [tilespmem:$0xC170];
	v15 =	vadd.f32 v48, v15  }
0x93e: {  	v14 =	vadd.f32 v59, v14;
	v48 =	vld [tilespmem:$0xC1F0]  }
0x93f: {  	v24 =	vadd.f32 v32, v24;
	v15 =	vadd.f32 v49, v15;
	v47 =	vld [tilespmem:$0x1FFB0]  }
0x940: {  	v14 =	vadd.f32 v62, v14;
	v62 =	vld [tilespmem:$0x1FFD0];
	v1 =	vadd.f32 v1, v25  }
0x941: {  	v53 =	vadd.f32 v55, v53;
	v30 =	vld [tilespmem:$0xC550];
	v15 =	vadd.f32 v50, v15  }
0x942: {  	v24 =	vadd.f32 v35, v24;
	v50 =	vld [tilespmem:$0xC260];
	v1 =	vadd.f32 v8, v1  }
0x943: {  	v56 =	vld [tilespmem:$0xC2F0];
	v55 =	vadd.f32 v63, v61;
	v15 =	vadd.f32 v51, v15  }
0x944: {  	v60 =	vld [tilespmem:$0x1FF80];
	v14 =	vadd.f32 v47, v14;
	v1 =	vadd.f32 v10, v1  }
0x945: {  	v57 =	vld [tilespmem:$0xC360];
	v16 =	vadd.f32 v62, v16;
	v8 =	vadd.f32 v48, v46  }
0x946: {  	v58 =	vld [tilespmem:$0xC370];
	v1 =	vadd.f32 v19, v1;
	v19 =	vadd.f32 v27, v53  }
0x947: {  	v59 =	vld [tilespmem:$0xC3E0];
	v16 =	vadd.f32 v34, v16;
	v10 =	vadd.f32 v50, v55  }
0x948: {  	v61 =	vld [tilespmem:$0xC460];
	v8 =	vadd.f32 v52, v8;
	v18 =	vadd.f32 v18, v19  }
0x949: {  	v24 =	vadd.f32 v60, v24;
	v60 =	vld [tilespmem:$0xC3F0];
	v10 =	vadd.f32 v54, v10  }
0x94a: {  	v63 =	vld [tilespmem:$0xC470];
	v8 =	vadd.f32 v56, v8;
	v18 =	vadd.f32 v28, v18  }
0x94b: {  	v5 =	vadd.f32 v5, v16;
	v45 =	vld [tilespmem:$0x1FFA0];
	v10 =	vadd.f32 v57, v10  }
0x94c: {  	v8 =	vadd.f32 v58, v8;
	v28 =	vld [tilespmem:$0xC4E0];
	v18 =	vadd.f32 v21, v18  }
0x94d: {  	v44 =	vld [tilespmem:$0xC5F0];
	v5 =	vadd.f32 v11, v5;
	v10 =	vadd.f32 v59, v10  }
0x94e: {  	v31 =	vld [tilespmem:$0xC650];
	v8 =	vadd.f32 v60, v8;
	v18 =	vadd.f32 v29, v18  }
0x94f: {  	v32 =	vld [tilespmem:$0xC750];
	v5 =	vadd.f32 v12, v5;
	v10 =	vadd.f32 v61, v10  }
0x950: {  	v49 =	vld [tilespmem:$0x1FFC0];
	v8 =	vadd.f32 v63, v8;
	v18 =	vadd.f32 v33, v18  }
0x951: {  	v35 =	vld [tilespmem:$0xC850];
	v24 =	vadd.f32 v45, v24;
	v10 =	vadd.f32 v28, v10  }
0x952: {  	v45 =	vld [tilespmem:$0xC660];
	v8 =	vadd.f32 v37, v8;
	v18 =	vadd.f32 v30, v18  }
0x953: {  	v5 =	vadd.f32 v23, v5;
	v46 =	vld [tilespmem:$0xC670];
	v10 =	vadd.f32 v41, v10  }
0x954: {  	v47 =	vld [tilespmem:$0xC6E0];
	v8 =	vadd.f32 v42, v8;
	v18 =	vadd.f32 v36, v18  }
0x955: {  	v24 =	vadd.f32 v49, v24;
	v48 =	vld [tilespmem:$0xC6F0];
	v10 =	vadd.f32 v43, v10  }
0x956: {  	v49 =	vld [tilespmem:$0xC760];
	v8 =	vadd.f32 v44, v8;
	v18 =	vadd.f32 v31, v18  }
0x957: {  	v51 =	vld [tilespmem:$0xC770];
	v5 =	vadd.f32 v9, v5;
	v50 =	vadd.f32 v45, v10  }
0x958: {  	v53 =	vld [tilespmem:$0xC7E0];
	v8 =	vadd.f32 v46, v8;
	v52 =	vadd.f32 v38, v18  }
0x959: {  	v5 =	vadd.f32 v7, v5;
	v55 =	vld [tilespmem:$0xC7F0];
	v54 =	vadd.f32 v47, v50  }
0x95a: {  	v57 =	vld [tilespmem:$0xC860];
	v8 =	vadd.f32 v48, v8;
	v56 =	vadd.f32 v32, v52  }
0x95b: {  	v5 =	vadd.f32 v6, v5;
	v59 =	vld [tilespmem:$0xC870];
	v58 =	vadd.f32 v49, v54  }
0x95c: {  	v61 =	vld [tilespmem:$0xC8E0];
	v8 =	vadd.f32 v51, v8;
	v60 =	vadd.f32 v39, v56  }
0x95d: {  	v62 =	vld [tilespmem:$0xC8F0];
	[tilespmem:$0xC920] =	vst v15;
	v5 =	vadd.f32 v13, v5;
	v6 =	vadd.f32 v53, v58  }
0x95e: {  	[tilespmem:$0xC900] =	vst v14;
	v8 =	vadd.f32 v55, v8;
	v11 =	vadd.f32 v35, v60  }
0x95f: {  	[tilespmem:$0xC910] =	vst v24;
	v4 =	vadd.f32 v4, v5;
	v5 =	vadd.f32 v57, v6  }
0x960: {  	[tilespmem:$0xC930] =	vst v1;
	v63 =	vadd.f32 v59, v8;
	v1 =	vadd.f32 v40, v11  }
0x961: {  	[tilespmem:$0xC940] =	vst v4;
	v4 =	vadd.f32 v61, v5  }
0x962: {  	s14 =	sadd.s32 $0x1, s14;
	[tilespmem:$0xC950] =	vst v1;
	v1 =	vadd.f32 v62, v63  }
0x963: {  	p0 =	sne.s32 s14, s8;
	[tilespmem:$0xC960] =	vst v4  }
.Ltmp34:
0x964: {  	s15 =	simm.s32 $0xC900;
	[tilespmem:$0xC970] =	vst v1;
	(pc) =	sbr.rel @p0 .LBB2_1-.Ltmp34, $4  }
0x965: {  	[hbm4b:s7+s2] =	stream.linear.scatter [tilespmem:s15], [sflag:$0x3], $0x80, $0x38;
	[tilespmem:$0xC980] =	vst v63  }
0x966: {  	_ =	swait.ge [sflag:s9], $0x80  }
0x967: {  	[sflag:s9] =	ssyncset.done $0x0  }
0x968: {  	[sflag:s9] =	ssyncadd.s32 $0xFFFFFF80  }
0x969: {  	_ =	sfence.sel $0x180000  }
0x96a: {  	[bflag:$0x0] =	sbarrier.arrive $0xFFFF  }
0x96b: {  	_ =	strace $0x90000047  }
0x96c: {  	s0 =	stileid.u32;
	[bflag:$0x2] =	sbarrier.arrive $0xFFFF  }
0x96d: {  	p0 =	sne.s32 s0, $0x0;
	s0 =	rddreg [dreg:$0x1]  }
0x96e: {  	s0 =	sadd.s32 @!p0 $0x100000, s0  }
0x96f: {  	[sflag:s0] =	ssyncadd.tile.s32 @!p0 $0x1;
	_ =	shalt  }
.Lfunc_end2:
_tile_overlayer_lowered:
.L_overlay_start_2:
0x970: {  	(tag) =	ssettag $0x2  }
0x971: {  	s0 =	rddreg [dreg:$0x0];
	s2 =	stileid.u32  }
0x972: {  	s1 =	rddreg [dreg:$0x1];
	p0 =	sne.s32 s2, $0x0  }
0x973: {  	s3 =	rddreg [dreg:$0x2];
	[bflag:$0x3] =	sbarrier.arrive $0xFFFF;
	s2 =	simm.s32 @!p0 $0x1C03  }
0x974: {  	[timem:s3], [sflag:s2] =	dma.local @!p0 [hbm:s0], s1  }
0x975: {  	s0 =	simm.s32 @!p0 $0x3  }
0x976: {  	_ =	swait.ge @!p0 [sflag:s0], s1  }
0x977: {  	s1 =	ssub.s32 @!p0 $0x0, s1;
	[sflag:s0] =	ssyncset.done @!p0 $0x0  }
0x978: {  	[sflag:s0] =	ssyncadd.s32 @!p0 s1  }
0x979: {  	[bflag:$0x3] =	sbarrier.arrive $0xFFFF  }
0x97a: {  	_ =	shalt  }

</sc_bundles>
